<compile_context>
chip_gen: v7x
topology: tpu7x:2x2x1
jax: 0.10.2.dev20260603
libtpu: 0.0.44.dev20260713+nightly
codegen_flags: <defaults>
</compile_context>

<pallas_src>
import functools

import jax
import jax.numpy as jnp
from jax import lax
from jax.experimental import pallas as pl
from jax.experimental.pallas import tpu as pltpu
from jax.experimental.pallas import tpu_sc as plsc

N = 10000
E = 320000
D = 128
G = 64
C = 10

NC = 2
NS = 16

CH = 64
NCHUNK = 320
EPT = NCHUNK * CH
EBUF = EPT + 2 * CH
EPAD = NS * EPT
OWN = 5120
ACC_ROWS = 5128
WROWS = OWN // NS

_sc_mesh = plsc.VectorSubcoreMesh(
    core_axis_name="c", subcore_axis_name="s", num_cores=NC, num_subcores=NS)


@functools.partial(
    pl.kernel,
    out_type=jax.ShapeDtypeStruct((NC, OWN, D), jnp.float32),
    mesh=_sc_mesh,
    compiler_params=pltpu.CompilerParams(needs_layout_passes=False),
    scratch_types=[
        pltpu.VMEM((EPT // 4,), jnp.int32),
        pltpu.VMEM((EPT // 4,), jnp.int32),
        pltpu.VMEM((EBUF,), jnp.int32),
        pltpu.VMEM((NCHUNK + 2, CH), jnp.int32),
        pltpu.VMEM((2, CH, D), jnp.float32),
        pltpu.VMEM_SHARED((ACC_ROWS, D), jnp.float32),
        [pltpu.SemaphoreType.DMA] * 2,
    ],
)
def _sc_edge_agg(x_hbm, src_hbm, dst_hbm, zeros_hbm, out_hbm,
                 src_v, dst_v, srcl, dstl, rows, acc, sems):
    c = lax.axis_index("c")
    s = lax.axis_index("s")

    pltpu.sync_copy(zeros_hbm, acc.at[pl.ds(s * WROWS, WROWS)])

    @pl.when(s == 0)
    def _():
        pltpu.sync_copy(zeros_hbm.at[pl.ds(0, 8)], acc.at[pl.ds(OWN, 8)])

    base = c * OWN
    q = EPT // 4

    m = jnp.int32(0)
    for p in range(4):
        pltpu.sync_copy(src_hbm.at[s, pl.ds(p * q, q)], src_v)
        pltpu.sync_copy(dst_hbm.at[s, pl.ds(p * q, q)], dst_v)

        def compact(i, off):
            vs = src_v[pl.ds(16 * i, 16)]
            t = dst_v[pl.ds(16 * i, 16)] - base
            ok = (t >= 0) & (t < OWN)
            oki = ok.astype(jnp.int32)
            pos = off + plsc.cumsum(oki) - oki
            plsc.store_scatter(srcl, [pos], vs, mask=ok)
            plsc.store_scatter(dstl, [pos // CH, pos % CH], t, mask=ok)
            return off + jnp.sum(oki)

        m = lax.fori_loop(0, q // 16, compact, m)

    lanes = lax.iota(jnp.int32, 16)
    full = jnp.full((16,), True)
    for k in range(2 * CH // 16):
        pos = m + 16 * k + lanes
        plsc.store_scatter(srcl, [pos], jnp.zeros((16,), jnp.int32), mask=full)
        plsc.store_scatter(dstl, [pos // CH, pos % CH],
                           jnp.full((16,), OWN, jnp.int32), mask=full)

    plsc.subcore_barrier()

    npairs = jnp.maximum((m + 2 * CH - 1) // (2 * CH), 1)

    for b in range(2):
        pltpu.async_copy(x_hbm.at[srcl.at[pl.ds(b * CH, CH)]], rows.at[b], sems[b])

    def body(g, _):
        for b in range(2):
            j = 2 * g + b
            pltpu.make_async_copy(
                x_hbm.at[srcl.at[pl.ds(j * CH, CH)]], rows.at[b], sems[b]).wait()
            pltpu.sync_copy(rows.at[b], acc.at[dstl.at[j]], add=True)

            @pl.when(g < npairs - 1)
            def _():
                pltpu.async_copy(
                    x_hbm.at[srcl.at[pl.ds((j + 2) * CH, CH)]], rows.at[b], sems[b])
        return _

    lax.fori_loop(0, npairs, body, None)

    plsc.subcore_barrier()

    pltpu.sync_copy(acc.at[pl.ds(s * WROWS, WROWS)],
                    out_hbm.at[c].at[pl.ds(s * WROWS, WROWS)])


BLK = 2000
GRID = N // BLK


def _mlp1_body(x_ref, a_ref, wa_ref, ba_ref, wb_ref, bb_ref, o_ref):
    h = x_ref[...] + a_ref[...]
    h = jnp.maximum(
        jnp.dot(h, wa_ref[...], preferred_element_type=jnp.float32) + ba_ref[...], 0.0)
    o_ref[...] = jnp.maximum(
        jnp.dot(h, wb_ref[...], preferred_element_type=jnp.float32) + bb_ref[...], 0.0)


def _mlp2_pool_body(h_ref, a_ref, wa_ref, ba_ref, wb_ref, bb_ref,
                    batch_ref, wfc_ref, bfc_ref, o_ref, sums_ref, cnts_ref):
    i = pl.program_id(0)

    @pl.when(i == 0)
    def _():
        sums_ref[...] = jnp.zeros_like(sums_ref)
        cnts_ref[...] = jnp.zeros_like(cnts_ref)

    h = h_ref[...] + a_ref[...]
    h = jnp.maximum(
        jnp.dot(h, wa_ref[...], preferred_element_type=jnp.float32) + ba_ref[...], 0.0)
    h = jnp.maximum(
        jnp.dot(h, wb_ref[...], preferred_element_type=jnp.float32) + bb_ref[...], 0.0)

    b = batch_ref[0, 0, :]
    oh = (lax.broadcasted_iota(jnp.int32, (G, BLK), 0) == b[None, :]).astype(jnp.float32)
    sums_ref[...] += jnp.dot(oh, h, preferred_element_type=jnp.float32)
    cnts_ref[...] += jnp.broadcast_to(jnp.sum(oh, axis=1, keepdims=True), (G, D))

    @pl.when(i == GRID - 1)
    def _():
        pooled = sums_ref[...] / jnp.maximum(cnts_ref[...], 1.0)
        logits = jnp.dot(pooled, wfc_ref[...], preferred_element_type=jnp.float32)
        o_ref[...] = jax.nn.sigmoid(logits + bfc_ref[...])


def _row_spec():
    return pl.BlockSpec((BLK, D), lambda i: (i, 0))


def _w_spec():
    return pl.BlockSpec((D, D), lambda i: (0, 0))


def _b_spec():
    return pl.BlockSpec((1, D), lambda i: (0, 0))


def kernel(x, edge_index, batch, W1a, b1a, W1b, b1b, W2a, b2a, W2b, b2b, Wfc, bfc):
    src = edge_index[0]
    dst = edge_index[1]
    pad = EPAD - E
    src_p = jnp.concatenate([src, jnp.zeros((pad,), jnp.int32)]).reshape(NS, EPT)
    dst_p = jnp.concatenate([dst, jnp.full((pad,), NC * OWN, jnp.int32)]).reshape(NS, EPT)
    zeros_tile = jnp.zeros((WROWS, D), jnp.float32)

    agg1 = _sc_edge_agg(x, src_p, dst_p, zeros_tile).reshape(NC * OWN, D)

    mlp1 = pl.pallas_call(
        _mlp1_body,
        grid=(GRID,),
        in_specs=[_row_spec(), _row_spec(), _w_spec(), _b_spec(), _w_spec(), _b_spec()],
        out_specs=_row_spec(),
        out_shape=jax.ShapeDtypeStruct((N, D), jnp.float32),
    )
    h1 = mlp1(x, agg1, W1a, b1a.reshape(1, D), W1b, b1b.reshape(1, D))

    agg2 = _sc_edge_agg(h1, src_p, dst_p, zeros_tile).reshape(NC * OWN, D)

    batch3 = batch.reshape(GRID, 1, BLK)
    wfc_pad = jnp.pad(Wfc, ((0, 0), (0, D - C)))
    bfc_pad = jnp.pad(bfc, (0, D - C)).reshape(1, D)

    mlp2 = pl.pallas_call(
        _mlp2_pool_body,
        grid=(GRID,),
        in_specs=[
            _row_spec(), _row_spec(), _w_spec(), _b_spec(), _w_spec(), _b_spec(),
            pl.BlockSpec((1, 1, BLK), lambda i: (i, 0, 0)),
            _w_spec(), _b_spec(),
        ],
        out_specs=pl.BlockSpec((G, D), lambda i: (0, 0)),
        out_shape=jax.ShapeDtypeStruct((G, D), jnp.float32),
        scratch_shapes=[
            pltpu.VMEM((G, D), jnp.float32),
            pltpu.VMEM((G, D), jnp.float32),
        ],
    )
    out = mlp2(h1, agg2, W2a, b2a.reshape(1, D), W2b, b2b.reshape(1, D),
               batch3, wfc_pad, bfc_pad)
    return out[:, :C]

# --- scband reference (transcript-rebuilt; emitter-appended) ---
"""Pipeline reference for scband-gin-52819507806389 (READ-ONLY COPY).

The authoritative reference and input builder live on the scoring server;
editing this copy changes nothing except your own understanding.
"""

import jax, jax.numpy as jnp
import numpy as np

N = 10000
E = 320000
D = 128
H = 128
C = 10
G = 64


def setup_inputs(seed: int = 0) -> dict:
    key = jax.random.key(seed)
    ks = jax.random.split(key, 16)
    x = jax.random.normal(ks[0], (N, D), dtype=jnp.float32)
    edge_index = jax.random.randint(ks[1], (2, E), 0, N, dtype=jnp.int32)
    batch = jnp.sort(jax.random.randint(ks[2], (N,), 0, G, dtype=jnp.int32))
    def lin(k, fan_in, fan_out):
        return jax.random.normal(k, (fan_in, fan_out), dtype=jnp.float32) * (1.0 / np.sqrt(fan_in))
    W1a = lin(ks[3], D, H); b1a = jnp.zeros((H,), jnp.float32)
    W1b = lin(ks[4], H, H); b1b = jnp.zeros((H,), jnp.float32)
    W2a = lin(ks[5], H, H); b2a = jnp.zeros((H,), jnp.float32)
    W2b = lin(ks[6], H, H); b2b = jnp.zeros((H,), jnp.float32)
    Wfc = lin(ks[7], H, C); bfc = jnp.zeros((C,), jnp.float32)
    return {"x": x, "edge_index": edge_index, "batch": batch,
            "W1a": W1a, "b1a": b1a, "W1b": W1b, "b1b": b1b,
            "W2a": W2a, "b2a": b2a, "W2b": W2b, "b2b": b2b,
            "Wfc": Wfc, "bfc": bfc}


def reference(x, edge_index, batch, W1a, b1a, W1b, b1b, W2a, b2a, W2b, b2b, Wfc, bfc):
    # GINConv (eps=0): h_i = MLP(x_i + sum_{j->i} x_j)
    src = edge_index[0]
    dst = edge_index[1]

    def mlp(h, Wa, ba, Wb, bb):
        h = jax.nn.relu(h @ Wa + ba)
        h = jax.nn.relu(h @ Wb + bb)
        return h

    agg1 = jax.ops.segment_sum(jnp.take(x, src, axis=0), dst, num_segments=N)
    h = mlp(x + agg1, W1a, b1a, W1b, b1b)

    agg2 = jax.ops.segment_sum(jnp.take(h, src, axis=0), dst, num_segments=N)
    h = mlp(h + agg2, W2a, b2a, W2b, b2b)

    # global_mean_pool over graph batch assignment
    sums = jax.ops.segment_sum(h, batch, num_segments=G)
    counts = jax.ops.segment_sum(jnp.ones((N, 1), jnp.float32), batch, num_segments=G)
    pooled = sums / jnp.maximum(counts, 1.0)

    out = pooled @ Wfc + bfc
    return jax.nn.sigmoid(out)

if __name__ == "__main__":
    import jax
    _d = setup_inputs()
    print(jax.jit(kernel)(*tuple(_d.values())))

</pallas_src>

<mosaic_0001>
#map = affine_map<(d0, d1) -> (0, 0)>
#map1 = affine_map<(d0, d1) -> (0, 0, 0)>
module attributes {stable_mosaic.version = 14 : i64} {
  func.func @_sc_edge_agg(%arg0: i32, %arg1: i32, %arg2: memref<10000x128xf32, #tpu.memory_space<hbm>>, %arg3: memref<16x20480xi32, #tpu.memory_space<hbm>>, %arg4: memref<16x20480xi32, #tpu.memory_space<hbm>>, %arg5: memref<320x128xf32, #tpu.memory_space<hbm>>, %arg6: memref<2x5120x128xf32, #tpu.memory_space<hbm>>, %arg7: memref<5120xi32, #tpu.memory_space<vmem>>, %arg8: memref<5120xi32, #tpu.memory_space<vmem>>, %arg9: memref<20608xi32, #tpu.memory_space<vmem>>, %arg10: memref<322x64xi32, #tpu.memory_space<vmem>>, %arg11: memref<2x64x128xf32, #tpu.memory_space<vmem>>, %arg12: memref<5128x128xf32, #tpu.memory_space<vmem_shared>>, %arg13: memref<!tpu.dma_semaphore, #tpu.memory_space<semaphore_mem>>, %arg14: memref<!tpu.dma_semaphore, #tpu.memory_space<semaphore_mem>>) attributes {dimension_semantics = [#tpu.dimension_semantics<core_parallel>, #tpu.dimension_semantics<subcore_parallel>], iteration_bounds = array<i64: 2, 16>, scalar_prefetch = 0 : i64, scratch_operands = 8 : i64, tpu.core_type = #tpu.core_type<sc_vector_subcore>, window_params = [{transform_indices = #map}, {transform_indices = #map}, {transform_indices = #map}, {transform_indices = #map}, {transform_indices = #map1}]} {
    %mul3A = arith.constant 320 : i32
    %mul3A_0 = arith.muli %arg1, %mul3A : i32
    "tpu.region"() ({
      %run_scoped3A = tpu.sem_alloc : memref<!tpu.dma_semaphore, #tpu.memory_space<semaphore_mem>>
      %dma_start3A_569 = arith.constant 0 : i32
      %dma_start3A_570 = tpu.memref_slice %arg12[%mul3A_0, %dma_start3A_569] : memref<5128x128xf32, #tpu.memory_space<vmem_shared>> -> memref<320x128xf32, #tpu.memory_space<vmem_shared>>
      tpu.enqueue_dma source(%arg5 : memref<320x128xf32, #tpu.memory_space<hbm>>) target(%dma_start3A_570 : memref<320x128xf32, #tpu.memory_space<vmem_shared>>) target_semaphore(%run_scoped3A : memref<!tpu.dma_semaphore, #tpu.memory_space<semaphore_mem>>)
      %dma_wait3A = arith.constant 0 : i32
      %dma_wait3A_571 = tpu.memref_slice %arg12[%mul3A_0, %dma_wait3A] : memref<5128x128xf32, #tpu.memory_space<vmem_shared>> -> memref<320x128xf32, #tpu.memory_space<vmem_shared>>
      tpu.wait_dma2 semaphore(%run_scoped3A : memref<!tpu.dma_semaphore, #tpu.memory_space<semaphore_mem>>) src(%arg5 : memref<320x128xf32, #tpu.memory_space<hbm>>) dst(%dma_wait3A_571 : memref<320x128xf32, #tpu.memory_space<vmem_shared>>)
      tpu.yield
    }) : () -> ()
    %eq3A = arith.constant 0 : i32
    %eq3A_1 = arith.cmpi eq, %arg1, %eq3A : i32
    %convert_element_type3A = arith.extui %eq3A_1 : i1 to i32
    %cond3A = arith.constant 0 : i32
    %cond3A_2 = arith.cmpi ne, %convert_element_type3A, %cond3A : i32
    scf.if %cond3A_2 {
      "tpu.region"() ({
        %run_scoped3A = tpu.sem_alloc : memref<!tpu.dma_semaphore, #tpu.memory_space<semaphore_mem>>
        %dma_start3A_569 = arith.constant 5120 : i32
        %dma_start3A_570 = arith.constant 0 : i32
        %dma_start3A_571 = tpu.memref_slice %arg12[%dma_start3A_569, %dma_start3A_570] : memref<5128x128xf32, #tpu.memory_space<vmem_shared>> -> memref<8x128xf32, #tpu.memory_space<vmem_shared>>
        %dma_start3A_572 = arith.constant 0 : i32
        %dma_start3A_573 = arith.constant 0 : i32
        %dma_start3A_574 = tpu.memref_slice %arg5[%dma_start3A_572, %dma_start3A_573] : memref<320x128xf32, #tpu.memory_space<hbm>> -> memref<8x128xf32, #tpu.memory_space<hbm>>
        tpu.enqueue_dma source(%dma_start3A_574 : memref<8x128xf32, #tpu.memory_space<hbm>>) target(%dma_start3A_571 : memref<8x128xf32, #tpu.memory_space<vmem_shared>>) target_semaphore(%run_scoped3A : memref<!tpu.dma_semaphore, #tpu.memory_space<semaphore_mem>>)
        %dma_wait3A = arith.constant 5120 : i32
        %dma_wait3A_575 = arith.constant 0 : i32
        %dma_wait3A_576 = tpu.memref_slice %arg12[%dma_wait3A, %dma_wait3A_575] : memref<5128x128xf32, #tpu.memory_space<vmem_shared>> -> memref<8x128xf32, #tpu.memory_space<vmem_shared>>
        %dma_wait3A_577 = arith.constant 0 : i32
        %dma_wait3A_578 = arith.constant 0 : i32
        %dma_wait3A_579 = tpu.memref_slice %arg5[%dma_wait3A_577, %dma_wait3A_578] : memref<320x128xf32, #tpu.memory_space<hbm>> -> memref<8x128xf32, #tpu.memory_space<hbm>>
        tpu.wait_dma2 semaphore(%run_scoped3A : memref<!tpu.dma_semaphore, #tpu.memory_space<semaphore_mem>>) src(%dma_wait3A_579 : memref<8x128xf32, #tpu.memory_space<hbm>>) dst(%dma_wait3A_576 : memref<8x128xf32, #tpu.memory_space<vmem_shared>>)
        tpu.yield
      }) : () -> ()
    } else {
    }
    %mul3A_3 = arith.constant 5120 : i32
    %mul3A_4 = arith.muli %arg0, %mul3A_3 : i32
    "tpu.region"() ({
      %run_scoped3A = tpu.sem_alloc : memref<!tpu.dma_semaphore, #tpu.memory_space<semaphore_mem>>
      %dma_start3A_569 = arith.constant 0 : i32
      %dma_start3A_570 = tpu.memref_slice %arg3[%arg1, %dma_start3A_569] : memref<16x20480xi32, #tpu.memory_space<hbm>> -> memref<1x5120xi32, #tpu.memory_space<hbm>>
      %dma_start3A_571 = tpu.memref_squeeze %dma_start3A_570 : memref<1x5120xi32, #tpu.memory_space<hbm>> -> memref<5120xi32, #tpu.memory_space<hbm>>
      %dma_start3A_572 = arith.constant 0 : i32
      %dma_start3A_573 = tpu.memref_slice %arg3[%arg1, %dma_start3A_572] : memref<16x20480xi32, #tpu.memory_space<hbm>> -> memref<1x5120xi32, #tpu.memory_space<hbm>>
      %dma_start3A_574 = tpu.memref_squeeze %dma_start3A_573 : memref<1x5120xi32, #tpu.memory_space<hbm>> -> memref<5120xi32, #tpu.memory_space<hbm>>
      tpu.enqueue_dma source(%dma_start3A_574 : memref<5120xi32, #tpu.memory_space<hbm>>) target(%arg7 : memref<5120xi32, #tpu.memory_space<vmem>>) target_semaphore(%run_scoped3A : memref<!tpu.dma_semaphore, #tpu.memory_space<semaphore_mem>>)
      %dma_wait3A = arith.constant 0 : i32
      %dma_wait3A_575 = tpu.memref_slice %arg3[%arg1, %dma_wait3A] : memref<16x20480xi32, #tpu.memory_space<hbm>> -> memref<1x5120xi32, #tpu.memory_space<hbm>>
      %dma_wait3A_576 = tpu.memref_squeeze %dma_wait3A_575 : memref<1x5120xi32, #tpu.memory_space<hbm>> -> memref<5120xi32, #tpu.memory_space<hbm>>
      %dma_wait3A_577 = arith.constant 0 : i32
      %dma_wait3A_578 = tpu.memref_slice %arg3[%arg1, %dma_wait3A_577] : memref<16x20480xi32, #tpu.memory_space<hbm>> -> memref<1x5120xi32, #tpu.memory_space<hbm>>
      %dma_wait3A_579 = tpu.memref_squeeze %dma_wait3A_578 : memref<1x5120xi32, #tpu.memory_space<hbm>> -> memref<5120xi32, #tpu.memory_space<hbm>>
      tpu.wait_dma2 semaphore(%run_scoped3A : memref<!tpu.dma_semaphore, #tpu.memory_space<semaphore_mem>>) src(%dma_wait3A_579 : memref<5120xi32, #tpu.memory_space<hbm>>) dst(%arg7 : memref<5120xi32, #tpu.memory_space<vmem>>)
      tpu.yield
    }) : () -> ()
    "tpu.region"() ({
      %run_scoped3A = tpu.sem_alloc : memref<!tpu.dma_semaphore, #tpu.memory_space<semaphore_mem>>
      %dma_start3A_569 = arith.constant 0 : i32
      %dma_start3A_570 = tpu.memref_slice %arg4[%arg1, %dma_start3A_569] : memref<16x20480xi32, #tpu.memory_space<hbm>> -> memref<1x5120xi32, #tpu.memory_space<hbm>>
      %dma_start3A_571 = tpu.memref_squeeze %dma_start3A_570 : memref<1x5120xi32, #tpu.memory_space<hbm>> -> memref<5120xi32, #tpu.memory_space<hbm>>
      %dma_start3A_572 = arith.constant 0 : i32
      %dma_start3A_573 = tpu.memref_slice %arg4[%arg1, %dma_start3A_572] : memref<16x20480xi32, #tpu.memory_space<hbm>> -> memref<1x5120xi32, #tpu.memory_space<hbm>>
      %dma_start3A_574 = tpu.memref_squeeze %dma_start3A_573 : memref<1x5120xi32, #tpu.memory_space<hbm>> -> memref<5120xi32, #tpu.memory_space<hbm>>
      tpu.enqueue_dma source(%dma_start3A_574 : memref<5120xi32, #tpu.memory_space<hbm>>) target(%arg8 : memref<5120xi32, #tpu.memory_space<vmem>>) target_semaphore(%run_scoped3A : memref<!tpu.dma_semaphore, #tpu.memory_space<semaphore_mem>>)
      %dma_wait3A = arith.constant 0 : i32
      %dma_wait3A_575 = tpu.memref_slice %arg4[%arg1, %dma_wait3A] : memref<16x20480xi32, #tpu.memory_space<hbm>> -> memref<1x5120xi32, #tpu.memory_space<hbm>>
      %dma_wait3A_576 = tpu.memref_squeeze %dma_wait3A_575 : memref<1x5120xi32, #tpu.memory_space<hbm>> -> memref<5120xi32, #tpu.memory_space<hbm>>
      %dma_wait3A_577 = arith.constant 0 : i32
      %dma_wait3A_578 = tpu.memref_slice %arg4[%arg1, %dma_wait3A_577] : memref<16x20480xi32, #tpu.memory_space<hbm>> -> memref<1x5120xi32, #tpu.memory_space<hbm>>
      %dma_wait3A_579 = tpu.memref_squeeze %dma_wait3A_578 : memref<1x5120xi32, #tpu.memory_space<hbm>> -> memref<5120xi32, #tpu.memory_space<hbm>>
      tpu.wait_dma2 semaphore(%run_scoped3A : memref<!tpu.dma_semaphore, #tpu.memory_space<semaphore_mem>>) src(%dma_wait3A_579 : memref<5120xi32, #tpu.memory_space<hbm>>) dst(%arg8 : memref<5120xi32, #tpu.memory_space<vmem>>)
      tpu.yield
    }) : () -> ()
    %scan3A = arith.constant 0 : i32
    %scan3A_5 = arith.constant 0 : i32
    %scan3A_6 = arith.constant 320 : i32
    %scan3A_7 = arith.addi %scan3A_5, %scan3A_6 : i32
    %scan3A_8 = arith.constant 1 : i32
    %scan3A_9 = scf.for %scan3A_569 = %scan3A_5 to %scan3A_7 step %scan3A_8 iter_args(%scan3A_570 = %scan3A) -> (i32)  : i32 {
      %mul3A_571 = arith.constant 16 : i32
      %mul3A_572 = arith.muli %mul3A_571, %scan3A_569 : i32
      %get3A = arith.index_cast %mul3A_572 : i32 to index
      %get3A_573 = tpu.vector_load %arg7[%get3A] {strides = array<i32>} : memref<5120xi32, #tpu.memory_space<vmem>>, vector<16xi32>,
      %mul3A_574 = arith.constant 16 : i32
      %mul3A_575 = arith.muli %mul3A_574, %scan3A_569 : i32
      %get3A_576 = arith.index_cast %mul3A_575 : i32 to index
      %get3A_577 = tpu.vector_load %arg8[%get3A_576] {strides = array<i32>} : memref<5120xi32, #tpu.memory_space<vmem>>, vector<16xi32>,
      %sub3A_578 = vector.broadcast %mul3A_4 : i32 to vector<16xi32>
      %sub3A_579 = arith.subi %get3A_577, %sub3A_578 : vector<16xi32>
      %ge3A = arith.constant 0 : i32
      %ge3A_580 = vector.broadcast %ge3A : i32 to vector<16xi32>
      %ge3A_581 = arith.cmpi sge, %sub3A_579, %ge3A_580 : vector<16xi32>
      %lt3A_582 = arith.constant 5120 : i32
      %lt3A_583 = vector.broadcast %lt3A_582 : i32 to vector<16xi32>
      %lt3A_584 = arith.cmpi slt, %sub3A_579, %lt3A_583 : vector<16xi32>
      %and3A_585 = arith.andi %ge3A_581, %lt3A_584 : vector<16xi1>
      %convert_element_type3A_586 = arith.extui %and3A_585 : vector<16xi1> to vector<16xi32>
      %broadcast_in_dim3A_587 = arith.constant true
      %broadcast_in_dim3A_588 = vector.broadcast %broadcast_in_dim3A_587 : i1 to vector<16xi1>
      %masked_cumsum3A = tpu.scan <sum>, %convert_element_type3A_586 masked %broadcast_in_dim3A_588 : vector<16xi32>, vector<16xi1> -> vector<16xi32>
      %add3A_589 = vector.broadcast %scan3A_570 : i32 to vector<16xi32>
      %add3A_590 = arith.addi %add3A_589, %masked_cumsum3A : vector<16xi32>
      %sub3A_591 = arith.subi %add3A_590, %convert_element_type3A_586 : vector<16xi32>
      tpu.vector_store_idx %arg9[%sub3A_591], %get3A_573 masked %and3A_585 : memref<20608xi32, #tpu.memory_space<vmem>>[vector<16xi32>], vector<16xi32>, vector<16xi1>
      %jit3A_592 = arith.constant 64 : i32
      %div3A_593 = vector.broadcast %jit3A_592 : i32 to vector<16xi32>
      %div3A_594 = arith.divsi %sub3A_591, %div3A_593 : vector<16xi32>
      %sign3A_595 = arith.constant 0 : i32
      %sign3A_596 = vector.broadcast %sign3A_595 : i32 to vector<16xi32>
      %sign3A_597 = arith.cmpi sgt, %sub3A_591, %sign3A_596 : vector<16xi32>
      %sign3A_598 = arith.extui %sign3A_597 : vector<16xi1> to vector<16xi32>
      %sign3A_599 = arith.constant 0 : i32
      %sign3A_600 = vector.broadcast %sign3A_599 : i32 to vector<16xi32>
      %sign3A_601 = arith.cmpi slt, %sub3A_591, %sign3A_600 : vector<16xi32>
      %sign3A_602 = arith.extui %sign3A_601 : vector<16xi1> to vector<16xi32>
      %sign3A_603 = arith.subi %sign3A_598, %sign3A_602 : vector<16xi32>
      %sign3A_604 = arith.constant 0 : i32
      %sign3A_605 = arith.cmpi sgt, %jit3A_592, %sign3A_604 : i32
      %sign3A_606 = arith.extui %sign3A_605 : i1 to i32
      %sign3A_607 = arith.constant 0 : i32
      %sign3A_608 = arith.cmpi slt, %jit3A_592, %sign3A_607 : i32
      %sign3A_609 = arith.extui %sign3A_608 : i1 to i32
      %sign3A_610 = arith.subi %sign3A_606, %sign3A_609 : i32
      %ne3A_611 = vector.broadcast %sign3A_610 : i32 to vector<16xi32>
      %ne3A_612 = arith.cmpi ne, %sign3A_603, %ne3A_611 : vector<16xi32>
      %rem3A_613 = vector.broadcast %jit3A_592 : i32 to vector<16xi32>
      %rem3A_614 = arith.remsi %sub3A_591, %rem3A_613 : vector<16xi32>
      %ne3A_615 = arith.constant 0 : i32
      %ne3A_616 = vector.broadcast %ne3A_615 : i32 to vector<16xi32>
      %ne3A_617 = arith.cmpi ne, %rem3A_614, %ne3A_616 : vector<16xi32>
      %and3A_618 = arith.andi %ne3A_612, %ne3A_617 : vector<16xi1>
      %sub3A_619 = arith.constant 1 : i32
      %sub3A_620 = vector.broadcast %sub3A_619 : i32 to vector<16xi32>
      %sub3A_621 = arith.subi %div3A_594, %sub3A_620 : vector<16xi32>
      %select_n3A_622 = arith.select %and3A_618, %sub3A_621, %div3A_594 : vector<16xi1>, vector<16xi32>
      %jit3A_623 = arith.constant 64 : i32
      %eq3A_624 = arith.constant 0 : i32
      %eq3A_625 = arith.cmpi eq, %jit3A_623, %eq3A_624 : i32
      %jit3A_626 = arith.constant 1 : i32
      %select_n3A_627 = arith.select %eq3A_625, %jit3A_626, %jit3A_623 : i32
      %rem3A_628 = vector.broadcast %select_n3A_627 : i32 to vector<16xi32>
      %rem3A_629 = arith.remsi %sub3A_591, %rem3A_628 : vector<16xi32>
      %ne3A_630 = arith.constant 0 : i32
      %ne3A_631 = vector.broadcast %ne3A_630 : i32 to vector<16xi32>
      %ne3A_632 = arith.cmpi ne, %rem3A_629, %ne3A_631 : vector<16xi32>
      %lt3A_633 = arith.constant 0 : i32
      %lt3A_634 = vector.broadcast %lt3A_633 : i32 to vector<16xi32>
      %lt3A_635 = arith.cmpi slt, %rem3A_629, %lt3A_634 : vector<16xi32>
      %lt3A_636 = arith.constant 0 : i32
      %lt3A_637 = arith.cmpi slt, %select_n3A_627, %lt3A_636 : i32
      %ne3A_638 = vector.broadcast %lt3A_637 : i1 to vector<16xi1>
      %ne3A_639 = vector.broadcast %ne3A_638 : vector<16xi1> to vector<16xi1>
      %ne3A_640 = arith.xori %lt3A_635, %ne3A_639 : vector<16xi1>
      %and3A_641 = arith.andi %ne3A_640, %ne3A_632 : vector<16xi1>
      %add3A_642 = vector.broadcast %select_n3A_627 : i32 to vector<16xi32>
      %add3A_643 = arith.addi %rem3A_629, %add3A_642 : vector<16xi32>
      %select_n3A_644 = arith.select %and3A_641, %add3A_643, %rem3A_629 : vector<16xi1>, vector<16xi32>
      tpu.vector_store_idx %arg10[%select_n3A_622, %select_n3A_644], %sub3A_579 masked %and3A_585 : memref<322x64xi32, #tpu.memory_space<vmem>>[vector<16xi32>, vector<16xi32>], vector<16xi32>, vector<16xi1>
      %reduce_sum3A = arith.constant true
      %reduce_sum3A_645 = vector.broadcast %reduce_sum3A : i1 to vector<16xi1>
      %reduce_sum3A_646 = tpu.scan <sum>, %convert_element_type3A_586 masked %reduce_sum3A_645 : vector<16xi32>, vector<16xi1> -> vector<16xi32>
      %reduce_sum3A_647 = vector.extract %reduce_sum3A_646[15] : i32 from vector<16xi32>
      %add3A_648 = arith.addi %scan3A_570, %reduce_sum3A_647 : i32
      scf.yield %add3A_648 : i32
    }
    %scan3A_10 = arith.constant 320 : i32
    "tpu.region"() ({
      %run_scoped3A = tpu.sem_alloc : memref<!tpu.dma_semaphore, #tpu.memory_space<semaphore_mem>>
      %dma_start3A_569 = arith.constant 5120 : i32
      %dma_start3A_570 = tpu.memref_slice %arg3[%arg1, %dma_start3A_569] : memref<16x20480xi32, #tpu.memory_space<hbm>> -> memref<1x5120xi32, #tpu.memory_space<hbm>>
      %dma_start3A_571 = tpu.memref_squeeze %dma_start3A_570 : memref<1x5120xi32, #tpu.memory_space<hbm>> -> memref<5120xi32, #tpu.memory_space<hbm>>
      %dma_start3A_572 = arith.constant 5120 : i32
      %dma_start3A_573 = tpu.memref_slice %arg3[%arg1, %dma_start3A_572] : memref<16x20480xi32, #tpu.memory_space<hbm>> -> memref<1x5120xi32, #tpu.memory_space<hbm>>
      %dma_start3A_574 = tpu.memref_squeeze %dma_start3A_573 : memref<1x5120xi32, #tpu.memory_space<hbm>> -> memref<5120xi32, #tpu.memory_space<hbm>>
      tpu.enqueue_dma source(%dma_start3A_574 : memref<5120xi32, #tpu.memory_space<hbm>>) target(%arg7 : memref<5120xi32, #tpu.memory_space<vmem>>) target_semaphore(%run_scoped3A : memref<!tpu.dma_semaphore, #tpu.memory_space<semaphore_mem>>)
      %dma_wait3A = arith.constant 5120 : i32
      %dma_wait3A_575 = tpu.memref_slice %arg3[%arg1, %dma_wait3A] : memref<16x20480xi32, #tpu.memory_space<hbm>> -> memref<1x5120xi32, #tpu.memory_space<hbm>>
      %dma_wait3A_576 = tpu.memref_squeeze %dma_wait3A_575 : memref<1x5120xi32, #tpu.memory_space<hbm>> -> memref<5120xi32, #tpu.memory_space<hbm>>
      %dma_wait3A_577 = arith.constant 5120 : i32
      %dma_wait3A_578 = tpu.memref_slice %arg3[%arg1, %dma_wait3A_577] : memref<16x20480xi32, #tpu.memory_space<hbm>> -> memref<1x5120xi32, #tpu.memory_space<hbm>>
      %dma_wait3A_579 = tpu.memref_squeeze %dma_wait3A_578 : memref<1x5120xi32, #tpu.memory_space<hbm>> -> memref<5120xi32, #tpu.memory_space<hbm>>
      tpu.wait_dma2 semaphore(%run_scoped3A : memref<!tpu.dma_semaphore, #tpu.memory_space<semaphore_mem>>) src(%dma_wait3A_579 : memref<5120xi32, #tpu.memory_space<hbm>>) dst(%arg7 : memref<5120xi32, #tpu.memory_space<vmem>>)
      tpu.yield
    }) : () -> ()
    "tpu.region"() ({
      %run_scoped3A = tpu.sem_alloc : memref<!tpu.dma_semaphore, #tpu.memory_space<semaphore_mem>>
      %dma_start3A_569 = arith.constant 5120 : i32
      %dma_start3A_570 = tpu.memref_slice %arg4[%arg1, %dma_start3A_569] : memref<16x20480xi32, #tpu.memory_space<hbm>> -> memref<1x5120xi32, #tpu.memory_space<hbm>>
      %dma_start3A_571 = tpu.memref_squeeze %dma_start3A_570 : memref<1x5120xi32, #tpu.memory_space<hbm>> -> memref<5120xi32, #tpu.memory_space<hbm>>
      %dma_start3A_572 = arith.constant 5120 : i32
      %dma_start3A_573 = tpu.memref_slice %arg4[%arg1, %dma_start3A_572] : memref<16x20480xi32, #tpu.memory_space<hbm>> -> memref<1x5120xi32, #tpu.memory_space<hbm>>
      %dma_start3A_574 = tpu.memref_squeeze %dma_start3A_573 : memref<1x5120xi32, #tpu.memory_space<hbm>> -> memref<5120xi32, #tpu.memory_space<hbm>>
      tpu.enqueue_dma source(%dma_start3A_574 : memref<5120xi32, #tpu.memory_space<hbm>>) target(%arg8 : memref<5120xi32, #tpu.memory_space<vmem>>) target_semaphore(%run_scoped3A : memref<!tpu.dma_semaphore, #tpu.memory_space<semaphore_mem>>)
      %dma_wait3A = arith.constant 5120 : i32
      %dma_wait3A_575 = tpu.memref_slice %arg4[%arg1, %dma_wait3A] : memref<16x20480xi32, #tpu.memory_space<hbm>> -> memref<1x5120xi32, #tpu.memory_space<hbm>>
      %dma_wait3A_576 = tpu.memref_squeeze %dma_wait3A_575 : memref<1x5120xi32, #tpu.memory_space<hbm>> -> memref<5120xi32, #tpu.memory_space<hbm>>
      %dma_wait3A_577 = arith.constant 5120 : i32
      %dma_wait3A_578 = tpu.memref_slice %arg4[%arg1, %dma_wait3A_577] : memref<16x20480xi32, #tpu.memory_space<hbm>> -> memref<1x5120xi32, #tpu.memory_space<hbm>>
      %dma_wait3A_579 = tpu.memref_squeeze %dma_wait3A_578 : memref<1x5120xi32, #tpu.memory_space<hbm>> -> memref<5120xi32, #tpu.memory_space<hbm>>
      tpu.wait_dma2 semaphore(%run_scoped3A : memref<!tpu.dma_semaphore, #tpu.memory_space<semaphore_mem>>) src(%dma_wait3A_579 : memref<5120xi32, #tpu.memory_space<hbm>>) dst(%arg8 : memref<5120xi32, #tpu.memory_space<vmem>>)
      tpu.yield
    }) : () -> ()
    %scan3A_11 = arith.constant 0 : i32
    %scan3A_12 = arith.constant 320 : i32
    %scan3A_13 = arith.addi %scan3A_11, %scan3A_12 : i32
    %scan3A_14 = arith.constant 1 : i32
    %scan3A_15 = scf.for %scan3A_569 = %scan3A_11 to %scan3A_13 step %scan3A_14 iter_args(%scan3A_570 = %scan3A_9) -> (i32)  : i32 {
      %mul3A_571 = arith.constant 16 : i32
      %mul3A_572 = arith.muli %mul3A_571, %scan3A_569 : i32
      %get3A = arith.index_cast %mul3A_572 : i32 to index
      %get3A_573 = tpu.vector_load %arg7[%get3A] {strides = array<i32>} : memref<5120xi32, #tpu.memory_space<vmem>>, vector<16xi32>,
      %mul3A_574 = arith.constant 16 : i32
      %mul3A_575 = arith.muli %mul3A_574, %scan3A_569 : i32
      %get3A_576 = arith.index_cast %mul3A_575 : i32 to index
      %get3A_577 = tpu.vector_load %arg8[%get3A_576] {strides = array<i32>} : memref<5120xi32, #tpu.memory_space<vmem>>, vector<16xi32>,
      %sub3A_578 = vector.broadcast %mul3A_4 : i32 to vector<16xi32>
      %sub3A_579 = arith.subi %get3A_577, %sub3A_578 : vector<16xi32>
      %ge3A = arith.constant 0 : i32
      %ge3A_580 = vector.broadcast %ge3A : i32 to vector<16xi32>
      %ge3A_581 = arith.cmpi sge, %sub3A_579, %ge3A_580 : vector<16xi32>
      %lt3A_582 = arith.constant 5120 : i32
      %lt3A_583 = vector.broadcast %lt3A_582 : i32 to vector<16xi32>
      %lt3A_584 = arith.cmpi slt, %sub3A_579, %lt3A_583 : vector<16xi32>
      %and3A_585 = arith.andi %ge3A_581, %lt3A_584 : vector<16xi1>
      %convert_element_type3A_586 = arith.extui %and3A_585 : vector<16xi1> to vector<16xi32>
      %broadcast_in_dim3A_587 = arith.constant true
      %broadcast_in_dim3A_588 = vector.broadcast %broadcast_in_dim3A_587 : i1 to vector<16xi1>
      %masked_cumsum3A = tpu.scan <sum>, %convert_element_type3A_586 masked %broadcast_in_dim3A_588 : vector<16xi32>, vector<16xi1> -> vector<16xi32>
      %add3A_589 = vector.broadcast %scan3A_570 : i32 to vector<16xi32>
      %add3A_590 = arith.addi %add3A_589, %masked_cumsum3A : vector<16xi32>
      %sub3A_591 = arith.subi %add3A_590, %convert_element_type3A_586 : vector<16xi32>
      tpu.vector_store_idx %arg9[%sub3A_591], %get3A_573 masked %and3A_585 : memref<20608xi32, #tpu.memory_space<vmem>>[vector<16xi32>], vector<16xi32>, vector<16xi1>
      %jit3A_592 = arith.constant 64 : i32
      %div3A_593 = vector.broadcast %jit3A_592 : i32 to vector<16xi32>
      %div3A_594 = arith.divsi %sub3A_591, %div3A_593 : vector<16xi32>
      %sign3A_595 = arith.constant 0 : i32
      %sign3A_596 = vector.broadcast %sign3A_595 : i32 to vector<16xi32>
      %sign3A_597 = arith.cmpi sgt, %sub3A_591, %sign3A_596 : vector<16xi32>
      %sign3A_598 = arith.extui %sign3A_597 : vector<16xi1> to vector<16xi32>
      %sign3A_599 = arith.constant 0 : i32
      %sign3A_600 = vector.broadcast %sign3A_599 : i32 to vector<16xi32>
      %sign3A_601 = arith.cmpi slt, %sub3A_591, %sign3A_600 : vector<16xi32>
      %sign3A_602 = arith.extui %sign3A_601 : vector<16xi1> to vector<16xi32>
      %sign3A_603 = arith.subi %sign3A_598, %sign3A_602 : vector<16xi32>
      %sign3A_604 = arith.constant 0 : i32
      %sign3A_605 = arith.cmpi sgt, %jit3A_592, %sign3A_604 : i32
      %sign3A_606 = arith.extui %sign3A_605 : i1 to i32
      %sign3A_607 = arith.constant 0 : i32
      %sign3A_608 = arith.cmpi slt, %jit3A_592, %sign3A_607 : i32
      %sign3A_609 = arith.extui %sign3A_608 : i1 to i32
      %sign3A_610 = arith.subi %sign3A_606, %sign3A_609 : i32
      %ne3A_611 = vector.broadcast %sign3A_610 : i32 to vector<16xi32>
      %ne3A_612 = arith.cmpi ne, %sign3A_603, %ne3A_611 : vector<16xi32>
      %rem3A_613 = vector.broadcast %jit3A_592 : i32 to vector<16xi32>
      %rem3A_614 = arith.remsi %sub3A_591, %rem3A_613 : vector<16xi32>
      %ne3A_615 = arith.constant 0 : i32
      %ne3A_616 = vector.broadcast %ne3A_615 : i32 to vector<16xi32>
      %ne3A_617 = arith.cmpi ne, %rem3A_614, %ne3A_616 : vector<16xi32>
      %and3A_618 = arith.andi %ne3A_612, %ne3A_617 : vector<16xi1>
      %sub3A_619 = arith.constant 1 : i32
      %sub3A_620 = vector.broadcast %sub3A_619 : i32 to vector<16xi32>
      %sub3A_621 = arith.subi %div3A_594, %sub3A_620 : vector<16xi32>
      %select_n3A_622 = arith.select %and3A_618, %sub3A_621, %div3A_594 : vector<16xi1>, vector<16xi32>
      %jit3A_623 = arith.constant 64 : i32
      %eq3A_624 = arith.constant 0 : i32
      %eq3A_625 = arith.cmpi eq, %jit3A_623, %eq3A_624 : i32
      %jit3A_626 = arith.constant 1 : i32
      %select_n3A_627 = arith.select %eq3A_625, %jit3A_626, %jit3A_623 : i32
      %rem3A_628 = vector.broadcast %select_n3A_627 : i32 to vector<16xi32>
      %rem3A_629 = arith.remsi %sub3A_591, %rem3A_628 : vector<16xi32>
      %ne3A_630 = arith.constant 0 : i32
      %ne3A_631 = vector.broadcast %ne3A_630 : i32 to vector<16xi32>
      %ne3A_632 = arith.cmpi ne, %rem3A_629, %ne3A_631 : vector<16xi32>
      %lt3A_633 = arith.constant 0 : i32
      %lt3A_634 = vector.broadcast %lt3A_633 : i32 to vector<16xi32>
      %lt3A_635 = arith.cmpi slt, %rem3A_629, %lt3A_634 : vector<16xi32>
      %lt3A_636 = arith.constant 0 : i32
      %lt3A_637 = arith.cmpi slt, %select_n3A_627, %lt3A_636 : i32
      %ne3A_638 = vector.broadcast %lt3A_637 : i1 to vector<16xi1>
      %ne3A_639 = vector.broadcast %ne3A_638 : vector<16xi1> to vector<16xi1>
      %ne3A_640 = arith.xori %lt3A_635, %ne3A_639 : vector<16xi1>
      %and3A_641 = arith.andi %ne3A_640, %ne3A_632 : vector<16xi1>
      %add3A_642 = vector.broadcast %select_n3A_627 : i32 to vector<16xi32>
      %add3A_643 = arith.addi %rem3A_629, %add3A_642 : vector<16xi32>
      %select_n3A_644 = arith.select %and3A_641, %add3A_643, %rem3A_629 : vector<16xi1>, vector<16xi32>
      tpu.vector_store_idx %arg10[%select_n3A_622, %select_n3A_644], %sub3A_579 masked %and3A_585 : memref<322x64xi32, #tpu.memory_space<vmem>>[vector<16xi32>, vector<16xi32>], vector<16xi32>, vector<16xi1>
      %reduce_sum3A = arith.constant true
      %reduce_sum3A_645 = vector.broadcast %reduce_sum3A : i1 to vector<16xi1>
      %reduce_sum3A_646 = tpu.scan <sum>, %convert_element_type3A_586 masked %reduce_sum3A_645 : vector<16xi32>, vector<16xi1> -> vector<16xi32>
      %reduce_sum3A_647 = vector.extract %reduce_sum3A_646[15] : i32 from vector<16xi32>
      %add3A_648 = arith.addi %scan3A_570, %reduce_sum3A_647 : i32
      scf.yield %add3A_648 : i32
    }
    %scan3A_16 = arith.constant 320 : i32
    "tpu.region"() ({
      %run_scoped3A = tpu.sem_alloc : memref<!tpu.dma_semaphore, #tpu.memory_space<semaphore_mem>>
      %dma_start3A_569 = arith.constant 10240 : i32
      %dma_start3A_570 = tpu.memref_slice %arg3[%arg1, %dma_start3A_569] : memref<16x20480xi32, #tpu.memory_space<hbm>> -> memref<1x5120xi32, #tpu.memory_space<hbm>>
      %dma_start3A_571 = tpu.memref_squeeze %dma_start3A_570 : memref<1x5120xi32, #tpu.memory_space<hbm>> -> memref<5120xi32, #tpu.memory_space<hbm>>
      %dma_start3A_572 = arith.constant 10240 : i32
      %dma_start3A_573 = tpu.memref_slice %arg3[%arg1, %dma_start3A_572] : memref<16x20480xi32, #tpu.memory_space<hbm>> -> memref<1x5120xi32, #tpu.memory_space<hbm>>
      %dma_start3A_574 = tpu.memref_squeeze %dma_start3A_573 : memref<1x5120xi32, #tpu.memory_space<hbm>> -> memref<5120xi32, #tpu.memory_space<hbm>>
      tpu.enqueue_dma source(%dma_start3A_574 : memref<5120xi32, #tpu.memory_space<hbm>>) target(%arg7 : memref<5120xi32, #tpu.memory_space<vmem>>) target_semaphore(%run_scoped3A : memref<!tpu.dma_semaphore, #tpu.memory_space<semaphore_mem>>)
      %dma_wait3A = arith.constant 10240 : i32
      %dma_wait3A_575 = tpu.memref_slice %arg3[%arg1, %dma_wait3A] : memref<16x20480xi32, #tpu.memory_space<hbm>> -> memref<1x5120xi32, #tpu.memory_space<hbm>>
      %dma_wait3A_576 = tpu.memref_squeeze %dma_wait3A_575 : memref<1x5120xi32, #tpu.memory_space<hbm>> -> memref<5120xi32, #tpu.memory_space<hbm>>
      %dma_wait3A_577 = arith.constant 10240 : i32
      %dma_wait3A_578 = tpu.memref_slice %arg3[%arg1, %dma_wait3A_577] : memref<16x20480xi32, #tpu.memory_space<hbm>> -> memref<1x5120xi32, #tpu.memory_space<hbm>>
      %dma_wait3A_579 = tpu.memref_squeeze %dma_wait3A_578 : memref<1x5120xi32, #tpu.memory_space<hbm>> -> memref<5120xi32, #tpu.memory_space<hbm>>
      tpu.wait_dma2 semaphore(%run_scoped3A : memref<!tpu.dma_semaphore, #tpu.memory_space<semaphore_mem>>) src(%dma_wait3A_579 : memref<5120xi32, #tpu.memory_space<hbm>>) dst(%arg7 : memref<5120xi32, #tpu.memory_space<vmem>>)
      tpu.yield
    }) : () -> ()
    "tpu.region"() ({
      %run_scoped3A = tpu.sem_alloc : memref<!tpu.dma_semaphore, #tpu.memory_space<semaphore_mem>>
      %dma_start3A_569 = arith.constant 10240 : i32
      %dma_start3A_570 = tpu.memref_slice %arg4[%arg1, %dma_start3A_569] : memref<16x20480xi32, #tpu.memory_space<hbm>> -> memref<1x5120xi32, #tpu.memory_space<hbm>>
      %dma_start3A_571 = tpu.memref_squeeze %dma_start3A_570 : memref<1x5120xi32, #tpu.memory_space<hbm>> -> memref<5120xi32, #tpu.memory_space<hbm>>
      %dma_start3A_572 = arith.constant 10240 : i32
      %dma_start3A_573 = tpu.memref_slice %arg4[%arg1, %dma_start3A_572] : memref<16x20480xi32, #tpu.memory_space<hbm>> -> memref<1x5120xi32, #tpu.memory_space<hbm>>
      %dma_start3A_574 = tpu.memref_squeeze %dma_start3A_573 : memref<1x5120xi32, #tpu.memory_space<hbm>> -> memref<5120xi32, #tpu.memory_space<hbm>>
      tpu.enqueue_dma source(%dma_start3A_574 : memref<5120xi32, #tpu.memory_space<hbm>>) target(%arg8 : memref<5120xi32, #tpu.memory_space<vmem>>) target_semaphore(%run_scoped3A : memref<!tpu.dma_semaphore, #tpu.memory_space<semaphore_mem>>)
      %dma_wait3A = arith.constant 10240 : i32
      %dma_wait3A_575 = tpu.memref_slice %arg4[%arg1, %dma_wait3A] : memref<16x20480xi32, #tpu.memory_space<hbm>> -> memref<1x5120xi32, #tpu.memory_space<hbm>>
      %dma_wait3A_576 = tpu.memref_squeeze %dma_wait3A_575 : memref<1x5120xi32, #tpu.memory_space<hbm>> -> memref<5120xi32, #tpu.memory_space<hbm>>
      %dma_wait3A_577 = arith.constant 10240 : i32
      %dma_wait3A_578 = tpu.memref_slice %arg4[%arg1, %dma_wait3A_577] : memref<16x20480xi32, #tpu.memory_space<hbm>> -> memref<1x5120xi32, #tpu.memory_space<hbm>>
      %dma_wait3A_579 = tpu.memref_squeeze %dma_wait3A_578 : memref<1x5120xi32, #tpu.memory_space<hbm>> -> memref<5120xi32, #tpu.memory_space<hbm>>
      tpu.wait_dma2 semaphore(%run_scoped3A : memref<!tpu.dma_semaphore, #tpu.memory_space<semaphore_mem>>) src(%dma_wait3A_579 : memref<5120xi32, #tpu.memory_space<hbm>>) dst(%arg8 : memref<5120xi32, #tpu.memory_space<vmem>>)
      tpu.yield
    }) : () -> ()
    %scan3A_17 = arith.constant 0 : i32
    %scan3A_18 = arith.constant 320 : i32
    %scan3A_19 = arith.addi %scan3A_17, %scan3A_18 : i32
    %scan3A_20 = arith.constant 1 : i32
    %scan3A_21 = scf.for %scan3A_569 = %scan3A_17 to %scan3A_19 step %scan3A_20 iter_args(%scan3A_570 = %scan3A_15) -> (i32)  : i32 {
      %mul3A_571 = arith.constant 16 : i32
      %mul3A_572 = arith.muli %mul3A_571, %scan3A_569 : i32
      %get3A = arith.index_cast %mul3A_572 : i32 to index
      %get3A_573 = tpu.vector_load %arg7[%get3A] {strides = array<i32>} : memref<5120xi32, #tpu.memory_space<vmem>>, vector<16xi32>,
      %mul3A_574 = arith.constant 16 : i32
      %mul3A_575 = arith.muli %mul3A_574, %scan3A_569 : i32
      %get3A_576 = arith.index_cast %mul3A_575 : i32 to index
      %get3A_577 = tpu.vector_load %arg8[%get3A_576] {strides = array<i32>} : memref<5120xi32, #tpu.memory_space<vmem>>, vector<16xi32>,
      %sub3A_578 = vector.broadcast %mul3A_4 : i32 to vector<16xi32>
      %sub3A_579 = arith.subi %get3A_577, %sub3A_578 : vector<16xi32>
      %ge3A = arith.constant 0 : i32
      %ge3A_580 = vector.broadcast %ge3A : i32 to vector<16xi32>
      %ge3A_581 = arith.cmpi sge, %sub3A_579, %ge3A_580 : vector<16xi32>
      %lt3A_582 = arith.constant 5120 : i32
      %lt3A_583 = vector.broadcast %lt3A_582 : i32 to vector<16xi32>
      %lt3A_584 = arith.cmpi slt, %sub3A_579, %lt3A_583 : vector<16xi32>
      %and3A_585 = arith.andi %ge3A_581, %lt3A_584 : vector<16xi1>
      %convert_element_type3A_586 = arith.extui %and3A_585 : vector<16xi1> to vector<16xi32>
      %broadcast_in_dim3A_587 = arith.constant true
      %broadcast_in_dim3A_588 = vector.broadcast %broadcast_in_dim3A_587 : i1 to vector<16xi1>
      %masked_cumsum3A = tpu.scan <sum>, %convert_element_type3A_586 masked %broadcast_in_dim3A_588 : vector<16xi32>, vector<16xi1> -> vector<16xi32>
      %add3A_589 = vector.broadcast %scan3A_570 : i32 to vector<16xi32>
      %add3A_590 = arith.addi %add3A_589, %masked_cumsum3A : vector<16xi32>
      %sub3A_591 = arith.subi %add3A_590, %convert_element_type3A_586 : vector<16xi32>
      tpu.vector_store_idx %arg9[%sub3A_591], %get3A_573 masked %and3A_585 : memref<20608xi32, #tpu.memory_space<vmem>>[vector<16xi32>], vector<16xi32>, vector<16xi1>
      %jit3A_592 = arith.constant 64 : i32
      %div3A_593 = vector.broadcast %jit3A_592 : i32 to vector<16xi32>
      %div3A_594 = arith.divsi %sub3A_591, %div3A_593 : vector<16xi32>
      %sign3A_595 = arith.constant 0 : i32
      %sign3A_596 = vector.broadcast %sign3A_595 : i32 to vector<16xi32>
      %sign3A_597 = arith.cmpi sgt, %sub3A_591, %sign3A_596 : vector<16xi32>
      %sign3A_598 = arith.extui %sign3A_597 : vector<16xi1> to vector<16xi32>
      %sign3A_599 = arith.constant 0 : i32
      %sign3A_600 = vector.broadcast %sign3A_599 : i32 to vector<16xi32>
      %sign3A_601 = arith.cmpi slt, %sub3A_591, %sign3A_600 : vector<16xi32>
      %sign3A_602 = arith.extui %sign3A_601 : vector<16xi1> to vector<16xi32>
      %sign3A_603 = arith.subi %sign3A_598, %sign3A_602 : vector<16xi32>
      %sign3A_604 = arith.constant 0 : i32
      %sign3A_605 = arith.cmpi sgt, %jit3A_592, %sign3A_604 : i32
      %sign3A_606 = arith.extui %sign3A_605 : i1 to i32
      %sign3A_607 = arith.constant 0 : i32
      %sign3A_608 = arith.cmpi slt, %jit3A_592, %sign3A_607 : i32
      %sign3A_609 = arith.extui %sign3A_608 : i1 to i32
      %sign3A_610 = arith.subi %sign3A_606, %sign3A_609 : i32
      %ne3A_611 = vector.broadcast %sign3A_610 : i32 to vector<16xi32>
      %ne3A_612 = arith.cmpi ne, %sign3A_603, %ne3A_611 : vector<16xi32>
      %rem3A_613 = vector.broadcast %jit3A_592 : i32 to vector<16xi32>
      %rem3A_614 = arith.remsi %sub3A_591, %rem3A_613 : vector<16xi32>
      %ne3A_615 = arith.constant 0 : i32
      %ne3A_616 = vector.broadcast %ne3A_615 : i32 to vector<16xi32>
      %ne3A_617 = arith.cmpi ne, %rem3A_614, %ne3A_616 : vector<16xi32>
      %and3A_618 = arith.andi %ne3A_612, %ne3A_617 : vector<16xi1>
      %sub3A_619 = arith.constant 1 : i32
      %sub3A_620 = vector.broadcast %sub3A_619 : i32 to vector<16xi32>
      %sub3A_621 = arith.subi %div3A_594, %sub3A_620 : vector<16xi32>
      %select_n3A_622 = arith.select %and3A_618, %sub3A_621, %div3A_594 : vector<16xi1>, vector<16xi32>
      %jit3A_623 = arith.constant 64 : i32
      %eq3A_624 = arith.constant 0 : i32
      %eq3A_625 = arith.cmpi eq, %jit3A_623, %eq3A_624 : i32
      %jit3A_626 = arith.constant 1 : i32
      %select_n3A_627 = arith.select %eq3A_625, %jit3A_626, %jit3A_623 : i32
      %rem3A_628 = vector.broadcast %select_n3A_627 : i32 to vector<16xi32>
      %rem3A_629 = arith.remsi %sub3A_591, %rem3A_628 : vector<16xi32>
      %ne3A_630 = arith.constant 0 : i32
      %ne3A_631 = vector.broadcast %ne3A_630 : i32 to vector<16xi32>
      %ne3A_632 = arith.cmpi ne, %rem3A_629, %ne3A_631 : vector<16xi32>
      %lt3A_633 = arith.constant 0 : i32
      %lt3A_634 = vector.broadcast %lt3A_633 : i32 to vector<16xi32>
      %lt3A_635 = arith.cmpi slt, %rem3A_629, %lt3A_634 : vector<16xi32>
      %lt3A_636 = arith.constant 0 : i32
      %lt3A_637 = arith.cmpi slt, %select_n3A_627, %lt3A_636 : i32
      %ne3A_638 = vector.broadcast %lt3A_637 : i1 to vector<16xi1>
      %ne3A_639 = vector.broadcast %ne3A_638 : vector<16xi1> to vector<16xi1>
      %ne3A_640 = arith.xori %lt3A_635, %ne3A_639 : vector<16xi1>
      %and3A_641 = arith.andi %ne3A_640, %ne3A_632 : vector<16xi1>
      %add3A_642 = vector.broadcast %select_n3A_627 : i32 to vector<16xi32>
      %add3A_643 = arith.addi %rem3A_629, %add3A_642 : vector<16xi32>
      %select_n3A_644 = arith.select %and3A_641, %add3A_643, %rem3A_629 : vector<16xi1>, vector<16xi32>
      tpu.vector_store_idx %arg10[%select_n3A_622, %select_n3A_644], %sub3A_579 masked %and3A_585 : memref<322x64xi32, #tpu.memory_space<vmem>>[vector<16xi32>, vector<16xi32>], vector<16xi32>, vector<16xi1>
      %reduce_sum3A = arith.constant true
      %reduce_sum3A_645 = vector.broadcast %reduce_sum3A : i1 to vector<16xi1>
      %reduce_sum3A_646 = tpu.scan <sum>, %convert_element_type3A_586 masked %reduce_sum3A_645 : vector<16xi32>, vector<16xi1> -> vector<16xi32>
      %reduce_sum3A_647 = vector.extract %reduce_sum3A_646[15] : i32 from vector<16xi32>
      %add3A_648 = arith.addi %scan3A_570, %reduce_sum3A_647 : i32
      scf.yield %add3A_648 : i32
    }
    %scan3A_22 = arith.constant 320 : i32
    "tpu.region"() ({
      %run_scoped3A = tpu.sem_alloc : memref<!tpu.dma_semaphore, #tpu.memory_space<semaphore_mem>>
      %dma_start3A_569 = arith.constant 15360 : i32
      %dma_start3A_570 = tpu.memref_slice %arg3[%arg1, %dma_start3A_569] : memref<16x20480xi32, #tpu.memory_space<hbm>> -> memref<1x5120xi32, #tpu.memory_space<hbm>>
      %dma_start3A_571 = tpu.memref_squeeze %dma_start3A_570 : memref<1x5120xi32, #tpu.memory_space<hbm>> -> memref<5120xi32, #tpu.memory_space<hbm>>
      %dma_start3A_572 = arith.constant 15360 : i32
      %dma_start3A_573 = tpu.memref_slice %arg3[%arg1, %dma_start3A_572] : memref<16x20480xi32, #tpu.memory_space<hbm>> -> memref<1x5120xi32, #tpu.memory_space<hbm>>
      %dma_start3A_574 = tpu.memref_squeeze %dma_start3A_573 : memref<1x5120xi32, #tpu.memory_space<hbm>> -> memref<5120xi32, #tpu.memory_space<hbm>>
      tpu.enqueue_dma source(%dma_start3A_574 : memref<5120xi32, #tpu.memory_space<hbm>>) target(%arg7 : memref<5120xi32, #tpu.memory_space<vmem>>) target_semaphore(%run_scoped3A : memref<!tpu.dma_semaphore, #tpu.memory_space<semaphore_mem>>)
      %dma_wait3A = arith.constant 15360 : i32
      %dma_wait3A_575 = tpu.memref_slice %arg3[%arg1, %dma_wait3A] : memref<16x20480xi32, #tpu.memory_space<hbm>> -> memref<1x5120xi32, #tpu.memory_space<hbm>>
      %dma_wait3A_576 = tpu.memref_squeeze %dma_wait3A_575 : memref<1x5120xi32, #tpu.memory_space<hbm>> -> memref<5120xi32, #tpu.memory_space<hbm>>
      %dma_wait3A_577 = arith.constant 15360 : i32
      %dma_wait3A_578 = tpu.memref_slice %arg3[%arg1, %dma_wait3A_577] : memref<16x20480xi32, #tpu.memory_space<hbm>> -> memref<1x5120xi32, #tpu.memory_space<hbm>>
      %dma_wait3A_579 = tpu.memref_squeeze %dma_wait3A_578 : memref<1x5120xi32, #tpu.memory_space<hbm>> -> memref<5120xi32, #tpu.memory_space<hbm>>
      tpu.wait_dma2 semaphore(%run_scoped3A : memref<!tpu.dma_semaphore, #tpu.memory_space<semaphore_mem>>) src(%dma_wait3A_579 : memref<5120xi32, #tpu.memory_space<hbm>>) dst(%arg7 : memref<5120xi32, #tpu.memory_space<vmem>>)
      tpu.yield
    }) : () -> ()
    "tpu.region"() ({
      %run_scoped3A = tpu.sem_alloc : memref<!tpu.dma_semaphore, #tpu.memory_space<semaphore_mem>>
      %dma_start3A_569 = arith.constant 15360 : i32
      %dma_start3A_570 = tpu.memref_slice %arg4[%arg1, %dma_start3A_569] : memref<16x20480xi32, #tpu.memory_space<hbm>> -> memref<1x5120xi32, #tpu.memory_space<hbm>>
      %dma_start3A_571 = tpu.memref_squeeze %dma_start3A_570 : memref<1x5120xi32, #tpu.memory_space<hbm>> -> memref<5120xi32, #tpu.memory_space<hbm>>
      %dma_start3A_572 = arith.constant 15360 : i32
      %dma_start3A_573 = tpu.memref_slice %arg4[%arg1, %dma_start3A_572] : memref<16x20480xi32, #tpu.memory_space<hbm>> -> memref<1x5120xi32, #tpu.memory_space<hbm>>
      %dma_start3A_574 = tpu.memref_squeeze %dma_start3A_573 : memref<1x5120xi32, #tpu.memory_space<hbm>> -> memref<5120xi32, #tpu.memory_space<hbm>>
      tpu.enqueue_dma source(%dma_start3A_574 : memref<5120xi32, #tpu.memory_space<hbm>>) target(%arg8 : memref<5120xi32, #tpu.memory_space<vmem>>) target_semaphore(%run_scoped3A : memref<!tpu.dma_semaphore, #tpu.memory_space<semaphore_mem>>)
      %dma_wait3A = arith.constant 15360 : i32
      %dma_wait3A_575 = tpu.memref_slice %arg4[%arg1, %dma_wait3A] : memref<16x20480xi32, #tpu.memory_space<hbm>> -> memref<1x5120xi32, #tpu.memory_space<hbm>>
      %dma_wait3A_576 = tpu.memref_squeeze %dma_wait3A_575 : memref<1x5120xi32, #tpu.memory_space<hbm>> -> memref<5120xi32, #tpu.memory_space<hbm>>
      %dma_wait3A_577 = arith.constant 15360 : i32
      %dma_wait3A_578 = tpu.memref_slice %arg4[%arg1, %dma_wait3A_577] : memref<16x20480xi32, #tpu.memory_space<hbm>> -> memref<1x5120xi32, #tpu.memory_space<hbm>>
      %dma_wait3A_579 = tpu.memref_squeeze %dma_wait3A_578 : memref<1x5120xi32, #tpu.memory_space<hbm>> -> memref<5120xi32, #tpu.memory_space<hbm>>
      tpu.wait_dma2 semaphore(%run_scoped3A : memref<!tpu.dma_semaphore, #tpu.memory_space<semaphore_mem>>) src(%dma_wait3A_579 : memref<5120xi32, #tpu.memory_space<hbm>>) dst(%arg8 : memref<5120xi32, #tpu.memory_space<vmem>>)
      tpu.yield
    }) : () -> ()
    %scan3A_23 = arith.constant 0 : i32
    %scan3A_24 = arith.constant 320 : i32
    %scan3A_25 = arith.addi %scan3A_23, %scan3A_24 : i32
    %scan3A_26 = arith.constant 1 : i32
    %scan3A_27 = scf.for %scan3A_569 = %scan3A_23 to %scan3A_25 step %scan3A_26 iter_args(%scan3A_570 = %scan3A_21) -> (i32)  : i32 {
      %mul3A_571 = arith.constant 16 : i32
      %mul3A_572 = arith.muli %mul3A_571, %scan3A_569 : i32
      %get3A = arith.index_cast %mul3A_572 : i32 to index
      %get3A_573 = tpu.vector_load %arg7[%get3A] {strides = array<i32>} : memref<5120xi32, #tpu.memory_space<vmem>>, vector<16xi32>,
      %mul3A_574 = arith.constant 16 : i32
      %mul3A_575 = arith.muli %mul3A_574, %scan3A_569 : i32
      %get3A_576 = arith.index_cast %mul3A_575 : i32 to index
      %get3A_577 = tpu.vector_load %arg8[%get3A_576] {strides = array<i32>} : memref<5120xi32, #tpu.memory_space<vmem>>, vector<16xi32>,
      %sub3A_578 = vector.broadcast %mul3A_4 : i32 to vector<16xi32>
      %sub3A_579 = arith.subi %get3A_577, %sub3A_578 : vector<16xi32>
      %ge3A = arith.constant 0 : i32
      %ge3A_580 = vector.broadcast %ge3A : i32 to vector<16xi32>
      %ge3A_581 = arith.cmpi sge, %sub3A_579, %ge3A_580 : vector<16xi32>
      %lt3A_582 = arith.constant 5120 : i32
      %lt3A_583 = vector.broadcast %lt3A_582 : i32 to vector<16xi32>
      %lt3A_584 = arith.cmpi slt, %sub3A_579, %lt3A_583 : vector<16xi32>
      %and3A_585 = arith.andi %ge3A_581, %lt3A_584 : vector<16xi1>
      %convert_element_type3A_586 = arith.extui %and3A_585 : vector<16xi1> to vector<16xi32>
      %broadcast_in_dim3A_587 = arith.constant true
      %broadcast_in_dim3A_588 = vector.broadcast %broadcast_in_dim3A_587 : i1 to vector<16xi1>
      %masked_cumsum3A = tpu.scan <sum>, %convert_element_type3A_586 masked %broadcast_in_dim3A_588 : vector<16xi32>, vector<16xi1> -> vector<16xi32>
      %add3A_589 = vector.broadcast %scan3A_570 : i32 to vector<16xi32>
      %add3A_590 = arith.addi %add3A_589, %masked_cumsum3A : vector<16xi32>
      %sub3A_591 = arith.subi %add3A_590, %convert_element_type3A_586 : vector<16xi32>
      tpu.vector_store_idx %arg9[%sub3A_591], %get3A_573 masked %and3A_585 : memref<20608xi32, #tpu.memory_space<vmem>>[vector<16xi32>], vector<16xi32>, vector<16xi1>
      %jit3A_592 = arith.constant 64 : i32
      %div3A_593 = vector.broadcast %jit3A_592 : i32 to vector<16xi32>
      %div3A_594 = arith.divsi %sub3A_591, %div3A_593 : vector<16xi32>
      %sign3A_595 = arith.constant 0 : i32
      %sign3A_596 = vector.broadcast %sign3A_595 : i32 to vector<16xi32>
      %sign3A_597 = arith.cmpi sgt, %sub3A_591, %sign3A_596 : vector<16xi32>
      %sign3A_598 = arith.extui %sign3A_597 : vector<16xi1> to vector<16xi32>
      %sign3A_599 = arith.constant 0 : i32
      %sign3A_600 = vector.broadcast %sign3A_599 : i32 to vector<16xi32>
      %sign3A_601 = arith.cmpi slt, %sub3A_591, %sign3A_600 : vector<16xi32>
      %sign3A_602 = arith.extui %sign3A_601 : vector<16xi1> to vector<16xi32>
      %sign3A_603 = arith.subi %sign3A_598, %sign3A_602 : vector<16xi32>
      %sign3A_604 = arith.constant 0 : i32
      %sign3A_605 = arith.cmpi sgt, %jit3A_592, %sign3A_604 : i32
      %sign3A_606 = arith.extui %sign3A_605 : i1 to i32
      %sign3A_607 = arith.constant 0 : i32
      %sign3A_608 = arith.cmpi slt, %jit3A_592, %sign3A_607 : i32
      %sign3A_609 = arith.extui %sign3A_608 : i1 to i32
      %sign3A_610 = arith.subi %sign3A_606, %sign3A_609 : i32
      %ne3A_611 = vector.broadcast %sign3A_610 : i32 to vector<16xi32>
      %ne3A_612 = arith.cmpi ne, %sign3A_603, %ne3A_611 : vector<16xi32>
      %rem3A_613 = vector.broadcast %jit3A_592 : i32 to vector<16xi32>
      %rem3A_614 = arith.remsi %sub3A_591, %rem3A_613 : vector<16xi32>
      %ne3A_615 = arith.constant 0 : i32
      %ne3A_616 = vector.broadcast %ne3A_615 : i32 to vector<16xi32>
      %ne3A_617 = arith.cmpi ne, %rem3A_614, %ne3A_616 : vector<16xi32>
      %and3A_618 = arith.andi %ne3A_612, %ne3A_617 : vector<16xi1>
      %sub3A_619 = arith.constant 1 : i32
      %sub3A_620 = vector.broadcast %sub3A_619 : i32 to vector<16xi32>
      %sub3A_621 = arith.subi %div3A_594, %sub3A_620 : vector<16xi32>
      %select_n3A_622 = arith.select %and3A_618, %sub3A_621, %div3A_594 : vector<16xi1>, vector<16xi32>
      %jit3A_623 = arith.constant 64 : i32
      %eq3A_624 = arith.constant 0 : i32
      %eq3A_625 = arith.cmpi eq, %jit3A_623, %eq3A_624 : i32
      %jit3A_626 = arith.constant 1 : i32
      %select_n3A_627 = arith.select %eq3A_625, %jit3A_626, %jit3A_623 : i32
      %rem3A_628 = vector.broadcast %select_n3A_627 : i32 to vector<16xi32>
      %rem3A_629 = arith.remsi %sub3A_591, %rem3A_628 : vector<16xi32>
      %ne3A_630 = arith.constant 0 : i32
      %ne3A_631 = vector.broadcast %ne3A_630 : i32 to vector<16xi32>
      %ne3A_632 = arith.cmpi ne, %rem3A_629, %ne3A_631 : vector<16xi32>
      %lt3A_633 = arith.constant 0 : i32
      %lt3A_634 = vector.broadcast %lt3A_633 : i32 to vector<16xi32>
      %lt3A_635 = arith.cmpi slt, %rem3A_629, %lt3A_634 : vector<16xi32>
      %lt3A_636 = arith.constant 0 : i32
      %lt3A_637 = arith.cmpi slt, %select_n3A_627, %lt3A_636 : i32
      %ne3A_638 = vector.broadcast %lt3A_637 : i1 to vector<16xi1>
      %ne3A_639 = vector.broadcast %ne3A_638 : vector<16xi1> to vector<16xi1>
      %ne3A_640 = arith.xori %lt3A_635, %ne3A_639 : vector<16xi1>
      %and3A_641 = arith.andi %ne3A_640, %ne3A_632 : vector<16xi1>
      %add3A_642 = vector.broadcast %select_n3A_627 : i32 to vector<16xi32>
      %add3A_643 = arith.addi %rem3A_629, %add3A_642 : vector<16xi32>
      %select_n3A_644 = arith.select %and3A_641, %add3A_643, %rem3A_629 : vector<16xi1>, vector<16xi32>
      tpu.vector_store_idx %arg10[%select_n3A_622, %select_n3A_644], %sub3A_579 masked %and3A_585 : memref<322x64xi32, #tpu.memory_space<vmem>>[vector<16xi32>, vector<16xi32>], vector<16xi32>, vector<16xi1>
      %reduce_sum3A = arith.constant true
      %reduce_sum3A_645 = vector.broadcast %reduce_sum3A : i1 to vector<16xi1>
      %reduce_sum3A_646 = tpu.scan <sum>, %convert_element_type3A_586 masked %reduce_sum3A_645 : vector<16xi32>, vector<16xi1> -> vector<16xi32>
      %reduce_sum3A_647 = vector.extract %reduce_sum3A_646[15] : i32 from vector<16xi32>
      %add3A_648 = arith.addi %scan3A_570, %reduce_sum3A_647 : i32
      scf.yield %add3A_648 : i32
    }
    %scan3A_28 = arith.constant 320 : i32
    %iota3A = tpu.iota {dimensions = array<i32: 0>} : vector<16xi32>
    %broadcast_in_dim3A = arith.constant true
    %broadcast_in_dim3A_29 = vector.broadcast %broadcast_in_dim3A : i1 to vector<16xi1>
    %add3A = arith.constant 0 : i32
    %add3A_30 = arith.addi %scan3A_27, %add3A : i32
    %add3A_31 = vector.broadcast %add3A_30 : i32 to vector<16xi32>
    %add3A_32 = arith.addi %add3A_31, %iota3A : vector<16xi32>
    %broadcast_in_dim3A_33 = arith.constant 0 : i32
    %broadcast_in_dim3A_34 = vector.broadcast %broadcast_in_dim3A_33 : i32 to vector<16xi32>
    tpu.vector_store_idx %arg9[%add3A_32], %broadcast_in_dim3A_34 masked %broadcast_in_dim3A_29 : memref<20608xi32, #tpu.memory_space<vmem>>[vector<16xi32>], vector<16xi32>, vector<16xi1>
    %jit3A = arith.constant 64 : i32
    %div3A = vector.broadcast %jit3A : i32 to vector<16xi32>
    %div3A_35 = arith.divsi %add3A_32, %div3A : vector<16xi32>
    %sign3A = arith.constant 0 : i32
    %sign3A_36 = vector.broadcast %sign3A : i32 to vector<16xi32>
    %sign3A_37 = arith.cmpi sgt, %add3A_32, %sign3A_36 : vector<16xi32>
    %sign3A_38 = arith.extui %sign3A_37 : vector<16xi1> to vector<16xi32>
    %sign3A_39 = arith.constant 0 : i32
    %sign3A_40 = vector.broadcast %sign3A_39 : i32 to vector<16xi32>
    %sign3A_41 = arith.cmpi slt, %add3A_32, %sign3A_40 : vector<16xi32>
    %sign3A_42 = arith.extui %sign3A_41 : vector<16xi1> to vector<16xi32>
    %sign3A_43 = arith.subi %sign3A_38, %sign3A_42 : vector<16xi32>
    %sign3A_44 = arith.constant 0 : i32
    %sign3A_45 = arith.cmpi sgt, %jit3A, %sign3A_44 : i32
    %sign3A_46 = arith.extui %sign3A_45 : i1 to i32
    %sign3A_47 = arith.constant 0 : i32
    %sign3A_48 = arith.cmpi slt, %jit3A, %sign3A_47 : i32
    %sign3A_49 = arith.extui %sign3A_48 : i1 to i32
    %sign3A_50 = arith.subi %sign3A_46, %sign3A_49 : i32
    %ne3A = vector.broadcast %sign3A_50 : i32 to vector<16xi32>
    %ne3A_51 = arith.cmpi ne, %sign3A_43, %ne3A : vector<16xi32>
    %rem3A = vector.broadcast %jit3A : i32 to vector<16xi32>
    %rem3A_52 = arith.remsi %add3A_32, %rem3A : vector<16xi32>
    %ne3A_53 = arith.constant 0 : i32
    %ne3A_54 = vector.broadcast %ne3A_53 : i32 to vector<16xi32>
    %ne3A_55 = arith.cmpi ne, %rem3A_52, %ne3A_54 : vector<16xi32>
    %and3A = arith.andi %ne3A_51, %ne3A_55 : vector<16xi1>
    %sub3A = arith.constant 1 : i32
    %sub3A_56 = vector.broadcast %sub3A : i32 to vector<16xi32>
    %sub3A_57 = arith.subi %div3A_35, %sub3A_56 : vector<16xi32>
    %select_n3A = arith.select %and3A, %sub3A_57, %div3A_35 : vector<16xi1>, vector<16xi32>
    %jit3A_58 = arith.constant 64 : i32
    %eq3A_59 = arith.constant 0 : i32
    %eq3A_60 = arith.cmpi eq, %jit3A_58, %eq3A_59 : i32
    %jit3A_61 = arith.constant 1 : i32
    %select_n3A_62 = arith.select %eq3A_60, %jit3A_61, %jit3A_58 : i32
    %rem3A_63 = vector.broadcast %select_n3A_62 : i32 to vector<16xi32>
    %rem3A_64 = arith.remsi %add3A_32, %rem3A_63 : vector<16xi32>
    %ne3A_65 = arith.constant 0 : i32
    %ne3A_66 = vector.broadcast %ne3A_65 : i32 to vector<16xi32>
    %ne3A_67 = arith.cmpi ne, %rem3A_64, %ne3A_66 : vector<16xi32>
    %lt3A = arith.constant 0 : i32
    %lt3A_68 = vector.broadcast %lt3A : i32 to vector<16xi32>
    %lt3A_69 = arith.cmpi slt, %rem3A_64, %lt3A_68 : vector<16xi32>
    %lt3A_70 = arith.constant 0 : i32
    %lt3A_71 = arith.cmpi slt, %select_n3A_62, %lt3A_70 : i32
    %ne3A_72 = vector.broadcast %lt3A_71 : i1 to vector<16xi1>
    %ne3A_73 = vector.broadcast %ne3A_72 : vector<16xi1> to vector<16xi1>
    %ne3A_74 = arith.xori %lt3A_69, %ne3A_73 : vector<16xi1>
    %and3A_75 = arith.andi %ne3A_74, %ne3A_67 : vector<16xi1>
    %add3A_76 = vector.broadcast %select_n3A_62 : i32 to vector<16xi32>
    %add3A_77 = arith.addi %rem3A_64, %add3A_76 : vector<16xi32>
    %select_n3A_78 = arith.select %and3A_75, %add3A_77, %rem3A_64 : vector<16xi1>, vector<16xi32>
    %broadcast_in_dim3A_79 = arith.constant 5120 : i32
    %broadcast_in_dim3A_80 = vector.broadcast %broadcast_in_dim3A_79 : i32 to vector<16xi32>
    tpu.vector_store_idx %arg10[%select_n3A, %select_n3A_78], %broadcast_in_dim3A_80 masked %broadcast_in_dim3A_29 : memref<322x64xi32, #tpu.memory_space<vmem>>[vector<16xi32>, vector<16xi32>], vector<16xi32>, vector<16xi1>
    %add3A_81 = arith.constant 16 : i32
    %add3A_82 = arith.addi %scan3A_27, %add3A_81 : i32
    %add3A_83 = vector.broadcast %add3A_82 : i32 to vector<16xi32>
    %add3A_84 = arith.addi %add3A_83, %iota3A : vector<16xi32>
    %broadcast_in_dim3A_85 = arith.constant 0 : i32
    %broadcast_in_dim3A_86 = vector.broadcast %broadcast_in_dim3A_85 : i32 to vector<16xi32>
    tpu.vector_store_idx %arg9[%add3A_84], %broadcast_in_dim3A_86 masked %broadcast_in_dim3A_29 : memref<20608xi32, #tpu.memory_space<vmem>>[vector<16xi32>], vector<16xi32>, vector<16xi1>
    %jit3A_87 = arith.constant 64 : i32
    %div3A_88 = vector.broadcast %jit3A_87 : i32 to vector<16xi32>
    %div3A_89 = arith.divsi %add3A_84, %div3A_88 : vector<16xi32>
    %sign3A_90 = arith.constant 0 : i32
    %sign3A_91 = vector.broadcast %sign3A_90 : i32 to vector<16xi32>
    %sign3A_92 = arith.cmpi sgt, %add3A_84, %sign3A_91 : vector<16xi32>
    %sign3A_93 = arith.extui %sign3A_92 : vector<16xi1> to vector<16xi32>
    %sign3A_94 = arith.constant 0 : i32
    %sign3A_95 = vector.broadcast %sign3A_94 : i32 to vector<16xi32>
    %sign3A_96 = arith.cmpi slt, %add3A_84, %sign3A_95 : vector<16xi32>
    %sign3A_97 = arith.extui %sign3A_96 : vector<16xi1> to vector<16xi32>
    %sign3A_98 = arith.subi %sign3A_93, %sign3A_97 : vector<16xi32>
    %sign3A_99 = arith.constant 0 : i32
    %sign3A_100 = arith.cmpi sgt, %jit3A_87, %sign3A_99 : i32
    %sign3A_101 = arith.extui %sign3A_100 : i1 to i32
    %sign3A_102 = arith.constant 0 : i32
    %sign3A_103 = arith.cmpi slt, %jit3A_87, %sign3A_102 : i32
    %sign3A_104 = arith.extui %sign3A_103 : i1 to i32
    %sign3A_105 = arith.subi %sign3A_101, %sign3A_104 : i32
    %ne3A_106 = vector.broadcast %sign3A_105 : i32 to vector<16xi32>
    %ne3A_107 = arith.cmpi ne, %sign3A_98, %ne3A_106 : vector<16xi32>
    %rem3A_108 = vector.broadcast %jit3A_87 : i32 to vector<16xi32>
    %rem3A_109 = arith.remsi %add3A_84, %rem3A_108 : vector<16xi32>
    %ne3A_110 = arith.constant 0 : i32
    %ne3A_111 = vector.broadcast %ne3A_110 : i32 to vector<16xi32>
    %ne3A_112 = arith.cmpi ne, %rem3A_109, %ne3A_111 : vector<16xi32>
    %and3A_113 = arith.andi %ne3A_107, %ne3A_112 : vector<16xi1>
    %sub3A_114 = arith.constant 1 : i32
    %sub3A_115 = vector.broadcast %sub3A_114 : i32 to vector<16xi32>
    %sub3A_116 = arith.subi %div3A_89, %sub3A_115 : vector<16xi32>
    %select_n3A_117 = arith.select %and3A_113, %sub3A_116, %div3A_89 : vector<16xi1>, vector<16xi32>
    %jit3A_118 = arith.constant 64 : i32
    %eq3A_119 = arith.constant 0 : i32
    %eq3A_120 = arith.cmpi eq, %jit3A_118, %eq3A_119 : i32
    %jit3A_121 = arith.constant 1 : i32
    %select_n3A_122 = arith.select %eq3A_120, %jit3A_121, %jit3A_118 : i32
    %rem3A_123 = vector.broadcast %select_n3A_122 : i32 to vector<16xi32>
    %rem3A_124 = arith.remsi %add3A_84, %rem3A_123 : vector<16xi32>
    %ne3A_125 = arith.constant 0 : i32
    %ne3A_126 = vector.broadcast %ne3A_125 : i32 to vector<16xi32>
    %ne3A_127 = arith.cmpi ne, %rem3A_124, %ne3A_126 : vector<16xi32>
    %lt3A_128 = arith.constant 0 : i32
    %lt3A_129 = vector.broadcast %lt3A_128 : i32 to vector<16xi32>
    %lt3A_130 = arith.cmpi slt, %rem3A_124, %lt3A_129 : vector<16xi32>
    %lt3A_131 = arith.constant 0 : i32
    %lt3A_132 = arith.cmpi slt, %select_n3A_122, %lt3A_131 : i32
    %ne3A_133 = vector.broadcast %lt3A_132 : i1 to vector<16xi1>
    %ne3A_134 = vector.broadcast %ne3A_133 : vector<16xi1> to vector<16xi1>
    %ne3A_135 = arith.xori %lt3A_130, %ne3A_134 : vector<16xi1>
    %and3A_136 = arith.andi %ne3A_135, %ne3A_127 : vector<16xi1>
    %add3A_137 = vector.broadcast %select_n3A_122 : i32 to vector<16xi32>
    %add3A_138 = arith.addi %rem3A_124, %add3A_137 : vector<16xi32>
    %select_n3A_139 = arith.select %and3A_136, %add3A_138, %rem3A_124 : vector<16xi1>, vector<16xi32>
    %broadcast_in_dim3A_140 = arith.constant 5120 : i32
    %broadcast_in_dim3A_141 = vector.broadcast %broadcast_in_dim3A_140 : i32 to vector<16xi32>
    tpu.vector_store_idx %arg10[%select_n3A_117, %select_n3A_139], %broadcast_in_dim3A_141 masked %broadcast_in_dim3A_29 : memref<322x64xi32, #tpu.memory_space<vmem>>[vector<16xi32>, vector<16xi32>], vector<16xi32>, vector<16xi1>
    %add3A_142 = arith.constant 32 : i32
    %add3A_143 = arith.addi %scan3A_27, %add3A_142 : i32
    %add3A_144 = vector.broadcast %add3A_143 : i32 to vector<16xi32>
    %add3A_145 = arith.addi %add3A_144, %iota3A : vector<16xi32>
    %broadcast_in_dim3A_146 = arith.constant 0 : i32
    %broadcast_in_dim3A_147 = vector.broadcast %broadcast_in_dim3A_146 : i32 to vector<16xi32>
    tpu.vector_store_idx %arg9[%add3A_145], %broadcast_in_dim3A_147 masked %broadcast_in_dim3A_29 : memref<20608xi32, #tpu.memory_space<vmem>>[vector<16xi32>], vector<16xi32>, vector<16xi1>
    %jit3A_148 = arith.constant 64 : i32
    %div3A_149 = vector.broadcast %jit3A_148 : i32 to vector<16xi32>
    %div3A_150 = arith.divsi %add3A_145, %div3A_149 : vector<16xi32>
    %sign3A_151 = arith.constant 0 : i32
    %sign3A_152 = vector.broadcast %sign3A_151 : i32 to vector<16xi32>
    %sign3A_153 = arith.cmpi sgt, %add3A_145, %sign3A_152 : vector<16xi32>
    %sign3A_154 = arith.extui %sign3A_153 : vector<16xi1> to vector<16xi32>
    %sign3A_155 = arith.constant 0 : i32
    %sign3A_156 = vector.broadcast %sign3A_155 : i32 to vector<16xi32>
    %sign3A_157 = arith.cmpi slt, %add3A_145, %sign3A_156 : vector<16xi32>
    %sign3A_158 = arith.extui %sign3A_157 : vector<16xi1> to vector<16xi32>
    %sign3A_159 = arith.subi %sign3A_154, %sign3A_158 : vector<16xi32>
    %sign3A_160 = arith.constant 0 : i32
    %sign3A_161 = arith.cmpi sgt, %jit3A_148, %sign3A_160 : i32
    %sign3A_162 = arith.extui %sign3A_161 : i1 to i32
    %sign3A_163 = arith.constant 0 : i32
    %sign3A_164 = arith.cmpi slt, %jit3A_148, %sign3A_163 : i32
    %sign3A_165 = arith.extui %sign3A_164 : i1 to i32
    %sign3A_166 = arith.subi %sign3A_162, %sign3A_165 : i32
    %ne3A_167 = vector.broadcast %sign3A_166 : i32 to vector<16xi32>
    %ne3A_168 = arith.cmpi ne, %sign3A_159, %ne3A_167 : vector<16xi32>
    %rem3A_169 = vector.broadcast %jit3A_148 : i32 to vector<16xi32>
    %rem3A_170 = arith.remsi %add3A_145, %rem3A_169 : vector<16xi32>
    %ne3A_171 = arith.constant 0 : i32
    %ne3A_172 = vector.broadcast %ne3A_171 : i32 to vector<16xi32>
    %ne3A_173 = arith.cmpi ne, %rem3A_170, %ne3A_172 : vector<16xi32>
    %and3A_174 = arith.andi %ne3A_168, %ne3A_173 : vector<16xi1>
    %sub3A_175 = arith.constant 1 : i32
    %sub3A_176 = vector.broadcast %sub3A_175 : i32 to vector<16xi32>
    %sub3A_177 = arith.subi %div3A_150, %sub3A_176 : vector<16xi32>
    %select_n3A_178 = arith.select %and3A_174, %sub3A_177, %div3A_150 : vector<16xi1>, vector<16xi32>
    %jit3A_179 = arith.constant 64 : i32
    %eq3A_180 = arith.constant 0 : i32
    %eq3A_181 = arith.cmpi eq, %jit3A_179, %eq3A_180 : i32
    %jit3A_182 = arith.constant 1 : i32
    %select_n3A_183 = arith.select %eq3A_181, %jit3A_182, %jit3A_179 : i32
    %rem3A_184 = vector.broadcast %select_n3A_183 : i32 to vector<16xi32>
    %rem3A_185 = arith.remsi %add3A_145, %rem3A_184 : vector<16xi32>
    %ne3A_186 = arith.constant 0 : i32
    %ne3A_187 = vector.broadcast %ne3A_186 : i32 to vector<16xi32>
    %ne3A_188 = arith.cmpi ne, %rem3A_185, %ne3A_187 : vector<16xi32>
    %lt3A_189 = arith.constant 0 : i32
    %lt3A_190 = vector.broadcast %lt3A_189 : i32 to vector<16xi32>
    %lt3A_191 = arith.cmpi slt, %rem3A_185, %lt3A_190 : vector<16xi32>
    %lt3A_192 = arith.constant 0 : i32
    %lt3A_193 = arith.cmpi slt, %select_n3A_183, %lt3A_192 : i32
    %ne3A_194 = vector.broadcast %lt3A_193 : i1 to vector<16xi1>
    %ne3A_195 = vector.broadcast %ne3A_194 : vector<16xi1> to vector<16xi1>
    %ne3A_196 = arith.xori %lt3A_191, %ne3A_195 : vector<16xi1>
    %and3A_197 = arith.andi %ne3A_196, %ne3A_188 : vector<16xi1>
    %add3A_198 = vector.broadcast %select_n3A_183 : i32 to vector<16xi32>
    %add3A_199 = arith.addi %rem3A_185, %add3A_198 : vector<16xi32>
    %select_n3A_200 = arith.select %and3A_197, %add3A_199, %rem3A_185 : vector<16xi1>, vector<16xi32>
    %broadcast_in_dim3A_201 = arith.constant 5120 : i32
    %broadcast_in_dim3A_202 = vector.broadcast %broadcast_in_dim3A_201 : i32 to vector<16xi32>
    tpu.vector_store_idx %arg10[%select_n3A_178, %select_n3A_200], %broadcast_in_dim3A_202 masked %broadcast_in_dim3A_29 : memref<322x64xi32, #tpu.memory_space<vmem>>[vector<16xi32>, vector<16xi32>], vector<16xi32>, vector<16xi1>
    %add3A_203 = arith.constant 48 : i32
    %add3A_204 = arith.addi %scan3A_27, %add3A_203 : i32
    %add3A_205 = vector.broadcast %add3A_204 : i32 to vector<16xi32>
    %add3A_206 = arith.addi %add3A_205, %iota3A : vector<16xi32>
    %broadcast_in_dim3A_207 = arith.constant 0 : i32
    %broadcast_in_dim3A_208 = vector.broadcast %broadcast_in_dim3A_207 : i32 to vector<16xi32>
    tpu.vector_store_idx %arg9[%add3A_206], %broadcast_in_dim3A_208 masked %broadcast_in_dim3A_29 : memref<20608xi32, #tpu.memory_space<vmem>>[vector<16xi32>], vector<16xi32>, vector<16xi1>
    %jit3A_209 = arith.constant 64 : i32
    %div3A_210 = vector.broadcast %jit3A_209 : i32 to vector<16xi32>
    %div3A_211 = arith.divsi %add3A_206, %div3A_210 : vector<16xi32>
    %sign3A_212 = arith.constant 0 : i32
    %sign3A_213 = vector.broadcast %sign3A_212 : i32 to vector<16xi32>
    %sign3A_214 = arith.cmpi sgt, %add3A_206, %sign3A_213 : vector<16xi32>
    %sign3A_215 = arith.extui %sign3A_214 : vector<16xi1> to vector<16xi32>
    %sign3A_216 = arith.constant 0 : i32
    %sign3A_217 = vector.broadcast %sign3A_216 : i32 to vector<16xi32>
    %sign3A_218 = arith.cmpi slt, %add3A_206, %sign3A_217 : vector<16xi32>
    %sign3A_219 = arith.extui %sign3A_218 : vector<16xi1> to vector<16xi32>
    %sign3A_220 = arith.subi %sign3A_215, %sign3A_219 : vector<16xi32>
    %sign3A_221 = arith.constant 0 : i32
    %sign3A_222 = arith.cmpi sgt, %jit3A_209, %sign3A_221 : i32
    %sign3A_223 = arith.extui %sign3A_222 : i1 to i32
    %sign3A_224 = arith.constant 0 : i32
    %sign3A_225 = arith.cmpi slt, %jit3A_209, %sign3A_224 : i32
    %sign3A_226 = arith.extui %sign3A_225 : i1 to i32
    %sign3A_227 = arith.subi %sign3A_223, %sign3A_226 : i32
    %ne3A_228 = vector.broadcast %sign3A_227 : i32 to vector<16xi32>
    %ne3A_229 = arith.cmpi ne, %sign3A_220, %ne3A_228 : vector<16xi32>
    %rem3A_230 = vector.broadcast %jit3A_209 : i32 to vector<16xi32>
    %rem3A_231 = arith.remsi %add3A_206, %rem3A_230 : vector<16xi32>
    %ne3A_232 = arith.constant 0 : i32
    %ne3A_233 = vector.broadcast %ne3A_232 : i32 to vector<16xi32>
    %ne3A_234 = arith.cmpi ne, %rem3A_231, %ne3A_233 : vector<16xi32>
    %and3A_235 = arith.andi %ne3A_229, %ne3A_234 : vector<16xi1>
    %sub3A_236 = arith.constant 1 : i32
    %sub3A_237 = vector.broadcast %sub3A_236 : i32 to vector<16xi32>
    %sub3A_238 = arith.subi %div3A_211, %sub3A_237 : vector<16xi32>
    %select_n3A_239 = arith.select %and3A_235, %sub3A_238, %div3A_211 : vector<16xi1>, vector<16xi32>
    %jit3A_240 = arith.constant 64 : i32
    %eq3A_241 = arith.constant 0 : i32
    %eq3A_242 = arith.cmpi eq, %jit3A_240, %eq3A_241 : i32
    %jit3A_243 = arith.constant 1 : i32
    %select_n3A_244 = arith.select %eq3A_242, %jit3A_243, %jit3A_240 : i32
    %rem3A_245 = vector.broadcast %select_n3A_244 : i32 to vector<16xi32>
    %rem3A_246 = arith.remsi %add3A_206, %rem3A_245 : vector<16xi32>
    %ne3A_247 = arith.constant 0 : i32
    %ne3A_248 = vector.broadcast %ne3A_247 : i32 to vector<16xi32>
    %ne3A_249 = arith.cmpi ne, %rem3A_246, %ne3A_248 : vector<16xi32>
    %lt3A_250 = arith.constant 0 : i32
    %lt3A_251 = vector.broadcast %lt3A_250 : i32 to vector<16xi32>
    %lt3A_252 = arith.cmpi slt, %rem3A_246, %lt3A_251 : vector<16xi32>
    %lt3A_253 = arith.constant 0 : i32
    %lt3A_254 = arith.cmpi slt, %select_n3A_244, %lt3A_253 : i32
    %ne3A_255 = vector.broadcast %lt3A_254 : i1 to vector<16xi1>
    %ne3A_256 = vector.broadcast %ne3A_255 : vector<16xi1> to vector<16xi1>
    %ne3A_257 = arith.xori %lt3A_252, %ne3A_256 : vector<16xi1>
    %and3A_258 = arith.andi %ne3A_257, %ne3A_249 : vector<16xi1>
    %add3A_259 = vector.broadcast %select_n3A_244 : i32 to vector<16xi32>
    %add3A_260 = arith.addi %rem3A_246, %add3A_259 : vector<16xi32>
    %select_n3A_261 = arith.select %and3A_258, %add3A_260, %rem3A_246 : vector<16xi1>, vector<16xi32>
    %broadcast_in_dim3A_262 = arith.constant 5120 : i32
    %broadcast_in_dim3A_263 = vector.broadcast %broadcast_in_dim3A_262 : i32 to vector<16xi32>
    tpu.vector_store_idx %arg10[%select_n3A_239, %select_n3A_261], %broadcast_in_dim3A_263 masked %broadcast_in_dim3A_29 : memref<322x64xi32, #tpu.memory_space<vmem>>[vector<16xi32>, vector<16xi32>], vector<16xi32>, vector<16xi1>
    %add3A_264 = arith.constant 64 : i32
    %add3A_265 = arith.addi %scan3A_27, %add3A_264 : i32
    %add3A_266 = vector.broadcast %add3A_265 : i32 to vector<16xi32>
    %add3A_267 = arith.addi %add3A_266, %iota3A : vector<16xi32>
    %broadcast_in_dim3A_268 = arith.constant 0 : i32
    %broadcast_in_dim3A_269 = vector.broadcast %broadcast_in_dim3A_268 : i32 to vector<16xi32>
    tpu.vector_store_idx %arg9[%add3A_267], %broadcast_in_dim3A_269 masked %broadcast_in_dim3A_29 : memref<20608xi32, #tpu.memory_space<vmem>>[vector<16xi32>], vector<16xi32>, vector<16xi1>
    %jit3A_270 = arith.constant 64 : i32
    %div3A_271 = vector.broadcast %jit3A_270 : i32 to vector<16xi32>
    %div3A_272 = arith.divsi %add3A_267, %div3A_271 : vector<16xi32>
    %sign3A_273 = arith.constant 0 : i32
    %sign3A_274 = vector.broadcast %sign3A_273 : i32 to vector<16xi32>
    %sign3A_275 = arith.cmpi sgt, %add3A_267, %sign3A_274 : vector<16xi32>
    %sign3A_276 = arith.extui %sign3A_275 : vector<16xi1> to vector<16xi32>
    %sign3A_277 = arith.constant 0 : i32
    %sign3A_278 = vector.broadcast %sign3A_277 : i32 to vector<16xi32>
    %sign3A_279 = arith.cmpi slt, %add3A_267, %sign3A_278 : vector<16xi32>
    %sign3A_280 = arith.extui %sign3A_279 : vector<16xi1> to vector<16xi32>
    %sign3A_281 = arith.subi %sign3A_276, %sign3A_280 : vector<16xi32>
    %sign3A_282 = arith.constant 0 : i32
    %sign3A_283 = arith.cmpi sgt, %jit3A_270, %sign3A_282 : i32
    %sign3A_284 = arith.extui %sign3A_283 : i1 to i32
    %sign3A_285 = arith.constant 0 : i32
    %sign3A_286 = arith.cmpi slt, %jit3A_270, %sign3A_285 : i32
    %sign3A_287 = arith.extui %sign3A_286 : i1 to i32
    %sign3A_288 = arith.subi %sign3A_284, %sign3A_287 : i32
    %ne3A_289 = vector.broadcast %sign3A_288 : i32 to vector<16xi32>
    %ne3A_290 = arith.cmpi ne, %sign3A_281, %ne3A_289 : vector<16xi32>
    %rem3A_291 = vector.broadcast %jit3A_270 : i32 to vector<16xi32>
    %rem3A_292 = arith.remsi %add3A_267, %rem3A_291 : vector<16xi32>
    %ne3A_293 = arith.constant 0 : i32
    %ne3A_294 = vector.broadcast %ne3A_293 : i32 to vector<16xi32>
    %ne3A_295 = arith.cmpi ne, %rem3A_292, %ne3A_294 : vector<16xi32>
    %and3A_296 = arith.andi %ne3A_290, %ne3A_295 : vector<16xi1>
    %sub3A_297 = arith.constant 1 : i32
    %sub3A_298 = vector.broadcast %sub3A_297 : i32 to vector<16xi32>
    %sub3A_299 = arith.subi %div3A_272, %sub3A_298 : vector<16xi32>
    %select_n3A_300 = arith.select %and3A_296, %sub3A_299, %div3A_272 : vector<16xi1>, vector<16xi32>
    %jit3A_301 = arith.constant 64 : i32
    %eq3A_302 = arith.constant 0 : i32
    %eq3A_303 = arith.cmpi eq, %jit3A_301, %eq3A_302 : i32
    %jit3A_304 = arith.constant 1 : i32
    %select_n3A_305 = arith.select %eq3A_303, %jit3A_304, %jit3A_301 : i32
    %rem3A_306 = vector.broadcast %select_n3A_305 : i32 to vector<16xi32>
    %rem3A_307 = arith.remsi %add3A_267, %rem3A_306 : vector<16xi32>
    %ne3A_308 = arith.constant 0 : i32
    %ne3A_309 = vector.broadcast %ne3A_308 : i32 to vector<16xi32>
    %ne3A_310 = arith.cmpi ne, %rem3A_307, %ne3A_309 : vector<16xi32>
    %lt3A_311 = arith.constant 0 : i32
    %lt3A_312 = vector.broadcast %lt3A_311 : i32 to vector<16xi32>
    %lt3A_313 = arith.cmpi slt, %rem3A_307, %lt3A_312 : vector<16xi32>
    %lt3A_314 = arith.constant 0 : i32
    %lt3A_315 = arith.cmpi slt, %select_n3A_305, %lt3A_314 : i32
    %ne3A_316 = vector.broadcast %lt3A_315 : i1 to vector<16xi1>
    %ne3A_317 = vector.broadcast %ne3A_316 : vector<16xi1> to vector<16xi1>
    %ne3A_318 = arith.xori %lt3A_313, %ne3A_317 : vector<16xi1>
    %and3A_319 = arith.andi %ne3A_318, %ne3A_310 : vector<16xi1>
    %add3A_320 = vector.broadcast %select_n3A_305 : i32 to vector<16xi32>
    %add3A_321 = arith.addi %rem3A_307, %add3A_320 : vector<16xi32>
    %select_n3A_322 = arith.select %and3A_319, %add3A_321, %rem3A_307 : vector<16xi1>, vector<16xi32>
    %broadcast_in_dim3A_323 = arith.constant 5120 : i32
    %broadcast_in_dim3A_324 = vector.broadcast %broadcast_in_dim3A_323 : i32 to vector<16xi32>
    tpu.vector_store_idx %arg10[%select_n3A_300, %select_n3A_322], %broadcast_in_dim3A_324 masked %broadcast_in_dim3A_29 : memref<322x64xi32, #tpu.memory_space<vmem>>[vector<16xi32>, vector<16xi32>], vector<16xi32>, vector<16xi1>
    %add3A_325 = arith.constant 80 : i32
    %add3A_326 = arith.addi %scan3A_27, %add3A_325 : i32
    %add3A_327 = vector.broadcast %add3A_326 : i32 to vector<16xi32>
    %add3A_328 = arith.addi %add3A_327, %iota3A : vector<16xi32>
    %broadcast_in_dim3A_329 = arith.constant 0 : i32
    %broadcast_in_dim3A_330 = vector.broadcast %broadcast_in_dim3A_329 : i32 to vector<16xi32>
    tpu.vector_store_idx %arg9[%add3A_328], %broadcast_in_dim3A_330 masked %broadcast_in_dim3A_29 : memref<20608xi32, #tpu.memory_space<vmem>>[vector<16xi32>], vector<16xi32>, vector<16xi1>
    %jit3A_331 = arith.constant 64 : i32
    %div3A_332 = vector.broadcast %jit3A_331 : i32 to vector<16xi32>
    %div3A_333 = arith.divsi %add3A_328, %div3A_332 : vector<16xi32>
    %sign3A_334 = arith.constant 0 : i32
    %sign3A_335 = vector.broadcast %sign3A_334 : i32 to vector<16xi32>
    %sign3A_336 = arith.cmpi sgt, %add3A_328, %sign3A_335 : vector<16xi32>
    %sign3A_337 = arith.extui %sign3A_336 : vector<16xi1> to vector<16xi32>
    %sign3A_338 = arith.constant 0 : i32
    %sign3A_339 = vector.broadcast %sign3A_338 : i32 to vector<16xi32>
    %sign3A_340 = arith.cmpi slt, %add3A_328, %sign3A_339 : vector<16xi32>
    %sign3A_341 = arith.extui %sign3A_340 : vector<16xi1> to vector<16xi32>
    %sign3A_342 = arith.subi %sign3A_337, %sign3A_341 : vector<16xi32>
    %sign3A_343 = arith.constant 0 : i32
    %sign3A_344 = arith.cmpi sgt, %jit3A_331, %sign3A_343 : i32
    %sign3A_345 = arith.extui %sign3A_344 : i1 to i32
    %sign3A_346 = arith.constant 0 : i32
    %sign3A_347 = arith.cmpi slt, %jit3A_331, %sign3A_346 : i32
    %sign3A_348 = arith.extui %sign3A_347 : i1 to i32
    %sign3A_349 = arith.subi %sign3A_345, %sign3A_348 : i32
    %ne3A_350 = vector.broadcast %sign3A_349 : i32 to vector<16xi32>
    %ne3A_351 = arith.cmpi ne, %sign3A_342, %ne3A_350 : vector<16xi32>
    %rem3A_352 = vector.broadcast %jit3A_331 : i32 to vector<16xi32>
    %rem3A_353 = arith.remsi %add3A_328, %rem3A_352 : vector<16xi32>
    %ne3A_354 = arith.constant 0 : i32
    %ne3A_355 = vector.broadcast %ne3A_354 : i32 to vector<16xi32>
    %ne3A_356 = arith.cmpi ne, %rem3A_353, %ne3A_355 : vector<16xi32>
    %and3A_357 = arith.andi %ne3A_351, %ne3A_356 : vector<16xi1>
    %sub3A_358 = arith.constant 1 : i32
    %sub3A_359 = vector.broadcast %sub3A_358 : i32 to vector<16xi32>
    %sub3A_360 = arith.subi %div3A_333, %sub3A_359 : vector<16xi32>
    %select_n3A_361 = arith.select %and3A_357, %sub3A_360, %div3A_333 : vector<16xi1>, vector<16xi32>
    %jit3A_362 = arith.constant 64 : i32
    %eq3A_363 = arith.constant 0 : i32
    %eq3A_364 = arith.cmpi eq, %jit3A_362, %eq3A_363 : i32
    %jit3A_365 = arith.constant 1 : i32
    %select_n3A_366 = arith.select %eq3A_364, %jit3A_365, %jit3A_362 : i32
    %rem3A_367 = vector.broadcast %select_n3A_366 : i32 to vector<16xi32>
    %rem3A_368 = arith.remsi %add3A_328, %rem3A_367 : vector<16xi32>
    %ne3A_369 = arith.constant 0 : i32
    %ne3A_370 = vector.broadcast %ne3A_369 : i32 to vector<16xi32>
    %ne3A_371 = arith.cmpi ne, %rem3A_368, %ne3A_370 : vector<16xi32>
    %lt3A_372 = arith.constant 0 : i32
    %lt3A_373 = vector.broadcast %lt3A_372 : i32 to vector<16xi32>
    %lt3A_374 = arith.cmpi slt, %rem3A_368, %lt3A_373 : vector<16xi32>
    %lt3A_375 = arith.constant 0 : i32
    %lt3A_376 = arith.cmpi slt, %select_n3A_366, %lt3A_375 : i32
    %ne3A_377 = vector.broadcast %lt3A_376 : i1 to vector<16xi1>
    %ne3A_378 = vector.broadcast %ne3A_377 : vector<16xi1> to vector<16xi1>
    %ne3A_379 = arith.xori %lt3A_374, %ne3A_378 : vector<16xi1>
    %and3A_380 = arith.andi %ne3A_379, %ne3A_371 : vector<16xi1>
    %add3A_381 = vector.broadcast %select_n3A_366 : i32 to vector<16xi32>
    %add3A_382 = arith.addi %rem3A_368, %add3A_381 : vector<16xi32>
    %select_n3A_383 = arith.select %and3A_380, %add3A_382, %rem3A_368 : vector<16xi1>, vector<16xi32>
    %broadcast_in_dim3A_384 = arith.constant 5120 : i32
    %broadcast_in_dim3A_385 = vector.broadcast %broadcast_in_dim3A_384 : i32 to vector<16xi32>
    tpu.vector_store_idx %arg10[%select_n3A_361, %select_n3A_383], %broadcast_in_dim3A_385 masked %broadcast_in_dim3A_29 : memref<322x64xi32, #tpu.memory_space<vmem>>[vector<16xi32>, vector<16xi32>], vector<16xi32>, vector<16xi1>
    %add3A_386 = arith.constant 96 : i32
    %add3A_387 = arith.addi %scan3A_27, %add3A_386 : i32
    %add3A_388 = vector.broadcast %add3A_387 : i32 to vector<16xi32>
    %add3A_389 = arith.addi %add3A_388, %iota3A : vector<16xi32>
    %broadcast_in_dim3A_390 = arith.constant 0 : i32
    %broadcast_in_dim3A_391 = vector.broadcast %broadcast_in_dim3A_390 : i32 to vector<16xi32>
    tpu.vector_store_idx %arg9[%add3A_389], %broadcast_in_dim3A_391 masked %broadcast_in_dim3A_29 : memref<20608xi32, #tpu.memory_space<vmem>>[vector<16xi32>], vector<16xi32>, vector<16xi1>
    %jit3A_392 = arith.constant 64 : i32
    %div3A_393 = vector.broadcast %jit3A_392 : i32 to vector<16xi32>
    %div3A_394 = arith.divsi %add3A_389, %div3A_393 : vector<16xi32>
    %sign3A_395 = arith.constant 0 : i32
    %sign3A_396 = vector.broadcast %sign3A_395 : i32 to vector<16xi32>
    %sign3A_397 = arith.cmpi sgt, %add3A_389, %sign3A_396 : vector<16xi32>
    %sign3A_398 = arith.extui %sign3A_397 : vector<16xi1> to vector<16xi32>
    %sign3A_399 = arith.constant 0 : i32
    %sign3A_400 = vector.broadcast %sign3A_399 : i32 to vector<16xi32>
    %sign3A_401 = arith.cmpi slt, %add3A_389, %sign3A_400 : vector<16xi32>
    %sign3A_402 = arith.extui %sign3A_401 : vector<16xi1> to vector<16xi32>
    %sign3A_403 = arith.subi %sign3A_398, %sign3A_402 : vector<16xi32>
    %sign3A_404 = arith.constant 0 : i32
    %sign3A_405 = arith.cmpi sgt, %jit3A_392, %sign3A_404 : i32
    %sign3A_406 = arith.extui %sign3A_405 : i1 to i32
    %sign3A_407 = arith.constant 0 : i32
    %sign3A_408 = arith.cmpi slt, %jit3A_392, %sign3A_407 : i32
    %sign3A_409 = arith.extui %sign3A_408 : i1 to i32
    %sign3A_410 = arith.subi %sign3A_406, %sign3A_409 : i32
    %ne3A_411 = vector.broadcast %sign3A_410 : i32 to vector<16xi32>
    %ne3A_412 = arith.cmpi ne, %sign3A_403, %ne3A_411 : vector<16xi32>
    %rem3A_413 = vector.broadcast %jit3A_392 : i32 to vector<16xi32>
    %rem3A_414 = arith.remsi %add3A_389, %rem3A_413 : vector<16xi32>
    %ne3A_415 = arith.constant 0 : i32
    %ne3A_416 = vector.broadcast %ne3A_415 : i32 to vector<16xi32>
    %ne3A_417 = arith.cmpi ne, %rem3A_414, %ne3A_416 : vector<16xi32>
    %and3A_418 = arith.andi %ne3A_412, %ne3A_417 : vector<16xi1>
    %sub3A_419 = arith.constant 1 : i32
    %sub3A_420 = vector.broadcast %sub3A_419 : i32 to vector<16xi32>
    %sub3A_421 = arith.subi %div3A_394, %sub3A_420 : vector<16xi32>
    %select_n3A_422 = arith.select %and3A_418, %sub3A_421, %div3A_394 : vector<16xi1>, vector<16xi32>
    %jit3A_423 = arith.constant 64 : i32
    %eq3A_424 = arith.constant 0 : i32
    %eq3A_425 = arith.cmpi eq, %jit3A_423, %eq3A_424 : i32
    %jit3A_426 = arith.constant 1 : i32
    %select_n3A_427 = arith.select %eq3A_425, %jit3A_426, %jit3A_423 : i32
    %rem3A_428 = vector.broadcast %select_n3A_427 : i32 to vector<16xi32>
    %rem3A_429 = arith.remsi %add3A_389, %rem3A_428 : vector<16xi32>
    %ne3A_430 = arith.constant 0 : i32
    %ne3A_431 = vector.broadcast %ne3A_430 : i32 to vector<16xi32>
    %ne3A_432 = arith.cmpi ne, %rem3A_429, %ne3A_431 : vector<16xi32>
    %lt3A_433 = arith.constant 0 : i32
    %lt3A_434 = vector.broadcast %lt3A_433 : i32 to vector<16xi32>
    %lt3A_435 = arith.cmpi slt, %rem3A_429, %lt3A_434 : vector<16xi32>
    %lt3A_436 = arith.constant 0 : i32
    %lt3A_437 = arith.cmpi slt, %select_n3A_427, %lt3A_436 : i32
    %ne3A_438 = vector.broadcast %lt3A_437 : i1 to vector<16xi1>
    %ne3A_439 = vector.broadcast %ne3A_438 : vector<16xi1> to vector<16xi1>
    %ne3A_440 = arith.xori %lt3A_435, %ne3A_439 : vector<16xi1>
    %and3A_441 = arith.andi %ne3A_440, %ne3A_432 : vector<16xi1>
    %add3A_442 = vector.broadcast %select_n3A_427 : i32 to vector<16xi32>
    %add3A_443 = arith.addi %rem3A_429, %add3A_442 : vector<16xi32>
    %select_n3A_444 = arith.select %and3A_441, %add3A_443, %rem3A_429 : vector<16xi1>, vector<16xi32>
    %broadcast_in_dim3A_445 = arith.constant 5120 : i32
    %broadcast_in_dim3A_446 = vector.broadcast %broadcast_in_dim3A_445 : i32 to vector<16xi32>
    tpu.vector_store_idx %arg10[%select_n3A_422, %select_n3A_444], %broadcast_in_dim3A_446 masked %broadcast_in_dim3A_29 : memref<322x64xi32, #tpu.memory_space<vmem>>[vector<16xi32>, vector<16xi32>], vector<16xi32>, vector<16xi1>
    %add3A_447 = arith.constant 112 : i32
    %add3A_448 = arith.addi %scan3A_27, %add3A_447 : i32
    %add3A_449 = vector.broadcast %add3A_448 : i32 to vector<16xi32>
    %add3A_450 = arith.addi %add3A_449, %iota3A : vector<16xi32>
    %broadcast_in_dim3A_451 = arith.constant 0 : i32
    %broadcast_in_dim3A_452 = vector.broadcast %broadcast_in_dim3A_451 : i32 to vector<16xi32>
    tpu.vector_store_idx %arg9[%add3A_450], %broadcast_in_dim3A_452 masked %broadcast_in_dim3A_29 : memref<20608xi32, #tpu.memory_space<vmem>>[vector<16xi32>], vector<16xi32>, vector<16xi1>
    %jit3A_453 = arith.constant 64 : i32
    %div3A_454 = vector.broadcast %jit3A_453 : i32 to vector<16xi32>
    %div3A_455 = arith.divsi %add3A_450, %div3A_454 : vector<16xi32>
    %sign3A_456 = arith.constant 0 : i32
    %sign3A_457 = vector.broadcast %sign3A_456 : i32 to vector<16xi32>
    %sign3A_458 = arith.cmpi sgt, %add3A_450, %sign3A_457 : vector<16xi32>
    %sign3A_459 = arith.extui %sign3A_458 : vector<16xi1> to vector<16xi32>
    %sign3A_460 = arith.constant 0 : i32
    %sign3A_461 = vector.broadcast %sign3A_460 : i32 to vector<16xi32>
    %sign3A_462 = arith.cmpi slt, %add3A_450, %sign3A_461 : vector<16xi32>
    %sign3A_463 = arith.extui %sign3A_462 : vector<16xi1> to vector<16xi32>
    %sign3A_464 = arith.subi %sign3A_459, %sign3A_463 : vector<16xi32>
    %sign3A_465 = arith.constant 0 : i32
    %sign3A_466 = arith.cmpi sgt, %jit3A_453, %sign3A_465 : i32
    %sign3A_467 = arith.extui %sign3A_466 : i1 to i32
    %sign3A_468 = arith.constant 0 : i32
    %sign3A_469 = arith.cmpi slt, %jit3A_453, %sign3A_468 : i32
    %sign3A_470 = arith.extui %sign3A_469 : i1 to i32
    %sign3A_471 = arith.subi %sign3A_467, %sign3A_470 : i32
    %ne3A_472 = vector.broadcast %sign3A_471 : i32 to vector<16xi32>
    %ne3A_473 = arith.cmpi ne, %sign3A_464, %ne3A_472 : vector<16xi32>
    %rem3A_474 = vector.broadcast %jit3A_453 : i32 to vector<16xi32>
    %rem3A_475 = arith.remsi %add3A_450, %rem3A_474 : vector<16xi32>
    %ne3A_476 = arith.constant 0 : i32
    %ne3A_477 = vector.broadcast %ne3A_476 : i32 to vector<16xi32>
    %ne3A_478 = arith.cmpi ne, %rem3A_475, %ne3A_477 : vector<16xi32>
    %and3A_479 = arith.andi %ne3A_473, %ne3A_478 : vector<16xi1>
    %sub3A_480 = arith.constant 1 : i32
    %sub3A_481 = vector.broadcast %sub3A_480 : i32 to vector<16xi32>
    %sub3A_482 = arith.subi %div3A_455, %sub3A_481 : vector<16xi32>
    %select_n3A_483 = arith.select %and3A_479, %sub3A_482, %div3A_455 : vector<16xi1>, vector<16xi32>
    %jit3A_484 = arith.constant 64 : i32
    %eq3A_485 = arith.constant 0 : i32
    %eq3A_486 = arith.cmpi eq, %jit3A_484, %eq3A_485 : i32
    %jit3A_487 = arith.constant 1 : i32
    %select_n3A_488 = arith.select %eq3A_486, %jit3A_487, %jit3A_484 : i32
    %rem3A_489 = vector.broadcast %select_n3A_488 : i32 to vector<16xi32>
    %rem3A_490 = arith.remsi %add3A_450, %rem3A_489 : vector<16xi32>
    %ne3A_491 = arith.constant 0 : i32
    %ne3A_492 = vector.broadcast %ne3A_491 : i32 to vector<16xi32>
    %ne3A_493 = arith.cmpi ne, %rem3A_490, %ne3A_492 : vector<16xi32>
    %lt3A_494 = arith.constant 0 : i32
    %lt3A_495 = vector.broadcast %lt3A_494 : i32 to vector<16xi32>
    %lt3A_496 = arith.cmpi slt, %rem3A_490, %lt3A_495 : vector<16xi32>
    %lt3A_497 = arith.constant 0 : i32
    %lt3A_498 = arith.cmpi slt, %select_n3A_488, %lt3A_497 : i32
    %ne3A_499 = vector.broadcast %lt3A_498 : i1 to vector<16xi1>
    %ne3A_500 = vector.broadcast %ne3A_499 : vector<16xi1> to vector<16xi1>
    %ne3A_501 = arith.xori %lt3A_496, %ne3A_500 : vector<16xi1>
    %and3A_502 = arith.andi %ne3A_501, %ne3A_493 : vector<16xi1>
    %add3A_503 = vector.broadcast %select_n3A_488 : i32 to vector<16xi32>
    %add3A_504 = arith.addi %rem3A_490, %add3A_503 : vector<16xi32>
    %select_n3A_505 = arith.select %and3A_502, %add3A_504, %rem3A_490 : vector<16xi1>, vector<16xi32>
    %broadcast_in_dim3A_506 = arith.constant 5120 : i32
    %broadcast_in_dim3A_507 = vector.broadcast %broadcast_in_dim3A_506 : i32 to vector<16xi32>
    tpu.vector_store_idx %arg10[%select_n3A_483, %select_n3A_505], %broadcast_in_dim3A_507 masked %broadcast_in_dim3A_29 : memref<322x64xi32, #tpu.memory_space<vmem>>[vector<16xi32>, vector<16xi32>], vector<16xi32>, vector<16xi1>
    %barrier3A = arith.constant 0 : index
    tpu.barrier barrier_id(%barrier3A)
    %add3A_508 = arith.constant 128 : i32
    %add3A_509 = arith.addi %scan3A_27, %add3A_508 : i32
    %sub3A_510 = arith.constant 1 : i32
    %sub3A_511 = arith.subi %add3A_509, %sub3A_510 : i32
    %jit3A_512 = arith.constant 128 : i32
    %div3A_513 = arith.divsi %sub3A_511, %jit3A_512 : i32
    %sign3A_514 = arith.constant 0 : i32
    %sign3A_515 = arith.cmpi sgt, %sub3A_511, %sign3A_514 : i32
    %sign3A_516 = arith.extui %sign3A_515 : i1 to i32
    %sign3A_517 = arith.constant 0 : i32
    %sign3A_518 = arith.cmpi slt, %sub3A_511, %sign3A_517 : i32
    %sign3A_519 = arith.extui %sign3A_518 : i1 to i32
    %sign3A_520 = arith.subi %sign3A_516, %sign3A_519 : i32
    %sign3A_521 = arith.constant 0 : i32
    %sign3A_522 = arith.cmpi sgt, %jit3A_512, %sign3A_521 : i32
    %sign3A_523 = arith.extui %sign3A_522 : i1 to i32
    %sign3A_524 = arith.constant 0 : i32
    %sign3A_525 = arith.cmpi slt, %jit3A_512, %sign3A_524 : i32
    %sign3A_526 = arith.extui %sign3A_525 : i1 to i32
    %sign3A_527 = arith.subi %sign3A_523, %sign3A_526 : i32
    %ne3A_528 = arith.cmpi ne, %sign3A_520, %sign3A_527 : i32
    %rem3A_529 = arith.remsi %sub3A_511, %jit3A_512 : i32
    %ne3A_530 = arith.constant 0 : i32
    %ne3A_531 = arith.cmpi ne, %rem3A_529, %ne3A_530 : i32
    %and3A_532 = arith.andi %ne3A_528, %ne3A_531 : i1
    %sub3A_533 = arith.constant 1 : i32
    %sub3A_534 = arith.subi %div3A_513, %sub3A_533 : i32
    %select_n3A_535 = arith.select %and3A_532, %sub3A_534, %div3A_513 : i32
    %max3A = arith.constant 1 : i32
    %max3A_536 = arith.maxsi %select_n3A_535, %max3A : i32
    %dma_start3A = arith.constant 0 : i32
    %dma_start3A_537 = arith.constant 0 : i32
    %dma_start3A_538 = arith.constant 0 : i32
    %dma_start3A_539 = tpu.memref_slice %arg11[%dma_start3A, %dma_start3A_537, %dma_start3A_538] : memref<2x64x128xf32, #tpu.memory_space<vmem>> -> memref<1x64x128xf32, #tpu.memory_space<vmem>>
    %dma_start3A_540 = tpu.memref_squeeze %dma_start3A_539 : memref<1x64x128xf32, #tpu.memory_space<vmem>> -> memref<64x128xf32, #tpu.memory_space<vmem>>
    %dma_start3A_541 = arith.constant 0 : i32
    %dma_start3A_542 = tpu.memref_slice %arg9[%dma_start3A_541] : memref<20608xi32, #tpu.memory_space<vmem>> -> memref<64xi32, #tpu.memory_space<vmem>>
    %dma_start3A_543 = arith.constant 0 : i32
    %dma_start3A_544 = arith.constant 0 : i32
    %dma_start3A_545 = tpu.memref_slice %arg2[%dma_start3A_543, %dma_start3A_544] : memref<10000x128xf32, #tpu.memory_space<hbm>> -> memref<10000x128xf32, #tpu.memory_space<hbm>>
    tpu.enqueue_indirect_dma source(%dma_start3A_545 : memref<10000x128xf32, #tpu.memory_space<hbm>>) target(%dma_start3A_540 : memref<64x128xf32, #tpu.memory_space<vmem>>) offsets(%dma_start3A_542 : memref<64xi32, #tpu.memory_space<vmem>>) semaphore(%arg13 : memref<!tpu.dma_semaphore, #tpu.memory_space<semaphore_mem>>)
    %dma_start3A_546 = arith.constant 1 : i32
    %dma_start3A_547 = arith.constant 0 : i32
    %dma_start3A_548 = arith.constant 0 : i32
    %dma_start3A_549 = tpu.memref_slice %arg11[%dma_start3A_546, %dma_start3A_547, %dma_start3A_548] : memref<2x64x128xf32, #tpu.memory_space<vmem>> -> memref<1x64x128xf32, #tpu.memory_space<vmem>>
    %dma_start3A_550 = tpu.memref_squeeze %dma_start3A_549 : memref<1x64x128xf32, #tpu.memory_space<vmem>> -> memref<64x128xf32, #tpu.memory_space<vmem>>
    %dma_start3A_551 = arith.constant 64 : i32
    %dma_start3A_552 = tpu.memref_slice %arg9[%dma_start3A_551] : memref<20608xi32, #tpu.memory_space<vmem>> -> memref<64xi32, #tpu.memory_space<vmem>>
    %dma_start3A_553 = arith.constant 0 : i32
    %dma_start3A_554 = arith.constant 0 : i32
    %dma_start3A_555 = tpu.memref_slice %arg2[%dma_start3A_553, %dma_start3A_554] : memref<10000x128xf32, #tpu.memory_space<hbm>> -> memref<10000x128xf32, #tpu.memory_space<hbm>>
    tpu.enqueue_indirect_dma source(%dma_start3A_555 : memref<10000x128xf32, #tpu.memory_space<hbm>>) target(%dma_start3A_550 : memref<64x128xf32, #tpu.memory_space<vmem>>) offsets(%dma_start3A_552 : memref<64xi32, #tpu.memory_space<vmem>>) semaphore(%arg14 : memref<!tpu.dma_semaphore, #tpu.memory_space<semaphore_mem>>)
    %while3A = arith.constant 0 : i32
    %while3A_556 = arith.subi %max3A_536, %while3A : i32
    %while3A_557 = arith.addi %while3A, %while3A_556 : i32
    %while3A_558 = arith.constant 1 : i32
    %while3A_559 = arith.divsi %while3A_556, %while3A_558 : i32
    %while3A_560 = arith.muli %while3A_559, %while3A_558 : i32
    %while3A_561 = arith.addi %while3A, %while3A_560 : i32
    %while3A_562 = arith.constant 1 : i32
    scf.for %while3A_569 = %while3A to %while3A_561 step %while3A_562  : i32 {
      %mul3A_570 = arith.constant 2 : i32
      %mul3A_571 = arith.muli %mul3A_570, %while3A_569 : i32
      %add3A_572 = arith.constant 0 : i32
      %add3A_573 = arith.addi %mul3A_571, %add3A_572 : i32
      %mul3A_574 = arith.constant 64 : i32
      %mul3A_575 = arith.muli %add3A_573, %mul3A_574 : i32
      %dma_wait3A = arith.constant 0 : i32
      %dma_wait3A_576 = arith.constant 0 : i32
      %dma_wait3A_577 = arith.constant 0 : i32
      %dma_wait3A_578 = tpu.memref_slice %arg11[%dma_wait3A, %dma_wait3A_576, %dma_wait3A_577] : memref<2x64x128xf32, #tpu.memory_space<vmem>> -> memref<1x64x128xf32, #tpu.memory_space<vmem>>
      %dma_wait3A_579 = tpu.memref_squeeze %dma_wait3A_578 : memref<1x64x128xf32, #tpu.memory_space<vmem>> -> memref<64x128xf32, #tpu.memory_space<vmem>>
      %dma_wait3A_580 = tpu.memref_slice %arg9[%mul3A_575] : memref<20608xi32, #tpu.memory_space<vmem>> -> memref<64xi32, #tpu.memory_space<vmem>>
      %dma_wait3A_581 = arith.constant 0 : i32
      %dma_wait3A_582 = arith.constant 0 : i32
      %dma_wait3A_583 = tpu.memref_slice %arg2[%dma_wait3A_581, %dma_wait3A_582] : memref<10000x128xf32, #tpu.memory_space<hbm>> -> memref<10000x128xf32, #tpu.memory_space<hbm>>
      tpu.wait_indirect_dma semaphore(%arg13 : memref<!tpu.dma_semaphore, #tpu.memory_space<semaphore_mem>>) src(%dma_wait3A_583 : memref<10000x128xf32, #tpu.memory_space<hbm>>) dst(%dma_wait3A_579 : memref<64x128xf32, #tpu.memory_space<vmem>>)
      %run_scoped3A = arith.constant 0 : i32
      "tpu.region"() ({
        %run_scoped3A_612 = tpu.sem_alloc : memref<!tpu.dma_semaphore, #tpu.memory_space<semaphore_mem>>
        %dma_start3A_613 = arith.constant 0 : i32
        %dma_start3A_614 = arith.constant 0 : i32
        %dma_start3A_615 = tpu.memref_slice %arg11[%run_scoped3A, %dma_start3A_613, %dma_start3A_614] : memref<2x64x128xf32, #tpu.memory_space<vmem>> -> memref<1x64x128xf32, #tpu.memory_space<vmem>>
        %dma_start3A_616 = tpu.memref_squeeze %dma_start3A_615 : memref<1x64x128xf32, #tpu.memory_space<vmem>> -> memref<64x128xf32, #tpu.memory_space<vmem>>
        %dma_start3A_617 = arith.constant 0 : i32
        %dma_start3A_618 = tpu.memref_slice %arg10[%add3A_573, %dma_start3A_617] : memref<322x64xi32, #tpu.memory_space<vmem>> -> memref<1x64xi32, #tpu.memory_space<vmem>>
        %dma_start3A_619 = tpu.memref_squeeze %dma_start3A_618 : memref<1x64xi32, #tpu.memory_space<vmem>> -> memref<64xi32, #tpu.memory_space<vmem>>
        %dma_start3A_620 = arith.constant 0 : i32
        %dma_start3A_621 = arith.constant 0 : i32
        %dma_start3A_622 = tpu.memref_slice %arg12[%dma_start3A_620, %dma_start3A_621] : memref<5128x128xf32, #tpu.memory_space<vmem_shared>> -> memref<5128x128xf32, #tpu.memory_space<vmem_shared>>
        tpu.enqueue_indirect_dma source(%dma_start3A_616 : memref<64x128xf32, #tpu.memory_space<vmem>>) target(%dma_start3A_622 : memref<5128x128xf32, #tpu.memory_space<vmem_shared>>) offsets(%dma_start3A_619 : memref<64xi32, #tpu.memory_space<vmem>>) semaphore(%run_scoped3A_612 : memref<!tpu.dma_semaphore, #tpu.memory_space<semaphore_mem>>) {add = true}
        %dma_wait3A_623 = arith.constant 0 : i32
        %dma_wait3A_624 = arith.constant 0 : i32
        %dma_wait3A_625 = tpu.memref_slice %arg11[%run_scoped3A, %dma_wait3A_623, %dma_wait3A_624] : memref<2x64x128xf32, #tpu.memory_space<vmem>> -> memref<1x64x128xf32, #tpu.memory_space<vmem>>
        %dma_wait3A_626 = tpu.memref_squeeze %dma_wait3A_625 : memref<1x64x128xf32, #tpu.memory_space<vmem>> -> memref<64x128xf32, #tpu.memory_space<vmem>>
        %dma_wait3A_627 = arith.constant 0 : i32
        %dma_wait3A_628 = tpu.memref_slice %arg10[%add3A_573, %dma_wait3A_627] : memref<322x64xi32, #tpu.memory_space<vmem>> -> memref<1x64xi32, #tpu.memory_space<vmem>>
        %dma_wait3A_629 = tpu.memref_squeeze %dma_wait3A_628 : memref<1x64xi32, #tpu.memory_space<vmem>> -> memref<64xi32, #tpu.memory_space<vmem>>
        %dma_wait3A_630 = arith.constant 0 : i32
        %dma_wait3A_631 = arith.constant 0 : i32
        %dma_wait3A_632 = tpu.memref_slice %arg12[%dma_wait3A_630, %dma_wait3A_631] : memref<5128x128xf32, #tpu.memory_space<vmem_shared>> -> memref<5128x128xf32, #tpu.memory_space<vmem_shared>>
        tpu.wait_indirect_dma semaphore(%run_scoped3A_612 : memref<!tpu.dma_semaphore, #tpu.memory_space<semaphore_mem>>) src(%dma_wait3A_626 : memref<64x128xf32, #tpu.memory_space<vmem>>) dst(%dma_wait3A_632 : memref<5128x128xf32, #tpu.memory_space<vmem_shared>>)
        tpu.yield
      }) : () -> ()
      %sub3A_584 = arith.constant 1 : i32
      %sub3A_585 = arith.subi %max3A_536, %sub3A_584 : i32
      %lt3A_586 = arith.cmpi slt, %while3A_569, %sub3A_585 : i32
      %convert_element_type3A_587 = arith.extui %lt3A_586 : i1 to i32
      %cond3A_588 = arith.constant 0 : i32
      %cond3A_589 = arith.cmpi ne, %convert_element_type3A_587, %cond3A_588 : i32
      scf.if %cond3A_589 {
        %add3A_612 = arith.constant 2 : i32
        %add3A_613 = arith.addi %add3A_573, %add3A_612 : i32
        %mul3A_614 = arith.constant 64 : i32
        %mul3A_615 = arith.muli %add3A_613, %mul3A_614 : i32
        %dma_start3A_616 = arith.constant 0 : i32
        %dma_start3A_617 = arith.constant 0 : i32
        %dma_start3A_618 = arith.constant 0 : i32
        %dma_start3A_619 = tpu.memref_slice %arg11[%dma_start3A_616, %dma_start3A_617, %dma_start3A_618] : memref<2x64x128xf32, #tpu.memory_space<vmem>> -> memref<1x64x128xf32, #tpu.memory_space<vmem>>
        %dma_start3A_620 = tpu.memref_squeeze %dma_start3A_619 : memref<1x64x128xf32, #tpu.memory_space<vmem>> -> memref<64x128xf32, #tpu.memory_space<vmem>>
        %dma_start3A_621 = tpu.memref_slice %arg9[%mul3A_615] : memref<20608xi32, #tpu.memory_space<vmem>> -> memref<64xi32, #tpu.memory_space<vmem>>
        %dma_start3A_622 = arith.constant 0 : i32
        %dma_start3A_623 = arith.constant 0 : i32
        %dma_start3A_624 = tpu.memref_slice %arg2[%dma_start3A_622, %dma_start3A_623] : memref<10000x128xf32, #tpu.memory_space<hbm>> -> memref<10000x128xf32, #tpu.memory_space<hbm>>
        tpu.enqueue_indirect_dma source(%dma_start3A_624 : memref<10000x128xf32, #tpu.memory_space<hbm>>) target(%dma_start3A_620 : memref<64x128xf32, #tpu.memory_space<vmem>>) offsets(%dma_start3A_621 : memref<64xi32, #tpu.memory_space<vmem>>) semaphore(%arg13 : memref<!tpu.dma_semaphore, #tpu.memory_space<semaphore_mem>>)
      } else {
      }
      %mul3A_590 = arith.constant 2 : i32
      %mul3A_591 = arith.muli %mul3A_590, %while3A_569 : i32
      %add3A_592 = arith.constant 1 : i32
      %add3A_593 = arith.addi %mul3A_591, %add3A_592 : i32
      %mul3A_594 = arith.constant 64 : i32
      %mul3A_595 = arith.muli %add3A_593, %mul3A_594 : i32
      %dma_wait3A_596 = arith.constant 1 : i32
      %dma_wait3A_597 = arith.constant 0 : i32
      %dma_wait3A_598 = arith.constant 0 : i32
      %dma_wait3A_599 = tpu.memref_slice %arg11[%dma_wait3A_596, %dma_wait3A_597, %dma_wait3A_598] : memref<2x64x128xf32, #tpu.memory_space<vmem>> -> memref<1x64x128xf32, #tpu.memory_space<vmem>>
      %dma_wait3A_600 = tpu.memref_squeeze %dma_wait3A_599 : memref<1x64x128xf32, #tpu.memory_space<vmem>> -> memref<64x128xf32, #tpu.memory_space<vmem>>
      %dma_wait3A_601 = tpu.memref_slice %arg9[%mul3A_595] : memref<20608xi32, #tpu.memory_space<vmem>> -> memref<64xi32, #tpu.memory_space<vmem>>
      %dma_wait3A_602 = arith.constant 0 : i32
      %dma_wait3A_603 = arith.constant 0 : i32
      %dma_wait3A_604 = tpu.memref_slice %arg2[%dma_wait3A_602, %dma_wait3A_603] : memref<10000x128xf32, #tpu.memory_space<hbm>> -> memref<10000x128xf32, #tpu.memory_space<hbm>>
      tpu.wait_indirect_dma semaphore(%arg14 : memref<!tpu.dma_semaphore, #tpu.memory_space<semaphore_mem>>) src(%dma_wait3A_604 : memref<10000x128xf32, #tpu.memory_space<hbm>>) dst(%dma_wait3A_600 : memref<64x128xf32, #tpu.memory_space<vmem>>)
      %run_scoped3A_605 = arith.constant 1 : i32
      "tpu.region"() ({
        %run_scoped3A_612 = tpu.sem_alloc : memref<!tpu.dma_semaphore, #tpu.memory_space<semaphore_mem>>
        %dma_start3A_613 = arith.constant 0 : i32
        %dma_start3A_614 = arith.constant 0 : i32
        %dma_start3A_615 = tpu.memref_slice %arg11[%run_scoped3A_605, %dma_start3A_613, %dma_start3A_614] : memref<2x64x128xf32, #tpu.memory_space<vmem>> -> memref<1x64x128xf32, #tpu.memory_space<vmem>>
        %dma_start3A_616 = tpu.memref_squeeze %dma_start3A_615 : memref<1x64x128xf32, #tpu.memory_space<vmem>> -> memref<64x128xf32, #tpu.memory_space<vmem>>
        %dma_start3A_617 = arith.constant 0 : i32
        %dma_start3A_618 = tpu.memref_slice %arg10[%add3A_593, %dma_start3A_617] : memref<322x64xi32, #tpu.memory_space<vmem>> -> memref<1x64xi32, #tpu.memory_space<vmem>>
        %dma_start3A_619 = tpu.memref_squeeze %dma_start3A_618 : memref<1x64xi32, #tpu.memory_space<vmem>> -> memref<64xi32, #tpu.memory_space<vmem>>
        %dma_start3A_620 = arith.constant 0 : i32
        %dma_start3A_621 = arith.constant 0 : i32
        %dma_start3A_622 = tpu.memref_slice %arg12[%dma_start3A_620, %dma_start3A_621] : memref<5128x128xf32, #tpu.memory_space<vmem_shared>> -> memref<5128x128xf32, #tpu.memory_space<vmem_shared>>
        tpu.enqueue_indirect_dma source(%dma_start3A_616 : memref<64x128xf32, #tpu.memory_space<vmem>>) target(%dma_start3A_622 : memref<5128x128xf32, #tpu.memory_space<vmem_shared>>) offsets(%dma_start3A_619 : memref<64xi32, #tpu.memory_space<vmem>>) semaphore(%run_scoped3A_612 : memref<!tpu.dma_semaphore, #tpu.memory_space<semaphore_mem>>) {add = true}
        %dma_wait3A_623 = arith.constant 0 : i32
        %dma_wait3A_624 = arith.constant 0 : i32
        %dma_wait3A_625 = tpu.memref_slice %arg11[%run_scoped3A_605, %dma_wait3A_623, %dma_wait3A_624] : memref<2x64x128xf32, #tpu.memory_space<vmem>> -> memref<1x64x128xf32, #tpu.memory_space<vmem>>
        %dma_wait3A_626 = tpu.memref_squeeze %dma_wait3A_625 : memref<1x64x128xf32, #tpu.memory_space<vmem>> -> memref<64x128xf32, #tpu.memory_space<vmem>>
        %dma_wait3A_627 = arith.constant 0 : i32
        %dma_wait3A_628 = tpu.memref_slice %arg10[%add3A_593, %dma_wait3A_627] : memref<322x64xi32, #tpu.memory_space<vmem>> -> memref<1x64xi32, #tpu.memory_space<vmem>>
        %dma_wait3A_629 = tpu.memref_squeeze %dma_wait3A_628 : memref<1x64xi32, #tpu.memory_space<vmem>> -> memref<64xi32, #tpu.memory_space<vmem>>
        %dma_wait3A_630 = arith.constant 0 : i32
        %dma_wait3A_631 = arith.constant 0 : i32
        %dma_wait3A_632 = tpu.memref_slice %arg12[%dma_wait3A_630, %dma_wait3A_631] : memref<5128x128xf32, #tpu.memory_space<vmem_shared>> -> memref<5128x128xf32, #tpu.memory_space<vmem_shared>>
        tpu.wait_indirect_dma semaphore(%run_scoped3A_612 : memref<!tpu.dma_semaphore, #tpu.memory_space<semaphore_mem>>) src(%dma_wait3A_626 : memref<64x128xf32, #tpu.memory_space<vmem>>) dst(%dma_wait3A_632 : memref<5128x128xf32, #tpu.memory_space<vmem_shared>>)
        tpu.yield
      }) : () -> ()
      %sub3A_606 = arith.constant 1 : i32
      %sub3A_607 = arith.subi %max3A_536, %sub3A_606 : i32
      %lt3A_608 = arith.cmpi slt, %while3A_569, %sub3A_607 : i32
      %convert_element_type3A_609 = arith.extui %lt3A_608 : i1 to i32
      %cond3A_610 = arith.constant 0 : i32
      %cond3A_611 = arith.cmpi ne, %convert_element_type3A_609, %cond3A_610 : i32
      scf.if %cond3A_611 {
        %add3A_612 = arith.constant 2 : i32
        %add3A_613 = arith.addi %add3A_593, %add3A_612 : i32
        %mul3A_614 = arith.constant 64 : i32
        %mul3A_615 = arith.muli %add3A_613, %mul3A_614 : i32
        %dma_start3A_616 = arith.constant 1 : i32
        %dma_start3A_617 = arith.constant 0 : i32
        %dma_start3A_618 = arith.constant 0 : i32
        %dma_start3A_619 = tpu.memref_slice %arg11[%dma_start3A_616, %dma_start3A_617, %dma_start3A_618] : memref<2x64x128xf32, #tpu.memory_space<vmem>> -> memref<1x64x128xf32, #tpu.memory_space<vmem>>
        %dma_start3A_620 = tpu.memref_squeeze %dma_start3A_619 : memref<1x64x128xf32, #tpu.memory_space<vmem>> -> memref<64x128xf32, #tpu.memory_space<vmem>>
        %dma_start3A_621 = tpu.memref_slice %arg9[%mul3A_615] : memref<20608xi32, #tpu.memory_space<vmem>> -> memref<64xi32, #tpu.memory_space<vmem>>
        %dma_start3A_622 = arith.constant 0 : i32
        %dma_start3A_623 = arith.constant 0 : i32
        %dma_start3A_624 = tpu.memref_slice %arg2[%dma_start3A_622, %dma_start3A_623] : memref<10000x128xf32, #tpu.memory_space<hbm>> -> memref<10000x128xf32, #tpu.memory_space<hbm>>
        tpu.enqueue_indirect_dma source(%dma_start3A_624 : memref<10000x128xf32, #tpu.memory_space<hbm>>) target(%dma_start3A_620 : memref<64x128xf32, #tpu.memory_space<vmem>>) offsets(%dma_start3A_621 : memref<64xi32, #tpu.memory_space<vmem>>) semaphore(%arg14 : memref<!tpu.dma_semaphore, #tpu.memory_space<semaphore_mem>>)
      } else {
      }
    }
    %while3A_563 = arith.constant 1 : i32
    scf.for %while3A_569 = %while3A_561 to %while3A_557 step %while3A_563  : i32 {
      %mul3A_570 = arith.constant 2 : i32
      %mul3A_571 = arith.muli %mul3A_570, %while3A_569 : i32
      %add3A_572 = arith.constant 0 : i32
      %add3A_573 = arith.addi %mul3A_571, %add3A_572 : i32
      %mul3A_574 = arith.constant 64 : i32
      %mul3A_575 = arith.muli %add3A_573, %mul3A_574 : i32
      %dma_wait3A = arith.constant 0 : i32
      %dma_wait3A_576 = arith.constant 0 : i32
      %dma_wait3A_577 = arith.constant 0 : i32
      %dma_wait3A_578 = tpu.memref_slice %arg11[%dma_wait3A, %dma_wait3A_576, %dma_wait3A_577] : memref<2x64x128xf32, #tpu.memory_space<vmem>> -> memref<1x64x128xf32, #tpu.memory_space<vmem>>
      %dma_wait3A_579 = tpu.memref_squeeze %dma_wait3A_578 : memref<1x64x128xf32, #tpu.memory_space<vmem>> -> memref<64x128xf32, #tpu.memory_space<vmem>>
      %dma_wait3A_580 = tpu.memref_slice %arg9[%mul3A_575] : memref<20608xi32, #tpu.memory_space<vmem>> -> memref<64xi32, #tpu.memory_space<vmem>>
      %dma_wait3A_581 = arith.constant 0 : i32
      %dma_wait3A_582 = arith.constant 0 : i32
      %dma_wait3A_583 = tpu.memref_slice %arg2[%dma_wait3A_581, %dma_wait3A_582] : memref<10000x128xf32, #tpu.memory_space<hbm>> -> memref<10000x128xf32, #tpu.memory_space<hbm>>
      tpu.wait_indirect_dma semaphore(%arg13 : memref<!tpu.dma_semaphore, #tpu.memory_space<semaphore_mem>>) src(%dma_wait3A_583 : memref<10000x128xf32, #tpu.memory_space<hbm>>) dst(%dma_wait3A_579 : memref<64x128xf32, #tpu.memory_space<vmem>>)
      %run_scoped3A = arith.constant 0 : i32
      "tpu.region"() ({
        %run_scoped3A_612 = tpu.sem_alloc : memref<!tpu.dma_semaphore, #tpu.memory_space<semaphore_mem>>
        %dma_start3A_613 = arith.constant 0 : i32
        %dma_start3A_614 = arith.constant 0 : i32
        %dma_start3A_615 = tpu.memref_slice %arg11[%run_scoped3A, %dma_start3A_613, %dma_start3A_614] : memref<2x64x128xf32, #tpu.memory_space<vmem>> -> memref<1x64x128xf32, #tpu.memory_space<vmem>>
        %dma_start3A_616 = tpu.memref_squeeze %dma_start3A_615 : memref<1x64x128xf32, #tpu.memory_space<vmem>> -> memref<64x128xf32, #tpu.memory_space<vmem>>
        %dma_start3A_617 = arith.constant 0 : i32
        %dma_start3A_618 = tpu.memref_slice %arg10[%add3A_573, %dma_start3A_617] : memref<322x64xi32, #tpu.memory_space<vmem>> -> memref<1x64xi32, #tpu.memory_space<vmem>>
        %dma_start3A_619 = tpu.memref_squeeze %dma_start3A_618 : memref<1x64xi32, #tpu.memory_space<vmem>> -> memref<64xi32, #tpu.memory_space<vmem>>
        %dma_start3A_620 = arith.constant 0 : i32
        %dma_start3A_621 = arith.constant 0 : i32
        %dma_start3A_622 = tpu.memref_slice %arg12[%dma_start3A_620, %dma_start3A_621] : memref<5128x128xf32, #tpu.memory_space<vmem_shared>> -> memref<5128x128xf32, #tpu.memory_space<vmem_shared>>
        tpu.enqueue_indirect_dma source(%dma_start3A_616 : memref<64x128xf32, #tpu.memory_space<vmem>>) target(%dma_start3A_622 : memref<5128x128xf32, #tpu.memory_space<vmem_shared>>) offsets(%dma_start3A_619 : memref<64xi32, #tpu.memory_space<vmem>>) semaphore(%run_scoped3A_612 : memref<!tpu.dma_semaphore, #tpu.memory_space<semaphore_mem>>) {add = true}
        %dma_wait3A_623 = arith.constant 0 : i32
        %dma_wait3A_624 = arith.constant 0 : i32
        %dma_wait3A_625 = tpu.memref_slice %arg11[%run_scoped3A, %dma_wait3A_623, %dma_wait3A_624] : memref<2x64x128xf32, #tpu.memory_space<vmem>> -> memref<1x64x128xf32, #tpu.memory_space<vmem>>
        %dma_wait3A_626 = tpu.memref_squeeze %dma_wait3A_625 : memref<1x64x128xf32, #tpu.memory_space<vmem>> -> memref<64x128xf32, #tpu.memory_space<vmem>>
        %dma_wait3A_627 = arith.constant 0 : i32
        %dma_wait3A_628 = tpu.memref_slice %arg10[%add3A_573, %dma_wait3A_627] : memref<322x64xi32, #tpu.memory_space<vmem>> -> memref<1x64xi32, #tpu.memory_space<vmem>>
        %dma_wait3A_629 = tpu.memref_squeeze %dma_wait3A_628 : memref<1x64xi32, #tpu.memory_space<vmem>> -> memref<64xi32, #tpu.memory_space<vmem>>
        %dma_wait3A_630 = arith.constant 0 : i32
        %dma_wait3A_631 = arith.constant 0 : i32
        %dma_wait3A_632 = tpu.memref_slice %arg12[%dma_wait3A_630, %dma_wait3A_631] : memref<5128x128xf32, #tpu.memory_space<vmem_shared>> -> memref<5128x128xf32, #tpu.memory_space<vmem_shared>>
        tpu.wait_indirect_dma semaphore(%run_scoped3A_612 : memref<!tpu.dma_semaphore, #tpu.memory_space<semaphore_mem>>) src(%dma_wait3A_626 : memref<64x128xf32, #tpu.memory_space<vmem>>) dst(%dma_wait3A_632 : memref<5128x128xf32, #tpu.memory_space<vmem_shared>>)
        tpu.yield
      }) : () -> ()
      %sub3A_584 = arith.constant 1 : i32
      %sub3A_585 = arith.subi %max3A_536, %sub3A_584 : i32
      %lt3A_586 = arith.cmpi slt, %while3A_569, %sub3A_585 : i32
      %convert_element_type3A_587 = arith.extui %lt3A_586 : i1 to i32
      %cond3A_588 = arith.constant 0 : i32
      %cond3A_589 = arith.cmpi ne, %convert_element_type3A_587, %cond3A_588 : i32
      scf.if %cond3A_589 {
        %add3A_612 = arith.constant 2 : i32
        %add3A_613 = arith.addi %add3A_573, %add3A_612 : i32
        %mul3A_614 = arith.constant 64 : i32
        %mul3A_615 = arith.muli %add3A_613, %mul3A_614 : i32
        %dma_start3A_616 = arith.constant 0 : i32
        %dma_start3A_617 = arith.constant 0 : i32
        %dma_start3A_618 = arith.constant 0 : i32
        %dma_start3A_619 = tpu.memref_slice %arg11[%dma_start3A_616, %dma_start3A_617, %dma_start3A_618] : memref<2x64x128xf32, #tpu.memory_space<vmem>> -> memref<1x64x128xf32, #tpu.memory_space<vmem>>
        %dma_start3A_620 = tpu.memref_squeeze %dma_start3A_619 : memref<1x64x128xf32, #tpu.memory_space<vmem>> -> memref<64x128xf32, #tpu.memory_space<vmem>>
        %dma_start3A_621 = tpu.memref_slice %arg9[%mul3A_615] : memref<20608xi32, #tpu.memory_space<vmem>> -> memref<64xi32, #tpu.memory_space<vmem>>
        %dma_start3A_622 = arith.constant 0 : i32
        %dma_start3A_623 = arith.constant 0 : i32
        %dma_start3A_624 = tpu.memref_slice %arg2[%dma_start3A_622, %dma_start3A_623] : memref<10000x128xf32, #tpu.memory_space<hbm>> -> memref<10000x128xf32, #tpu.memory_space<hbm>>
        tpu.enqueue_indirect_dma source(%dma_start3A_624 : memref<10000x128xf32, #tpu.memory_space<hbm>>) target(%dma_start3A_620 : memref<64x128xf32, #tpu.memory_space<vmem>>) offsets(%dma_start3A_621 : memref<64xi32, #tpu.memory_space<vmem>>) semaphore(%arg13 : memref<!tpu.dma_semaphore, #tpu.memory_space<semaphore_mem>>)
      } else {
      }
      %mul3A_590 = arith.constant 2 : i32
      %mul3A_591 = arith.muli %mul3A_590, %while3A_569 : i32
      %add3A_592 = arith.constant 1 : i32
      %add3A_593 = arith.addi %mul3A_591, %add3A_592 : i32
      %mul3A_594 = arith.constant 64 : i32
      %mul3A_595 = arith.muli %add3A_593, %mul3A_594 : i32
      %dma_wait3A_596 = arith.constant 1 : i32
      %dma_wait3A_597 = arith.constant 0 : i32
      %dma_wait3A_598 = arith.constant 0 : i32
      %dma_wait3A_599 = tpu.memref_slice %arg11[%dma_wait3A_596, %dma_wait3A_597, %dma_wait3A_598] : memref<2x64x128xf32, #tpu.memory_space<vmem>> -> memref<1x64x128xf32, #tpu.memory_space<vmem>>
      %dma_wait3A_600 = tpu.memref_squeeze %dma_wait3A_599 : memref<1x64x128xf32, #tpu.memory_space<vmem>> -> memref<64x128xf32, #tpu.memory_space<vmem>>
      %dma_wait3A_601 = tpu.memref_slice %arg9[%mul3A_595] : memref<20608xi32, #tpu.memory_space<vmem>> -> memref<64xi32, #tpu.memory_space<vmem>>
      %dma_wait3A_602 = arith.constant 0 : i32
      %dma_wait3A_603 = arith.constant 0 : i32
      %dma_wait3A_604 = tpu.memref_slice %arg2[%dma_wait3A_602, %dma_wait3A_603] : memref<10000x128xf32, #tpu.memory_space<hbm>> -> memref<10000x128xf32, #tpu.memory_space<hbm>>
      tpu.wait_indirect_dma semaphore(%arg14 : memref<!tpu.dma_semaphore, #tpu.memory_space<semaphore_mem>>) src(%dma_wait3A_604 : memref<10000x128xf32, #tpu.memory_space<hbm>>) dst(%dma_wait3A_600 : memref<64x128xf32, #tpu.memory_space<vmem>>)
      %run_scoped3A_605 = arith.constant 1 : i32
      "tpu.region"() ({
        %run_scoped3A_612 = tpu.sem_alloc : memref<!tpu.dma_semaphore, #tpu.memory_space<semaphore_mem>>
        %dma_start3A_613 = arith.constant 0 : i32
        %dma_start3A_614 = arith.constant 0 : i32
        %dma_start3A_615 = tpu.memref_slice %arg11[%run_scoped3A_605, %dma_start3A_613, %dma_start3A_614] : memref<2x64x128xf32, #tpu.memory_space<vmem>> -> memref<1x64x128xf32, #tpu.memory_space<vmem>>
        %dma_start3A_616 = tpu.memref_squeeze %dma_start3A_615 : memref<1x64x128xf32, #tpu.memory_space<vmem>> -> memref<64x128xf32, #tpu.memory_space<vmem>>
        %dma_start3A_617 = arith.constant 0 : i32
        %dma_start3A_618 = tpu.memref_slice %arg10[%add3A_593, %dma_start3A_617] : memref<322x64xi32, #tpu.memory_space<vmem>> -> memref<1x64xi32, #tpu.memory_space<vmem>>
        %dma_start3A_619 = tpu.memref_squeeze %dma_start3A_618 : memref<1x64xi32, #tpu.memory_space<vmem>> -> memref<64xi32, #tpu.memory_space<vmem>>
        %dma_start3A_620 = arith.constant 0 : i32
        %dma_start3A_621 = arith.constant 0 : i32
        %dma_start3A_622 = tpu.memref_slice %arg12[%dma_start3A_620, %dma_start3A_621] : memref<5128x128xf32, #tpu.memory_space<vmem_shared>> -> memref<5128x128xf32, #tpu.memory_space<vmem_shared>>
        tpu.enqueue_indirect_dma source(%dma_start3A_616 : memref<64x128xf32, #tpu.memory_space<vmem>>) target(%dma_start3A_622 : memref<5128x128xf32, #tpu.memory_space<vmem_shared>>) offsets(%dma_start3A_619 : memref<64xi32, #tpu.memory_space<vmem>>) semaphore(%run_scoped3A_612 : memref<!tpu.dma_semaphore, #tpu.memory_space<semaphore_mem>>) {add = true}
        %dma_wait3A_623 = arith.constant 0 : i32
        %dma_wait3A_624 = arith.constant 0 : i32
        %dma_wait3A_625 = tpu.memref_slice %arg11[%run_scoped3A_605, %dma_wait3A_623, %dma_wait3A_624] : memref<2x64x128xf32, #tpu.memory_space<vmem>> -> memref<1x64x128xf32, #tpu.memory_space<vmem>>
        %dma_wait3A_626 = tpu.memref_squeeze %dma_wait3A_625 : memref<1x64x128xf32, #tpu.memory_space<vmem>> -> memref<64x128xf32, #tpu.memory_space<vmem>>
        %dma_wait3A_627 = arith.constant 0 : i32
        %dma_wait3A_628 = tpu.memref_slice %arg10[%add3A_593, %dma_wait3A_627] : memref<322x64xi32, #tpu.memory_space<vmem>> -> memref<1x64xi32, #tpu.memory_space<vmem>>
        %dma_wait3A_629 = tpu.memref_squeeze %dma_wait3A_628 : memref<1x64xi32, #tpu.memory_space<vmem>> -> memref<64xi32, #tpu.memory_space<vmem>>
        %dma_wait3A_630 = arith.constant 0 : i32
        %dma_wait3A_631 = arith.constant 0 : i32
        %dma_wait3A_632 = tpu.memref_slice %arg12[%dma_wait3A_630, %dma_wait3A_631] : memref<5128x128xf32, #tpu.memory_space<vmem_shared>> -> memref<5128x128xf32, #tpu.memory_space<vmem_shared>>
        tpu.wait_indirect_dma semaphore(%run_scoped3A_612 : memref<!tpu.dma_semaphore, #tpu.memory_space<semaphore_mem>>) src(%dma_wait3A_626 : memref<64x128xf32, #tpu.memory_space<vmem>>) dst(%dma_wait3A_632 : memref<5128x128xf32, #tpu.memory_space<vmem_shared>>)
        tpu.yield
      }) : () -> ()
      %sub3A_606 = arith.constant 1 : i32
      %sub3A_607 = arith.subi %max3A_536, %sub3A_606 : i32
      %lt3A_608 = arith.cmpi slt, %while3A_569, %sub3A_607 : i32
      %convert_element_type3A_609 = arith.extui %lt3A_608 : i1 to i32
      %cond3A_610 = arith.constant 0 : i32
      %cond3A_611 = arith.cmpi ne, %convert_element_type3A_609, %cond3A_610 : i32
      scf.if %cond3A_611 {
        %add3A_612 = arith.constant 2 : i32
        %add3A_613 = arith.addi %add3A_593, %add3A_612 : i32
        %mul3A_614 = arith.constant 64 : i32
        %mul3A_615 = arith.muli %add3A_613, %mul3A_614 : i32
        %dma_start3A_616 = arith.constant 1 : i32
        %dma_start3A_617 = arith.constant 0 : i32
        %dma_start3A_618 = arith.constant 0 : i32
        %dma_start3A_619 = tpu.memref_slice %arg11[%dma_start3A_616, %dma_start3A_617, %dma_start3A_618] : memref<2x64x128xf32, #tpu.memory_space<vmem>> -> memref<1x64x128xf32, #tpu.memory_space<vmem>>
        %dma_start3A_620 = tpu.memref_squeeze %dma_start3A_619 : memref<1x64x128xf32, #tpu.memory_space<vmem>> -> memref<64x128xf32, #tpu.memory_space<vmem>>
        %dma_start3A_621 = tpu.memref_slice %arg9[%mul3A_615] : memref<20608xi32, #tpu.memory_space<vmem>> -> memref<64xi32, #tpu.memory_space<vmem>>
        %dma_start3A_622 = arith.constant 0 : i32
        %dma_start3A_623 = arith.constant 0 : i32
        %dma_start3A_624 = tpu.memref_slice %arg2[%dma_start3A_622, %dma_start3A_623] : memref<10000x128xf32, #tpu.memory_space<hbm>> -> memref<10000x128xf32, #tpu.memory_space<hbm>>
        tpu.enqueue_indirect_dma source(%dma_start3A_624 : memref<10000x128xf32, #tpu.memory_space<hbm>>) target(%dma_start3A_620 : memref<64x128xf32, #tpu.memory_space<vmem>>) offsets(%dma_start3A_621 : memref<64xi32, #tpu.memory_space<vmem>>) semaphore(%arg14 : memref<!tpu.dma_semaphore, #tpu.memory_space<semaphore_mem>>)
      } else {
      }
    }
    %barrier3A_564 = arith.constant 0 : index
    tpu.barrier barrier_id(%barrier3A_564)
    %mul3A_565 = arith.constant 320 : i32
    %mul3A_566 = arith.muli %arg1, %mul3A_565 : i32
    %mul3A_567 = arith.constant 320 : i32
    %mul3A_568 = arith.muli %arg1, %mul3A_567 : i32
    "tpu.region"() ({
      %run_scoped3A = tpu.sem_alloc : memref<!tpu.dma_semaphore, #tpu.memory_space<semaphore_mem>>
      %dma_start3A_569 = arith.constant 0 : i32
      %dma_start3A_570 = arith.constant 0 : i32
      %dma_start3A_571 = tpu.memref_slice %arg6[%arg0, %dma_start3A_569, %dma_start3A_570] : memref<2x5120x128xf32, #tpu.memory_space<hbm>> -> memref<1x5120x128xf32, #tpu.memory_space<hbm>>
      %dma_start3A_572 = tpu.memref_squeeze %dma_start3A_571 : memref<1x5120x128xf32, #tpu.memory_space<hbm>> -> memref<5120x128xf32, #tpu.memory_space<hbm>>
      %dma_start3A_573 = arith.constant 0 : i32
      %dma_start3A_574 = tpu.memref_slice %dma_start3A_572[%mul3A_568, %dma_start3A_573] : memref<5120x128xf32, #tpu.memory_space<hbm>> -> memref<320x128xf32, #tpu.memory_space<hbm>>
      %dma_start3A_575 = arith.constant 0 : i32
      %dma_start3A_576 = tpu.memref_slice %arg12[%mul3A_566, %dma_start3A_575] : memref<5128x128xf32, #tpu.memory_space<vmem_shared>> -> memref<320x128xf32, #tpu.memory_space<vmem_shared>>
      tpu.enqueue_dma source(%dma_start3A_576 : memref<320x128xf32, #tpu.memory_space<vmem_shared>>) target(%dma_start3A_574 : memref<320x128xf32, #tpu.memory_space<hbm>>) target_semaphore(%run_scoped3A : memref<!tpu.dma_semaphore, #tpu.memory_space<semaphore_mem>>)
      %dma_wait3A = arith.constant 0 : i32
      %dma_wait3A_577 = arith.constant 0 : i32
      %dma_wait3A_578 = tpu.memref_slice %arg6[%arg0, %dma_wait3A, %dma_wait3A_577] : memref<2x5120x128xf32, #tpu.memory_space<hbm>> -> memref<1x5120x128xf32, #tpu.memory_space<hbm>>
      %dma_wait3A_579 = tpu.memref_squeeze %dma_wait3A_578 : memref<1x5120x128xf32, #tpu.memory_space<hbm>> -> memref<5120x128xf32, #tpu.memory_space<hbm>>
      %dma_wait3A_580 = arith.constant 0 : i32
      %dma_wait3A_581 = tpu.memref_slice %dma_wait3A_579[%mul3A_568, %dma_wait3A_580] : memref<5120x128xf32, #tpu.memory_space<hbm>> -> memref<320x128xf32, #tpu.memory_space<hbm>>
      %dma_wait3A_582 = arith.constant 0 : i32
      %dma_wait3A_583 = tpu.memref_slice %arg12[%mul3A_566, %dma_wait3A_582] : memref<5128x128xf32, #tpu.memory_space<vmem_shared>> -> memref<320x128xf32, #tpu.memory_space<vmem_shared>>
      tpu.wait_dma2 semaphore(%run_scoped3A : memref<!tpu.dma_semaphore, #tpu.memory_space<semaphore_mem>>) src(%dma_wait3A_583 : memref<320x128xf32, #tpu.memory_space<vmem_shared>>) dst(%dma_wait3A_581 : memref<320x128xf32, #tpu.memory_space<hbm>>)
      tpu.yield
    }) : () -> ()
    return
  }
}

#map = affine_map<(d0, d1) -> (0, 0)>
#map1 = affine_map<(d0, d1) -> (0, 0, 0)>
module attributes {stable_mosaic.version = 14 : i64} {
  func.func @_sc_edge_agg(%arg0: i32, %arg1: i32, %arg2: memref<10000x128xf32, #tpu.memory_space<hbm>>, %arg3: memref<16x20480xi32, #tpu.memory_space<hbm>>, %arg4: memref<16x20480xi32, #tpu.memory_space<hbm>>, %arg5: memref<320x128xf32, #tpu.memory_space<hbm>>, %arg6: memref<2x5120x128xf32, #tpu.memory_space<hbm>>, %arg7: memref<5120xi32, #tpu.memory_space<vmem>>, %arg8: memref<5120xi32, #tpu.memory_space<vmem>>, %arg9: memref<20608xi32, #tpu.memory_space<vmem>>, %arg10: memref<322x64xi32, #tpu.memory_space<vmem>>, %arg11: memref<2x64x128xf32, #tpu.memory_space<vmem>>, %arg12: memref<5128x128xf32, #tpu.memory_space<vmem_shared>>, %arg13: memref<!tpu.dma_semaphore, #tpu.memory_space<semaphore_mem>>, %arg14: memref<!tpu.dma_semaphore, #tpu.memory_space<semaphore_mem>>) attributes {dimension_semantics = [#tpu.dimension_semantics<core_parallel>, #tpu.dimension_semantics<subcore_parallel>], iteration_bounds = array<i64: 2, 16>, scalar_prefetch = 0 : i64, scratch_operands = 8 : i64, tpu.core_type = #tpu.core_type<sc_vector_subcore>, window_params = [{transform_indices = #map}, {transform_indices = #map}, {transform_indices = #map}, {transform_indices = #map}, {transform_indices = #map1}]} {
    %mul3A = arith.constant 320 : i32
    %mul3A_0 = arith.muli %arg1, %mul3A : i32
    "tpu.region"() ({
      %run_scoped3A = tpu.sem_alloc : memref<!tpu.dma_semaphore, #tpu.memory_space<semaphore_mem>>
      %dma_start3A_569 = arith.constant 0 : i32
      %dma_start3A_570 = tpu.memref_slice %arg12[%mul3A_0, %dma_start3A_569] : memref<5128x128xf32, #tpu.memory_space<vmem_shared>> -> memref<320x128xf32, #tpu.memory_space<vmem_shared>>
      tpu.enqueue_dma source(%arg5 : memref<320x128xf32, #tpu.memory_space<hbm>>) target(%dma_start3A_570 : memref<320x128xf32, #tpu.memory_space<vmem_shared>>) target_semaphore(%run_scoped3A : memref<!tpu.dma_semaphore, #tpu.memory_space<semaphore_mem>>)
      %dma_wait3A = arith.constant 0 : i32
      %dma_wait3A_571 = tpu.memref_slice %arg12[%mul3A_0, %dma_wait3A] : memref<5128x128xf32, #tpu.memory_space<vmem_shared>> -> memref<320x128xf32, #tpu.memory_space<vmem_shared>>
      tpu.wait_dma2 semaphore(%run_scoped3A : memref<!tpu.dma_semaphore, #tpu.memory_space<semaphore_mem>>) src(%arg5 : memref<320x128xf32, #tpu.memory_space<hbm>>) dst(%dma_wait3A_571 : memref<320x128xf32, #tpu.memory_space<vmem_shared>>)
      tpu.yield
    }) : () -> ()
    %eq3A = arith.constant 0 : i32
    %eq3A_1 = arith.cmpi eq, %arg1, %eq3A : i32
    %convert_element_type3A = arith.extui %eq3A_1 : i1 to i32
    %cond3A = arith.constant 0 : i32
    %cond3A_2 = arith.cmpi ne, %convert_element_type3A, %cond3A : i32
    scf.if %cond3A_2 {
      "tpu.region"() ({
        %run_scoped3A = tpu.sem_alloc : memref<!tpu.dma_semaphore, #tpu.memory_space<semaphore_mem>>
        %dma_start3A_569 = arith.constant 5120 : i32
        %dma_start3A_570 = arith.constant 0 : i32
        %dma_start3A_571 = tpu.memref_slice %arg12[%dma_start3A_569, %dma_start3A_570] : memref<5128x128xf32, #tpu.memory_space<vmem_shared>> -> memref<8x128xf32, #tpu.memory_space<vmem_shared>>
        %dma_start3A_572 = arith.constant 0 : i32
        %dma_start3A_573 = arith.constant 0 : i32
        %dma_start3A_574 = tpu.memref_slice %arg5[%dma_start3A_572, %dma_start3A_573] : memref<320x128xf32, #tpu.memory_space<hbm>> -> memref<8x128xf32, #tpu.memory_space<hbm>>
        tpu.enqueue_dma source(%dma_start3A_574 : memref<8x128xf32, #tpu.memory_space<hbm>>) target(%dma_start3A_571 : memref<8x128xf32, #tpu.memory_space<vmem_shared>>) target_semaphore(%run_scoped3A : memref<!tpu.dma_semaphore, #tpu.memory_space<semaphore_mem>>)
        %dma_wait3A = arith.constant 5120 : i32
        %dma_wait3A_575 = arith.constant 0 : i32
        %dma_wait3A_576 = tpu.memref_slice %arg12[%dma_wait3A, %dma_wait3A_575] : memref<5128x128xf32, #tpu.memory_space<vmem_shared>> -> memref<8x128xf32, #tpu.memory_space<vmem_shared>>
        %dma_wait3A_577 = arith.constant 0 : i32
        %dma_wait3A_578 = arith.constant 0 : i32
        %dma_wait3A_579 = tpu.memref_slice %arg5[%dma_wait3A_577, %dma_wait3A_578] : memref<320x128xf32, #tpu.memory_space<hbm>> -> memref<8x128xf32, #tpu.memory_space<hbm>>
        tpu.wait_dma2 semaphore(%run_scoped3A : memref<!tpu.dma_semaphore, #tpu.memory_space<semaphore_mem>>) src(%dma_wait3A_579 : memref<8x128xf32, #tpu.memory_space<hbm>>) dst(%dma_wait3A_576 : memref<8x128xf32, #tpu.memory_space<vmem_shared>>)
        tpu.yield
      }) : () -> ()
    } else {
    }
    %mul3A_3 = arith.constant 5120 : i32
    %mul3A_4 = arith.muli %arg0, %mul3A_3 : i32
    "tpu.region"() ({
      %run_scoped3A = tpu.sem_alloc : memref<!tpu.dma_semaphore, #tpu.memory_space<semaphore_mem>>
      %dma_start3A_569 = arith.constant 0 : i32
      %dma_start3A_570 = tpu.memref_slice %arg3[%arg1, %dma_start3A_569] : memref<16x20480xi32, #tpu.memory_space<hbm>> -> memref<1x5120xi32, #tpu.memory_space<hbm>>
      %dma_start3A_571 = tpu.memref_squeeze %dma_start3A_570 : memref<1x5120xi32, #tpu.memory_space<hbm>> -> memref<5120xi32, #tpu.memory_space<hbm>>
      %dma_start3A_572 = arith.constant 0 : i32
      %dma_start3A_573 = tpu.memref_slice %arg3[%arg1, %dma_start3A_572] : memref<16x20480xi32, #tpu.memory_space<hbm>> -> memref<1x5120xi32, #tpu.memory_space<hbm>>
      %dma_start3A_574 = tpu.memref_squeeze %dma_start3A_573 : memref<1x5120xi32, #tpu.memory_space<hbm>> -> memref<5120xi32, #tpu.memory_space<hbm>>
      tpu.enqueue_dma source(%dma_start3A_574 : memref<5120xi32, #tpu.memory_space<hbm>>) target(%arg7 : memref<5120xi32, #tpu.memory_space<vmem>>) target_semaphore(%run_scoped3A : memref<!tpu.dma_semaphore, #tpu.memory_space<semaphore_mem>>)
      %dma_wait3A = arith.constant 0 : i32
      %dma_wait3A_575 = tpu.memref_slice %arg3[%arg1, %dma_wait3A] : memref<16x20480xi32, #tpu.memory_space<hbm>> -> memref<1x5120xi32, #tpu.memory_space<hbm>>
      %dma_wait3A_576 = tpu.memref_squeeze %dma_wait3A_575 : memref<1x5120xi32, #tpu.memory_space<hbm>> -> memref<5120xi32, #tpu.memory_space<hbm>>
      %dma_wait3A_577 = arith.constant 0 : i32
      %dma_wait3A_578 = tpu.memref_slice %arg3[%arg1, %dma_wait3A_577] : memref<16x20480xi32, #tpu.memory_space<hbm>> -> memref<1x5120xi32, #tpu.memory_space<hbm>>
      %dma_wait3A_579 = tpu.memref_squeeze %dma_wait3A_578 : memref<1x5120xi32, #tpu.memory_space<hbm>> -> memref<5120xi32, #tpu.memory_space<hbm>>
      tpu.wait_dma2 semaphore(%run_scoped3A : memref<!tpu.dma_semaphore, #tpu.memory_space<semaphore_mem>>) src(%dma_wait3A_579 : memref<5120xi32, #tpu.memory_space<hbm>>) dst(%arg7 : memref<5120xi32, #tpu.memory_space<vmem>>)
      tpu.yield
    }) : () -> ()
    "tpu.region"() ({
      %run_scoped3A = tpu.sem_alloc : memref<!tpu.dma_semaphore, #tpu.memory_space<semaphore_mem>>
      %dma_start3A_569 = arith.constant 0 : i32
      %dma_start3A_570 = tpu.memref_slice %arg4[%arg1, %dma_start3A_569] : memref<16x20480xi32, #tpu.memory_space<hbm>> -> memref<1x5120xi32, #tpu.memory_space<hbm>>
      %dma_start3A_571 = tpu.memref_squeeze %dma_start3A_570 : memref<1x5120xi32, #tpu.memory_space<hbm>> -> memref<5120xi32, #tpu.memory_space<hbm>>
      %dma_start3A_572 = arith.constant 0 : i32
      %dma_start3A_573 = tpu.memref_slice %arg4[%arg1, %dma_start3A_572] : memref<16x20480xi32, #tpu.memory_space<hbm>> -> memref<1x5120xi32, #tpu.memory_space<hbm>>
      %dma_start3A_574 = tpu.memref_squeeze %dma_start3A_573 : memref<1x5120xi32, #tpu.memory_space<hbm>> -> memref<5120xi32, #tpu.memory_space<hbm>>
      tpu.enqueue_dma source(%dma_start3A_574 : memref<5120xi32, #tpu.memory_space<hbm>>) target(%arg8 : memref<5120xi32, #tpu.memory_space<vmem>>) target_semaphore(%run_scoped3A : memref<!tpu.dma_semaphore, #tpu.memory_space<semaphore_mem>>)
      %dma_wait3A = arith.constant 0 : i32
      %dma_wait3A_575 = tpu.memref_slice %arg4[%arg1, %dma_wait3A] : memref<16x20480xi32, #tpu.memory_space<hbm>> -> memref<1x5120xi32, #tpu.memory_space<hbm>>
      %dma_wait3A_576 = tpu.memref_squeeze %dma_wait3A_575 : memref<1x5120xi32, #tpu.memory_space<hbm>> -> memref<5120xi32, #tpu.memory_space<hbm>>
      %dma_wait3A_577 = arith.constant 0 : i32
      %dma_wait3A_578 = tpu.memref_slice %arg4[%arg1, %dma_wait3A_577] : memref<16x20480xi32, #tpu.memory_space<hbm>> -> memref<1x5120xi32, #tpu.memory_space<hbm>>
      %dma_wait3A_579 = tpu.memref_squeeze %dma_wait3A_578 : memref<1x5120xi32, #tpu.memory_space<hbm>> -> memref<5120xi32, #tpu.memory_space<hbm>>
      tpu.wait_dma2 semaphore(%run_scoped3A : memref<!tpu.dma_semaphore, #tpu.memory_space<semaphore_mem>>) src(%dma_wait3A_579 : memref<5120xi32, #tpu.memory_space<hbm>>) dst(%arg8 : memref<5120xi32, #tpu.memory_space<vmem>>)
      tpu.yield
    }) : () -> ()
    %scan3A = arith.constant 0 : i32
    %scan3A_5 = arith.constant 0 : i32
    %scan3A_6 = arith.constant 320 : i32
    %scan3A_7 = arith.addi %scan3A_5, %scan3A_6 : i32
    %scan3A_8 = arith.constant 1 : i32
    %scan3A_9 = scf.for %scan3A_569 = %scan3A_5 to %scan3A_7 step %scan3A_8 iter_args(%scan3A_570 = %scan3A) -> (i32)  : i32 {
      %mul3A_571 = arith.constant 16 : i32
      %mul3A_572 = arith.muli %mul3A_571, %scan3A_569 : i32
      %get3A = arith.index_cast %mul3A_572 : i32 to index
      %get3A_573 = tpu.vector_load %arg7[%get3A] {strides = array<i32>} : memref<5120xi32, #tpu.memory_space<vmem>>, vector<16xi32>,
      %mul3A_574 = arith.constant 16 : i32
      %mul3A_575 = arith.muli %mul3A_574, %scan3A_569 : i32
      %get3A_576 = arith.index_cast %mul3A_575 : i32 to index
      %get3A_577 = tpu.vector_load %arg8[%get3A_576] {strides = array<i32>} : memref<5120xi32, #tpu.memory_space<vmem>>, vector<16xi32>,
      %sub3A_578 = vector.broadcast %mul3A_4 : i32 to vector<16xi32>
      %sub3A_579 = arith.subi %get3A_577, %sub3A_578 : vector<16xi32>
      %ge3A = arith.constant 0 : i32
      %ge3A_580 = vector.broadcast %ge3A : i32 to vector<16xi32>
      %ge3A_581 = arith.cmpi sge, %sub3A_579, %ge3A_580 : vector<16xi32>
      %lt3A_582 = arith.constant 5120 : i32
      %lt3A_583 = vector.broadcast %lt3A_582 : i32 to vector<16xi32>
      %lt3A_584 = arith.cmpi slt, %sub3A_579, %lt3A_583 : vector<16xi32>
      %and3A_585 = arith.andi %ge3A_581, %lt3A_584 : vector<16xi1>
      %convert_element_type3A_586 = arith.extui %and3A_585 : vector<16xi1> to vector<16xi32>
      %broadcast_in_dim3A_587 = arith.constant true
      %broadcast_in_dim3A_588 = vector.broadcast %broadcast_in_dim3A_587 : i1 to vector<16xi1>
      %masked_cumsum3A = tpu.scan <sum>, %convert_element_type3A_586 masked %broadcast_in_dim3A_588 : vector<16xi32>, vector<16xi1> -> vector<16xi32>
      %add3A_589 = vector.broadcast %scan3A_570 : i32 to vector<16xi32>
      %add3A_590 = arith.addi %add3A_589, %masked_cumsum3A : vector<16xi32>
      %sub3A_591 = arith.subi %add3A_590, %convert_element_type3A_586 : vector<16xi32>
      tpu.vector_store_idx %arg9[%sub3A_591], %get3A_573 masked %and3A_585 : memref<20608xi32, #tpu.memory_space<vmem>>[vector<16xi32>], vector<16xi32>, vector<16xi1>
      %jit3A_592 = arith.constant 64 : i32
      %div3A_593 = vector.broadcast %jit3A_592 : i32 to vector<16xi32>
      %div3A_594 = arith.divsi %sub3A_591, %div3A_593 : vector<16xi32>
      %sign3A_595 = arith.constant 0 : i32
      %sign3A_596 = vector.broadcast %sign3A_595 : i32 to vector<16xi32>
      %sign3A_597 = arith.cmpi sgt, %sub3A_591, %sign3A_596 : vector<16xi32>
      %sign3A_598 = arith.extui %sign3A_597 : vector<16xi1> to vector<16xi32>
      %sign3A_599 = arith.constant 0 : i32
      %sign3A_600 = vector.broadcast %sign3A_599 : i32 to vector<16xi32>
      %sign3A_601 = arith.cmpi slt, %sub3A_591, %sign3A_600 : vector<16xi32>
      %sign3A_602 = arith.extui %sign3A_601 : vector<16xi1> to vector<16xi32>
      %sign3A_603 = arith.subi %sign3A_598, %sign3A_602 : vector<16xi32>
      %sign3A_604 = arith.constant 0 : i32
      %sign3A_605 = arith.cmpi sgt, %jit3A_592, %sign3A_604 : i32
      %sign3A_606 = arith.extui %sign3A_605 : i1 to i32
      %sign3A_607 = arith.constant 0 : i32
      %sign3A_608 = arith.cmpi slt, %jit3A_592, %sign3A_607 : i32
      %sign3A_609 = arith.extui %sign3A_608 : i1 to i32
      %sign3A_610 = arith.subi %sign3A_606, %sign3A_609 : i32
      %ne3A_611 = vector.broadcast %sign3A_610 : i32 to vector<16xi32>
      %ne3A_612 = arith.cmpi ne, %sign3A_603, %ne3A_611 : vector<16xi32>
      %rem3A_613 = vector.broadcast %jit3A_592 : i32 to vector<16xi32>
      %rem3A_614 = arith.remsi %sub3A_591, %rem3A_613 : vector<16xi32>
      %ne3A_615 = arith.constant 0 : i32
      %ne3A_616 = vector.broadcast %ne3A_615 : i32 to vector<16xi32>
      %ne3A_617 = arith.cmpi ne, %rem3A_614, %ne3A_616 : vector<16xi32>
      %and3A_618 = arith.andi %ne3A_612, %ne3A_617 : vector<16xi1>
      %sub3A_619 = arith.constant 1 : i32
      %sub3A_620 = vector.broadcast %sub3A_619 : i32 to vector<16xi32>
      %sub3A_621 = arith.subi %div3A_594, %sub3A_620 : vector<16xi32>
      %select_n3A_622 = arith.select %and3A_618, %sub3A_621, %div3A_594 : vector<16xi1>, vector<16xi32>
      %jit3A_623 = arith.constant 64 : i32
      %eq3A_624 = arith.constant 0 : i32
      %eq3A_625 = arith.cmpi eq, %jit3A_623, %eq3A_624 : i32
      %jit3A_626 = arith.constant 1 : i32
      %select_n3A_627 = arith.select %eq3A_625, %jit3A_626, %jit3A_623 : i32
      %rem3A_628 = vector.broadcast %select_n3A_627 : i32 to vector<16xi32>
      %rem3A_629 = arith.remsi %sub3A_591, %rem3A_628 : vector<16xi32>
      %ne3A_630 = arith.constant 0 : i32
      %ne3A_631 = vector.broadcast %ne3A_630 : i32 to vector<16xi32>
      %ne3A_632 = arith.cmpi ne, %rem3A_629, %ne3A_631 : vector<16xi32>
      %lt3A_633 = arith.constant 0 : i32
      %lt3A_634 = vector.broadcast %lt3A_633 : i32 to vector<16xi32>
      %lt3A_635 = arith.cmpi slt, %rem3A_629, %lt3A_634 : vector<16xi32>
      %lt3A_636 = arith.constant 0 : i32
      %lt3A_637 = arith.cmpi slt, %select_n3A_627, %lt3A_636 : i32
      %ne3A_638 = vector.broadcast %lt3A_637 : i1 to vector<16xi1>
      %ne3A_639 = vector.broadcast %ne3A_638 : vector<16xi1> to vector<16xi1>
      %ne3A_640 = arith.xori %lt3A_635, %ne3A_639 : vector<16xi1>
      %and3A_641 = arith.andi %ne3A_640, %ne3A_632 : vector<16xi1>
      %add3A_642 = vector.broadcast %select_n3A_627 : i32 to vector<16xi32>
      %add3A_643 = arith.addi %rem3A_629, %add3A_642 : vector<16xi32>
      %select_n3A_644 = arith.select %and3A_641, %add3A_643, %rem3A_629 : vector<16xi1>, vector<16xi32>
      tpu.vector_store_idx %arg10[%select_n3A_622, %select_n3A_644], %sub3A_579 masked %and3A_585 : memref<322x64xi32, #tpu.memory_space<vmem>>[vector<16xi32>, vector<16xi32>], vector<16xi32>, vector<16xi1>
      %reduce_sum3A = arith.constant true
      %reduce_sum3A_645 = vector.broadcast %reduce_sum3A : i1 to vector<16xi1>
      %reduce_sum3A_646 = tpu.scan <sum>, %convert_element_type3A_586 masked %reduce_sum3A_645 : vector<16xi32>, vector<16xi1> -> vector<16xi32>
      %reduce_sum3A_647 = vector.extract %reduce_sum3A_646[15] : i32 from vector<16xi32>
      %add3A_648 = arith.addi %scan3A_570, %reduce_sum3A_647 : i32
      scf.yield %add3A_648 : i32
    }
    %scan3A_10 = arith.constant 320 : i32
    "tpu.region"() ({
      %run_scoped3A = tpu.sem_alloc : memref<!tpu.dma_semaphore, #tpu.memory_space<semaphore_mem>>
      %dma_start3A_569 = arith.constant 5120 : i32
      %dma_start3A_570 = tpu.memref_slice %arg3[%arg1, %dma_start3A_569] : memref<16x20480xi32, #tpu.memory_space<hbm>> -> memref<1x5120xi32, #tpu.memory_space<hbm>>
      %dma_start3A_571 = tpu.memref_squeeze %dma_start3A_570 : memref<1x5120xi32, #tpu.memory_space<hbm>> -> memref<5120xi32, #tpu.memory_space<hbm>>
      %dma_start3A_572 = arith.constant 5120 : i32
      %dma_start3A_573 = tpu.memref_slice %arg3[%arg1, %dma_start3A_572] : memref<16x20480xi32, #tpu.memory_space<hbm>> -> memref<1x5120xi32, #tpu.memory_space<hbm>>
      %dma_start3A_574 = tpu.memref_squeeze %dma_start3A_573 : memref<1x5120xi32, #tpu.memory_space<hbm>> -> memref<5120xi32, #tpu.memory_space<hbm>>
      tpu.enqueue_dma source(%dma_start3A_574 : memref<5120xi32, #tpu.memory_space<hbm>>) target(%arg7 : memref<5120xi32, #tpu.memory_space<vmem>>) target_semaphore(%run_scoped3A : memref<!tpu.dma_semaphore, #tpu.memory_space<semaphore_mem>>)
      %dma_wait3A = arith.constant 5120 : i32
      %dma_wait3A_575 = tpu.memref_slice %arg3[%arg1, %dma_wait3A] : memref<16x20480xi32, #tpu.memory_space<hbm>> -> memref<1x5120xi32, #tpu.memory_space<hbm>>
      %dma_wait3A_576 = tpu.memref_squeeze %dma_wait3A_575 : memref<1x5120xi32, #tpu.memory_space<hbm>> -> memref<5120xi32, #tpu.memory_space<hbm>>
      %dma_wait3A_577 = arith.constant 5120 : i32
      %dma_wait3A_578 = tpu.memref_slice %arg3[%arg1, %dma_wait3A_577] : memref<16x20480xi32, #tpu.memory_space<hbm>> -> memref<1x5120xi32, #tpu.memory_space<hbm>>
      %dma_wait3A_579 = tpu.memref_squeeze %dma_wait3A_578 : memref<1x5120xi32, #tpu.memory_space<hbm>> -> memref<5120xi32, #tpu.memory_space<hbm>>
      tpu.wait_dma2 semaphore(%run_scoped3A : memref<!tpu.dma_semaphore, #tpu.memory_space<semaphore_mem>>) src(%dma_wait3A_579 : memref<5120xi32, #tpu.memory_space<hbm>>) dst(%arg7 : memref<5120xi32, #tpu.memory_space<vmem>>)
      tpu.yield
    }) : () -> ()
    "tpu.region"() ({
      %run_scoped3A = tpu.sem_alloc : memref<!tpu.dma_semaphore, #tpu.memory_space<semaphore_mem>>
      %dma_start3A_569 = arith.constant 5120 : i32
      %dma_start3A_570 = tpu.memref_slice %arg4[%arg1, %dma_start3A_569] : memref<16x20480xi32, #tpu.memory_space<hbm>> -> memref<1x5120xi32, #tpu.memory_space<hbm>>
      %dma_start3A_571 = tpu.memref_squeeze %dma_start3A_570 : memref<1x5120xi32, #tpu.memory_space<hbm>> -> memref<5120xi32, #tpu.memory_space<hbm>>
      %dma_start3A_572 = arith.constant 5120 : i32
      %dma_start3A_573 = tpu.memref_slice %arg4[%arg1, %dma_start3A_572] : memref<16x20480xi32, #tpu.memory_space<hbm>> -> memref<1x5120xi32, #tpu.memory_space<hbm>>
      %dma_start3A_574 = tpu.memref_squeeze %dma_start3A_573 : memref<1x5120xi32, #tpu.memory_space<hbm>> -> memref<5120xi32, #tpu.memory_space<hbm>>
      tpu.enqueue_dma source(%dma_start3A_574 : memref<5120xi32, #tpu.memory_space<hbm>>) target(%arg8 : memref<5120xi32, #tpu.memory_space<vmem>>) target_semaphore(%run_scoped3A : memref<!tpu.dma_semaphore, #tpu.memory_space<semaphore_mem>>)
      %dma_wait3A = arith.constant 5120 : i32
      %dma_wait3A_575 = tpu.memref_slice %arg4[%arg1, %dma_wait3A] : memref<16x20480xi32, #tpu.memory_space<hbm>> -> memref<1x5120xi32, #tpu.memory_space<hbm>>
      %dma_wait3A_576 = tpu.memref_squeeze %dma_wait3A_575 : memref<1x5120xi32, #tpu.memory_space<hbm>> -> memref<5120xi32, #tpu.memory_space<hbm>>
      %dma_wait3A_577 = arith.constant 5120 : i32
      %dma_wait3A_578 = tpu.memref_slice %arg4[%arg1, %dma_wait3A_577] : memref<16x20480xi32, #tpu.memory_space<hbm>> -> memref<1x5120xi32, #tpu.memory_space<hbm>>
      %dma_wait3A_579 = tpu.memref_squeeze %dma_wait3A_578 : memref<1x5120xi32, #tpu.memory_space<hbm>> -> memref<5120xi32, #tpu.memory_space<hbm>>
      tpu.wait_dma2 semaphore(%run_scoped3A : memref<!tpu.dma_semaphore, #tpu.memory_space<semaphore_mem>>) src(%dma_wait3A_579 : memref<5120xi32, #tpu.memory_space<hbm>>) dst(%arg8 : memref<5120xi32, #tpu.memory_space<vmem>>)
      tpu.yield
    }) : () -> ()
    %scan3A_11 = arith.constant 0 : i32
    %scan3A_12 = arith.constant 320 : i32
    %scan3A_13 = arith.addi %scan3A_11, %scan3A_12 : i32
    %scan3A_14 = arith.constant 1 : i32
    %scan3A_15 = scf.for %scan3A_569 = %scan3A_11 to %scan3A_13 step %scan3A_14 iter_args(%scan3A_570 = %scan3A_9) -> (i32)  : i32 {
      %mul3A_571 = arith.constant 16 : i32
      %mul3A_572 = arith.muli %mul3A_571, %scan3A_569 : i32
      %get3A = arith.index_cast %mul3A_572 : i32 to index
      %get3A_573 = tpu.vector_load %arg7[%get3A] {strides = array<i32>} : memref<5120xi32, #tpu.memory_space<vmem>>, vector<16xi32>,
      %mul3A_574 = arith.constant 16 : i32
      %mul3A_575 = arith.muli %mul3A_574, %scan3A_569 : i32
      %get3A_576 = arith.index_cast %mul3A_575 : i32 to index
      %get3A_577 = tpu.vector_load %arg8[%get3A_576] {strides = array<i32>} : memref<5120xi32, #tpu.memory_space<vmem>>, vector<16xi32>,
      %sub3A_578 = vector.broadcast %mul3A_4 : i32 to vector<16xi32>
      %sub3A_579 = arith.subi %get3A_577, %sub3A_578 : vector<16xi32>
      %ge3A = arith.constant 0 : i32
      %ge3A_580 = vector.broadcast %ge3A : i32 to vector<16xi32>
      %ge3A_581 = arith.cmpi sge, %sub3A_579, %ge3A_580 : vector<16xi32>
      %lt3A_582 = arith.constant 5120 : i32
      %lt3A_583 = vector.broadcast %lt3A_582 : i32 to vector<16xi32>
      %lt3A_584 = arith.cmpi slt, %sub3A_579, %lt3A_583 : vector<16xi32>
      %and3A_585 = arith.andi %ge3A_581, %lt3A_584 : vector<16xi1>
      %convert_element_type3A_586 = arith.extui %and3A_585 : vector<16xi1> to vector<16xi32>
      %broadcast_in_dim3A_587 = arith.constant true
      %broadcast_in_dim3A_588 = vector.broadcast %broadcast_in_dim3A_587 : i1 to vector<16xi1>
      %masked_cumsum3A = tpu.scan <sum>, %convert_element_type3A_586 masked %broadcast_in_dim3A_588 : vector<16xi32>, vector<16xi1> -> vector<16xi32>
      %add3A_589 = vector.broadcast %scan3A_570 : i32 to vector<16xi32>
      %add3A_590 = arith.addi %add3A_589, %masked_cumsum3A : vector<16xi32>
      %sub3A_591 = arith.subi %add3A_590, %convert_element_type3A_586 : vector<16xi32>
      tpu.vector_store_idx %arg9[%sub3A_591], %get3A_573 masked %and3A_585 : memref<20608xi32, #tpu.memory_space<vmem>>[vector<16xi32>], vector<16xi32>, vector<16xi1>
      %jit3A_592 = arith.constant 64 : i32
      %div3A_593 = vector.broadcast %jit3A_592 : i32 to vector<16xi32>
      %div3A_594 = arith.divsi %sub3A_591, %div3A_593 : vector<16xi32>
      %sign3A_595 = arith.constant 0 : i32
      %sign3A_596 = vector.broadcast %sign3A_595 : i32 to vector<16xi32>
      %sign3A_597 = arith.cmpi sgt, %sub3A_591, %sign3A_596 : vector<16xi32>
      %sign3A_598 = arith.extui %sign3A_597 : vector<16xi1> to vector<16xi32>
      %sign3A_599 = arith.constant 0 : i32
      %sign3A_600 = vector.broadcast %sign3A_599 : i32 to vector<16xi32>
      %sign3A_601 = arith.cmpi slt, %sub3A_591, %sign3A_600 : vector<16xi32>
      %sign3A_602 = arith.extui %sign3A_601 : vector<16xi1> to vector<16xi32>
      %sign3A_603 = arith.subi %sign3A_598, %sign3A_602 : vector<16xi32>
      %sign3A_604 = arith.constant 0 : i32
      %sign3A_605 = arith.cmpi sgt, %jit3A_592, %sign3A_604 : i32
      %sign3A_606 = arith.extui %sign3A_605 : i1 to i32
      %sign3A_607 = arith.constant 0 : i32
      %sign3A_608 = arith.cmpi slt, %jit3A_592, %sign3A_607 : i32
      %sign3A_609 = arith.extui %sign3A_608 : i1 to i32
      %sign3A_610 = arith.subi %sign3A_606, %sign3A_609 : i32
      %ne3A_611 = vector.broadcast %sign3A_610 : i32 to vector<16xi32>
      %ne3A_612 = arith.cmpi ne, %sign3A_603, %ne3A_611 : vector<16xi32>
      %rem3A_613 = vector.broadcast %jit3A_592 : i32 to vector<16xi32>
      %rem3A_614 = arith.remsi %sub3A_591, %rem3A_613 : vector<16xi32>
      %ne3A_615 = arith.constant 0 : i32
      %ne3A_616 = vector.broadcast %ne3A_615 : i32 to vector<16xi32>
      %ne3A_617 = arith.cmpi ne, %rem3A_614, %ne3A_616 : vector<16xi32>
      %and3A_618 = arith.andi %ne3A_612, %ne3A_617 : vector<16xi1>
      %sub3A_619 = arith.constant 1 : i32
      %sub3A_620 = vector.broadcast %sub3A_619 : i32 to vector<16xi32>
      %sub3A_621 = arith.subi %div3A_594, %sub3A_620 : vector<16xi32>
      %select_n3A_622 = arith.select %and3A_618, %sub3A_621, %div3A_594 : vector<16xi1>, vector<16xi32>
      %jit3A_623 = arith.constant 64 : i32
      %eq3A_624 = arith.constant 0 : i32
      %eq3A_625 = arith.cmpi eq, %jit3A_623, %eq3A_624 : i32
      %jit3A_626 = arith.constant 1 : i32
      %select_n3A_627 = arith.select %eq3A_625, %jit3A_626, %jit3A_623 : i32
      %rem3A_628 = vector.broadcast %select_n3A_627 : i32 to vector<16xi32>
      %rem3A_629 = arith.remsi %sub3A_591, %rem3A_628 : vector<16xi32>
      %ne3A_630 = arith.constant 0 : i32
      %ne3A_631 = vector.broadcast %ne3A_630 : i32 to vector<16xi32>
      %ne3A_632 = arith.cmpi ne, %rem3A_629, %ne3A_631 : vector<16xi32>
      %lt3A_633 = arith.constant 0 : i32
      %lt3A_634 = vector.broadcast %lt3A_633 : i32 to vector<16xi32>
      %lt3A_635 = arith.cmpi slt, %rem3A_629, %lt3A_634 : vector<16xi32>
      %lt3A_636 = arith.constant 0 : i32
      %lt3A_637 = arith.cmpi slt, %select_n3A_627, %lt3A_636 : i32
      %ne3A_638 = vector.broadcast %lt3A_637 : i1 to vector<16xi1>
      %ne3A_639 = vector.broadcast %ne3A_638 : vector<16xi1> to vector<16xi1>
      %ne3A_640 = arith.xori %lt3A_635, %ne3A_639 : vector<16xi1>
      %and3A_641 = arith.andi %ne3A_640, %ne3A_632 : vector<16xi1>
      %add3A_642 = vector.broadcast %select_n3A_627 : i32 to vector<16xi32>
      %add3A_643 = arith.addi %rem3A_629, %add3A_642 : vector<16xi32>
      %select_n3A_644 = arith.select %and3A_641, %add3A_643, %rem3A_629 : vector<16xi1>, vector<16xi32>
      tpu.vector_store_idx %arg10[%select_n3A_622, %select_n3A_644], %sub3A_579 masked %and3A_585 : memref<322x64xi32, #tpu.memory_space<vmem>>[vector<16xi32>, vector<16xi32>], vector<16xi32>, vector<16xi1>
      %reduce_sum3A = arith.constant true
      %reduce_sum3A_645 = vector.broadcast %reduce_sum3A : i1 to vector<16xi1>
      %reduce_sum3A_646 = tpu.scan <sum>, %convert_element_type3A_586 masked %reduce_sum3A_645 : vector<16xi32>, vector<16xi1> -> vector<16xi32>
      %reduce_sum3A_647 = vector.extract %reduce_sum3A_646[15] : i32 from vector<16xi32>
      %add3A_648 = arith.addi %scan3A_570, %reduce_sum3A_647 : i32
      scf.yield %add3A_648 : i32
    }
    %scan3A_16 = arith.constant 320 : i32
    "tpu.region"() ({
      %run_scoped3A = tpu.sem_alloc : memref<!tpu.dma_semaphore, #tpu.memory_space<semaphore_mem>>
      %dma_start3A_569 = arith.constant 10240 : i32
      %dma_start3A_570 = tpu.memref_slice %arg3[%arg1, %dma_start3A_569] : memref<16x20480xi32, #tpu.memory_space<hbm>> -> memref<1x5120xi32, #tpu.memory_space<hbm>>
      %dma_start3A_571 = tpu.memref_squeeze %dma_start3A_570 : memref<1x5120xi32, #tpu.memory_space<hbm>> -> memref<5120xi32, #tpu.memory_space<hbm>>
      %dma_start3A_572 = arith.constant 10240 : i32
      %dma_start3A_573 = tpu.memref_slice %arg3[%arg1, %dma_start3A_572] : memref<16x20480xi32, #tpu.memory_space<hbm>> -> memref<1x5120xi32, #tpu.memory_space<hbm>>
      %dma_start3A_574 = tpu.memref_squeeze %dma_start3A_573 : memref<1x5120xi32, #tpu.memory_space<hbm>> -> memref<5120xi32, #tpu.memory_space<hbm>>
      tpu.enqueue_dma source(%dma_start3A_574 : memref<5120xi32, #tpu.memory_space<hbm>>) target(%arg7 : memref<5120xi32, #tpu.memory_space<vmem>>) target_semaphore(%run_scoped3A : memref<!tpu.dma_semaphore, #tpu.memory_space<semaphore_mem>>)
      %dma_wait3A = arith.constant 10240 : i32
      %dma_wait3A_575 = tpu.memref_slice %arg3[%arg1, %dma_wait3A] : memref<16x20480xi32, #tpu.memory_space<hbm>> -> memref<1x5120xi32, #tpu.memory_space<hbm>>
      %dma_wait3A_576 = tpu.memref_squeeze %dma_wait3A_575 : memref<1x5120xi32, #tpu.memory_space<hbm>> -> memref<5120xi32, #tpu.memory_space<hbm>>
      %dma_wait3A_577 = arith.constant 10240 : i32
      %dma_wait3A_578 = tpu.memref_slice %arg3[%arg1, %dma_wait3A_577] : memref<16x20480xi32, #tpu.memory_space<hbm>> -> memref<1x5120xi32, #tpu.memory_space<hbm>>
      %dma_wait3A_579 = tpu.memref_squeeze %dma_wait3A_578 : memref<1x5120xi32, #tpu.memory_space<hbm>> -> memref<5120xi32, #tpu.memory_space<hbm>>
      tpu.wait_dma2 semaphore(%run_scoped3A : memref<!tpu.dma_semaphore, #tpu.memory_space<semaphore_mem>>) src(%dma_wait3A_579 : memref<5120xi32, #tpu.memory_space<hbm>>) dst(%arg7 : memref<5120xi32, #tpu.memory_space<vmem>>)
      tpu.yield
    }) : () -> ()
    "tpu.region"() ({
      %run_scoped3A = tpu.sem_alloc : memref<!tpu.dma_semaphore, #tpu.memory_space<semaphore_mem>>
      %dma_start3A_569 = arith.constant 10240 : i32
      %dma_start3A_570 = tpu.memref_slice %arg4[%arg1, %dma_start3A_569] : memref<16x20480xi32, #tpu.memory_space<hbm>> -> memref<1x5120xi32, #tpu.memory_space<hbm>>
      %dma_start3A_571 = tpu.memref_squeeze %dma_start3A_570 : memref<1x5120xi32, #tpu.memory_space<hbm>> -> memref<5120xi32, #tpu.memory_space<hbm>>
      %dma_start3A_572 = arith.constant 10240 : i32
      %dma_start3A_573 = tpu.memref_slice %arg4[%arg1, %dma_start3A_572] : memref<16x20480xi32, #tpu.memory_space<hbm>> -> memref<1x5120xi32, #tpu.memory_space<hbm>>
      %dma_start3A_574 = tpu.memref_squeeze %dma_start3A_573 : memref<1x5120xi32, #tpu.memory_space<hbm>> -> memref<5120xi32, #tpu.memory_space<hbm>>
      tpu.enqueue_dma source(%dma_start3A_574 : memref<5120xi32, #tpu.memory_space<hbm>>) target(%arg8 : memref<5120xi32, #tpu.memory_space<vmem>>) target_semaphore(%run_scoped3A : memref<!tpu.dma_semaphore, #tpu.memory_space<semaphore_mem>>)
      %dma_wait3A = arith.constant 10240 : i32
      %dma_wait3A_575 = tpu.memref_slice %arg4[%arg1, %dma_wait3A] : memref<16x20480xi32, #tpu.memory_space<hbm>> -> memref<1x5120xi32, #tpu.memory_space<hbm>>
      %dma_wait3A_576 = tpu.memref_squeeze %dma_wait3A_575 : memref<1x5120xi32, #tpu.memory_space<hbm>> -> memref<5120xi32, #tpu.memory_space<hbm>>
      %dma_wait3A_577 = arith.constant 10240 : i32
      %dma_wait3A_578 = tpu.memref_slice %arg4[%arg1, %dma_wait3A_577] : memref<16x20480xi32, #tpu.memory_space<hbm>> -> memref<1x5120xi32, #tpu.memory_space<hbm>>
      %dma_wait3A_579 = tpu.memref_squeeze %dma_wait3A_578 : memref<1x5120xi32, #tpu.memory_space<hbm>> -> memref<5120xi32, #tpu.memory_space<hbm>>
      tpu.wait_dma2 semaphore(%run_scoped3A : memref<!tpu.dma_semaphore, #tpu.memory_space<semaphore_mem>>) src(%dma_wait3A_579 : memref<5120xi32, #tpu.memory_space<hbm>>) dst(%arg8 : memref<5120xi32, #tpu.memory_space<vmem>>)
      tpu.yield
    }) : () -> ()
    %scan3A_17 = arith.constant 0 : i32
    %scan3A_18 = arith.constant 320 : i32
    %scan3A_19 = arith.addi %scan3A_17, %scan3A_18 : i32
    %scan3A_20 = arith.constant 1 : i32
    %scan3A_21 = scf.for %scan3A_569 = %scan3A_17 to %scan3A_19 step %scan3A_20 iter_args(%scan3A_570 = %scan3A_15) -> (i32)  : i32 {
      %mul3A_571 = arith.constant 16 : i32
      %mul3A_572 = arith.muli %mul3A_571, %scan3A_569 : i32
      %get3A = arith.index_cast %mul3A_572 : i32 to index
      %get3A_573 = tpu.vector_load %arg7[%get3A] {strides = array<i32>} : memref<5120xi32, #tpu.memory_space<vmem>>, vector<16xi32>,
      %mul3A_574 = arith.constant 16 : i32
      %mul3A_575 = arith.muli %mul3A_574, %scan3A_569 : i32
      %get3A_576 = arith.index_cast %mul3A_575 : i32 to index
      %get3A_577 = tpu.vector_load %arg8[%get3A_576] {strides = array<i32>} : memref<5120xi32, #tpu.memory_space<vmem>>, vector<16xi32>,
      %sub3A_578 = vector.broadcast %mul3A_4 : i32 to vector<16xi32>
      %sub3A_579 = arith.subi %get3A_577, %sub3A_578 : vector<16xi32>
      %ge3A = arith.constant 0 : i32
      %ge3A_580 = vector.broadcast %ge3A : i32 to vector<16xi32>
      %ge3A_581 = arith.cmpi sge, %sub3A_579, %ge3A_580 : vector<16xi32>
      %lt3A_582 = arith.constant 5120 : i32
      %lt3A_583 = vector.broadcast %lt3A_582 : i32 to vector<16xi32>
      %lt3A_584 = arith.cmpi slt, %sub3A_579, %lt3A_583 : vector<16xi32>
      %and3A_585 = arith.andi %ge3A_581, %lt3A_584 : vector<16xi1>
      %convert_element_type3A_586 = arith.extui %and3A_585 : vector<16xi1> to vector<16xi32>
      %broadcast_in_dim3A_587 = arith.constant true
      %broadcast_in_dim3A_588 = vector.broadcast %broadcast_in_dim3A_587 : i1 to vector<16xi1>
      %masked_cumsum3A = tpu.scan <sum>, %convert_element_type3A_586 masked %broadcast_in_dim3A_588 : vector<16xi32>, vector<16xi1> -> vector<16xi32>
      %add3A_589 = vector.broadcast %scan3A_570 : i32 to vector<16xi32>
      %add3A_590 = arith.addi %add3A_589, %masked_cumsum3A : vector<16xi32>
      %sub3A_591 = arith.subi %add3A_590, %convert_element_type3A_586 : vector<16xi32>
      tpu.vector_store_idx %arg9[%sub3A_591], %get3A_573 masked %and3A_585 : memref<20608xi32, #tpu.memory_space<vmem>>[vector<16xi32>], vector<16xi32>, vector<16xi1>
      %jit3A_592 = arith.constant 64 : i32
      %div3A_593 = vector.broadcast %jit3A_592 : i32 to vector<16xi32>
      %div3A_594 = arith.divsi %sub3A_591, %div3A_593 : vector<16xi32>
      %sign3A_595 = arith.constant 0 : i32
      %sign3A_596 = vector.broadcast %sign3A_595 : i32 to vector<16xi32>
      %sign3A_597 = arith.cmpi sgt, %sub3A_591, %sign3A_596 : vector<16xi32>
      %sign3A_598 = arith.extui %sign3A_597 : vector<16xi1> to vector<16xi32>
      %sign3A_599 = arith.constant 0 : i32
      %sign3A_600 = vector.broadcast %sign3A_599 : i32 to vector<16xi32>
      %sign3A_601 = arith.cmpi slt, %sub3A_591, %sign3A_600 : vector<16xi32>
      %sign3A_602 = arith.extui %sign3A_601 : vector<16xi1> to vector<16xi32>
      %sign3A_603 = arith.subi %sign3A_598, %sign3A_602 : vector<16xi32>
      %sign3A_604 = arith.constant 0 : i32
      %sign3A_605 = arith.cmpi sgt, %jit3A_592, %sign3A_604 : i32
      %sign3A_606 = arith.extui %sign3A_605 : i1 to i32
      %sign3A_607 = arith.constant 0 : i32
      %sign3A_608 = arith.cmpi slt, %jit3A_592, %sign3A_607 : i32
      %sign3A_609 = arith.extui %sign3A_608 : i1 to i32
      %sign3A_610 = arith.subi %sign3A_606, %sign3A_609 : i32
      %ne3A_611 = vector.broadcast %sign3A_610 : i32 to vector<16xi32>
      %ne3A_612 = arith.cmpi ne, %sign3A_603, %ne3A_611 : vector<16xi32>
      %rem3A_613 = vector.broadcast %jit3A_592 : i32 to vector<16xi32>
      %rem3A_614 = arith.remsi %sub3A_591, %rem3A_613 : vector<16xi32>
      %ne3A_615 = arith.constant 0 : i32
      %ne3A_616 = vector.broadcast %ne3A_615 : i32 to vector<16xi32>
      %ne3A_617 = arith.cmpi ne, %rem3A_614, %ne3A_616 : vector<16xi32>
      %and3A_618 = arith.andi %ne3A_612, %ne3A_617 : vector<16xi1>
      %sub3A_619 = arith.constant 1 : i32
      %sub3A_620 = vector.broadcast %sub3A_619 : i32 to vector<16xi32>
      %sub3A_621 = arith.subi %div3A_594, %sub3A_620 : vector<16xi32>
      %select_n3A_622 = arith.select %and3A_618, %sub3A_621, %div3A_594 : vector<16xi1>, vector<16xi32>
      %jit3A_623 = arith.constant 64 : i32
      %eq3A_624 = arith.constant 0 : i32
      %eq3A_625 = arith.cmpi eq, %jit3A_623, %eq3A_624 : i32
      %jit3A_626 = arith.constant 1 : i32
      %select_n3A_627 = arith.select %eq3A_625, %jit3A_626, %jit3A_623 : i32
      %rem3A_628 = vector.broadcast %select_n3A_627 : i32 to vector<16xi32>
      %rem3A_629 = arith.remsi %sub3A_591, %rem3A_628 : vector<16xi32>
      %ne3A_630 = arith.constant 0 : i32
      %ne3A_631 = vector.broadcast %ne3A_630 : i32 to vector<16xi32>
      %ne3A_632 = arith.cmpi ne, %rem3A_629, %ne3A_631 : vector<16xi32>
      %lt3A_633 = arith.constant 0 : i32
      %lt3A_634 = vector.broadcast %lt3A_633 : i32 to vector<16xi32>
      %lt3A_635 = arith.cmpi slt, %rem3A_629, %lt3A_634 : vector<16xi32>
      %lt3A_636 = arith.constant 0 : i32
      %lt3A_637 = arith.cmpi slt, %select_n3A_627, %lt3A_636 : i32
      %ne3A_638 = vector.broadcast %lt3A_637 : i1 to vector<16xi1>
      %ne3A_639 = vector.broadcast %ne3A_638 : vector<16xi1> to vector<16xi1>
      %ne3A_640 = arith.xori %lt3A_635, %ne3A_639 : vector<16xi1>
      %and3A_641 = arith.andi %ne3A_640, %ne3A_632 : vector<16xi1>
      %add3A_642 = vector.broadcast %select_n3A_627 : i32 to vector<16xi32>
      %add3A_643 = arith.addi %rem3A_629, %add3A_642 : vector<16xi32>
      %select_n3A_644 = arith.select %and3A_641, %add3A_643, %rem3A_629 : vector<16xi1>, vector<16xi32>
      tpu.vector_store_idx %arg10[%select_n3A_622, %select_n3A_644], %sub3A_579 masked %and3A_585 : memref<322x64xi32, #tpu.memory_space<vmem>>[vector<16xi32>, vector<16xi32>], vector<16xi32>, vector<16xi1>
      %reduce_sum3A = arith.constant true
      %reduce_sum3A_645 = vector.broadcast %reduce_sum3A : i1 to vector<16xi1>
      %reduce_sum3A_646 = tpu.scan <sum>, %convert_element_type3A_586 masked %reduce_sum3A_645 : vector<16xi32>, vector<16xi1> -> vector<16xi32>
      %reduce_sum3A_647 = vector.extract %reduce_sum3A_646[15] : i32 from vector<16xi32>
      %add3A_648 = arith.addi %scan3A_570, %reduce_sum3A_647 : i32
      scf.yield %add3A_648 : i32
    }
    %scan3A_22 = arith.constant 320 : i32
    "tpu.region"() ({
      %run_scoped3A = tpu.sem_alloc : memref<!tpu.dma_semaphore, #tpu.memory_space<semaphore_mem>>
      %dma_start3A_569 = arith.constant 15360 : i32
      %dma_start3A_570 = tpu.memref_slice %arg3[%arg1, %dma_start3A_569] : memref<16x20480xi32, #tpu.memory_space<hbm>> -> memref<1x5120xi32, #tpu.memory_space<hbm>>
      %dma_start3A_571 = tpu.memref_squeeze %dma_start3A_570 : memref<1x5120xi32, #tpu.memory_space<hbm>> -> memref<5120xi32, #tpu.memory_space<hbm>>
      %dma_start3A_572 = arith.constant 15360 : i32
      %dma_start3A_573 = tpu.memref_slice %arg3[%arg1, %dma_start3A_572] : memref<16x20480xi32, #tpu.memory_space<hbm>> -> memref<1x5120xi32, #tpu.memory_space<hbm>>
      %dma_start3A_574 = tpu.memref_squeeze %dma_start3A_573 : memref<1x5120xi32, #tpu.memory_space<hbm>> -> memref<5120xi32, #tpu.memory_space<hbm>>
      tpu.enqueue_dma source(%dma_start3A_574 : memref<5120xi32, #tpu.memory_space<hbm>>) target(%arg7 : memref<5120xi32, #tpu.memory_space<vmem>>) target_semaphore(%run_scoped3A : memref<!tpu.dma_semaphore, #tpu.memory_space<semaphore_mem>>)
      %dma_wait3A = arith.constant 15360 : i32
      %dma_wait3A_575 = tpu.memref_slice %arg3[%arg1, %dma_wait3A] : memref<16x20480xi32, #tpu.memory_space<hbm>> -> memref<1x5120xi32, #tpu.memory_space<hbm>>
      %dma_wait3A_576 = tpu.memref_squeeze %dma_wait3A_575 : memref<1x5120xi32, #tpu.memory_space<hbm>> -> memref<5120xi32, #tpu.memory_space<hbm>>
      %dma_wait3A_577 = arith.constant 15360 : i32
      %dma_wait3A_578 = tpu.memref_slice %arg3[%arg1, %dma_wait3A_577] : memref<16x20480xi32, #tpu.memory_space<hbm>> -> memref<1x5120xi32, #tpu.memory_space<hbm>>
      %dma_wait3A_579 = tpu.memref_squeeze %dma_wait3A_578 : memref<1x5120xi32, #tpu.memory_space<hbm>> -> memref<5120xi32, #tpu.memory_space<hbm>>
      tpu.wait_dma2 semaphore(%run_scoped3A : memref<!tpu.dma_semaphore, #tpu.memory_space<semaphore_mem>>) src(%dma_wait3A_579 : memref<5120xi32, #tpu.memory_space<hbm>>) dst(%arg7 : memref<5120xi32, #tpu.memory_space<vmem>>)
      tpu.yield
    }) : () -> ()
    "tpu.region"() ({
      %run_scoped3A = tpu.sem_alloc : memref<!tpu.dma_semaphore, #tpu.memory_space<semaphore_mem>>
      %dma_start3A_569 = arith.constant 15360 : i32
      %dma_start3A_570 = tpu.memref_slice %arg4[%arg1, %dma_start3A_569] : memref<16x20480xi32, #tpu.memory_space<hbm>> -> memref<1x5120xi32, #tpu.memory_space<hbm>>
      %dma_start3A_571 = tpu.memref_squeeze %dma_start3A_570 : memref<1x5120xi32, #tpu.memory_space<hbm>> -> memref<5120xi32, #tpu.memory_space<hbm>>
      %dma_start3A_572 = arith.constant 15360 : i32
      %dma_start3A_573 = tpu.memref_slice %arg4[%arg1, %dma_start3A_572] : memref<16x20480xi32, #tpu.memory_space<hbm>> -> memref<1x5120xi32, #tpu.memory_space<hbm>>
      %dma_start3A_574 = tpu.memref_squeeze %dma_start3A_573 : memref<1x5120xi32, #tpu.memory_space<hbm>> -> memref<5120xi32, #tpu.memory_space<hbm>>
      tpu.enqueue_dma source(%dma_start3A_574 : memref<5120xi32, #tpu.memory_space<hbm>>) target(%arg8 : memref<5120xi32, #tpu.memory_space<vmem>>) target_semaphore(%run_scoped3A : memref<!tpu.dma_semaphore, #tpu.memory_space<semaphore_mem>>)
      %dma_wait3A = arith.constant 15360 : i32
      %dma_wait3A_575 = tpu.memref_slice %arg4[%arg1, %dma_wait3A] : memref<16x20480xi32, #tpu.memory_space<hbm>> -> memref<1x5120xi32, #tpu.memory_space<hbm>>
      %dma_wait3A_576 = tpu.memref_squeeze %dma_wait3A_575 : memref<1x5120xi32, #tpu.memory_space<hbm>> -> memref<5120xi32, #tpu.memory_space<hbm>>
      %dma_wait3A_577 = arith.constant 15360 : i32
      %dma_wait3A_578 = tpu.memref_slice %arg4[%arg1, %dma_wait3A_577] : memref<16x20480xi32, #tpu.memory_space<hbm>> -> memref<1x5120xi32, #tpu.memory_space<hbm>>
      %dma_wait3A_579 = tpu.memref_squeeze %dma_wait3A_578 : memref<1x5120xi32, #tpu.memory_space<hbm>> -> memref<5120xi32, #tpu.memory_space<hbm>>
      tpu.wait_dma2 semaphore(%run_scoped3A : memref<!tpu.dma_semaphore, #tpu.memory_space<semaphore_mem>>) src(%dma_wait3A_579 : memref<5120xi32, #tpu.memory_space<hbm>>) dst(%arg8 : memref<5120xi32, #tpu.memory_space<vmem>>)
      tpu.yield
    }) : () -> ()
    %scan3A_23 = arith.constant 0 : i32
    %scan3A_24 = arith.constant 320 : i32
    %scan3A_25 = arith.addi %scan3A_23, %scan3A_24 : i32
    %scan3A_26 = arith.constant 1 : i32
    %scan3A_27 = scf.for %scan3A_569 = %scan3A_23 to %scan3A_25 step %scan3A_26 iter_args(%scan3A_570 = %scan3A_21) -> (i32)  : i32 {
      %mul3A_571 = arith.constant 16 : i32
      %mul3A_572 = arith.muli %mul3A_571, %scan3A_569 : i32
      %get3A = arith.index_cast %mul3A_572 : i32 to index
      %get3A_573 = tpu.vector_load %arg7[%get3A] {strides = array<i32>} : memref<5120xi32, #tpu.memory_space<vmem>>, vector<16xi32>,
      %mul3A_574 = arith.constant 16 : i32
      %mul3A_575 = arith.muli %mul3A_574, %scan3A_569 : i32
      %get3A_576 = arith.index_cast %mul3A_575 : i32 to index
      %get3A_577 = tpu.vector_load %arg8[%get3A_576] {strides = array<i32>} : memref<5120xi32, #tpu.memory_space<vmem>>, vector<16xi32>,
      %sub3A_578 = vector.broadcast %mul3A_4 : i32 to vector<16xi32>
      %sub3A_579 = arith.subi %get3A_577, %sub3A_578 : vector<16xi32>
      %ge3A = arith.constant 0 : i32
      %ge3A_580 = vector.broadcast %ge3A : i32 to vector<16xi32>
      %ge3A_581 = arith.cmpi sge, %sub3A_579, %ge3A_580 : vector<16xi32>
      %lt3A_582 = arith.constant 5120 : i32
      %lt3A_583 = vector.broadcast %lt3A_582 : i32 to vector<16xi32>
      %lt3A_584 = arith.cmpi slt, %sub3A_579, %lt3A_583 : vector<16xi32>
      %and3A_585 = arith.andi %ge3A_581, %lt3A_584 : vector<16xi1>
      %convert_element_type3A_586 = arith.extui %and3A_585 : vector<16xi1> to vector<16xi32>
      %broadcast_in_dim3A_587 = arith.constant true
      %broadcast_in_dim3A_588 = vector.broadcast %broadcast_in_dim3A_587 : i1 to vector<16xi1>
      %masked_cumsum3A = tpu.scan <sum>, %convert_element_type3A_586 masked %broadcast_in_dim3A_588 : vector<16xi32>, vector<16xi1> -> vector<16xi32>
      %add3A_589 = vector.broadcast %scan3A_570 : i32 to vector<16xi32>
      %add3A_590 = arith.addi %add3A_589, %masked_cumsum3A : vector<16xi32>
      %sub3A_591 = arith.subi %add3A_590, %convert_element_type3A_586 : vector<16xi32>
      tpu.vector_store_idx %arg9[%sub3A_591], %get3A_573 masked %and3A_585 : memref<20608xi32, #tpu.memory_space<vmem>>[vector<16xi32>], vector<16xi32>, vector<16xi1>
      %jit3A_592 = arith.constant 64 : i32
      %div3A_593 = vector.broadcast %jit3A_592 : i32 to vector<16xi32>
      %div3A_594 = arith.divsi %sub3A_591, %div3A_593 : vector<16xi32>
      %sign3A_595 = arith.constant 0 : i32
      %sign3A_596 = vector.broadcast %sign3A_595 : i32 to vector<16xi32>
      %sign3A_597 = arith.cmpi sgt, %sub3A_591, %sign3A_596 : vector<16xi32>
      %sign3A_598 = arith.extui %sign3A_597 : vector<16xi1> to vector<16xi32>
      %sign3A_599 = arith.constant 0 : i32
      %sign3A_600 = vector.broadcast %sign3A_599 : i32 to vector<16xi32>
      %sign3A_601 = arith.cmpi slt, %sub3A_591, %sign3A_600 : vector<16xi32>
      %sign3A_602 = arith.extui %sign3A_601 : vector<16xi1> to vector<16xi32>
      %sign3A_603 = arith.subi %sign3A_598, %sign3A_602 : vector<16xi32>
      %sign3A_604 = arith.constant 0 : i32
      %sign3A_605 = arith.cmpi sgt, %jit3A_592, %sign3A_604 : i32
      %sign3A_606 = arith.extui %sign3A_605 : i1 to i32
      %sign3A_607 = arith.constant 0 : i32
      %sign3A_608 = arith.cmpi slt, %jit3A_592, %sign3A_607 : i32
      %sign3A_609 = arith.extui %sign3A_608 : i1 to i32
      %sign3A_610 = arith.subi %sign3A_606, %sign3A_609 : i32
      %ne3A_611 = vector.broadcast %sign3A_610 : i32 to vector<16xi32>
      %ne3A_612 = arith.cmpi ne, %sign3A_603, %ne3A_611 : vector<16xi32>
      %rem3A_613 = vector.broadcast %jit3A_592 : i32 to vector<16xi32>
      %rem3A_614 = arith.remsi %sub3A_591, %rem3A_613 : vector<16xi32>
      %ne3A_615 = arith.constant 0 : i32
      %ne3A_616 = vector.broadcast %ne3A_615 : i32 to vector<16xi32>
      %ne3A_617 = arith.cmpi ne, %rem3A_614, %ne3A_616 : vector<16xi32>
      %and3A_618 = arith.andi %ne3A_612, %ne3A_617 : vector<16xi1>
      %sub3A_619 = arith.constant 1 : i32
      %sub3A_620 = vector.broadcast %sub3A_619 : i32 to vector<16xi32>
      %sub3A_621 = arith.subi %div3A_594, %sub3A_620 : vector<16xi32>
      %select_n3A_622 = arith.select %and3A_618, %sub3A_621, %div3A_594 : vector<16xi1>, vector<16xi32>
      %jit3A_623 = arith.constant 64 : i32
      %eq3A_624 = arith.constant 0 : i32
      %eq3A_625 = arith.cmpi eq, %jit3A_623, %eq3A_624 : i32
      %jit3A_626 = arith.constant 1 : i32
      %select_n3A_627 = arith.select %eq3A_625, %jit3A_626, %jit3A_623 : i32
      %rem3A_628 = vector.broadcast %select_n3A_627 : i32 to vector<16xi32>
      %rem3A_629 = arith.remsi %sub3A_591, %rem3A_628 : vector<16xi32>
      %ne3A_630 = arith.constant 0 : i32
      %ne3A_631 = vector.broadcast %ne3A_630 : i32 to vector<16xi32>
      %ne3A_632 = arith.cmpi ne, %rem3A_629, %ne3A_631 : vector<16xi32>
      %lt3A_633 = arith.constant 0 : i32
      %lt3A_634 = vector.broadcast %lt3A_633 : i32 to vector<16xi32>
      %lt3A_635 = arith.cmpi slt, %rem3A_629, %lt3A_634 : vector<16xi32>
      %lt3A_636 = arith.constant 0 : i32
      %lt3A_637 = arith.cmpi slt, %select_n3A_627, %lt3A_636 : i32
      %ne3A_638 = vector.broadcast %lt3A_637 : i1 to vector<16xi1>
      %ne3A_639 = vector.broadcast %ne3A_638 : vector<16xi1> to vector<16xi1>
      %ne3A_640 = arith.xori %lt3A_635, %ne3A_639 : vector<16xi1>
      %and3A_641 = arith.andi %ne3A_640, %ne3A_632 : vector<16xi1>
      %add3A_642 = vector.broadcast %select_n3A_627 : i32 to vector<16xi32>
      %add3A_643 = arith.addi %rem3A_629, %add3A_642 : vector<16xi32>
      %select_n3A_644 = arith.select %and3A_641, %add3A_643, %rem3A_629 : vector<16xi1>, vector<16xi32>
      tpu.vector_store_idx %arg10[%select_n3A_622, %select_n3A_644], %sub3A_579 masked %and3A_585 : memref<322x64xi32, #tpu.memory_space<vmem>>[vector<16xi32>, vector<16xi32>], vector<16xi32>, vector<16xi1>
      %reduce_sum3A = arith.constant true
      %reduce_sum3A_645 = vector.broadcast %reduce_sum3A : i1 to vector<16xi1>
      %reduce_sum3A_646 = tpu.scan <sum>, %convert_element_type3A_586 masked %reduce_sum3A_645 : vector<16xi32>, vector<16xi1> -> vector<16xi32>
      %reduce_sum3A_647 = vector.extract %reduce_sum3A_646[15] : i32 from vector<16xi32>
      %add3A_648 = arith.addi %scan3A_570, %reduce_sum3A_647 : i32
      scf.yield %add3A_648 : i32
    }
    %scan3A_28 = arith.constant 320 : i32
    %iota3A = tpu.iota {dimensions = array<i32: 0>} : vector<16xi32>
    %broadcast_in_dim3A = arith.constant true
    %broadcast_in_dim3A_29 = vector.broadcast %broadcast_in_dim3A : i1 to vector<16xi1>
    %add3A = arith.constant 0 : i32
    %add3A_30 = arith.addi %scan3A_27, %add3A : i32
    %add3A_31 = vector.broadcast %add3A_30 : i32 to vector<16xi32>
    %add3A_32 = arith.addi %add3A_31, %iota3A : vector<16xi32>
    %broadcast_in_dim3A_33 = arith.constant 0 : i32
    %broadcast_in_dim3A_34 = vector.broadcast %broadcast_in_dim3A_33 : i32 to vector<16xi32>
    tpu.vector_store_idx %arg9[%add3A_32], %broadcast_in_dim3A_34 masked %broadcast_in_dim3A_29 : memref<20608xi32, #tpu.memory_space<vmem>>[vector<16xi32>], vector<16xi32>, vector<16xi1>
    %jit3A = arith.constant 64 : i32
    %div3A = vector.broadcast %jit3A : i32 to vector<16xi32>
    %div3A_35 = arith.divsi %add3A_32, %div3A : vector<16xi32>
    %sign3A = arith.constant 0 : i32
    %sign3A_36 = vector.broadcast %sign3A : i32 to vector<16xi32>
    %sign3A_37 = arith.cmpi sgt, %add3A_32, %sign3A_36 : vector<16xi32>
    %sign3A_38 = arith.extui %sign3A_37 : vector<16xi1> to vector<16xi32>
    %sign3A_39 = arith.constant 0 : i32
    %sign3A_40 = vector.broadcast %sign3A_39 : i32 to vector<16xi32>
    %sign3A_41 = arith.cmpi slt, %add3A_32, %sign3A_40 : vector<16xi32>
    %sign3A_42 = arith.extui %sign3A_41 : vector<16xi1> to vector<16xi32>
    %sign3A_43 = arith.subi %sign3A_38, %sign3A_42 : vector<16xi32>
    %sign3A_44 = arith.constant 0 : i32
    %sign3A_45 = arith.cmpi sgt, %jit3A, %sign3A_44 : i32
    %sign3A_46 = arith.extui %sign3A_45 : i1 to i32
    %sign3A_47 = arith.constant 0 : i32
    %sign3A_48 = arith.cmpi slt, %jit3A, %sign3A_47 : i32
    %sign3A_49 = arith.extui %sign3A_48 : i1 to i32
    %sign3A_50 = arith.subi %sign3A_46, %sign3A_49 : i32
    %ne3A = vector.broadcast %sign3A_50 : i32 to vector<16xi32>
    %ne3A_51 = arith.cmpi ne, %sign3A_43, %ne3A : vector<16xi32>
    %rem3A = vector.broadcast %jit3A : i32 to vector<16xi32>
    %rem3A_52 = arith.remsi %add3A_32, %rem3A : vector<16xi32>
    %ne3A_53 = arith.constant 0 : i32
    %ne3A_54 = vector.broadcast %ne3A_53 : i32 to vector<16xi32>
    %ne3A_55 = arith.cmpi ne, %rem3A_52, %ne3A_54 : vector<16xi32>
    %and3A = arith.andi %ne3A_51, %ne3A_55 : vector<16xi1>
    %sub3A = arith.constant 1 : i32
    %sub3A_56 = vector.broadcast %sub3A : i32 to vector<16xi32>
    %sub3A_57 = arith.subi %div3A_35, %sub3A_56 : vector<16xi32>
    %select_n3A = arith.select %and3A, %sub3A_57, %div3A_35 : vector<16xi1>, vector<16xi32>
    %jit3A_58 = arith.constant 64 : i32
    %eq3A_59 = arith.constant 0 : i32
    %eq3A_60 = arith.cmpi eq, %jit3A_58, %eq3A_59 : i32
    %jit3A_61 = arith.constant 1 : i32
    %select_n3A_62 = arith.select %eq3A_60, %jit3A_61, %jit3A_58 : i32
    %rem3A_63 = vector.broadcast %select_n3A_62 : i32 to vector<16xi32>
    %rem3A_64 = arith.remsi %add3A_32, %rem3A_63 : vector<16xi32>
    %ne3A_65 = arith.constant 0 : i32
    %ne3A_66 = vector.broadcast %ne3A_65 : i32 to vector<16xi32>
    %ne3A_67 = arith.cmpi ne, %rem3A_64, %ne3A_66 : vector<16xi32>
    %lt3A = arith.constant 0 : i32
    %lt3A_68 = vector.broadcast %lt3A : i32 to vector<16xi32>
    %lt3A_69 = arith.cmpi slt, %rem3A_64, %lt3A_68 : vector<16xi32>
    %lt3A_70 = arith.constant 0 : i32
    %lt3A_71 = arith.cmpi slt, %select_n3A_62, %lt3A_70 : i32
    %ne3A_72 = vector.broadcast %lt3A_71 : i1 to vector<16xi1>
    %ne3A_73 = vector.broadcast %ne3A_72 : vector<16xi1> to vector<16xi1>
    %ne3A_74 = arith.xori %lt3A_69, %ne3A_73 : vector<16xi1>
    %and3A_75 = arith.andi %ne3A_74, %ne3A_67 : vector<16xi1>
    %add3A_76 = vector.broadcast %select_n3A_62 : i32 to vector<16xi32>
    %add3A_77 = arith.addi %rem3A_64, %add3A_76 : vector<16xi32>
    %select_n3A_78 = arith.select %and3A_75, %add3A_77, %rem3A_64 : vector<16xi1>, vector<16xi32>
    %broadcast_in_dim3A_79 = arith.constant 5120 : i32
    %broadcast_in_dim3A_80 = vector.broadcast %broadcast_in_dim3A_79 : i32 to vector<16xi32>
    tpu.vector_store_idx %arg10[%select_n3A, %select_n3A_78], %broadcast_in_dim3A_80 masked %broadcast_in_dim3A_29 : memref<322x64xi32, #tpu.memory_space<vmem>>[vector<16xi32>, vector<16xi32>], vector<16xi32>, vector<16xi1>
    %add3A_81 = arith.constant 16 : i32
    %add3A_82 = arith.addi %scan3A_27, %add3A_81 : i32
    %add3A_83 = vector.broadcast %add3A_82 : i32 to vector<16xi32>
    %add3A_84 = arith.addi %add3A_83, %iota3A : vector<16xi32>
    %broadcast_in_dim3A_85 = arith.constant 0 : i32
    %broadcast_in_dim3A_86 = vector.broadcast %broadcast_in_dim3A_85 : i32 to vector<16xi32>
    tpu.vector_store_idx %arg9[%add3A_84], %broadcast_in_dim3A_86 masked %broadcast_in_dim3A_29 : memref<20608xi32, #tpu.memory_space<vmem>>[vector<16xi32>], vector<16xi32>, vector<16xi1>
    %jit3A_87 = arith.constant 64 : i32
    %div3A_88 = vector.broadcast %jit3A_87 : i32 to vector<16xi32>
    %div3A_89 = arith.divsi %add3A_84, %div3A_88 : vector<16xi32>
    %sign3A_90 = arith.constant 0 : i32
    %sign3A_91 = vector.broadcast %sign3A_90 : i32 to vector<16xi32>
    %sign3A_92 = arith.cmpi sgt, %add3A_84, %sign3A_91 : vector<16xi32>
    %sign3A_93 = arith.extui %sign3A_92 : vector<16xi1> to vector<16xi32>
    %sign3A_94 = arith.constant 0 : i32
    %sign3A_95 = vector.broadcast %sign3A_94 : i32 to vector<16xi32>
    %sign3A_96 = arith.cmpi slt, %add3A_84, %sign3A_95 : vector<16xi32>
    %sign3A_97 = arith.extui %sign3A_96 : vector<16xi1> to vector<16xi32>
    %sign3A_98 = arith.subi %sign3A_93, %sign3A_97 : vector<16xi32>
    %sign3A_99 = arith.constant 0 : i32
    %sign3A_100 = arith.cmpi sgt, %jit3A_87, %sign3A_99 : i32
    %sign3A_101 = arith.extui %sign3A_100 : i1 to i32
    %sign3A_102 = arith.constant 0 : i32
    %sign3A_103 = arith.cmpi slt, %jit3A_87, %sign3A_102 : i32
    %sign3A_104 = arith.extui %sign3A_103 : i1 to i32
    %sign3A_105 = arith.subi %sign3A_101, %sign3A_104 : i32
    %ne3A_106 = vector.broadcast %sign3A_105 : i32 to vector<16xi32>
    %ne3A_107 = arith.cmpi ne, %sign3A_98, %ne3A_106 : vector<16xi32>
    %rem3A_108 = vector.broadcast %jit3A_87 : i32 to vector<16xi32>
    %rem3A_109 = arith.remsi %add3A_84, %rem3A_108 : vector<16xi32>
    %ne3A_110 = arith.constant 0 : i32
    %ne3A_111 = vector.broadcast %ne3A_110 : i32 to vector<16xi32>
    %ne3A_112 = arith.cmpi ne, %rem3A_109, %ne3A_111 : vector<16xi32>
    %and3A_113 = arith.andi %ne3A_107, %ne3A_112 : vector<16xi1>
    %sub3A_114 = arith.constant 1 : i32
    %sub3A_115 = vector.broadcast %sub3A_114 : i32 to vector<16xi32>
    %sub3A_116 = arith.subi %div3A_89, %sub3A_115 : vector<16xi32>
    %select_n3A_117 = arith.select %and3A_113, %sub3A_116, %div3A_89 : vector<16xi1>, vector<16xi32>
    %jit3A_118 = arith.constant 64 : i32
    %eq3A_119 = arith.constant 0 : i32
    %eq3A_120 = arith.cmpi eq, %jit3A_118, %eq3A_119 : i32
    %jit3A_121 = arith.constant 1 : i32
    %select_n3A_122 = arith.select %eq3A_120, %jit3A_121, %jit3A_118 : i32
    %rem3A_123 = vector.broadcast %select_n3A_122 : i32 to vector<16xi32>
    %rem3A_124 = arith.remsi %add3A_84, %rem3A_123 : vector<16xi32>
    %ne3A_125 = arith.constant 0 : i32
    %ne3A_126 = vector.broadcast %ne3A_125 : i32 to vector<16xi32>
    %ne3A_127 = arith.cmpi ne, %rem3A_124, %ne3A_126 : vector<16xi32>
    %lt3A_128 = arith.constant 0 : i32
    %lt3A_129 = vector.broadcast %lt3A_128 : i32 to vector<16xi32>
    %lt3A_130 = arith.cmpi slt, %rem3A_124, %lt3A_129 : vector<16xi32>
    %lt3A_131 = arith.constant 0 : i32
    %lt3A_132 = arith.cmpi slt, %select_n3A_122, %lt3A_131 : i32
    %ne3A_133 = vector.broadcast %lt3A_132 : i1 to vector<16xi1>
    %ne3A_134 = vector.broadcast %ne3A_133 : vector<16xi1> to vector<16xi1>
    %ne3A_135 = arith.xori %lt3A_130, %ne3A_134 : vector<16xi1>
    %and3A_136 = arith.andi %ne3A_135, %ne3A_127 : vector<16xi1>
    %add3A_137 = vector.broadcast %select_n3A_122 : i32 to vector<16xi32>
    %add3A_138 = arith.addi %rem3A_124, %add3A_137 : vector<16xi32>
    %select_n3A_139 = arith.select %and3A_136, %add3A_138, %rem3A_124 : vector<16xi1>, vector<16xi32>
    %broadcast_in_dim3A_140 = arith.constant 5120 : i32
    %broadcast_in_dim3A_141 = vector.broadcast %broadcast_in_dim3A_140 : i32 to vector<16xi32>
    tpu.vector_store_idx %arg10[%select_n3A_117, %select_n3A_139], %broadcast_in_dim3A_141 masked %broadcast_in_dim3A_29 : memref<322x64xi32, #tpu.memory_space<vmem>>[vector<16xi32>, vector<16xi32>], vector<16xi32>, vector<16xi1>
    %add3A_142 = arith.constant 32 : i32
    %add3A_143 = arith.addi %scan3A_27, %add3A_142 : i32
    %add3A_144 = vector.broadcast %add3A_143 : i32 to vector<16xi32>
    %add3A_145 = arith.addi %add3A_144, %iota3A : vector<16xi32>
    %broadcast_in_dim3A_146 = arith.constant 0 : i32
    %broadcast_in_dim3A_147 = vector.broadcast %broadcast_in_dim3A_146 : i32 to vector<16xi32>
    tpu.vector_store_idx %arg9[%add3A_145], %broadcast_in_dim3A_147 masked %broadcast_in_dim3A_29 : memref<20608xi32, #tpu.memory_space<vmem>>[vector<16xi32>], vector<16xi32>, vector<16xi1>
    %jit3A_148 = arith.constant 64 : i32
    %div3A_149 = vector.broadcast %jit3A_148 : i32 to vector<16xi32>
    %div3A_150 = arith.divsi %add3A_145, %div3A_149 : vector<16xi32>
    %sign3A_151 = arith.constant 0 : i32
    %sign3A_152 = vector.broadcast %sign3A_151 : i32 to vector<16xi32>
    %sign3A_153 = arith.cmpi sgt, %add3A_145, %sign3A_152 : vector<16xi32>
    %sign3A_154 = arith.extui %sign3A_153 : vector<16xi1> to vector<16xi32>
    %sign3A_155 = arith.constant 0 : i32
    %sign3A_156 = vector.broadcast %sign3A_155 : i32 to vector<16xi32>
    %sign3A_157 = arith.cmpi slt, %add3A_145, %sign3A_156 : vector<16xi32>
    %sign3A_158 = arith.extui %sign3A_157 : vector<16xi1> to vector<16xi32>
    %sign3A_159 = arith.subi %sign3A_154, %sign3A_158 : vector<16xi32>
    %sign3A_160 = arith.constant 0 : i32
    %sign3A_161 = arith.cmpi sgt, %jit3A_148, %sign3A_160 : i32
    %sign3A_162 = arith.extui %sign3A_161 : i1 to i32
    %sign3A_163 = arith.constant 0 : i32
    %sign3A_164 = arith.cmpi slt, %jit3A_148, %sign3A_163 : i32
    %sign3A_165 = arith.extui %sign3A_164 : i1 to i32
    %sign3A_166 = arith.subi %sign3A_162, %sign3A_165 : i32
    %ne3A_167 = vector.broadcast %sign3A_166 : i32 to vector<16xi32>
    %ne3A_168 = arith.cmpi ne, %sign3A_159, %ne3A_167 : vector<16xi32>
    %rem3A_169 = vector.broadcast %jit3A_148 : i32 to vector<16xi32>
    %rem3A_170 = arith.remsi %add3A_145, %rem3A_169 : vector<16xi32>
    %ne3A_171 = arith.constant 0 : i32
    %ne3A_172 = vector.broadcast %ne3A_171 : i32 to vector<16xi32>
    %ne3A_173 = arith.cmpi ne, %rem3A_170, %ne3A_172 : vector<16xi32>
    %and3A_174 = arith.andi %ne3A_168, %ne3A_173 : vector<16xi1>
    %sub3A_175 = arith.constant 1 : i32
    %sub3A_176 = vector.broadcast %sub3A_175 : i32 to vector<16xi32>
    %sub3A_177 = arith.subi %div3A_150, %sub3A_176 : vector<16xi32>
    %select_n3A_178 = arith.select %and3A_174, %sub3A_177, %div3A_150 : vector<16xi1>, vector<16xi32>
    %jit3A_179 = arith.constant 64 : i32
    %eq3A_180 = arith.constant 0 : i32
    %eq3A_181 = arith.cmpi eq, %jit3A_179, %eq3A_180 : i32
    %jit3A_182 = arith.constant 1 : i32
    %select_n3A_183 = arith.select %eq3A_181, %jit3A_182, %jit3A_179 : i32
    %rem3A_184 = vector.broadcast %select_n3A_183 : i32 to vector<16xi32>
    %rem3A_185 = arith.remsi %add3A_145, %rem3A_184 : vector<16xi32>
    %ne3A_186 = arith.constant 0 : i32
    %ne3A_187 = vector.broadcast %ne3A_186 : i32 to vector<16xi32>
    %ne3A_188 = arith.cmpi ne, %rem3A_185, %ne3A_187 : vector<16xi32>
    %lt3A_189 = arith.constant 0 : i32
    %lt3A_190 = vector.broadcast %lt3A_189 : i32 to vector<16xi32>
    %lt3A_191 = arith.cmpi slt, %rem3A_185, %lt3A_190 : vector<16xi32>
    %lt3A_192 = arith.constant 0 : i32
    %lt3A_193 = arith.cmpi slt, %select_n3A_183, %lt3A_192 : i32
    %ne3A_194 = vector.broadcast %lt3A_193 : i1 to vector<16xi1>
    %ne3A_195 = vector.broadcast %ne3A_194 : vector<16xi1> to vector<16xi1>
    %ne3A_196 = arith.xori %lt3A_191, %ne3A_195 : vector<16xi1>
    %and3A_197 = arith.andi %ne3A_196, %ne3A_188 : vector<16xi1>
    %add3A_198 = vector.broadcast %select_n3A_183 : i32 to vector<16xi32>
    %add3A_199 = arith.addi %rem3A_185, %add3A_198 : vector<16xi32>
    %select_n3A_200 = arith.select %and3A_197, %add3A_199, %rem3A_185 : vector<16xi1>, vector<16xi32>
    %broadcast_in_dim3A_201 = arith.constant 5120 : i32
    %broadcast_in_dim3A_202 = vector.broadcast %broadcast_in_dim3A_201 : i32 to vector<16xi32>
    tpu.vector_store_idx %arg10[%select_n3A_178, %select_n3A_200], %broadcast_in_dim3A_202 masked %broadcast_in_dim3A_29 : memref<322x64xi32, #tpu.memory_space<vmem>>[vector<16xi32>, vector<16xi32>], vector<16xi32>, vector<16xi1>
    %add3A_203 = arith.constant 48 : i32
    %add3A_204 = arith.addi %scan3A_27, %add3A_203 : i32
    %add3A_205 = vector.broadcast %add3A_204 : i32 to vector<16xi32>
    %add3A_206 = arith.addi %add3A_205, %iota3A : vector<16xi32>
    %broadcast_in_dim3A_207 = arith.constant 0 : i32
    %broadcast_in_dim3A_208 = vector.broadcast %broadcast_in_dim3A_207 : i32 to vector<16xi32>
    tpu.vector_store_idx %arg9[%add3A_206], %broadcast_in_dim3A_208 masked %broadcast_in_dim3A_29 : memref<20608xi32, #tpu.memory_space<vmem>>[vector<16xi32>], vector<16xi32>, vector<16xi1>
    %jit3A_209 = arith.constant 64 : i32
    %div3A_210 = vector.broadcast %jit3A_209 : i32 to vector<16xi32>
    %div3A_211 = arith.divsi %add3A_206, %div3A_210 : vector<16xi32>
    %sign3A_212 = arith.constant 0 : i32
    %sign3A_213 = vector.broadcast %sign3A_212 : i32 to vector<16xi32>
    %sign3A_214 = arith.cmpi sgt, %add3A_206, %sign3A_213 : vector<16xi32>
    %sign3A_215 = arith.extui %sign3A_214 : vector<16xi1> to vector<16xi32>
    %sign3A_216 = arith.constant 0 : i32
    %sign3A_217 = vector.broadcast %sign3A_216 : i32 to vector<16xi32>
    %sign3A_218 = arith.cmpi slt, %add3A_206, %sign3A_217 : vector<16xi32>
    %sign3A_219 = arith.extui %sign3A_218 : vector<16xi1> to vector<16xi32>
    %sign3A_220 = arith.subi %sign3A_215, %sign3A_219 : vector<16xi32>
    %sign3A_221 = arith.constant 0 : i32
    %sign3A_222 = arith.cmpi sgt, %jit3A_209, %sign3A_221 : i32
    %sign3A_223 = arith.extui %sign3A_222 : i1 to i32
    %sign3A_224 = arith.constant 0 : i32
    %sign3A_225 = arith.cmpi slt, %jit3A_209, %sign3A_224 : i32
    %sign3A_226 = arith.extui %sign3A_225 : i1 to i32
    %sign3A_227 = arith.subi %sign3A_223, %sign3A_226 : i32
    %ne3A_228 = vector.broadcast %sign3A_227 : i32 to vector<16xi32>
    %ne3A_229 = arith.cmpi ne, %sign3A_220, %ne3A_228 : vector<16xi32>
    %rem3A_230 = vector.broadcast %jit3A_209 : i32 to vector<16xi32>
    %rem3A_231 = arith.remsi %add3A_206, %rem3A_230 : vector<16xi32>
    %ne3A_232 = arith.constant 0 : i32
    %ne3A_233 = vector.broadcast %ne3A_232 : i32 to vector<16xi32>
    %ne3A_234 = arith.cmpi ne, %rem3A_231, %ne3A_233 : vector<16xi32>
    %and3A_235 = arith.andi %ne3A_229, %ne3A_234 : vector<16xi1>
    %sub3A_236 = arith.constant 1 : i32
    %sub3A_237 = vector.broadcast %sub3A_236 : i32 to vector<16xi32>
    %sub3A_238 = arith.subi %div3A_211, %sub3A_237 : vector<16xi32>
    %select_n3A_239 = arith.select %and3A_235, %sub3A_238, %div3A_211 : vector<16xi1>, vector<16xi32>
    %jit3A_240 = arith.constant 64 : i32
    %eq3A_241 = arith.constant 0 : i32
    %eq3A_242 = arith.cmpi eq, %jit3A_240, %eq3A_241 : i32
    %jit3A_243 = arith.constant 1 : i32
    %select_n3A_244 = arith.select %eq3A_242, %jit3A_243, %jit3A_240 : i32
    %rem3A_245 = vector.broadcast %select_n3A_244 : i32 to vector<16xi32>
    %rem3A_246 = arith.remsi %add3A_206, %rem3A_245 : vector<16xi32>
    %ne3A_247 = arith.constant 0 : i32
    %ne3A_248 = vector.broadcast %ne3A_247 : i32 to vector<16xi32>
    %ne3A_249 = arith.cmpi ne, %rem3A_246, %ne3A_248 : vector<16xi32>
    %lt3A_250 = arith.constant 0 : i32
    %lt3A_251 = vector.broadcast %lt3A_250 : i32 to vector<16xi32>
    %lt3A_252 = arith.cmpi slt, %rem3A_246, %lt3A_251 : vector<16xi32>
    %lt3A_253 = arith.constant 0 : i32
    %lt3A_254 = arith.cmpi slt, %select_n3A_244, %lt3A_253 : i32
    %ne3A_255 = vector.broadcast %lt3A_254 : i1 to vector<16xi1>
    %ne3A_256 = vector.broadcast %ne3A_255 : vector<16xi1> to vector<16xi1>
    %ne3A_257 = arith.xori %lt3A_252, %ne3A_256 : vector<16xi1>
    %and3A_258 = arith.andi %ne3A_257, %ne3A_249 : vector<16xi1>
    %add3A_259 = vector.broadcast %select_n3A_244 : i32 to vector<16xi32>
    %add3A_260 = arith.addi %rem3A_246, %add3A_259 : vector<16xi32>
    %select_n3A_261 = arith.select %and3A_258, %add3A_260, %rem3A_246 : vector<16xi1>, vector<16xi32>
    %broadcast_in_dim3A_262 = arith.constant 5120 : i32
    %broadcast_in_dim3A_263 = vector.broadcast %broadcast_in_dim3A_262 : i32 to vector<16xi32>
    tpu.vector_store_idx %arg10[%select_n3A_239, %select_n3A_261], %broadcast_in_dim3A_263 masked %broadcast_in_dim3A_29 : memref<322x64xi32, #tpu.memory_space<vmem>>[vector<16xi32>, vector<16xi32>], vector<16xi32>, vector<16xi1>
    %add3A_264 = arith.constant 64 : i32
    %add3A_265 = arith.addi %scan3A_27, %add3A_264 : i32
    %add3A_266 = vector.broadcast %add3A_265 : i32 to vector<16xi32>
    %add3A_267 = arith.addi %add3A_266, %iota3A : vector<16xi32>
    %broadcast_in_dim3A_268 = arith.constant 0 : i32
    %broadcast_in_dim3A_269 = vector.broadcast %broadcast_in_dim3A_268 : i32 to vector<16xi32>
    tpu.vector_store_idx %arg9[%add3A_267], %broadcast_in_dim3A_269 masked %broadcast_in_dim3A_29 : memref<20608xi32, #tpu.memory_space<vmem>>[vector<16xi32>], vector<16xi32>, vector<16xi1>
    %jit3A_270 = arith.constant 64 : i32
    %div3A_271 = vector.broadcast %jit3A_270 : i32 to vector<16xi32>
    %div3A_272 = arith.divsi %add3A_267, %div3A_271 : vector<16xi32>
    %sign3A_273 = arith.constant 0 : i32
    %sign3A_274 = vector.broadcast %sign3A_273 : i32 to vector<16xi32>
    %sign3A_275 = arith.cmpi sgt, %add3A_267, %sign3A_274 : vector<16xi32>
    %sign3A_276 = arith.extui %sign3A_275 : vector<16xi1> to vector<16xi32>
    %sign3A_277 = arith.constant 0 : i32
    %sign3A_278 = vector.broadcast %sign3A_277 : i32 to vector<16xi32>
    %sign3A_279 = arith.cmpi slt, %add3A_267, %sign3A_278 : vector<16xi32>
    %sign3A_280 = arith.extui %sign3A_279 : vector<16xi1> to vector<16xi32>
    %sign3A_281 = arith.subi %sign3A_276, %sign3A_280 : vector<16xi32>
    %sign3A_282 = arith.constant 0 : i32
    %sign3A_283 = arith.cmpi sgt, %jit3A_270, %sign3A_282 : i32
    %sign3A_284 = arith.extui %sign3A_283 : i1 to i32
    %sign3A_285 = arith.constant 0 : i32
    %sign3A_286 = arith.cmpi slt, %jit3A_270, %sign3A_285 : i32
    %sign3A_287 = arith.extui %sign3A_286 : i1 to i32
    %sign3A_288 = arith.subi %sign3A_284, %sign3A_287 : i32
    %ne3A_289 = vector.broadcast %sign3A_288 : i32 to vector<16xi32>
    %ne3A_290 = arith.cmpi ne, %sign3A_281, %ne3A_289 : vector<16xi32>
    %rem3A_291 = vector.broadcast %jit3A_270 : i32 to vector<16xi32>
    %rem3A_292 = arith.remsi %add3A_267, %rem3A_291 : vector<16xi32>
    %ne3A_293 = arith.constant 0 : i32
    %ne3A_294 = vector.broadcast %ne3A_293 : i32 to vector<16xi32>
    %ne3A_295 = arith.cmpi ne, %rem3A_292, %ne3A_294 : vector<16xi32>
    %and3A_296 = arith.andi %ne3A_290, %ne3A_295 : vector<16xi1>
    %sub3A_297 = arith.constant 1 : i32
    %sub3A_298 = vector.broadcast %sub3A_297 : i32 to vector<16xi32>
    %sub3A_299 = arith.subi %div3A_272, %sub3A_298 : vector<16xi32>
    %select_n3A_300 = arith.select %and3A_296, %sub3A_299, %div3A_272 : vector<16xi1>, vector<16xi32>
    %jit3A_301 = arith.constant 64 : i32
    %eq3A_302 = arith.constant 0 : i32
    %eq3A_303 = arith.cmpi eq, %jit3A_301, %eq3A_302 : i32
    %jit3A_304 = arith.constant 1 : i32
    %select_n3A_305 = arith.select %eq3A_303, %jit3A_304, %jit3A_301 : i32
    %rem3A_306 = vector.broadcast %select_n3A_305 : i32 to vector<16xi32>
    %rem3A_307 = arith.remsi %add3A_267, %rem3A_306 : vector<16xi32>
    %ne3A_308 = arith.constant 0 : i32
    %ne3A_309 = vector.broadcast %ne3A_308 : i32 to vector<16xi32>
    %ne3A_310 = arith.cmpi ne, %rem3A_307, %ne3A_309 : vector<16xi32>
    %lt3A_311 = arith.constant 0 : i32
    %lt3A_312 = vector.broadcast %lt3A_311 : i32 to vector<16xi32>
    %lt3A_313 = arith.cmpi slt, %rem3A_307, %lt3A_312 : vector<16xi32>
    %lt3A_314 = arith.constant 0 : i32
    %lt3A_315 = arith.cmpi slt, %select_n3A_305, %lt3A_314 : i32
    %ne3A_316 = vector.broadcast %lt3A_315 : i1 to vector<16xi1>
    %ne3A_317 = vector.broadcast %ne3A_316 : vector<16xi1> to vector<16xi1>
    %ne3A_318 = arith.xori %lt3A_313, %ne3A_317 : vector<16xi1>
    %and3A_319 = arith.andi %ne3A_318, %ne3A_310 : vector<16xi1>
    %add3A_320 = vector.broadcast %select_n3A_305 : i32 to vector<16xi32>
    %add3A_321 = arith.addi %rem3A_307, %add3A_320 : vector<16xi32>
    %select_n3A_322 = arith.select %and3A_319, %add3A_321, %rem3A_307 : vector<16xi1>, vector<16xi32>
    %broadcast_in_dim3A_323 = arith.constant 5120 : i32
    %broadcast_in_dim3A_324 = vector.broadcast %broadcast_in_dim3A_323 : i32 to vector<16xi32>
    tpu.vector_store_idx %arg10[%select_n3A_300, %select_n3A_322], %broadcast_in_dim3A_324 masked %broadcast_in_dim3A_29 : memref<322x64xi32, #tpu.memory_space<vmem>>[vector<16xi32>, vector<16xi32>], vector<16xi32>, vector<16xi1>
    %add3A_325 = arith.constant 80 : i32
    %add3A_326 = arith.addi %scan3A_27, %add3A_325 : i32
    %add3A_327 = vector.broadcast %add3A_326 : i32 to vector<16xi32>
    %add3A_328 = arith.addi %add3A_327, %iota3A : vector<16xi32>
    %broadcast_in_dim3A_329 = arith.constant 0 : i32
    %broadcast_in_dim3A_330 = vector.broadcast %broadcast_in_dim3A_329 : i32 to vector<16xi32>
    tpu.vector_store_idx %arg9[%add3A_328], %broadcast_in_dim3A_330 masked %broadcast_in_dim3A_29 : memref<20608xi32, #tpu.memory_space<vmem>>[vector<16xi32>], vector<16xi32>, vector<16xi1>
    %jit3A_331 = arith.constant 64 : i32
    %div3A_332 = vector.broadcast %jit3A_331 : i32 to vector<16xi32>
    %div3A_333 = arith.divsi %add3A_328, %div3A_332 : vector<16xi32>
    %sign3A_334 = arith.constant 0 : i32
    %sign3A_335 = vector.broadcast %sign3A_334 : i32 to vector<16xi32>
    %sign3A_336 = arith.cmpi sgt, %add3A_328, %sign3A_335 : vector<16xi32>
    %sign3A_337 = arith.extui %sign3A_336 : vector<16xi1> to vector<16xi32>
    %sign3A_338 = arith.constant 0 : i32
    %sign3A_339 = vector.broadcast %sign3A_338 : i32 to vector<16xi32>
    %sign3A_340 = arith.cmpi slt, %add3A_328, %sign3A_339 : vector<16xi32>
    %sign3A_341 = arith.extui %sign3A_340 : vector<16xi1> to vector<16xi32>
    %sign3A_342 = arith.subi %sign3A_337, %sign3A_341 : vector<16xi32>
    %sign3A_343 = arith.constant 0 : i32
    %sign3A_344 = arith.cmpi sgt, %jit3A_331, %sign3A_343 : i32
    %sign3A_345 = arith.extui %sign3A_344 : i1 to i32
    %sign3A_346 = arith.constant 0 : i32
    %sign3A_347 = arith.cmpi slt, %jit3A_331, %sign3A_346 : i32
    %sign3A_348 = arith.extui %sign3A_347 : i1 to i32
    %sign3A_349 = arith.subi %sign3A_345, %sign3A_348 : i32
    %ne3A_350 = vector.broadcast %sign3A_349 : i32 to vector<16xi32>
    %ne3A_351 = arith.cmpi ne, %sign3A_342, %ne3A_350 : vector<16xi32>
    %rem3A_352 = vector.broadcast %jit3A_331 : i32 to vector<16xi32>
    %rem3A_353 = arith.remsi %add3A_328, %rem3A_352 : vector<16xi32>
    %ne3A_354 = arith.constant 0 : i32
    %ne3A_355 = vector.broadcast %ne3A_354 : i32 to vector<16xi32>
    %ne3A_356 = arith.cmpi ne, %rem3A_353, %ne3A_355 : vector<16xi32>
    %and3A_357 = arith.andi %ne3A_351, %ne3A_356 : vector<16xi1>
    %sub3A_358 = arith.constant 1 : i32
    %sub3A_359 = vector.broadcast %sub3A_358 : i32 to vector<16xi32>
    %sub3A_360 = arith.subi %div3A_333, %sub3A_359 : vector<16xi32>
    %select_n3A_361 = arith.select %and3A_357, %sub3A_360, %div3A_333 : vector<16xi1>, vector<16xi32>
    %jit3A_362 = arith.constant 64 : i32
    %eq3A_363 = arith.constant 0 : i32
    %eq3A_364 = arith.cmpi eq, %jit3A_362, %eq3A_363 : i32
    %jit3A_365 = arith.constant 1 : i32
    %select_n3A_366 = arith.select %eq3A_364, %jit3A_365, %jit3A_362 : i32
    %rem3A_367 = vector.broadcast %select_n3A_366 : i32 to vector<16xi32>
    %rem3A_368 = arith.remsi %add3A_328, %rem3A_367 : vector<16xi32>
    %ne3A_369 = arith.constant 0 : i32
    %ne3A_370 = vector.broadcast %ne3A_369 : i32 to vector<16xi32>
    %ne3A_371 = arith.cmpi ne, %rem3A_368, %ne3A_370 : vector<16xi32>
    %lt3A_372 = arith.constant 0 : i32
    %lt3A_373 = vector.broadcast %lt3A_372 : i32 to vector<16xi32>
    %lt3A_374 = arith.cmpi slt, %rem3A_368, %lt3A_373 : vector<16xi32>
    %lt3A_375 = arith.constant 0 : i32
    %lt3A_376 = arith.cmpi slt, %select_n3A_366, %lt3A_375 : i32
    %ne3A_377 = vector.broadcast %lt3A_376 : i1 to vector<16xi1>
    %ne3A_378 = vector.broadcast %ne3A_377 : vector<16xi1> to vector<16xi1>
    %ne3A_379 = arith.xori %lt3A_374, %ne3A_378 : vector<16xi1>
    %and3A_380 = arith.andi %ne3A_379, %ne3A_371 : vector<16xi1>
    %add3A_381 = vector.broadcast %select_n3A_366 : i32 to vector<16xi32>
    %add3A_382 = arith.addi %rem3A_368, %add3A_381 : vector<16xi32>
    %select_n3A_383 = arith.select %and3A_380, %add3A_382, %rem3A_368 : vector<16xi1>, vector<16xi32>
    %broadcast_in_dim3A_384 = arith.constant 5120 : i32
    %broadcast_in_dim3A_385 = vector.broadcast %broadcast_in_dim3A_384 : i32 to vector<16xi32>
    tpu.vector_store_idx %arg10[%select_n3A_361, %select_n3A_383], %broadcast_in_dim3A_385 masked %broadcast_in_dim3A_29 : memref<322x64xi32, #tpu.memory_space<vmem>>[vector<16xi32>, vector<16xi32>], vector<16xi32>, vector<16xi1>
    %add3A_386 = arith.constant 96 : i32
    %add3A_387 = arith.addi %scan3A_27, %add3A_386 : i32
    %add3A_388 = vector.broadcast %add3A_387 : i32 to vector<16xi32>
    %add3A_389 = arith.addi %add3A_388, %iota3A : vector<16xi32>
    %broadcast_in_dim3A_390 = arith.constant 0 : i32
    %broadcast_in_dim3A_391 = vector.broadcast %broadcast_in_dim3A_390 : i32 to vector<16xi32>
    tpu.vector_store_idx %arg9[%add3A_389], %broadcast_in_dim3A_391 masked %broadcast_in_dim3A_29 : memref<20608xi32, #tpu.memory_space<vmem>>[vector<16xi32>], vector<16xi32>, vector<16xi1>
    %jit3A_392 = arith.constant 64 : i32
    %div3A_393 = vector.broadcast %jit3A_392 : i32 to vector<16xi32>
    %div3A_394 = arith.divsi %add3A_389, %div3A_393 : vector<16xi32>
    %sign3A_395 = arith.constant 0 : i32
    %sign3A_396 = vector.broadcast %sign3A_395 : i32 to vector<16xi32>
    %sign3A_397 = arith.cmpi sgt, %add3A_389, %sign3A_396 : vector<16xi32>
    %sign3A_398 = arith.extui %sign3A_397 : vector<16xi1> to vector<16xi32>
    %sign3A_399 = arith.constant 0 : i32
    %sign3A_400 = vector.broadcast %sign3A_399 : i32 to vector<16xi32>
    %sign3A_401 = arith.cmpi slt, %add3A_389, %sign3A_400 : vector<16xi32>
    %sign3A_402 = arith.extui %sign3A_401 : vector<16xi1> to vector<16xi32>
    %sign3A_403 = arith.subi %sign3A_398, %sign3A_402 : vector<16xi32>
    %sign3A_404 = arith.constant 0 : i32
    %sign3A_405 = arith.cmpi sgt, %jit3A_392, %sign3A_404 : i32
    %sign3A_406 = arith.extui %sign3A_405 : i1 to i32
    %sign3A_407 = arith.constant 0 : i32
    %sign3A_408 = arith.cmpi slt, %jit3A_392, %sign3A_407 : i32
    %sign3A_409 = arith.extui %sign3A_408 : i1 to i32
    %sign3A_410 = arith.subi %sign3A_406, %sign3A_409 : i32
    %ne3A_411 = vector.broadcast %sign3A_410 : i32 to vector<16xi32>
    %ne3A_412 = arith.cmpi ne, %sign3A_403, %ne3A_411 : vector<16xi32>
    %rem3A_413 = vector.broadcast %jit3A_392 : i32 to vector<16xi32>
    %rem3A_414 = arith.remsi %add3A_389, %rem3A_413 : vector<16xi32>
    %ne3A_415 = arith.constant 0 : i32
    %ne3A_416 = vector.broadcast %ne3A_415 : i32 to vector<16xi32>
    %ne3A_417 = arith.cmpi ne, %rem3A_414, %ne3A_416 : vector<16xi32>
    %and3A_418 = arith.andi %ne3A_412, %ne3A_417 : vector<16xi1>
    %sub3A_419 = arith.constant 1 : i32
    %sub3A_420 = vector.broadcast %sub3A_419 : i32 to vector<16xi32>
    %sub3A_421 = arith.subi %div3A_394, %sub3A_420 : vector<16xi32>
    %select_n3A_422 = arith.select %and3A_418, %sub3A_421, %div3A_394 : vector<16xi1>, vector<16xi32>
    %jit3A_423 = arith.constant 64 : i32
    %eq3A_424 = arith.constant 0 : i32
    %eq3A_425 = arith.cmpi eq, %jit3A_423, %eq3A_424 : i32
    %jit3A_426 = arith.constant 1 : i32
    %select_n3A_427 = arith.select %eq3A_425, %jit3A_426, %jit3A_423 : i32
    %rem3A_428 = vector.broadcast %select_n3A_427 : i32 to vector<16xi32>
    %rem3A_429 = arith.remsi %add3A_389, %rem3A_428 : vector<16xi32>
    %ne3A_430 = arith.constant 0 : i32
    %ne3A_431 = vector.broadcast %ne3A_430 : i32 to vector<16xi32>
    %ne3A_432 = arith.cmpi ne, %rem3A_429, %ne3A_431 : vector<16xi32>
    %lt3A_433 = arith.constant 0 : i32
    %lt3A_434 = vector.broadcast %lt3A_433 : i32 to vector<16xi32>
    %lt3A_435 = arith.cmpi slt, %rem3A_429, %lt3A_434 : vector<16xi32>
    %lt3A_436 = arith.constant 0 : i32
    %lt3A_437 = arith.cmpi slt, %select_n3A_427, %lt3A_436 : i32
    %ne3A_438 = vector.broadcast %lt3A_437 : i1 to vector<16xi1>
    %ne3A_439 = vector.broadcast %ne3A_438 : vector<16xi1> to vector<16xi1>
    %ne3A_440 = arith.xori %lt3A_435, %ne3A_439 : vector<16xi1>
    %and3A_441 = arith.andi %ne3A_440, %ne3A_432 : vector<16xi1>
    %add3A_442 = vector.broadcast %select_n3A_427 : i32 to vector<16xi32>
    %add3A_443 = arith.addi %rem3A_429, %add3A_442 : vector<16xi32>
    %select_n3A_444 = arith.select %and3A_441, %add3A_443, %rem3A_429 : vector<16xi1>, vector<16xi32>
    %broadcast_in_dim3A_445 = arith.constant 5120 : i32
    %broadcast_in_dim3A_446 = vector.broadcast %broadcast_in_dim3A_445 : i32 to vector<16xi32>
    tpu.vector_store_idx %arg10[%select_n3A_422, %select_n3A_444], %broadcast_in_dim3A_446 masked %broadcast_in_dim3A_29 : memref<322x64xi32, #tpu.memory_space<vmem>>[vector<16xi32>, vector<16xi32>], vector<16xi32>, vector<16xi1>
    %add3A_447 = arith.constant 112 : i32
    %add3A_448 = arith.addi %scan3A_27, %add3A_447 : i32
    %add3A_449 = vector.broadcast %add3A_448 : i32 to vector<16xi32>
    %add3A_450 = arith.addi %add3A_449, %iota3A : vector<16xi32>
    %broadcast_in_dim3A_451 = arith.constant 0 : i32
    %broadcast_in_dim3A_452 = vector.broadcast %broadcast_in_dim3A_451 : i32 to vector<16xi32>
    tpu.vector_store_idx %arg9[%add3A_450], %broadcast_in_dim3A_452 masked %broadcast_in_dim3A_29 : memref<20608xi32, #tpu.memory_space<vmem>>[vector<16xi32>], vector<16xi32>, vector<16xi1>
    %jit3A_453 = arith.constant 64 : i32
    %div3A_454 = vector.broadcast %jit3A_453 : i32 to vector<16xi32>
    %div3A_455 = arith.divsi %add3A_450, %div3A_454 : vector<16xi32>
    %sign3A_456 = arith.constant 0 : i32
    %sign3A_457 = vector.broadcast %sign3A_456 : i32 to vector<16xi32>
    %sign3A_458 = arith.cmpi sgt, %add3A_450, %sign3A_457 : vector<16xi32>
    %sign3A_459 = arith.extui %sign3A_458 : vector<16xi1> to vector<16xi32>
    %sign3A_460 = arith.constant 0 : i32
    %sign3A_461 = vector.broadcast %sign3A_460 : i32 to vector<16xi32>
    %sign3A_462 = arith.cmpi slt, %add3A_450, %sign3A_461 : vector<16xi32>
    %sign3A_463 = arith.extui %sign3A_462 : vector<16xi1> to vector<16xi32>
    %sign3A_464 = arith.subi %sign3A_459, %sign3A_463 : vector<16xi32>
    %sign3A_465 = arith.constant 0 : i32
    %sign3A_466 = arith.cmpi sgt, %jit3A_453, %sign3A_465 : i32
    %sign3A_467 = arith.extui %sign3A_466 : i1 to i32
    %sign3A_468 = arith.constant 0 : i32
    %sign3A_469 = arith.cmpi slt, %jit3A_453, %sign3A_468 : i32
    %sign3A_470 = arith.extui %sign3A_469 : i1 to i32
    %sign3A_471 = arith.subi %sign3A_467, %sign3A_470 : i32
    %ne3A_472 = vector.broadcast %sign3A_471 : i32 to vector<16xi32>
    %ne3A_473 = arith.cmpi ne, %sign3A_464, %ne3A_472 : vector<16xi32>
    %rem3A_474 = vector.broadcast %jit3A_453 : i32 to vector<16xi32>
    %rem3A_475 = arith.remsi %add3A_450, %rem3A_474 : vector<16xi32>
    %ne3A_476 = arith.constant 0 : i32
    %ne3A_477 = vector.broadcast %ne3A_476 : i32 to vector<16xi32>
    %ne3A_478 = arith.cmpi ne, %rem3A_475, %ne3A_477 : vector<16xi32>
    %and3A_479 = arith.andi %ne3A_473, %ne3A_478 : vector<16xi1>
    %sub3A_480 = arith.constant 1 : i32
    %sub3A_481 = vector.broadcast %sub3A_480 : i32 to vector<16xi32>
    %sub3A_482 = arith.subi %div3A_455, %sub3A_481 : vector<16xi32>
    %select_n3A_483 = arith.select %and3A_479, %sub3A_482, %div3A_455 : vector<16xi1>, vector<16xi32>
    %jit3A_484 = arith.constant 64 : i32
    %eq3A_485 = arith.constant 0 : i32
    %eq3A_486 = arith.cmpi eq, %jit3A_484, %eq3A_485 : i32
    %jit3A_487 = arith.constant 1 : i32
    %select_n3A_488 = arith.select %eq3A_486, %jit3A_487, %jit3A_484 : i32
    %rem3A_489 = vector.broadcast %select_n3A_488 : i32 to vector<16xi32>
    %rem3A_490 = arith.remsi %add3A_450, %rem3A_489 : vector<16xi32>
    %ne3A_491 = arith.constant 0 : i32
    %ne3A_492 = vector.broadcast %ne3A_491 : i32 to vector<16xi32>
    %ne3A_493 = arith.cmpi ne, %rem3A_490, %ne3A_492 : vector<16xi32>
    %lt3A_494 = arith.constant 0 : i32
    %lt3A_495 = vector.broadcast %lt3A_494 : i32 to vector<16xi32>
    %lt3A_496 = arith.cmpi slt, %rem3A_490, %lt3A_495 : vector<16xi32>
    %lt3A_497 = arith.constant 0 : i32
    %lt3A_498 = arith.cmpi slt, %select_n3A_488, %lt3A_497 : i32
    %ne3A_499 = vector.broadcast %lt3A_498 : i1 to vector<16xi1>
    %ne3A_500 = vector.broadcast %ne3A_499 : vector<16xi1> to vector<16xi1>
    %ne3A_501 = arith.xori %lt3A_496, %ne3A_500 : vector<16xi1>
    %and3A_502 = arith.andi %ne3A_501, %ne3A_493 : vector<16xi1>
    %add3A_503 = vector.broadcast %select_n3A_488 : i32 to vector<16xi32>
    %add3A_504 = arith.addi %rem3A_490, %add3A_503 : vector<16xi32>
    %select_n3A_505 = arith.select %and3A_502, %add3A_504, %rem3A_490 : vector<16xi1>, vector<16xi32>
    %broadcast_in_dim3A_506 = arith.constant 5120 : i32
    %broadcast_in_dim3A_507 = vector.broadcast %broadcast_in_dim3A_506 : i32 to vector<16xi32>
    tpu.vector_store_idx %arg10[%select_n3A_483, %select_n3A_505], %broadcast_in_dim3A_507 masked %broadcast_in_dim3A_29 : memref<322x64xi32, #tpu.memory_space<vmem>>[vector<16xi32>, vector<16xi32>], vector<16xi32>, vector<16xi1>
    %barrier3A = arith.constant 0 : index
    tpu.barrier barrier_id(%barrier3A)
    %add3A_508 = arith.constant 128 : i32
    %add3A_509 = arith.addi %scan3A_27, %add3A_508 : i32
    %sub3A_510 = arith.constant 1 : i32
    %sub3A_511 = arith.subi %add3A_509, %sub3A_510 : i32
    %jit3A_512 = arith.constant 128 : i32
    %div3A_513 = arith.divsi %sub3A_511, %jit3A_512 : i32
    %sign3A_514 = arith.constant 0 : i32
    %sign3A_515 = arith.cmpi sgt, %sub3A_511, %sign3A_514 : i32
    %sign3A_516 = arith.extui %sign3A_515 : i1 to i32
    %sign3A_517 = arith.constant 0 : i32
    %sign3A_518 = arith.cmpi slt, %sub3A_511, %sign3A_517 : i32
    %sign3A_519 = arith.extui %sign3A_518 : i1 to i32
    %sign3A_520 = arith.subi %sign3A_516, %sign3A_519 : i32
    %sign3A_521 = arith.constant 0 : i32
    %sign3A_522 = arith.cmpi sgt, %jit3A_512, %sign3A_521 : i32
    %sign3A_523 = arith.extui %sign3A_522 : i1 to i32
    %sign3A_524 = arith.constant 0 : i32
    %sign3A_525 = arith.cmpi slt, %jit3A_512, %sign3A_524 : i32
    %sign3A_526 = arith.extui %sign3A_525 : i1 to i32
    %sign3A_527 = arith.subi %sign3A_523, %sign3A_526 : i32
    %ne3A_528 = arith.cmpi ne, %sign3A_520, %sign3A_527 : i32
    %rem3A_529 = arith.remsi %sub3A_511, %jit3A_512 : i32
    %ne3A_530 = arith.constant 0 : i32
    %ne3A_531 = arith.cmpi ne, %rem3A_529, %ne3A_530 : i32
    %and3A_532 = arith.andi %ne3A_528, %ne3A_531 : i1
    %sub3A_533 = arith.constant 1 : i32
    %sub3A_534 = arith.subi %div3A_513, %sub3A_533 : i32
    %select_n3A_535 = arith.select %and3A_532, %sub3A_534, %div3A_513 : i32
    %max3A = arith.constant 1 : i32
    %max3A_536 = arith.maxsi %select_n3A_535, %max3A : i32
    %dma_start3A = arith.constant 0 : i32
    %dma_start3A_537 = arith.constant 0 : i32
    %dma_start3A_538 = arith.constant 0 : i32
    %dma_start3A_539 = tpu.memref_slice %arg11[%dma_start3A, %dma_start3A_537, %dma_start3A_538] : memref<2x64x128xf32, #tpu.memory_space<vmem>> -> memref<1x64x128xf32, #tpu.memory_space<vmem>>
    %dma_start3A_540 = tpu.memref_squeeze %dma_start3A_539 : memref<1x64x128xf32, #tpu.memory_space<vmem>> -> memref<64x128xf32, #tpu.memory_space<vmem>>
    %dma_start3A_541 = arith.constant 0 : i32
    %dma_start3A_542 = tpu.memref_slice %arg9[%dma_start3A_541] : memref<20608xi32, #tpu.memory_space<vmem>> -> memref<64xi32, #tpu.memory_space<vmem>>
    %dma_start3A_543 = arith.constant 0 : i32
    %dma_start3A_544 = arith.constant 0 : i32
    %dma_start3A_545 = tpu.memref_slice %arg2[%dma_start3A_543, %dma_start3A_544] : memref<10000x128xf32, #tpu.memory_space<hbm>> -> memref<10000x128xf32, #tpu.memory_space<hbm>>
    tpu.enqueue_indirect_dma source(%dma_start3A_545 : memref<10000x128xf32, #tpu.memory_space<hbm>>) target(%dma_start3A_540 : memref<64x128xf32, #tpu.memory_space<vmem>>) offsets(%dma_start3A_542 : memref<64xi32, #tpu.memory_space<vmem>>) semaphore(%arg13 : memref<!tpu.dma_semaphore, #tpu.memory_space<semaphore_mem>>)
    %dma_start3A_546 = arith.constant 1 : i32
    %dma_start3A_547 = arith.constant 0 : i32
    %dma_start3A_548 = arith.constant 0 : i32
    %dma_start3A_549 = tpu.memref_slice %arg11[%dma_start3A_546, %dma_start3A_547, %dma_start3A_548] : memref<2x64x128xf32, #tpu.memory_space<vmem>> -> memref<1x64x128xf32, #tpu.memory_space<vmem>>
    %dma_start3A_550 = tpu.memref_squeeze %dma_start3A_549 : memref<1x64x128xf32, #tpu.memory_space<vmem>> -> memref<64x128xf32, #tpu.memory_space<vmem>>
    %dma_start3A_551 = arith.constant 64 : i32
    %dma_start3A_552 = tpu.memref_slice %arg9[%dma_start3A_551] : memref<20608xi32, #tpu.memory_space<vmem>> -> memref<64xi32, #tpu.memory_space<vmem>>
    %dma_start3A_553 = arith.constant 0 : i32
    %dma_start3A_554 = arith.constant 0 : i32
    %dma_start3A_555 = tpu.memref_slice %arg2[%dma_start3A_553, %dma_start3A_554] : memref<10000x128xf32, #tpu.memory_space<hbm>> -> memref<10000x128xf32, #tpu.memory_space<hbm>>
    tpu.enqueue_indirect_dma source(%dma_start3A_555 : memref<10000x128xf32, #tpu.memory_space<hbm>>) target(%dma_start3A_550 : memref<64x128xf32, #tpu.memory_space<vmem>>) offsets(%dma_start3A_552 : memref<64xi32, #tpu.memory_space<vmem>>) semaphore(%arg14 : memref<!tpu.dma_semaphore, #tpu.memory_space<semaphore_mem>>)
    %while3A = arith.constant 0 : i32
    %while3A_556 = arith.subi %max3A_536, %while3A : i32
    %while3A_557 = arith.addi %while3A, %while3A_556 : i32
    %while3A_558 = arith.constant 1 : i32
    %while3A_559 = arith.divsi %while3A_556, %while3A_558 : i32
    %while3A_560 = arith.muli %while3A_559, %while3A_558 : i32
    %while3A_561 = arith.addi %while3A, %while3A_560 : i32
    %while3A_562 = arith.constant 1 : i32
    scf.for %while3A_569 = %while3A to %while3A_561 step %while3A_562  : i32 {
      %mul3A_570 = arith.constant 2 : i32
      %mul3A_571 = arith.muli %mul3A_570, %while3A_569 : i32
      %add3A_572 = arith.constant 0 : i32
      %add3A_573 = arith.addi %mul3A_571, %add3A_572 : i32
      %mul3A_574 = arith.constant 64 : i32
      %mul3A_575 = arith.muli %add3A_573, %mul3A_574 : i32
      %dma_wait3A = arith.constant 0 : i32
      %dma_wait3A_576 = arith.constant 0 : i32
      %dma_wait3A_577 = arith.constant 0 : i32
      %dma_wait3A_578 = tpu.memref_slice %arg11[%dma_wait3A, %dma_wait3A_576, %dma_wait3A_577] : memref<2x64x128xf32, #tpu.memory_space<vmem>> -> memref<1x64x128xf32, #tpu.memory_space<vmem>>
      %dma_wait3A_579 = tpu.memref_squeeze %dma_wait3A_578 : memref<1x64x128xf32, #tpu.memory_space<vmem>> -> memref<64x128xf32, #tpu.memory_space<vmem>>
      %dma_wait3A_580 = tpu.memref_slice %arg9[%mul3A_575] : memref<20608xi32, #tpu.memory_space<vmem>> -> memref<64xi32, #tpu.memory_space<vmem>>
      %dma_wait3A_581 = arith.constant 0 : i32
      %dma_wait3A_582 = arith.constant 0 : i32
      %dma_wait3A_583 = tpu.memref_slice %arg2[%dma_wait3A_581, %dma_wait3A_582] : memref<10000x128xf32, #tpu.memory_space<hbm>> -> memref<10000x128xf32, #tpu.memory_space<hbm>>
      tpu.wait_indirect_dma semaphore(%arg13 : memref<!tpu.dma_semaphore, #tpu.memory_space<semaphore_mem>>) src(%dma_wait3A_583 : memref<10000x128xf32, #tpu.memory_space<hbm>>) dst(%dma_wait3A_579 : memref<64x128xf32, #tpu.memory_space<vmem>>)
      %run_scoped3A = arith.constant 0 : i32
      "tpu.region"() ({
        %run_scoped3A_612 = tpu.sem_alloc : memref<!tpu.dma_semaphore, #tpu.memory_space<semaphore_mem>>
        %dma_start3A_613 = arith.constant 0 : i32
        %dma_start3A_614 = arith.constant 0 : i32
        %dma_start3A_615 = tpu.memref_slice %arg11[%run_scoped3A, %dma_start3A_613, %dma_start3A_614] : memref<2x64x128xf32, #tpu.memory_space<vmem>> -> memref<1x64x128xf32, #tpu.memory_space<vmem>>
        %dma_start3A_616 = tpu.memref_squeeze %dma_start3A_615 : memref<1x64x128xf32, #tpu.memory_space<vmem>> -> memref<64x128xf32, #tpu.memory_space<vmem>>
        %dma_start3A_617 = arith.constant 0 : i32
        %dma_start3A_618 = tpu.memref_slice %arg10[%add3A_573, %dma_start3A_617] : memref<322x64xi32, #tpu.memory_space<vmem>> -> memref<1x64xi32, #tpu.memory_space<vmem>>
        %dma_start3A_619 = tpu.memref_squeeze %dma_start3A_618 : memref<1x64xi32, #tpu.memory_space<vmem>> -> memref<64xi32, #tpu.memory_space<vmem>>
        %dma_start3A_620 = arith.constant 0 : i32
        %dma_start3A_621 = arith.constant 0 : i32
        %dma_start3A_622 = tpu.memref_slice %arg12[%dma_start3A_620, %dma_start3A_621] : memref<5128x128xf32, #tpu.memory_space<vmem_shared>> -> memref<5128x128xf32, #tpu.memory_space<vmem_shared>>
        tpu.enqueue_indirect_dma source(%dma_start3A_616 : memref<64x128xf32, #tpu.memory_space<vmem>>) target(%dma_start3A_622 : memref<5128x128xf32, #tpu.memory_space<vmem_shared>>) offsets(%dma_start3A_619 : memref<64xi32, #tpu.memory_space<vmem>>) semaphore(%run_scoped3A_612 : memref<!tpu.dma_semaphore, #tpu.memory_space<semaphore_mem>>) {add = true}
        %dma_wait3A_623 = arith.constant 0 : i32
        %dma_wait3A_624 = arith.constant 0 : i32
        %dma_wait3A_625 = tpu.memref_slice %arg11[%run_scoped3A, %dma_wait3A_623, %dma_wait3A_624] : memref<2x64x128xf32, #tpu.memory_space<vmem>> -> memref<1x64x128xf32, #tpu.memory_space<vmem>>
        %dma_wait3A_626 = tpu.memref_squeeze %dma_wait3A_625 : memref<1x64x128xf32, #tpu.memory_space<vmem>> -> memref<64x128xf32, #tpu.memory_space<vmem>>
        %dma_wait3A_627 = arith.constant 0 : i32
        %dma_wait3A_628 = tpu.memref_slice %arg10[%add3A_573, %dma_wait3A_627] : memref<322x64xi32, #tpu.memory_space<vmem>> -> memref<1x64xi32, #tpu.memory_space<vmem>>
        %dma_wait3A_629 = tpu.memref_squeeze %dma_wait3A_628 : memref<1x64xi32, #tpu.memory_space<vmem>> -> memref<64xi32, #tpu.memory_space<vmem>>
        %dma_wait3A_630 = arith.constant 0 : i32
        %dma_wait3A_631 = arith.constant 0 : i32
        %dma_wait3A_632 = tpu.memref_slice %arg12[%dma_wait3A_630, %dma_wait3A_631] : memref<5128x128xf32, #tpu.memory_space<vmem_shared>> -> memref<5128x128xf32, #tpu.memory_space<vmem_shared>>
        tpu.wait_indirect_dma semaphore(%run_scoped3A_612 : memref<!tpu.dma_semaphore, #tpu.memory_space<semaphore_mem>>) src(%dma_wait3A_626 : memref<64x128xf32, #tpu.memory_space<vmem>>) dst(%dma_wait3A_632 : memref<5128x128xf32, #tpu.memory_space<vmem_shared>>)
        tpu.yield
      }) : () -> ()
      %sub3A_584 = arith.constant 1 : i32
      %sub3A_585 = arith.subi %max3A_536, %sub3A_584 : i32
      %lt3A_586 = arith.cmpi slt, %while3A_569, %sub3A_585 : i32
      %convert_element_type3A_587 = arith.extui %lt3A_586 : i1 to i32
      %cond3A_588 = arith.constant 0 : i32
      %cond3A_589 = arith.cmpi ne, %convert_element_type3A_587, %cond3A_588 : i32
      scf.if %cond3A_589 {
        %add3A_612 = arith.constant 2 : i32
        %add3A_613 = arith.addi %add3A_573, %add3A_612 : i32
        %mul3A_614 = arith.constant 64 : i32
        %mul3A_615 = arith.muli %add3A_613, %mul3A_614 : i32
        %dma_start3A_616 = arith.constant 0 : i32
        %dma_start3A_617 = arith.constant 0 : i32
        %dma_start3A_618 = arith.constant 0 : i32
        %dma_start3A_619 = tpu.memref_slice %arg11[%dma_start3A_616, %dma_start3A_617, %dma_start3A_618] : memref<2x64x128xf32, #tpu.memory_space<vmem>> -> memref<1x64x128xf32, #tpu.memory_space<vmem>>
        %dma_start3A_620 = tpu.memref_squeeze %dma_start3A_619 : memref<1x64x128xf32, #tpu.memory_space<vmem>> -> memref<64x128xf32, #tpu.memory_space<vmem>>
        %dma_start3A_621 = tpu.memref_slice %arg9[%mul3A_615] : memref<20608xi32, #tpu.memory_space<vmem>> -> memref<64xi32, #tpu.memory_space<vmem>>
        %dma_start3A_622 = arith.constant 0 : i32
        %dma_start3A_623 = arith.constant 0 : i32
        %dma_start3A_624 = tpu.memref_slice %arg2[%dma_start3A_622, %dma_start3A_623] : memref<10000x128xf32, #tpu.memory_space<hbm>> -> memref<10000x128xf32, #tpu.memory_space<hbm>>
        tpu.enqueue_indirect_dma source(%dma_start3A_624 : memref<10000x128xf32, #tpu.memory_space<hbm>>) target(%dma_start3A_620 : memref<64x128xf32, #tpu.memory_space<vmem>>) offsets(%dma_start3A_621 : memref<64xi32, #tpu.memory_space<vmem>>) semaphore(%arg13 : memref<!tpu.dma_semaphore, #tpu.memory_space<semaphore_mem>>)
      } else {
      }
      %mul3A_590 = arith.constant 2 : i32
      %mul3A_591 = arith.muli %mul3A_590, %while3A_569 : i32
      %add3A_592 = arith.constant 1 : i32
      %add3A_593 = arith.addi %mul3A_591, %add3A_592 : i32
      %mul3A_594 = arith.constant 64 : i32
      %mul3A_595 = arith.muli %add3A_593, %mul3A_594 : i32
      %dma_wait3A_596 = arith.constant 1 : i32
      %dma_wait3A_597 = arith.constant 0 : i32
      %dma_wait3A_598 = arith.constant 0 : i32
      %dma_wait3A_599 = tpu.memref_slice %arg11[%dma_wait3A_596, %dma_wait3A_597, %dma_wait3A_598] : memref<2x64x128xf32, #tpu.memory_space<vmem>> -> memref<1x64x128xf32, #tpu.memory_space<vmem>>
      %dma_wait3A_600 = tpu.memref_squeeze %dma_wait3A_599 : memref<1x64x128xf32, #tpu.memory_space<vmem>> -> memref<64x128xf32, #tpu.memory_space<vmem>>
      %dma_wait3A_601 = tpu.memref_slice %arg9[%mul3A_595] : memref<20608xi32, #tpu.memory_space<vmem>> -> memref<64xi32, #tpu.memory_space<vmem>>
      %dma_wait3A_602 = arith.constant 0 : i32
      %dma_wait3A_603 = arith.constant 0 : i32
      %dma_wait3A_604 = tpu.memref_slice %arg2[%dma_wait3A_602, %dma_wait3A_603] : memref<10000x128xf32, #tpu.memory_space<hbm>> -> memref<10000x128xf32, #tpu.memory_space<hbm>>
      tpu.wait_indirect_dma semaphore(%arg14 : memref<!tpu.dma_semaphore, #tpu.memory_space<semaphore_mem>>) src(%dma_wait3A_604 : memref<10000x128xf32, #tpu.memory_space<hbm>>) dst(%dma_wait3A_600 : memref<64x128xf32, #tpu.memory_space<vmem>>)
      %run_scoped3A_605 = arith.constant 1 : i32
      "tpu.region"() ({
        %run_scoped3A_612 = tpu.sem_alloc : memref<!tpu.dma_semaphore, #tpu.memory_space<semaphore_mem>>
        %dma_start3A_613 = arith.constant 0 : i32
        %dma_start3A_614 = arith.constant 0 : i32
        %dma_start3A_615 = tpu.memref_slice %arg11[%run_scoped3A_605, %dma_start3A_613, %dma_start3A_614] : memref<2x64x128xf32, #tpu.memory_space<vmem>> -> memref<1x64x128xf32, #tpu.memory_space<vmem>>
        %dma_start3A_616 = tpu.memref_squeeze %dma_start3A_615 : memref<1x64x128xf32, #tpu.memory_space<vmem>> -> memref<64x128xf32, #tpu.memory_space<vmem>>
        %dma_start3A_617 = arith.constant 0 : i32
        %dma_start3A_618 = tpu.memref_slice %arg10[%add3A_593, %dma_start3A_617] : memref<322x64xi32, #tpu.memory_space<vmem>> -> memref<1x64xi32, #tpu.memory_space<vmem>>
        %dma_start3A_619 = tpu.memref_squeeze %dma_start3A_618 : memref<1x64xi32, #tpu.memory_space<vmem>> -> memref<64xi32, #tpu.memory_space<vmem>>
        %dma_start3A_620 = arith.constant 0 : i32
        %dma_start3A_621 = arith.constant 0 : i32
        %dma_start3A_622 = tpu.memref_slice %arg12[%dma_start3A_620, %dma_start3A_621] : memref<5128x128xf32, #tpu.memory_space<vmem_shared>> -> memref<5128x128xf32, #tpu.memory_space<vmem_shared>>
        tpu.enqueue_indirect_dma source(%dma_start3A_616 : memref<64x128xf32, #tpu.memory_space<vmem>>) target(%dma_start3A_622 : memref<5128x128xf32, #tpu.memory_space<vmem_shared>>) offsets(%dma_start3A_619 : memref<64xi32, #tpu.memory_space<vmem>>) semaphore(%run_scoped3A_612 : memref<!tpu.dma_semaphore, #tpu.memory_space<semaphore_mem>>) {add = true}
        %dma_wait3A_623 = arith.constant 0 : i32
        %dma_wait3A_624 = arith.constant 0 : i32
        %dma_wait3A_625 = tpu.memref_slice %arg11[%run_scoped3A_605, %dma_wait3A_623, %dma_wait3A_624] : memref<2x64x128xf32, #tpu.memory_space<vmem>> -> memref<1x64x128xf32, #tpu.memory_space<vmem>>
        %dma_wait3A_626 = tpu.memref_squeeze %dma_wait3A_625 : memref<1x64x128xf32, #tpu.memory_space<vmem>> -> memref<64x128xf32, #tpu.memory_space<vmem>>
        %dma_wait3A_627 = arith.constant 0 : i32
        %dma_wait3A_628 = tpu.memref_slice %arg10[%add3A_593, %dma_wait3A_627] : memref<322x64xi32, #tpu.memory_space<vmem>> -> memref<1x64xi32, #tpu.memory_space<vmem>>
        %dma_wait3A_629 = tpu.memref_squeeze %dma_wait3A_628 : memref<1x64xi32, #tpu.memory_space<vmem>> -> memref<64xi32, #tpu.memory_space<vmem>>
        %dma_wait3A_630 = arith.constant 0 : i32
        %dma_wait3A_631 = arith.constant 0 : i32
        %dma_wait3A_632 = tpu.memref_slice %arg12[%dma_wait3A_630, %dma_wait3A_631] : memref<5128x128xf32, #tpu.memory_space<vmem_shared>> -> memref<5128x128xf32, #tpu.memory_space<vmem_shared>>
        tpu.wait_indirect_dma semaphore(%run_scoped3A_612 : memref<!tpu.dma_semaphore, #tpu.memory_space<semaphore_mem>>) src(%dma_wait3A_626 : memref<64x128xf32, #tpu.memory_space<vmem>>) dst(%dma_wait3A_632 : memref<5128x128xf32, #tpu.memory_space<vmem_shared>>)
        tpu.yield
      }) : () -> ()
      %sub3A_606 = arith.constant 1 : i32
      %sub3A_607 = arith.subi %max3A_536, %sub3A_606 : i32
      %lt3A_608 = arith.cmpi slt, %while3A_569, %sub3A_607 : i32
      %convert_element_type3A_609 = arith.extui %lt3A_608 : i1 to i32
      %cond3A_610 = arith.constant 0 : i32
      %cond3A_611 = arith.cmpi ne, %convert_element_type3A_609, %cond3A_610 : i32
      scf.if %cond3A_611 {
        %add3A_612 = arith.constant 2 : i32
        %add3A_613 = arith.addi %add3A_593, %add3A_612 : i32
        %mul3A_614 = arith.constant 64 : i32
        %mul3A_615 = arith.muli %add3A_613, %mul3A_614 : i32
        %dma_start3A_616 = arith.constant 1 : i32
        %dma_start3A_617 = arith.constant 0 : i32
        %dma_start3A_618 = arith.constant 0 : i32
        %dma_start3A_619 = tpu.memref_slice %arg11[%dma_start3A_616, %dma_start3A_617, %dma_start3A_618] : memref<2x64x128xf32, #tpu.memory_space<vmem>> -> memref<1x64x128xf32, #tpu.memory_space<vmem>>
        %dma_start3A_620 = tpu.memref_squeeze %dma_start3A_619 : memref<1x64x128xf32, #tpu.memory_space<vmem>> -> memref<64x128xf32, #tpu.memory_space<vmem>>
        %dma_start3A_621 = tpu.memref_slice %arg9[%mul3A_615] : memref<20608xi32, #tpu.memory_space<vmem>> -> memref<64xi32, #tpu.memory_space<vmem>>
        %dma_start3A_622 = arith.constant 0 : i32
        %dma_start3A_623 = arith.constant 0 : i32
        %dma_start3A_624 = tpu.memref_slice %arg2[%dma_start3A_622, %dma_start3A_623] : memref<10000x128xf32, #tpu.memory_space<hbm>> -> memref<10000x128xf32, #tpu.memory_space<hbm>>
        tpu.enqueue_indirect_dma source(%dma_start3A_624 : memref<10000x128xf32, #tpu.memory_space<hbm>>) target(%dma_start3A_620 : memref<64x128xf32, #tpu.memory_space<vmem>>) offsets(%dma_start3A_621 : memref<64xi32, #tpu.memory_space<vmem>>) semaphore(%arg14 : memref<!tpu.dma_semaphore, #tpu.memory_space<semaphore_mem>>)
      } else {
      }
    }
    %while3A_563 = arith.constant 1 : i32
    scf.for %while3A_569 = %while3A_561 to %while3A_557 step %while3A_563  : i32 {
      %mul3A_570 = arith.constant 2 : i32
      %mul3A_571 = arith.muli %mul3A_570, %while3A_569 : i32
      %add3A_572 = arith.constant 0 : i32
      %add3A_573 = arith.addi %mul3A_571, %add3A_572 : i32
      %mul3A_574 = arith.constant 64 : i32
      %mul3A_575 = arith.muli %add3A_573, %mul3A_574 : i32
      %dma_wait3A = arith.constant 0 : i32
      %dma_wait3A_576 = arith.constant 0 : i32
      %dma_wait3A_577 = arith.constant 0 : i32
      %dma_wait3A_578 = tpu.memref_slice %arg11[%dma_wait3A, %dma_wait3A_576, %dma_wait3A_577] : memref<2x64x128xf32, #tpu.memory_space<vmem>> -> memref<1x64x128xf32, #tpu.memory_space<vmem>>
      %dma_wait3A_579 = tpu.memref_squeeze %dma_wait3A_578 : memref<1x64x128xf32, #tpu.memory_space<vmem>> -> memref<64x128xf32, #tpu.memory_space<vmem>>
      %dma_wait3A_580 = tpu.memref_slice %arg9[%mul3A_575] : memref<20608xi32, #tpu.memory_space<vmem>> -> memref<64xi32, #tpu.memory_space<vmem>>
      %dma_wait3A_581 = arith.constant 0 : i32
      %dma_wait3A_582 = arith.constant 0 : i32
      %dma_wait3A_583 = tpu.memref_slice %arg2[%dma_wait3A_581, %dma_wait3A_582] : memref<10000x128xf32, #tpu.memory_space<hbm>> -> memref<10000x128xf32, #tpu.memory_space<hbm>>
      tpu.wait_indirect_dma semaphore(%arg13 : memref<!tpu.dma_semaphore, #tpu.memory_space<semaphore_mem>>) src(%dma_wait3A_583 : memref<10000x128xf32, #tpu.memory_space<hbm>>) dst(%dma_wait3A_579 : memref<64x128xf32, #tpu.memory_space<vmem>>)
      %run_scoped3A = arith.constant 0 : i32
      "tpu.region"() ({
        %run_scoped3A_612 = tpu.sem_alloc : memref<!tpu.dma_semaphore, #tpu.memory_space<semaphore_mem>>
        %dma_start3A_613 = arith.constant 0 : i32
        %dma_start3A_614 = arith.constant 0 : i32
        %dma_start3A_615 = tpu.memref_slice %arg11[%run_scoped3A, %dma_start3A_613, %dma_start3A_614] : memref<2x64x128xf32, #tpu.memory_space<vmem>> -> memref<1x64x128xf32, #tpu.memory_space<vmem>>
        %dma_start3A_616 = tpu.memref_squeeze %dma_start3A_615 : memref<1x64x128xf32, #tpu.memory_space<vmem>> -> memref<64x128xf32, #tpu.memory_space<vmem>>
        %dma_start3A_617 = arith.constant 0 : i32
        %dma_start3A_618 = tpu.memref_slice %arg10[%add3A_573, %dma_start3A_617] : memref<322x64xi32, #tpu.memory_space<vmem>> -> memref<1x64xi32, #tpu.memory_space<vmem>>
        %dma_start3A_619 = tpu.memref_squeeze %dma_start3A_618 : memref<1x64xi32, #tpu.memory_space<vmem>> -> memref<64xi32, #tpu.memory_space<vmem>>
        %dma_start3A_620 = arith.constant 0 : i32
        %dma_start3A_621 = arith.constant 0 : i32
        %dma_start3A_622 = tpu.memref_slice %arg12[%dma_start3A_620, %dma_start3A_621] : memref<5128x128xf32, #tpu.memory_space<vmem_shared>> -> memref<5128x128xf32, #tpu.memory_space<vmem_shared>>
        tpu.enqueue_indirect_dma source(%dma_start3A_616 : memref<64x128xf32, #tpu.memory_space<vmem>>) target(%dma_start3A_622 : memref<5128x128xf32, #tpu.memory_space<vmem_shared>>) offsets(%dma_start3A_619 : memref<64xi32, #tpu.memory_space<vmem>>) semaphore(%run_scoped3A_612 : memref<!tpu.dma_semaphore, #tpu.memory_space<semaphore_mem>>) {add = true}
        %dma_wait3A_623 = arith.constant 0 : i32
        %dma_wait3A_624 = arith.constant 0 : i32
        %dma_wait3A_625 = tpu.memref_slice %arg11[%run_scoped3A, %dma_wait3A_623, %dma_wait3A_624] : memref<2x64x128xf32, #tpu.memory_space<vmem>> -> memref<1x64x128xf32, #tpu.memory_space<vmem>>
        %dma_wait3A_626 = tpu.memref_squeeze %dma_wait3A_625 : memref<1x64x128xf32, #tpu.memory_space<vmem>> -> memref<64x128xf32, #tpu.memory_space<vmem>>
        %dma_wait3A_627 = arith.constant 0 : i32
        %dma_wait3A_628 = tpu.memref_slice %arg10[%add3A_573, %dma_wait3A_627] : memref<322x64xi32, #tpu.memory_space<vmem>> -> memref<1x64xi32, #tpu.memory_space<vmem>>
        %dma_wait3A_629 = tpu.memref_squeeze %dma_wait3A_628 : memref<1x64xi32, #tpu.memory_space<vmem>> -> memref<64xi32, #tpu.memory_space<vmem>>
        %dma_wait3A_630 = arith.constant 0 : i32
        %dma_wait3A_631 = arith.constant 0 : i32
        %dma_wait3A_632 = tpu.memref_slice %arg12[%dma_wait3A_630, %dma_wait3A_631] : memref<5128x128xf32, #tpu.memory_space<vmem_shared>> -> memref<5128x128xf32, #tpu.memory_space<vmem_shared>>
        tpu.wait_indirect_dma semaphore(%run_scoped3A_612 : memref<!tpu.dma_semaphore, #tpu.memory_space<semaphore_mem>>) src(%dma_wait3A_626 : memref<64x128xf32, #tpu.memory_space<vmem>>) dst(%dma_wait3A_632 : memref<5128x128xf32, #tpu.memory_space<vmem_shared>>)
        tpu.yield
      }) : () -> ()
      %sub3A_584 = arith.constant 1 : i32
      %sub3A_585 = arith.subi %max3A_536, %sub3A_584 : i32
      %lt3A_586 = arith.cmpi slt, %while3A_569, %sub3A_585 : i32
      %convert_element_type3A_587 = arith.extui %lt3A_586 : i1 to i32
      %cond3A_588 = arith.constant 0 : i32
      %cond3A_589 = arith.cmpi ne, %convert_element_type3A_587, %cond3A_588 : i32
      scf.if %cond3A_589 {
        %add3A_612 = arith.constant 2 : i32
        %add3A_613 = arith.addi %add3A_573, %add3A_612 : i32
        %mul3A_614 = arith.constant 64 : i32
        %mul3A_615 = arith.muli %add3A_613, %mul3A_614 : i32
        %dma_start3A_616 = arith.constant 0 : i32
        %dma_start3A_617 = arith.constant 0 : i32
        %dma_start3A_618 = arith.constant 0 : i32
        %dma_start3A_619 = tpu.memref_slice %arg11[%dma_start3A_616, %dma_start3A_617, %dma_start3A_618] : memref<2x64x128xf32, #tpu.memory_space<vmem>> -> memref<1x64x128xf32, #tpu.memory_space<vmem>>
        %dma_start3A_620 = tpu.memref_squeeze %dma_start3A_619 : memref<1x64x128xf32, #tpu.memory_space<vmem>> -> memref<64x128xf32, #tpu.memory_space<vmem>>
        %dma_start3A_621 = tpu.memref_slice %arg9[%mul3A_615] : memref<20608xi32, #tpu.memory_space<vmem>> -> memref<64xi32, #tpu.memory_space<vmem>>
        %dma_start3A_622 = arith.constant 0 : i32
        %dma_start3A_623 = arith.constant 0 : i32
        %dma_start3A_624 = tpu.memref_slice %arg2[%dma_start3A_622, %dma_start3A_623] : memref<10000x128xf32, #tpu.memory_space<hbm>> -> memref<10000x128xf32, #tpu.memory_space<hbm>>
        tpu.enqueue_indirect_dma source(%dma_start3A_624 : memref<10000x128xf32, #tpu.memory_space<hbm>>) target(%dma_start3A_620 : memref<64x128xf32, #tpu.memory_space<vmem>>) offsets(%dma_start3A_621 : memref<64xi32, #tpu.memory_space<vmem>>) semaphore(%arg13 : memref<!tpu.dma_semaphore, #tpu.memory_space<semaphore_mem>>)
      } else {
      }
      %mul3A_590 = arith.constant 2 : i32
      %mul3A_591 = arith.muli %mul3A_590, %while3A_569 : i32
      %add3A_592 = arith.constant 1 : i32
      %add3A_593 = arith.addi %mul3A_591, %add3A_592 : i32
      %mul3A_594 = arith.constant 64 : i32
      %mul3A_595 = arith.muli %add3A_593, %mul3A_594 : i32
      %dma_wait3A_596 = arith.constant 1 : i32
      %dma_wait3A_597 = arith.constant 0 : i32
      %dma_wait3A_598 = arith.constant 0 : i32
      %dma_wait3A_599 = tpu.memref_slice %arg11[%dma_wait3A_596, %dma_wait3A_597, %dma_wait3A_598] : memref<2x64x128xf32, #tpu.memory_space<vmem>> -> memref<1x64x128xf32, #tpu.memory_space<vmem>>
      %dma_wait3A_600 = tpu.memref_squeeze %dma_wait3A_599 : memref<1x64x128xf32, #tpu.memory_space<vmem>> -> memref<64x128xf32, #tpu.memory_space<vmem>>
      %dma_wait3A_601 = tpu.memref_slice %arg9[%mul3A_595] : memref<20608xi32, #tpu.memory_space<vmem>> -> memref<64xi32, #tpu.memory_space<vmem>>
      %dma_wait3A_602 = arith.constant 0 : i32
      %dma_wait3A_603 = arith.constant 0 : i32
      %dma_wait3A_604 = tpu.memref_slice %arg2[%dma_wait3A_602, %dma_wait3A_603] : memref<10000x128xf32, #tpu.memory_space<hbm>> -> memref<10000x128xf32, #tpu.memory_space<hbm>>
      tpu.wait_indirect_dma semaphore(%arg14 : memref<!tpu.dma_semaphore, #tpu.memory_space<semaphore_mem>>) src(%dma_wait3A_604 : memref<10000x128xf32, #tpu.memory_space<hbm>>) dst(%dma_wait3A_600 : memref<64x128xf32, #tpu.memory_space<vmem>>)
      %run_scoped3A_605 = arith.constant 1 : i32
      "tpu.region"() ({
        %run_scoped3A_612 = tpu.sem_alloc : memref<!tpu.dma_semaphore, #tpu.memory_space<semaphore_mem>>
        %dma_start3A_613 = arith.constant 0 : i32
        %dma_start3A_614 = arith.constant 0 : i32
        %dma_start3A_615 = tpu.memref_slice %arg11[%run_scoped3A_605, %dma_start3A_613, %dma_start3A_614] : memref<2x64x128xf32, #tpu.memory_space<vmem>> -> memref<1x64x128xf32, #tpu.memory_space<vmem>>
        %dma_start3A_616 = tpu.memref_squeeze %dma_start3A_615 : memref<1x64x128xf32, #tpu.memory_space<vmem>> -> memref<64x128xf32, #tpu.memory_space<vmem>>
        %dma_start3A_617 = arith.constant 0 : i32
        %dma_start3A_618 = tpu.memref_slice %arg10[%add3A_593, %dma_start3A_617] : memref<322x64xi32, #tpu.memory_space<vmem>> -> memref<1x64xi32, #tpu.memory_space<vmem>>
        %dma_start3A_619 = tpu.memref_squeeze %dma_start3A_618 : memref<1x64xi32, #tpu.memory_space<vmem>> -> memref<64xi32, #tpu.memory_space<vmem>>
        %dma_start3A_620 = arith.constant 0 : i32
        %dma_start3A_621 = arith.constant 0 : i32
        %dma_start3A_622 = tpu.memref_slice %arg12[%dma_start3A_620, %dma_start3A_621] : memref<5128x128xf32, #tpu.memory_space<vmem_shared>> -> memref<5128x128xf32, #tpu.memory_space<vmem_shared>>
        tpu.enqueue_indirect_dma source(%dma_start3A_616 : memref<64x128xf32, #tpu.memory_space<vmem>>) target(%dma_start3A_622 : memref<5128x128xf32, #tpu.memory_space<vmem_shared>>) offsets(%dma_start3A_619 : memref<64xi32, #tpu.memory_space<vmem>>) semaphore(%run_scoped3A_612 : memref<!tpu.dma_semaphore, #tpu.memory_space<semaphore_mem>>) {add = true}
        %dma_wait3A_623 = arith.constant 0 : i32
        %dma_wait3A_624 = arith.constant 0 : i32
        %dma_wait3A_625 = tpu.memref_slice %arg11[%run_scoped3A_605, %dma_wait3A_623, %dma_wait3A_624] : memref<2x64x128xf32, #tpu.memory_space<vmem>> -> memref<1x64x128xf32, #tpu.memory_space<vmem>>
        %dma_wait3A_626 = tpu.memref_squeeze %dma_wait3A_625 : memref<1x64x128xf32, #tpu.memory_space<vmem>> -> memref<64x128xf32, #tpu.memory_space<vmem>>
        %dma_wait3A_627 = arith.constant 0 : i32
        %dma_wait3A_628 = tpu.memref_slice %arg10[%add3A_593, %dma_wait3A_627] : memref<322x64xi32, #tpu.memory_space<vmem>> -> memref<1x64xi32, #tpu.memory_space<vmem>>
        %dma_wait3A_629 = tpu.memref_squeeze %dma_wait3A_628 : memref<1x64xi32, #tpu.memory_space<vmem>> -> memref<64xi32, #tpu.memory_space<vmem>>
        %dma_wait3A_630 = arith.constant 0 : i32
        %dma_wait3A_631 = arith.constant 0 : i32
        %dma_wait3A_632 = tpu.memref_slice %arg12[%dma_wait3A_630, %dma_wait3A_631] : memref<5128x128xf32, #tpu.memory_space<vmem_shared>> -> memref<5128x128xf32, #tpu.memory_space<vmem_shared>>
        tpu.wait_indirect_dma semaphore(%run_scoped3A_612 : memref<!tpu.dma_semaphore, #tpu.memory_space<semaphore_mem>>) src(%dma_wait3A_626 : memref<64x128xf32, #tpu.memory_space<vmem>>) dst(%dma_wait3A_632 : memref<5128x128xf32, #tpu.memory_space<vmem_shared>>)
        tpu.yield
      }) : () -> ()
      %sub3A_606 = arith.constant 1 : i32
      %sub3A_607 = arith.subi %max3A_536, %sub3A_606 : i32
      %lt3A_608 = arith.cmpi slt, %while3A_569, %sub3A_607 : i32
      %convert_element_type3A_609 = arith.extui %lt3A_608 : i1 to i32
      %cond3A_610 = arith.constant 0 : i32
      %cond3A_611 = arith.cmpi ne, %convert_element_type3A_609, %cond3A_610 : i32
      scf.if %cond3A_611 {
        %add3A_612 = arith.constant 2 : i32
        %add3A_613 = arith.addi %add3A_593, %add3A_612 : i32
        %mul3A_614 = arith.constant 64 : i32
        %mul3A_615 = arith.muli %add3A_613, %mul3A_614 : i32
        %dma_start3A_616 = arith.constant 1 : i32
        %dma_start3A_617 = arith.constant 0 : i32
        %dma_start3A_618 = arith.constant 0 : i32
        %dma_start3A_619 = tpu.memref_slice %arg11[%dma_start3A_616, %dma_start3A_617, %dma_start3A_618] : memref<2x64x128xf32, #tpu.memory_space<vmem>> -> memref<1x64x128xf32, #tpu.memory_space<vmem>>
        %dma_start3A_620 = tpu.memref_squeeze %dma_start3A_619 : memref<1x64x128xf32, #tpu.memory_space<vmem>> -> memref<64x128xf32, #tpu.memory_space<vmem>>
        %dma_start3A_621 = tpu.memref_slice %arg9[%mul3A_615] : memref<20608xi32, #tpu.memory_space<vmem>> -> memref<64xi32, #tpu.memory_space<vmem>>
        %dma_start3A_622 = arith.constant 0 : i32
        %dma_start3A_623 = arith.constant 0 : i32
        %dma_start3A_624 = tpu.memref_slice %arg2[%dma_start3A_622, %dma_start3A_623] : memref<10000x128xf32, #tpu.memory_space<hbm>> -> memref<10000x128xf32, #tpu.memory_space<hbm>>
        tpu.enqueue_indirect_dma source(%dma_start3A_624 : memref<10000x128xf32, #tpu.memory_space<hbm>>) target(%dma_start3A_620 : memref<64x128xf32, #tpu.memory_space<vmem>>) offsets(%dma_start3A_621 : memref<64xi32, #tpu.memory_space<vmem>>) semaphore(%arg14 : memref<!tpu.dma_semaphore, #tpu.memory_space<semaphore_mem>>)
      } else {
      }
    }
    %barrier3A_564 = arith.constant 0 : index
    tpu.barrier barrier_id(%barrier3A_564)
    %mul3A_565 = arith.constant 320 : i32
    %mul3A_566 = arith.muli %arg1, %mul3A_565 : i32
    %mul3A_567 = arith.constant 320 : i32
    %mul3A_568 = arith.muli %arg1, %mul3A_567 : i32
    "tpu.region"() ({
      %run_scoped3A = tpu.sem_alloc : memref<!tpu.dma_semaphore, #tpu.memory_space<semaphore_mem>>
      %dma_start3A_569 = arith.constant 0 : i32
      %dma_start3A_570 = arith.constant 0 : i32
      %dma_start3A_571 = tpu.memref_slice %arg6[%arg0, %dma_start3A_569, %dma_start3A_570] : memref<2x5120x128xf32, #tpu.memory_space<hbm>> -> memref<1x5120x128xf32, #tpu.memory_space<hbm>>
      %dma_start3A_572 = tpu.memref_squeeze %dma_start3A_571 : memref<1x5120x128xf32, #tpu.memory_space<hbm>> -> memref<5120x128xf32, #tpu.memory_space<hbm>>
      %dma_start3A_573 = arith.constant 0 : i32
      %dma_start3A_574 = tpu.memref_slice %dma_start3A_572[%mul3A_568, %dma_start3A_573] : memref<5120x128xf32, #tpu.memory_space<hbm>> -> memref<320x128xf32, #tpu.memory_space<hbm>>
      %dma_start3A_575 = arith.constant 0 : i32
      %dma_start3A_576 = tpu.memref_slice %arg12[%mul3A_566, %dma_start3A_575] : memref<5128x128xf32, #tpu.memory_space<vmem_shared>> -> memref<320x128xf32, #tpu.memory_space<vmem_shared>>
      tpu.enqueue_dma source(%dma_start3A_576 : memref<320x128xf32, #tpu.memory_space<vmem_shared>>) target(%dma_start3A_574 : memref<320x128xf32, #tpu.memory_space<hbm>>) target_semaphore(%run_scoped3A : memref<!tpu.dma_semaphore, #tpu.memory_space<semaphore_mem>>)
      %dma_wait3A = arith.constant 0 : i32
      %dma_wait3A_577 = arith.constant 0 : i32
      %dma_wait3A_578 = tpu.memref_slice %arg6[%arg0, %dma_wait3A, %dma_wait3A_577] : memref<2x5120x128xf32, #tpu.memory_space<hbm>> -> memref<1x5120x128xf32, #tpu.memory_space<hbm>>
      %dma_wait3A_579 = tpu.memref_squeeze %dma_wait3A_578 : memref<1x5120x128xf32, #tpu.memory_space<hbm>> -> memref<5120x128xf32, #tpu.memory_space<hbm>>
      %dma_wait3A_580 = arith.constant 0 : i32
      %dma_wait3A_581 = tpu.memref_slice %dma_wait3A_579[%mul3A_568, %dma_wait3A_580] : memref<5120x128xf32, #tpu.memory_space<hbm>> -> memref<320x128xf32, #tpu.memory_space<hbm>>
      %dma_wait3A_582 = arith.constant 0 : i32
      %dma_wait3A_583 = tpu.memref_slice %arg12[%mul3A_566, %dma_wait3A_582] : memref<5128x128xf32, #tpu.memory_space<vmem_shared>> -> memref<320x128xf32, #tpu.memory_space<vmem_shared>>
      tpu.wait_dma2 semaphore(%run_scoped3A : memref<!tpu.dma_semaphore, #tpu.memory_space<semaphore_mem>>) src(%dma_wait3A_583 : memref<320x128xf32, #tpu.memory_space<vmem_shared>>) dst(%dma_wait3A_581 : memref<320x128xf32, #tpu.memory_space<hbm>>)
      tpu.yield
    }) : () -> ()
    return
  }
}

module attributes {stable_mosaic.version = 14 : i64} {
  func.func @_mlp1_body(%arg0: i32, %arg1: memref<2000x128xf32, #tpu.memory_space<vmem>>, %arg2: memref<2000x128xf32, #tpu.memory_space<vmem>>, %arg3: memref<128x128xf32, #tpu.memory_space<vmem>>, %arg4: memref<1x128xf32, #tpu.memory_space<vmem>>, %arg5: memref<128x128xf32, #tpu.memory_space<vmem>>, %arg6: memref<1x128xf32, #tpu.memory_space<vmem>>, %arg7: memref<2000x128xf32, #tpu.memory_space<vmem>>) attributes {dimension_semantics = [#tpu.dimension_semantics<arbitrary>], iteration_bounds = array<i64: 5>, scalar_prefetch = 0 : i64, scratch_operands = 0 : i64, tpu.core_type = #tpu.core_type<tc>, window_params = [{transform_indices = @transform_0, window_bounds = array<i64: 2000, 128>}, {transform_indices = @transform_1, window_bounds = array<i64: 2000, 128>}, {pipeline_mode = #tpu.pipeline_mode<synchronous>, transform_indices = @transform_2, window_bounds = array<i64: 128, 128>}, {pipeline_mode = #tpu.pipeline_mode<synchronous>, transform_indices = @transform_3, window_bounds = array<i64: 1, 128>}, {pipeline_mode = #tpu.pipeline_mode<synchronous>, transform_indices = @transform_4, window_bounds = array<i64: 128, 128>}, {pipeline_mode = #tpu.pipeline_mode<synchronous>, transform_indices = @transform_5, window_bounds = array<i64: 1, 128>}, {transform_indices = @transform_6, window_bounds = array<i64: 2000, 128>}]} {
    %get3A = arith.constant 0 : index
    %get3A_0 = arith.constant 0 : index
    %get3A_1 = vector.load %arg1[%get3A, %get3A_0] : memref<2000x128xf32, #tpu.memory_space<vmem>>, vector<2000x128xf32>
    %get3A_2 = arith.constant 0 : index
    %get3A_3 = arith.constant 0 : index
    %get3A_4 = vector.load %arg2[%get3A_2, %get3A_3] : memref<2000x128xf32, #tpu.memory_space<vmem>>, vector<2000x128xf32>
    %add3A = arith.addf %get3A_1, %get3A_4 : vector<2000x128xf32>
    %get3A_5 = arith.constant 0 : index
    %get3A_6 = arith.constant 0 : index
    %get3A_7 = vector.load %arg3[%get3A_5, %get3A_6] : memref<128x128xf32, #tpu.memory_space<vmem>>, vector<128x128xf32>
    %dot_general3A = arith.constant dense<0.000000e+00> : vector<2000x128xf32>
    %dot_general3A_8 = tpu.matmul %add3A, %get3A_7, %dot_general3A {dimension_numbers = #tpu.dot_dimension_numbers<[1], [0], [0], [1], [0, 0, 1, 1], [], []>, transpose_lhs_hint = false} : vector<2000x128xf32>, vector<128x128xf32>, vector<2000x128xf32> -> vector<2000x128xf32>
    %get3A_9 = arith.constant 0 : index
    %get3A_10 = arith.constant 0 : index
    %get3A_11 = vector.load %arg4[%get3A_9, %get3A_10] : memref<1x128xf32, #tpu.memory_space<vmem>>, vector<1x128xf32>
    %add3A_12 = vector.broadcast %get3A_11 : vector<1x128xf32> to vector<2000x128xf32>
    %add3A_13 = arith.addf %dot_general3A_8, %add3A_12 : vector<2000x128xf32>
    %max3A = arith.constant 0.000000e+00 : f32
    %max3A_14 = vector.broadcast %max3A : f32 to vector<2000x128xf32>
    %max3A_15 = arith.maximumf %add3A_13, %max3A_14 : vector<2000x128xf32>
    %get3A_16 = arith.constant 0 : index
    %get3A_17 = arith.constant 0 : index
    %get3A_18 = vector.load %arg5[%get3A_16, %get3A_17] : memref<128x128xf32, #tpu.memory_space<vmem>>, vector<128x128xf32>
    %dot_general3A_19 = arith.constant dense<0.000000e+00> : vector<2000x128xf32>
    %dot_general3A_20 = tpu.matmul %max3A_15, %get3A_18, %dot_general3A_19 {dimension_numbers = #tpu.dot_dimension_numbers<[1], [0], [0], [1], [0, 0, 1, 1], [], []>, transpose_lhs_hint = false} : vector<2000x128xf32>, vector<128x128xf32>, vector<2000x128xf32> -> vector<2000x128xf32>
    %get3A_21 = arith.constant 0 : index
    %get3A_22 = arith.constant 0 : index
    %get3A_23 = vector.load %arg6[%get3A_21, %get3A_22] : memref<1x128xf32, #tpu.memory_space<vmem>>, vector<1x128xf32>
    %add3A_24 = vector.broadcast %get3A_23 : vector<1x128xf32> to vector<2000x128xf32>
    %add3A_25 = arith.addf %dot_general3A_20, %add3A_24 : vector<2000x128xf32>
    %max3A_26 = arith.constant 0.000000e+00 : f32
    %max3A_27 = vector.broadcast %max3A_26 : f32 to vector<2000x128xf32>
    %max3A_28 = arith.maximumf %add3A_25, %max3A_27 : vector<2000x128xf32>
    %swap3A = arith.constant 0 : index
    %swap3A_29 = arith.constant 0 : index
    %swap3A_30 = vector.load %arg7[%swap3A, %swap3A_29] : memref<2000x128xf32, #tpu.memory_space<vmem>>, vector<2000x128xf32>
    tpu.vector_store %arg7[%swap3A, %swap3A_29], %max3A_28 {strides = array<i32>} : memref<2000x128xf32, #tpu.memory_space<vmem>>, vector<2000x128xf32>,
    return
  }
  func.func @transform_0(%arg0: i32) -> (i32, i32) {
    %c0_i32 = arith.constant 0 : i32
    %c0_i32_0 = arith.constant 0 : i32
    return %arg0, %c0_i32 : i32, i32
  }
  func.func @transform_1(%arg0: i32) -> (i32, i32) {
    %c0_i32 = arith.constant 0 : i32
    %c0_i32_0 = arith.constant 0 : i32
    return %arg0, %c0_i32 : i32, i32
  }
  func.func @transform_2(%arg0: i32) -> (i32, i32) {
    %c0_i32 = arith.constant 0 : i32
    %c0_i32_0 = arith.constant 0 : i32
    %c0_i32_1 = arith.constant 0 : i32
    return %c0_i32, %c0_i32_0 : i32, i32
  }
  func.func @transform_3(%arg0: i32) -> (i32, i32) {
    %c0_i32 = arith.constant 0 : i32
    %c0_i32_0 = arith.constant 0 : i32
    %c0_i32_1 = arith.constant 0 : i32
    return %c0_i32, %c0_i32_0 : i32, i32
  }
  func.func @transform_4(%arg0: i32) -> (i32, i32) {
    %c0_i32 = arith.constant 0 : i32
    %c0_i32_0 = arith.constant 0 : i32
    %c0_i32_1 = arith.constant 0 : i32
    return %c0_i32, %c0_i32_0 : i32, i32
  }
  func.func @transform_5(%arg0: i32) -> (i32, i32) {
    %c0_i32 = arith.constant 0 : i32
    %c0_i32_0 = arith.constant 0 : i32
    %c0_i32_1 = arith.constant 0 : i32
    return %c0_i32, %c0_i32_0 : i32, i32
  }
  func.func @transform_6(%arg0: i32) -> (i32, i32) {
    %c0_i32 = arith.constant 0 : i32
    %c0_i32_0 = arith.constant 0 : i32
    return %arg0, %c0_i32 : i32, i32
  }
}

module attributes {stable_mosaic.version = 14 : i64} {
  func.func @_mlp2_pool_body(%arg0: i32, %arg1: memref<2000x128xf32, #tpu.memory_space<vmem>>, %arg2: memref<2000x128xf32, #tpu.memory_space<vmem>>, %arg3: memref<128x128xf32, #tpu.memory_space<vmem>>, %arg4: memref<1x128xf32, #tpu.memory_space<vmem>>, %arg5: memref<128x128xf32, #tpu.memory_space<vmem>>, %arg6: memref<1x128xf32, #tpu.memory_space<vmem>>, %arg7: memref<1x1x2000xi32, #tpu.memory_space<vmem>>, %arg8: memref<128x128xf32, #tpu.memory_space<vmem>>, %arg9: memref<1x128xf32, #tpu.memory_space<vmem>>, %arg10: memref<64x128xf32, #tpu.memory_space<vmem>>, %arg11: memref<64x128xf32, #tpu.memory_space<vmem>>, %arg12: memref<64x128xf32, #tpu.memory_space<vmem>>) attributes {dimension_semantics = [#tpu.dimension_semantics<arbitrary>], iteration_bounds = array<i64: 5>, scalar_prefetch = 0 : i64, scratch_operands = 2 : i64, tpu.core_type = #tpu.core_type<tc>, window_params = [{transform_indices = @transform_0, window_bounds = array<i64: 2000, 128>}, {transform_indices = @transform_1, window_bounds = array<i64: 2000, 128>}, {pipeline_mode = #tpu.pipeline_mode<synchronous>, transform_indices = @transform_2, window_bounds = array<i64: 128, 128>}, {pipeline_mode = #tpu.pipeline_mode<synchronous>, transform_indices = @transform_3, window_bounds = array<i64: 1, 128>}, {pipeline_mode = #tpu.pipeline_mode<synchronous>, transform_indices = @transform_4, window_bounds = array<i64: 128, 128>}, {pipeline_mode = #tpu.pipeline_mode<synchronous>, transform_indices = @transform_5, window_bounds = array<i64: 1, 128>}, {transform_indices = @transform_6, window_bounds = array<i64: 1, 1, 2000>}, {pipeline_mode = #tpu.pipeline_mode<synchronous>, transform_indices = @transform_7, window_bounds = array<i64: 128, 128>}, {pipeline_mode = #tpu.pipeline_mode<synchronous>, transform_indices = @transform_8, window_bounds = array<i64: 1, 128>}, {pipeline_mode = #tpu.pipeline_mode<synchronous>, transform_indices = @transform_9, window_bounds = array<i64: 64, 128>}]} {
    %eq3A = arith.constant 0 : i32
    %eq3A_0 = arith.cmpi eq, %arg0, %eq3A : i32
    %convert_element_type3A = arith.extui %eq3A_0 : i1 to i32
    %cond3A = arith.constant 0 : i32
    %cond3A_1 = arith.cmpi ne, %convert_element_type3A, %cond3A : i32
    scf.if %cond3A_1 {
      %broadcast_in_dim3A_64 = arith.constant 0.000000e+00 : f32
      %broadcast_in_dim3A_65 = vector.broadcast %broadcast_in_dim3A_64 : f32 to vector<64x128xf32>
      %swap3A_66 = arith.constant 0 : index
      %swap3A_67 = arith.constant 0 : index
      %swap3A_68 = vector.load %arg11[%swap3A_66, %swap3A_67] : memref<64x128xf32, #tpu.memory_space<vmem>>, vector<64x128xf32>
      tpu.vector_store %arg11[%swap3A_66, %swap3A_67], %broadcast_in_dim3A_65 {strides = array<i32>} : memref<64x128xf32, #tpu.memory_space<vmem>>, vector<64x128xf32>,
      %broadcast_in_dim3A_69 = arith.constant 0.000000e+00 : f32
      %broadcast_in_dim3A_70 = vector.broadcast %broadcast_in_dim3A_69 : f32 to vector<64x128xf32>
      %swap3A_71 = arith.constant 0 : index
      %swap3A_72 = arith.constant 0 : index
      %swap3A_73 = vector.load %arg12[%swap3A_71, %swap3A_72] : memref<64x128xf32, #tpu.memory_space<vmem>>, vector<64x128xf32>
      tpu.vector_store %arg12[%swap3A_71, %swap3A_72], %broadcast_in_dim3A_70 {strides = array<i32>} : memref<64x128xf32, #tpu.memory_space<vmem>>, vector<64x128xf32>,
    } else {
    }
    %get3A = arith.constant 0 : index
    %get3A_2 = arith.constant 0 : index
    %get3A_3 = vector.load %arg1[%get3A, %get3A_2] : memref<2000x128xf32, #tpu.memory_space<vmem>>, vector<2000x128xf32>
    %get3A_4 = arith.constant 0 : index
    %get3A_5 = arith.constant 0 : index
    %get3A_6 = vector.load %arg2[%get3A_4, %get3A_5] : memref<2000x128xf32, #tpu.memory_space<vmem>>, vector<2000x128xf32>
    %add3A = arith.addf %get3A_3, %get3A_6 : vector<2000x128xf32>
    %get3A_7 = arith.constant 0 : index
    %get3A_8 = arith.constant 0 : index
    %get3A_9 = vector.load %arg3[%get3A_7, %get3A_8] : memref<128x128xf32, #tpu.memory_space<vmem>>, vector<128x128xf32>
    %dot_general3A = arith.constant dense<0.000000e+00> : vector<2000x128xf32>
    %dot_general3A_10 = tpu.matmul %add3A, %get3A_9, %dot_general3A {dimension_numbers = #tpu.dot_dimension_numbers<[1], [0], [0], [1], [0, 0, 1, 1], [], []>, transpose_lhs_hint = false} : vector<2000x128xf32>, vector<128x128xf32>, vector<2000x128xf32> -> vector<2000x128xf32>
    %get3A_11 = arith.constant 0 : index
    %get3A_12 = arith.constant 0 : index
    %get3A_13 = vector.load %arg4[%get3A_11, %get3A_12] : memref<1x128xf32, #tpu.memory_space<vmem>>, vector<1x128xf32>
    %add3A_14 = vector.broadcast %get3A_13 : vector<1x128xf32> to vector<2000x128xf32>
    %add3A_15 = arith.addf %dot_general3A_10, %add3A_14 : vector<2000x128xf32>
    %max3A = arith.constant 0.000000e+00 : f32
    %max3A_16 = vector.broadcast %max3A : f32 to vector<2000x128xf32>
    %max3A_17 = arith.maximumf %add3A_15, %max3A_16 : vector<2000x128xf32>
    %get3A_18 = arith.constant 0 : index
    %get3A_19 = arith.constant 0 : index
    %get3A_20 = vector.load %arg5[%get3A_18, %get3A_19] : memref<128x128xf32, #tpu.memory_space<vmem>>, vector<128x128xf32>
    %dot_general3A_21 = arith.constant dense<0.000000e+00> : vector<2000x128xf32>
    %dot_general3A_22 = tpu.matmul %max3A_17, %get3A_20, %dot_general3A_21 {dimension_numbers = #tpu.dot_dimension_numbers<[1], [0], [0], [1], [0, 0, 1, 1], [], []>, transpose_lhs_hint = false} : vector<2000x128xf32>, vector<128x128xf32>, vector<2000x128xf32> -> vector<2000x128xf32>
    %get3A_23 = arith.constant 0 : index
    %get3A_24 = arith.constant 0 : index
    %get3A_25 = vector.load %arg6[%get3A_23, %get3A_24] : memref<1x128xf32, #tpu.memory_space<vmem>>, vector<1x128xf32>
    %add3A_26 = vector.broadcast %get3A_25 : vector<1x128xf32> to vector<2000x128xf32>
    %add3A_27 = arith.addf %dot_general3A_22, %add3A_26 : vector<2000x128xf32>
    %max3A_28 = arith.constant 0.000000e+00 : f32
    %max3A_29 = vector.broadcast %max3A_28 : f32 to vector<2000x128xf32>
    %max3A_30 = arith.maximumf %add3A_27, %max3A_29 : vector<2000x128xf32>
    %get3A_31 = arith.constant 0 : index
    %get3A_32 = arith.constant 0 : index
    %get3A_33 = arith.constant 0 : index
    %get3A_34 = vector.load %arg7[%get3A_31, %get3A_32, %get3A_33] : memref<1x1x2000xi32, #tpu.memory_space<vmem>>, vector<1x1x2000xi32>
    %get3A_35 = vector.shape_cast %get3A_34 : vector<1x1x2000xi32> to vector<2000xi32>
    %iota3A = tpu.iota {dimensions = array<i32: 0>} : vector<64x2000xi32>
    %broadcast_in_dim3A = vector.shape_cast %get3A_35 : vector<2000xi32> to vector<1x2000xi32>
    %eq3A_36 = vector.broadcast %broadcast_in_dim3A : vector<1x2000xi32> to vector<64x2000xi32>
    %eq3A_37 = arith.cmpi eq, %iota3A, %eq3A_36 : vector<64x2000xi32>
    %convert_element_type3A_38 = arith.extui %eq3A_37 : vector<64x2000xi1> to vector<64x2000xi32>
    %convert_element_type3A_39 = arith.sitofp %convert_element_type3A_38 : vector<64x2000xi32> to vector<64x2000xf32>
    %get3A_40 = arith.constant 0 : index
    %get3A_41 = arith.constant 0 : index
    %get3A_42 = vector.load %arg11[%get3A_40, %get3A_41] : memref<64x128xf32, #tpu.memory_space<vmem>>, vector<64x128xf32>
    %dot_general3A_43 = arith.constant dense<0.000000e+00> : vector<64x128xf32>
    %dot_general3A_44 = tpu.matmul %convert_element_type3A_39, %max3A_30, %dot_general3A_43 {dimension_numbers = #tpu.dot_dimension_numbers<[1], [0], [0], [1], [0, 0, 1, 1], [], []>, transpose_lhs_hint = false} : vector<64x2000xf32>, vector<2000x128xf32>, vector<64x128xf32> -> vector<64x128xf32>
    %add3A_45 = arith.addf %get3A_42, %dot_general3A_44 : vector<64x128xf32>
    %swap3A = arith.constant 0 : index
    %swap3A_46 = arith.constant 0 : index
    %swap3A_47 = vector.load %arg11[%swap3A, %swap3A_46] : memref<64x128xf32, #tpu.memory_space<vmem>>, vector<64x128xf32>
    tpu.vector_store %arg11[%swap3A, %swap3A_46], %add3A_45 {strides = array<i32>} : memref<64x128xf32, #tpu.memory_space<vmem>>, vector<64x128xf32>,
    %get3A_48 = arith.constant 0 : index
    %get3A_49 = arith.constant 0 : index
    %get3A_50 = vector.load %arg12[%get3A_48, %get3A_49] : memref<64x128xf32, #tpu.memory_space<vmem>>, vector<64x128xf32>
    %reduce_sum3A = arith.constant dense<0.000000e+00> : vector<64xf32>
    %reduce_sum3A_51 = vector.multi_reduction <add>, %convert_element_type3A_39, %reduce_sum3A [1] : vector<64x2000xf32> to vector<64xf32>
    %broadcast_in_dim3A_52 = vector.shape_cast %reduce_sum3A_51 : vector<64xf32> to vector<64x1xf32>
    %broadcast_in_dim3A_53 = vector.shape_cast %broadcast_in_dim3A_52 : vector<64x1xf32> to vector<64x1xf32>
    %broadcast_in_dim3A_54 = vector.broadcast %broadcast_in_dim3A_53 : vector<64x1xf32> to vector<64x128xf32>
    %add3A_55 = arith.addf %get3A_50, %broadcast_in_dim3A_54 : vector<64x128xf32>
    %swap3A_56 = arith.constant 0 : index
    %swap3A_57 = arith.constant 0 : index
    %swap3A_58 = vector.load %arg12[%swap3A_56, %swap3A_57] : memref<64x128xf32, #tpu.memory_space<vmem>>, vector<64x128xf32>
    tpu.vector_store %arg12[%swap3A_56, %swap3A_57], %add3A_55 {strides = array<i32>} : memref<64x128xf32, #tpu.memory_space<vmem>>, vector<64x128xf32>,
    %eq3A_59 = arith.constant 4 : i32
    %eq3A_60 = arith.cmpi eq, %arg0, %eq3A_59 : i32
    %convert_element_type3A_61 = arith.extui %eq3A_60 : i1 to i32
    %cond3A_62 = arith.constant 0 : i32
    %cond3A_63 = arith.cmpi ne, %convert_element_type3A_61, %cond3A_62 : i32
    scf.if %cond3A_63 {
      %get3A_64 = arith.constant 0 : index
      %get3A_65 = arith.constant 0 : index
      %get3A_66 = vector.load %arg11[%get3A_64, %get3A_65] : memref<64x128xf32, #tpu.memory_space<vmem>>, vector<64x128xf32>
      %get3A_67 = arith.constant 0 : index
      %get3A_68 = arith.constant 0 : index
      %get3A_69 = vector.load %arg12[%get3A_67, %get3A_68] : memref<64x128xf32, #tpu.memory_space<vmem>>, vector<64x128xf32>
      %max3A_70 = arith.constant 1.000000e+00 : f32
      %max3A_71 = vector.broadcast %max3A_70 : f32 to vector<64x128xf32>
      %max3A_72 = arith.maximumf %get3A_69, %max3A_71 : vector<64x128xf32>
      %div3A = arith.divf %get3A_66, %max3A_72 : vector<64x128xf32>
      %get3A_73 = arith.constant 0 : index
      %get3A_74 = arith.constant 0 : index
      %get3A_75 = vector.load %arg8[%get3A_73, %get3A_74] : memref<128x128xf32, #tpu.memory_space<vmem>>, vector<128x128xf32>
      %dot_general3A_76 = arith.constant dense<0.000000e+00> : vector<64x128xf32>
      %dot_general3A_77 = tpu.matmul %div3A, %get3A_75, %dot_general3A_76 {dimension_numbers = #tpu.dot_dimension_numbers<[1], [0], [0], [1], [0, 0, 1, 1], [], []>, transpose_lhs_hint = false} : vector<64x128xf32>, vector<128x128xf32>, vector<64x128xf32> -> vector<64x128xf32>
      %get3A_78 = arith.constant 0 : index
      %get3A_79 = arith.constant 0 : index
      %get3A_80 = vector.load %arg9[%get3A_78, %get3A_79] : memref<1x128xf32, #tpu.memory_space<vmem>>, vector<1x128xf32>
      %add3A_81 = vector.broadcast %get3A_80 : vector<1x128xf32> to vector<64x128xf32>
      %add3A_82 = arith.addf %dot_general3A_77, %add3A_81 : vector<64x128xf32>
      %logistic3A = arith.negf %add3A_82 : vector<64x128xf32>
      %logistic3A_83 = math.exp %logistic3A : vector<64x128xf32>
      %logistic3A_84 = arith.constant 1.000000e+00 : f32
      %logistic3A_85 = vector.broadcast %logistic3A_84 : f32 to vector<64x128xf32>
      %logistic3A_86 = arith.addf %logistic3A_85, %logistic3A_83 : vector<64x128xf32>
      %logistic3A_87 = arith.divf %logistic3A_85, %logistic3A_86 : vector<64x128xf32>
      %swap3A_88 = arith.constant 0 : index
      %swap3A_89 = arith.constant 0 : index
      %swap3A_90 = vector.load %arg10[%swap3A_88, %swap3A_89] : memref<64x128xf32, #tpu.memory_space<vmem>>, vector<64x128xf32>
      tpu.vector_store %arg10[%swap3A_88, %swap3A_89], %logistic3A_87 {strides = array<i32>} : memref<64x128xf32, #tpu.memory_space<vmem>>, vector<64x128xf32>,
    } else {
    }
    return
  }
  func.func @transform_0(%arg0: i32) -> (i32, i32) {
    %c0_i32 = arith.constant 0 : i32
    %c0_i32_0 = arith.constant 0 : i32
    return %arg0, %c0_i32 : i32, i32
  }
  func.func @transform_1(%arg0: i32) -> (i32, i32) {
    %c0_i32 = arith.constant 0 : i32
    %c0_i32_0 = arith.constant 0 : i32
    return %arg0, %c0_i32 : i32, i32
  }
  func.func @transform_2(%arg0: i32) -> (i32, i32) {
    %c0_i32 = arith.constant 0 : i32
    %c0_i32_0 = arith.constant 0 : i32
    %c0_i32_1 = arith.constant 0 : i32
    return %c0_i32, %c0_i32_0 : i32, i32
  }
  func.func @transform_3(%arg0: i32) -> (i32, i32) {
    %c0_i32 = arith.constant 0 : i32
    %c0_i32_0 = arith.constant 0 : i32
    %c0_i32_1 = arith.constant 0 : i32
    return %c0_i32, %c0_i32_0 : i32, i32
  }
  func.func @transform_4(%arg0: i32) -> (i32, i32) {
    %c0_i32 = arith.constant 0 : i32
    %c0_i32_0 = arith.constant 0 : i32
    %c0_i32_1 = arith.constant 0 : i32
    return %c0_i32, %c0_i32_0 : i32, i32
  }
  func.func @transform_5(%arg0: i32) -> (i32, i32) {
    %c0_i32 = arith.constant 0 : i32
    %c0_i32_0 = arith.constant 0 : i32
    %c0_i32_1 = arith.constant 0 : i32
    return %c0_i32, %c0_i32_0 : i32, i32
  }
  func.func @transform_6(%arg0: i32) -> (i32, i32, i32) {
    %c0_i32 = arith.constant 0 : i32
    %c0_i32_0 = arith.constant 0 : i32
    %c0_i32_1 = arith.constant 0 : i32
    return %arg0, %c0_i32, %c0_i32_0 : i32, i32, i32
  }
  func.func @transform_7(%arg0: i32) -> (i32, i32) {
    %c0_i32 = arith.constant 0 : i32
    %c0_i32_0 = arith.constant 0 : i32
    %c0_i32_1 = arith.constant 0 : i32
    return %c0_i32, %c0_i32_0 : i32, i32
  }
  func.func @transform_8(%arg0: i32) -> (i32, i32) {
    %c0_i32 = arith.constant 0 : i32
    %c0_i32_0 = arith.constant 0 : i32
    %c0_i32_1 = arith.constant 0 : i32
    return %c0_i32, %c0_i32_0 : i32, i32
  }
  func.func @transform_9(%arg0: i32) -> (i32, i32) {
    %c0_i32 = arith.constant 0 : i32
    %c0_i32_0 = arith.constant 0 : i32
    %c0_i32_1 = arith.constant 0 : i32
    return %c0_i32, %c0_i32_0 : i32, i32
  }
}

</mosaic_0001>

<sc_bundles>
// kernel: kernel.6.cloned.1.call-start
scs
__scs_entry_jumppad:
0x0: {  	(pc) =	sbr.rel $0x88, $3  }
0x1: {  	(tag) =	ssettag $0x0;
	lr =	simm.s32 $0x1  }
0x2: {  	[smem:$0x3F94] =	sst lr;
	_ =	strace $0xD0000000  }
0x3: {  	_ = 	snop  }
0x4: {  	_ = 	snop  }
0x5: {  	_ = 	snop  }
0x6: {  	_ = 	snop  }
0x7: {  	_ = 	snop  }
__scs_overlays_trampoline_lowered:
0x8: {  	[smem:$0x3FA3] =	sst s0  }
0x9: {  	[smem:$0x3FA4] =	sst s1  }
0xa: {  	[smem:$0x3FA5] =	sst s2  }
0xb: {  	[smem:$0x3FA6] =	sst s3  }
0xc: {  	[smem:$0x3FA7] =	sst s4  }
0xd: {  	[smem:$0x3FA8] =	sst s5  }
0xe: {  	[smem:$0x3FA9] =	sst s6  }
0xf: {  	[smem:$0x3FAA] =	sst s7  }
0x10: {  	[smem:$0x3FAB] =	sst s8  }
0x11: {  	[smem:$0x3FAC] =	sst s9;
	s0 =	simm.s32 @!p0 $0x0  }
0x12: {  	s1 =	sld [smem:$0x3F92];
	s0 =	simm.s32 @p0 $0x1  }
0x13: {  	[smem:$0x3FAD] =	sst s0;
	s0 =	simm.s32 @!p1 $0x0  }
0x14: {  	s2 =	sld [smem:$0x3F91];
	s0 =	simm.s32 @p1 $0x1  }
0x15: {  	[smem:$0x3FAE] =	sst s0;
	s0 =	simm.s32 @!p2 $0x0  }
0x16: {  	s3 =	sld [smem:$0x3FDB];
	s0 =	simm.s32 @p2 $0x1  }
0x17: {  	s4 =	simm.s32 $0x1BF5;
	[smem:$0x3FB0] =	sst s0  }
0x18: {  	s0 =	sld [smem:$0x3F93];
	_ =	swait.ge [sflag:s4], $0x0  }
0x19: {  	s7 =	sld [smem:$0x3F94]  }
0x1a: {  	s8 =	sadd.s32 $0xFFFFE003, lr  }
0x1b: {  	s9 =	sadd.s32 $0xFFFFFEF7, lr;
	s5 =	simm.s32 $0xFFFFFFFF;
	p2 =	slt.u32 s8, $0xFFFFF086  }
0x1c: {  	p1 =	slt.u32 s9, $0xF7A;
	s5 =	simm.s32 @!p2 $0x0  }
0x1d: {  	s5 =	simm.s32 @p1 $0x1;
	p0 =	seq.s32 s7, s2  }
0x1e: {  	s7 =	smul.u32 @!p0 $0xF7A, s2;
	p2 =	seq.s32 @!p0 s5, $0x0  }
0x1f: {  	s9 =	smul.u32 $0xF7A, s1;
	s8 =	simm.s32 @!p0 $0x1BF5;
	p2 =	por !p2, p0  }
0x20: {  	[sflag:s8] =	ssyncset.s32 @!p0 $0xFFFFF086;
	s6 =	sadd.s32 @!p0 s3, s7;
	s7 =	simm.s32 @!p0 $0x108  }
0x21: {  	s3 =	sadd.s32 s3, s9;
	s6 =	sadd.s32 @!p0 $0x88, s6;
	s7 =	simm.s32 @p2 $0x1082  }
0x22: {  	[simem:s7], [sflag:s8] =	dma.local @!p0 [hbm:s6], $0xF7A  }
0x23: {  	s9 =	sor.u32 $0xD0000000, s2;
	s6 =	simm.s32 $0x108;
	_ =	swait.ge @!p0 [sflag:s8], $0x0  }
0x24: {  	s3 =	sadd.s32 $0x88, s3;
	s6 =	simm.s32 @!p1 $0x1082;
	[sflag:s4] =	ssyncset.s32 $0xFFFFF086  }
0x25: {  	[simem:s6], [sflag:s4] =	dma.local [hbm:s3], $0xF7A  }
0x26: {  	[smem:$0x3F94] =	sst s1;
	(tag) =	ssettag s2;
	_ =	strace s9  }
0x27: {  	s1 =	sld [smem:$0x3FA4]  }
0x28: {  	s2 =	sld [smem:$0x3FA5]  }
0x29: {  	s4 =	sld [smem:$0x3FA7]  }
0x2a: {  	p0 =	seq.s32 s5, $0x0;
	s5 =	sld [smem:$0x3FA8]  }
0x2b: {  	s6 =	sld [smem:$0x3FA9]  }
0x2c: {  	s7 =	sld [smem:$0x3FAA]  }
0x2d: {  	s3 =	simm.s32 $0x108;
	s8 =	sld [smem:$0x3FAB]  }
0x2e: {  	s3 =	simm.s32 @!p0 $0x1082;
	s9 =	sld [smem:$0x3FAC]  }
0x2f: {  	lr =	sadd.s32 s0, s3;
	s0 =	sld [smem:$0x3FA3]  }
0x30: {  	s3 =	sld [smem:$0x3FA6]  }
0x31: {  	[smem:$0x3FAF] =	sst s10  }
0x32: {  	s10 =	sld [smem:$0x3FAD];
	_ =	sdelay $0x3  }
0x33: {  	p0 =	seq.s32 s10, $0x1;
	s10 =	sld [smem:$0x3FAF];
	_ =	sdelay $0x3  }
0x34: {  	[smem:$0x3FAF] =	sst s10  }
0x35: {  	s10 =	sld [smem:$0x3FAE];
	_ =	sdelay $0x3  }
0x36: {  	p1 =	seq.s32 s10, $0x1;
	s10 =	sld [smem:$0x3FAF];
	_ =	sdelay $0x3  }
0x37: {  	[smem:$0x3FAF] =	sst s10  }
0x38: {  	s10 =	sld [smem:$0x3FB0]  }
0x39: {  	_ = 	snop;
	(pc) =	sbr.ind lr, $3  }
0x3a: {  	_ = 	snop  }
0x3b: {  	_ = 	snop  }
0x3c: {  	p2 =	seq.s32 s10, $0x1;
	s10 =	sld [smem:$0x3FAF]  }
0x3d: {  	_ =	shalt  }
0x3e: {  	_ =	shalt  }
0x3f: {  	_ =	shalt  }
0x40: {  	_ =	shalt  }
0x41: {  	_ =	shalt  }
0x42: {  	_ =	shalt  }
0x43: {  	_ =	shalt  }
0x44: {  	_ =	shalt  }
0x45: {  	_ =	shalt  }
0x46: {  	_ =	shalt  }
0x47: {  	_ =	shalt  }
0x48: {  	_ =	shalt  }
0x49: {  	_ =	shalt  }
0x4a: {  	_ =	shalt  }
0x4b: {  	_ =	shalt  }
0x4c: {  	_ =	shalt  }
0x4d: {  	_ =	shalt  }
0x4e: {  	_ =	shalt  }
0x4f: {  	_ =	shalt  }
0x50: {  	_ =	shalt  }
0x51: {  	_ =	shalt  }
0x52: {  	_ =	shalt  }
0x53: {  	_ =	shalt  }
0x54: {  	_ =	shalt  }
0x55: {  	_ =	shalt  }
0x56: {  	_ =	shalt  }
0x57: {  	_ =	shalt  }
0x58: {  	_ =	shalt  }
0x59: {  	_ =	shalt  }
0x5a: {  	_ =	shalt  }
0x5b: {  	_ =	shalt  }
0x5c: {  	_ =	shalt  }
0x5d: {  	_ =	shalt  }
0x5e: {  	_ =	shalt  }
0x5f: {  	_ =	shalt  }
0x60: {  	_ =	shalt  }
0x61: {  	_ =	shalt  }
0x62: {  	_ =	shalt  }
0x63: {  	_ =	shalt  }
0x64: {  	_ =	shalt  }
0x65: {  	_ =	shalt  }
0x66: {  	_ =	shalt  }
0x67: {  	_ =	shalt  }
0x68: {  	_ =	shalt  }
0x69: {  	_ =	shalt  }
0x6a: {  	_ =	shalt  }
0x6b: {  	_ =	shalt  }
0x6c: {  	_ =	shalt  }
0x6d: {  	_ =	shalt  }
0x6e: {  	_ =	shalt  }
0x6f: {  	_ =	shalt  }
0x70: {  	_ =	shalt  }
0x71: {  	_ =	shalt  }
0x72: {  	_ =	shalt  }
0x73: {  	_ =	shalt  }
0x74: {  	_ =	shalt  }
0x75: {  	_ =	shalt  }
0x76: {  	_ =	shalt  }
0x77: {  	_ =	shalt  }
0x78: {  	_ =	shalt  }
0x79: {  	_ =	shalt  }
0x7a: {  	_ =	shalt  }
0x7b: {  	_ =	shalt  }
0x7c: {  	_ =	shalt  }
0x7d: {  	_ =	shalt  }
0x7e: {  	_ =	shalt  }
0x7f: {  	_ =	shalt  }
0x80: {  	_ =	shalt  }
0x81: {  	_ =	shalt  }
0x82: {  	_ =	shalt  }
0x83: {  	_ =	shalt  }
0x84: {  	_ =	shalt  }
0x85: {  	_ =	shalt  }
0x86: {  	_ =	shalt  }
0x87: {  	_ =	shalt  }
.Lfunc_end0:
.L_simem_size_0:
called_computation_lowered:
.L_overlay_start_0:
0x88: {  	s2 =	sld [smem:$0x3FD9]  }
0x89: {  	s3 =	sld [smem:$0x3FFE];
	_ =	sdelay $0x1  }
0x8a: {  	s1 =	srdreg.scid  }
0x8b: {  	s0 =	sand.u32 $0x1, s1  }
0x8c: {  	s17 =	sshll.u32 s0, $0xA;
	s2 =	sadd.s32 s3, s2  }
0x8d: {  	s2 =	sadd.s32 s2, s17  }
0x8e: {  	[smem:$0x3FBB] =	sst s2  }
0x8f: {  	_ = 	snop  }
0x90: {  	s2 =	sld [smem:$0x3FC9];
	(tm) =	ssettm $0x1  }
0x91: {  	s18 =	sld [smem:$0x3FFB];
	_ =	sdelay $0x3  }
0x92: {  	_ =	strace s18  }
0x93: {  	s3 =	sld [smem:$0x3FFC];
	_ =	sdelay $0x3  }
0x94: {  	_ =	strace s3  }
0x95: {  	s3 =	sld [smem:$0x3FFD];
	_ =	sdelay $0x3  }
0x96: {  	_ =	strace s3  }
0x97: {  	_ =	strace $0x8FFFFFFF  }
0x98: {  	s19 =	sld [smem:$0x3FDB];
	_ =	sdelay $0x1  }
0x99: {  	s4 =	simm.s32 $_scs_section_size  }
0x9a: {  	s5 =	simm.s32 $_size__tile_overlayer_lowered;
	s6 =	simm.s32 $_tile_overlayer_lowered  }
0x9b: {  	s22 =	simm.s32 $0x1BFF;
	s21 =	sshll.u32 s6, $0x1;
	s3 =	sadd.s32 s4, s19  }
0x9c: {  	s7 =	simm.s32 $0x0;
	s20 =	sshll.u32 s5, $0x1;
	s5 =	sadd.s32 s21, s3  }
0x9d: {  	[timem:s7], [sflag:s22] =	dma.local [hbm:s5], s20  }
0x9e: {  	_ =	swait.ge [sflag:s22], s20  }
0x9f: {  	s4 =	ssub.s32 $0x0, s20;
	[sflag:s22] =	ssyncset.done $0x0  }
0xa0: {  	[sflag:s22] =	ssyncadd.s32 s4;
	_ =	sdelay $0x1  }
0xa1: {  	s23 =	simm.s32 $0x1B8B  }
0xa2: {  	_ =	swait.ge [sflag:s23], $0x1  }
0xa3: {  	[sflag:s23] =	ssyncset.done $0x0  }
0xa4: {  	s25 =	simm.s32 $0x1B8E;
	s24 =	sld [smem:$0x3FFE];
	[sflag:s23] =	ssyncadd.s32 $0xFFFFFFFF  }
0xa5: {  	s26 =	simm.s32 $execute0_lowered;
	[smem:$0x3FD2] =	sst s25  }
0xa6: {  	s5 =	sshll.u32 s26, $0x1;
	_ =	strace $0x80000046;
	[dreg:$0x1] =	wrdreg $0xFFFFFFFF  }
0xa7: {  	s28 =	simm.s32 $_size_execute0_lowered;
	s3 =	sadd.s32 s3, s5;
	[dreg:$0x0] =	wrdreg $0x0  }
0xa8: {  	s5 =	sshll.u32 s28, $0x1;
	[dreg:$0x2] =	wrdreg s3  }
0xa9: {  	[dreg:$0x3] =	wrdreg s5  }
0xaa: {  	[dreg:$0x4] =	wrdreg $0xC0  }
0xab: {  	_ =	task [dreg:s7], $0x5FFFF  }
0xac: {  	[dreg:$0x1] =	wrdreg $0xFFFFFFFF  }
0xad: {  	[dreg:$0x0] =	wrdreg $0x60  }
0xae: {  	[dreg:$0x2] =	wrdreg s2  }
0xaf: {  	[dreg:$0x3] =	wrdreg s24  }
0xb0: {  	[dreg:$0x4] =	wrdreg $0x15C800  }
0xb1: {  	[dreg:$0x5] =	wrdreg $0x9  }
0xb2: {  	_ =	task.clear_ibuf [dreg:s7], $0x6FFFF;
	_ =	strace $0x90000046  }
0xb3: {  	s29 =	simm.s32 $0x9;
	_ =	strace $0x80000048  }
0xb4: {  	_ =	swait.ge [sflag:s29], $0x1  }
0xb5: {  	[sflag:s29] =	ssyncadd.s32 $0xFFFFFFFF  }
0xb6: {  	_ =	strace $0x90000048  }
0xb7: {  	_ =	sfence  }
0xb8: {  	s30 =	sld [smem:$0x0];
	_ =	sdelay $0x2  }
0xb9: {  	s31 =	sshll.u32 s1, $0xD;
	s1 =	sshrl.u32 s1, $0x2  }
0xba: {  	s3 =	sand.u32 $0x4000, s31;
	s1 =	sadd.s32 s1, s30  }
0xbb: {  	s0 =	sor.u32 s3, s0;
	s1 =	sshll.u32 s1, $0x11  }
0xbc: {  	s0 =	sor.u32 s1, s0  }
0xbd: {  	s0 =	sadd.s32 $0x8F2B, s0  }
0xbe: {  	[sflag:s0] =	ssyncadd.remote.s32 $0x1  }
0xbf: {  	_ =	sfence.sel $0xFFFF  }
0xc0: {  	[dreg:$0x0] =	wrdreg $0xFFFFFFFF;
	(pc) =	sbr.abs _section_cstart, $3  }
0xc1: {  	[dreg:$0x1] =	wrdreg $0xFFFFFFFF  }
0xc2: {  	_ =	task.clear_ibuf [dreg:s7], $0x2FFFF;
	_ =	strace $0x9FFFFFFF  }
0xc3: {  	(tm) =	ssettm $0x7FFFFFFF  }
tec
execute0_lowered:
.L_overlay_start_1:
0x0: {  	(tag) =	ssettag $0x1  }
0x1: {  	s1 =	rddreg [dreg:$0x0]  }
0x2: {  	s0 =	rddreg [dreg:$0x1]  }
0x3: {  	s2 =	rddreg [dreg:$0x2]  }
0x4: {  	s4 =	simm.s32 $0x0;
	s3 =	srdreg.scid;
	s8 =	stileid.u32  }
0x5: {  	s30 =	simm.s32 $0x0;
	[smem:$0x7FF] =	sst s4;
	s3 =	sand.u32 $0x1, s3  }
0x6: {  	s6 =	sadd.s32 $0x2600, s0;
	s7 =	sadd.s32 $0xC600, s0;
	s10 =	smul.u32 $0x28000, s8  }
0x7: {  	s4 =	sadd.s32 $0x16600, s0;
	s11 =	sshrl.u32 s8, $0x3;
	s31 =	smul.u32 $0x1400, s8  }
0x8: {  	s18 =	sshll.u32 s8, $0x7;
	s19 =	sshll.u32 s8, $0x6;
	s5 =	smul.u32 $0x14000, s3  }
0x9: {  	p0 =	sne.s32 s8, $0x0;
	_ =	strace $0x80000047;
	s17 =	smul.u32 $0x28000, s11  }
0xa: {  	s16 =	ssub.s32 $0x2, s3;
	s12 =	sand.u32 $0x380, s18;
	s3 =	smul.u32 $0x1400, s3  }
0xb: {  	s18 =	simm.s32 $0x80;
	s9 =	sshrl.u32 s16, $0x1;
	s10 =	sshrl.u32 s10, $0x2  }
0xc: {  	s0 =	sadd.s32 s5, s0;
	s14 =	ssub.s32 s16, s9;
	s15 =	sadd.s32 s10, s2  }
0xd: {  	s5 =	sor.u32 $0x1C03, s19;
	s20 =	sor.u32 s12, s17;
	s17 =	sadd.s32 $0xA0000, s2  }
0xe: {  	s16 =	simm.s32 $0x3;
	s19 =	simm.s32 $0x400;
	s9 =	sshrl.u32 s20, $0x3  }
0xf: {  	s21 =	sadd.s32 $0xA000, s20;
	s24 =	sadd.s32 $0x14000, s20;
	s28 =	sadd.s32 $0x1E000, s20  }
0x10: {  	s0 =	sadd.s32 $0x17A00, s0;
	s14 =	smax.u32 s14, $0x1;
	s15 =	sshrl.u32 s15, $0x3  }
0x11: {  	s17 =	sshrl.u32 @!p0 s17, $0x3;
	s20 =	simm.s32 $0x1400;
	s22 =	sadd.s32 s6, s9  }
0x12: {  	s11 =	sshrl.u32 s21, $0x3;
	s9 =	sadd.s32 s7, s9;
	s26 =	sshrl.u32 s24, $0x3  }
0x13: {  	s13 =	sshrl.u32 s28, $0x3;
	s21 =	simm.s32 $0x2800;
	[dreg:$0x4] =	wrdreg s22  }
0x14: {  	s24 =	sadd.s32 s31, s0;
	[dreg:$0x5] =	wrdreg s9;
	s23 =	sadd.s32 s6, s11  }
0x15: {  	s25 =	sadd.s32 s7, s11;
	s29 =	sadd.s32 s6, s26;
	s11 =	sadd.s32 s7, s26  }
0x16: {  	s12 =	sadd.s32 s6, s13;
	s13 =	sadd.s32 s7, s13;
	[dreg:$0x6] =	wrdreg s23  }
0x17: {  	v1 =	vimm.s32 $0x0;
	s22 =	simm.s32 $0x7880;
	s26 =	simm.s32 $0x11C80;
	[dreg:$0x7] =	wrdreg s25  }
0x18: {  	v2 =	vlaneseq.u32;
	v3 =	vimm.s32 $0x1400;
	v0 =	vmov s3;
	[dreg:$0x8] =	wrdreg s29;
	s23 =	simm.s32 $0x1;
	s25 =	simm.s32 $0x40  }
.LBB2_1:
0x19: {  	[spmem:s15], [sflag:s5] =	dma.local [hbm:s4], $0x1400  }
0x1a: {  	_ =	swait.ge [sflag:s16], $0x1400  }
0x1b: {  	[sflag:s16] =	ssyncset.done $0x0  }
0x1c: {  	s0 =	simm.s32 @!p0 $0x3;
	[sflag:s16] =	ssyncadd.s32 $0xFFFFEC00  }
0x1d: {  	[spmem:s17], [sflag:s5] =	dma.local @!p0 [hbm:s4], $0x80  }
0x1e: {  	_ =	swait.ge @!p0 [sflag:s0], $0x80  }
0x1f: {  	[sflag:s0] =	ssyncset.done @!p0 $0x0  }
0x20: {  	s28 =	simm.s32 $0x0;
	s3 =	rddreg [dreg:$0x4];
	[sflag:s0] =	ssyncadd.s32 @!p0 $0xFFFFFF80  }
0x21: {  	[tilespmem:s28], [sflag:$0x3] =	stream.strided.gather [hbm4b:s3+s18], $0x1400, s19, s18, $0x38;
	[tilespmem:$0x1FCC0] =	vst v63  }
0x22: {  	_ =	swait.ge [sflag:s16], $0x1400  }
0x23: {  	[sflag:s16] =	ssyncset.done $0x0  }
0x24: {  	s29 =	rddreg [dreg:$0x5];
	[sflag:s16] =	ssyncadd.s32 $0xFFFFEC00  }
0x25: {  	[tilespmem:s20], [sflag:$0x3] =	stream.strided.gather [hbm4b:s29+s18], $0x1400, s19, s18, $0x38;
	[tilespmem:$0x1FCC0] =	vst v63  }
0x26: {  	_ =	swait.ge [sflag:s16], $0x1400  }
0x27: {  	s31 =	simm.s32 $0x0;
	[sflag:s16] =	ssyncset.done $0x0  }
0x28: {  	s0 =	simm.s32 $0x0;
	s3 =	simm.s32 $0x40;
	[sflag:s16] =	ssyncadd.s32 $0xFFFFEC00  }
.LBB2_2:
0x29: {  	p1 =	sne.s32 s3, $0x4FC0;
	v4 =	vld [tilespmem:s31+$0x1400];
	_ =	sdelay $0x4  }
0x2a: {  	v4 =	vsub.s32 v4, v0  }
0x2b: {  	vm0 =	vlt.u32 v4, $0x1400  }
0x2c: {  	v5 =	vsel vm0, $0x1, v1  }
0x2d: {  	(xrf0) =	vadd.scan.msk.s32 $0xffff, v5;
	_ =	sdelay $0x5  }
0x2e: {  	v6, _, _ =	vpop (xrf0)  }
0x2f: {  	v7 =	vadd.s32 s0, v6;
	(v2sf) =	vpush v6, $0xF  }
0x30: {  	v6 =	vsub.s32 v7, v5  }
0x31: {  	v8 =	vshra.s32 v6, $0x1F  }
0x32: {  	v9 =	vshrl.u32 v8, $0x1A  }
0x33: {  	vm1 =	vne.s32 v7, v5;
	v9 =	vadd.s32 v9, v6  }
0x34: {  	v7 =	vsel vm1, $0x1, v1;
	v5 =	vshra.s32 v9, $0x6  }
0x35: {  	v7 =	vor.u32 v7, v8;
	v8 =	vshll.u32 v5, $0x6  }
0x36: {  	vm1 =	vne.s32 v7, $0x1;
	vm2 =	vne.s32 v6, v8  }
0x37: {  	vm1 =	vmand vm2, vm1  }
0x38: {  	v7 =	vsel vm1, $0xFFFFFFFF, v1  }
0x39: {  	v5 =	vadd.s32 v7, v5  }
0x3a: {  	v8 =	vand.u32 $0x3F, v6;
	v7 =	vld [tilespmem:s31+$0x0];
	v5 =	vshll.u32 v5, $0x7  }
0x3b: {  	v5 =	vor.u32 v8, v5  }
.Ltmp0:
0x3c: {  	(pc) =	sbr.rel @p1 .LBB2_2-.Ltmp0, $4  }
0x3d: {  	_ = 	snop  }
0x3e: {  	s6 =	spop (v2sf)  }
0x3f: {  	[tilespmem:v6+s21+$0x0] =	vst.idx.msk vm0, v7;
	s0 =	sadd.s32 s0, s6  }
0x40: {  	s31 =	sshra.s32 s3, $0x2;
	s3 =	sadd.s32 $0x40, s3;
	[tilespmem:v5+s22+$0x0] =	vst.idx.msk vm0, v4  }
0x41: {  	v4 =	vld [tilespmem:s31+$0x1400];
	_ =	sdelay $0x4  }
0x42: {  	v4 =	vsub.s32 v4, v0  }
0x43: {  	vm0 =	vlt.u32 v4, $0x1400  }
0x44: {  	v5 =	vsel vm0, $0x1, v1  }
0x45: {  	(xrf0) =	vadd.scan.msk.s32 $0xffff, v5;
	_ =	sdelay $0x5  }
0x46: {  	v6, _, _ =	vpop (xrf0)  }
0x47: {  	v7 =	vadd.s32 s0, v6  }
0x48: {  	v8 =	vsub.s32 v7, v5  }
0x49: {  	(v2sf) =	vpush v6, $0xF;
	v59 =	vshra.s32 v8, $0x1F  }
0x4a: {  	v9 =	vshrl.u32 v59, $0x1A  }
0x4b: {  	vm1 =	vne.s32 v7, v5;
	v9 =	vadd.s32 v9, v8  }
0x4c: {  	v7 =	vsel vm1, $0x1, v1;
	v5 =	vshra.s32 v9, $0x6  }
0x4d: {  	v6 =	vor.u32 v7, v59;
	v60 =	vshll.u32 v5, $0x6  }
0x4e: {  	vm15 =	vne.s32 v6, $0x1;
	vm2 =	vne.s32 v8, v60  }
0x4f: {  	vm1 =	vmand vm2, vm15  }
0x50: {  	v61 =	vsel vm1, $0xFFFFFFFF, v1  }
0x51: {  	v5 =	vadd.s32 v61, v5  }
0x52: {  	v62 =	vld [tilespmem:s31+$0x0];
	v63 =	vand.u32 $0x3F, v8;
	v5 =	vshll.u32 v5, $0x7  }
0x53: {  	v5 =	vor.u32 v63, v5;
	_ =	sdelay $0x3  }
0x54: {  	[tilespmem:v8+s21+$0x0] =	vst.idx.msk vm0, v62  }
0x55: {  	s6 =	simm.s32 $0x0;
	s7 =	rddreg [dreg:$0x6];
	s3 =	spop (v2sf);
	[tilespmem:v5+s22+$0x0] =	vst.idx.msk vm0, v4  }
0x56: {  	[tilespmem:s6], [sflag:$0x3] =	stream.strided.gather [hbm4b:s7+s18], $0x1400, s19, s18, $0x38;
	[tilespmem:$0x1FCC0] =	vst v63  }
0x57: {  	_ =	swait.ge [sflag:s16], $0x1400  }
0x58: {  	[sflag:s16] =	ssyncset.done $0x0  }
0x59: {  	s29 =	rddreg [dreg:$0x7];
	[sflag:s16] =	ssyncadd.s32 $0xFFFFEC00  }
0x5a: {  	[tilespmem:s20], [sflag:$0x3] =	stream.strided.gather [hbm4b:s29+s18], $0x1400, s19, s18, $0x38;
	[tilespmem:$0x1FCC0] =	vst v63  }
0x5b: {  	_ =	swait.ge [sflag:s16], $0x1400  }
0x5c: {  	s31 =	simm.s32 $0x0;
	[sflag:s16] =	ssyncset.done $0x0  }
0x5d: {  	s0 =	sadd.s32 s0, s3;
	s3 =	simm.s32 $0x40;
	[sflag:s16] =	ssyncadd.s32 $0xFFFFEC00  }
.LBB2_4:
0x5e: {  	p1 =	sne.s32 s3, $0x4FC0;
	v4 =	vld [tilespmem:s31+$0x1400];
	_ =	sdelay $0x4  }
0x5f: {  	v4 =	vsub.s32 v4, v0  }
0x60: {  	vm0 =	vlt.u32 v4, $0x1400  }
0x61: {  	v5 =	vsel vm0, $0x1, v1  }
0x62: {  	(xrf0) =	vadd.scan.msk.s32 $0xffff, v5;
	_ =	sdelay $0x5  }
0x63: {  	v6, _, _ =	vpop (xrf0)  }
0x64: {  	v7 =	vadd.s32 s0, v6;
	(v2sf) =	vpush v6, $0xF  }
0x65: {  	v6 =	vsub.s32 v7, v5  }
0x66: {  	v8 =	vshra.s32 v6, $0x1F  }
0x67: {  	v9 =	vshrl.u32 v8, $0x1A  }
0x68: {  	vm1 =	vne.s32 v7, v5;
	v9 =	vadd.s32 v9, v6  }
0x69: {  	v7 =	vsel vm1, $0x1, v1;
	v5 =	vshra.s32 v9, $0x6  }
0x6a: {  	v7 =	vor.u32 v7, v8;
	v8 =	vshll.u32 v5, $0x6  }
0x6b: {  	vm1 =	vne.s32 v7, $0x1;
	vm2 =	vne.s32 v6, v8  }
0x6c: {  	vm1 =	vmand vm2, vm1  }
0x6d: {  	v7 =	vsel vm1, $0xFFFFFFFF, v1  }
0x6e: {  	v5 =	vadd.s32 v7, v5  }
0x6f: {  	v8 =	vand.u32 $0x3F, v6;
	v7 =	vld [tilespmem:s31+$0x0];
	v5 =	vshll.u32 v5, $0x7  }
0x70: {  	v5 =	vor.u32 v8, v5  }
.Ltmp1:
0x71: {  	(pc) =	sbr.rel @p1 .LBB2_4-.Ltmp1, $4  }
0x72: {  	_ = 	snop  }
0x73: {  	s6 =	spop (v2sf)  }
0x74: {  	[tilespmem:v6+s21+$0x0] =	vst.idx.msk vm0, v7;
	s0 =	sadd.s32 s0, s6  }
0x75: {  	s31 =	sshra.s32 s3, $0x2;
	s3 =	sadd.s32 $0x40, s3;
	[tilespmem:v5+s22+$0x0] =	vst.idx.msk vm0, v4  }
0x76: {  	v4 =	vld [tilespmem:s31+$0x1400];
	_ =	sdelay $0x4  }
0x77: {  	v4 =	vsub.s32 v4, v0  }
0x78: {  	vm0 =	vlt.u32 v4, $0x1400  }
0x79: {  	v5 =	vsel vm0, $0x1, v1  }
0x7a: {  	(xrf0) =	vadd.scan.msk.s32 $0xffff, v5;
	_ =	sdelay $0x5  }
0x7b: {  	v6, _, _ =	vpop (xrf0)  }
0x7c: {  	v7 =	vadd.s32 s0, v6  }
0x7d: {  	v8 =	vsub.s32 v7, v5  }
0x7e: {  	(v2sf) =	vpush v6, $0xF;
	v59 =	vshra.s32 v8, $0x1F  }
0x7f: {  	v9 =	vshrl.u32 v59, $0x1A  }
0x80: {  	vm1 =	vne.s32 v7, v5;
	v9 =	vadd.s32 v9, v8  }
0x81: {  	v7 =	vsel vm1, $0x1, v1;
	v5 =	vshra.s32 v9, $0x6  }
0x82: {  	v6 =	vor.u32 v7, v59;
	v60 =	vshll.u32 v5, $0x6  }
0x83: {  	vm15 =	vne.s32 v6, $0x1;
	vm2 =	vne.s32 v8, v60  }
0x84: {  	vm1 =	vmand vm2, vm15  }
0x85: {  	v61 =	vsel vm1, $0xFFFFFFFF, v1  }
0x86: {  	v5 =	vadd.s32 v61, v5  }
0x87: {  	v62 =	vld [tilespmem:s31+$0x0];
	v63 =	vand.u32 $0x3F, v8;
	v5 =	vshll.u32 v5, $0x7  }
0x88: {  	v5 =	vor.u32 v63, v5;
	_ =	sdelay $0x3  }
0x89: {  	[tilespmem:v8+s21+$0x0] =	vst.idx.msk vm0, v62  }
0x8a: {  	s6 =	simm.s32 $0x0;
	s7 =	rddreg [dreg:$0x8];
	s3 =	spop (v2sf);
	[tilespmem:v5+s22+$0x0] =	vst.idx.msk vm0, v4  }
0x8b: {  	[tilespmem:s6], [sflag:$0x3] =	stream.strided.gather [hbm4b:s7+s18], $0x1400, s19, s18, $0x38;
	[tilespmem:$0x1FCC0] =	vst v63  }
0x8c: {  	_ =	swait.ge [sflag:s16], $0x1400  }
0x8d: {  	[sflag:s16] =	ssyncset.done $0x0  }
0x8e: {  	[sflag:s16] =	ssyncadd.s32 $0xFFFFEC00  }
0x8f: {  	[tilespmem:s20], [sflag:$0x3] =	stream.strided.gather [hbm4b:s11+s18], $0x1400, s19, s18, $0x38;
	[tilespmem:$0x1FCC0] =	vst v63  }
0x90: {  	_ =	swait.ge [sflag:s16], $0x1400  }
0x91: {  	s31 =	simm.s32 $0x0;
	[sflag:s16] =	ssyncset.done $0x0  }
0x92: {  	s0 =	sadd.s32 s0, s3;
	s3 =	simm.s32 $0x40;
	[sflag:s16] =	ssyncadd.s32 $0xFFFFEC00  }
.LBB2_6:
0x93: {  	p1 =	sne.s32 s3, $0x4FC0;
	v4 =	vld [tilespmem:s31+$0x1400];
	_ =	sdelay $0x4  }
0x94: {  	v4 =	vsub.s32 v4, v0  }
0x95: {  	vm0 =	vlt.u32 v4, $0x1400  }
0x96: {  	v5 =	vsel vm0, $0x1, v1  }
0x97: {  	(xrf0) =	vadd.scan.msk.s32 $0xffff, v5;
	_ =	sdelay $0x5  }
0x98: {  	v6, _, _ =	vpop (xrf0)  }
0x99: {  	v7 =	vadd.s32 s0, v6;
	(v2sf) =	vpush v6, $0xF  }
0x9a: {  	v6 =	vsub.s32 v7, v5  }
0x9b: {  	v8 =	vshra.s32 v6, $0x1F  }
0x9c: {  	v9 =	vshrl.u32 v8, $0x1A  }
0x9d: {  	vm1 =	vne.s32 v7, v5;
	v9 =	vadd.s32 v9, v6  }
0x9e: {  	v7 =	vsel vm1, $0x1, v1;
	v5 =	vshra.s32 v9, $0x6  }
0x9f: {  	v7 =	vor.u32 v7, v8;
	v8 =	vshll.u32 v5, $0x6  }
0xa0: {  	vm1 =	vne.s32 v7, $0x1;
	vm2 =	vne.s32 v6, v8  }
0xa1: {  	vm1 =	vmand vm2, vm1  }
0xa2: {  	v7 =	vsel vm1, $0xFFFFFFFF, v1  }
0xa3: {  	v5 =	vadd.s32 v7, v5  }
0xa4: {  	v8 =	vand.u32 $0x3F, v6;
	v7 =	vld [tilespmem:s31+$0x0];
	v5 =	vshll.u32 v5, $0x7  }
0xa5: {  	v5 =	vor.u32 v8, v5  }
.Ltmp2:
0xa6: {  	(pc) =	sbr.rel @p1 .LBB2_6-.Ltmp2, $4  }
0xa7: {  	_ = 	snop  }
0xa8: {  	s6 =	spop (v2sf)  }
0xa9: {  	[tilespmem:v6+s21+$0x0] =	vst.idx.msk vm0, v7;
	s0 =	sadd.s32 s0, s6  }
0xaa: {  	s31 =	sshra.s32 s3, $0x2;
	s3 =	sadd.s32 $0x40, s3;
	[tilespmem:v5+s22+$0x0] =	vst.idx.msk vm0, v4  }
0xab: {  	v4 =	vld [tilespmem:s31+$0x1400];
	_ =	sdelay $0x4  }
0xac: {  	v4 =	vsub.s32 v4, v0  }
0xad: {  	vm0 =	vlt.u32 v4, $0x1400  }
0xae: {  	v5 =	vsel vm0, $0x1, v1  }
0xaf: {  	(xrf0) =	vadd.scan.msk.s32 $0xffff, v5;
	_ =	sdelay $0x5  }
0xb0: {  	v6, _, _ =	vpop (xrf0)  }
0xb1: {  	v7 =	vadd.s32 s0, v6  }
0xb2: {  	v8 =	vsub.s32 v7, v5  }
0xb3: {  	(v2sf) =	vpush v6, $0xF;
	v59 =	vshra.s32 v8, $0x1F  }
0xb4: {  	v9 =	vshrl.u32 v59, $0x1A  }
0xb5: {  	vm1 =	vne.s32 v7, v5;
	v9 =	vadd.s32 v9, v8  }
0xb6: {  	v7 =	vsel vm1, $0x1, v1;
	v5 =	vshra.s32 v9, $0x6  }
0xb7: {  	v6 =	vor.u32 v7, v59;
	v60 =	vshll.u32 v5, $0x6  }
0xb8: {  	vm15 =	vne.s32 v6, $0x1;
	vm2 =	vne.s32 v8, v60  }
0xb9: {  	vm1 =	vmand vm2, vm15  }
0xba: {  	v61 =	vsel vm1, $0xFFFFFFFF, v1  }
0xbb: {  	v5 =	vadd.s32 v61, v5  }
0xbc: {  	v62 =	vld [tilespmem:s31+$0x0];
	v63 =	vand.u32 $0x3F, v8;
	v5 =	vshll.u32 v5, $0x7  }
0xbd: {  	v5 =	vor.u32 v63, v5;
	_ =	sdelay $0x3  }
0xbe: {  	[tilespmem:v8+s21+$0x0] =	vst.idx.msk vm0, v62  }
0xbf: {  	s6 =	simm.s32 $0x0;
	s3 =	spop (v2sf);
	[tilespmem:v5+s22+$0x0] =	vst.idx.msk vm0, v4  }
0xc0: {  	[tilespmem:s6], [sflag:$0x3] =	stream.strided.gather [hbm4b:s12+s18], $0x1400, s19, s18, $0x38;
	[tilespmem:$0x1FCC0] =	vst v63  }
0xc1: {  	_ =	swait.ge [sflag:s16], $0x1400  }
0xc2: {  	[sflag:s16] =	ssyncset.done $0x0  }
0xc3: {  	[sflag:s16] =	ssyncadd.s32 $0xFFFFEC00  }
0xc4: {  	[tilespmem:s20], [sflag:$0x3] =	stream.strided.gather [hbm4b:s13+s18], $0x1400, s19, s18, $0x38;
	[tilespmem:$0x1FCC0] =	vst v63  }
0xc5: {  	_ =	swait.ge [sflag:s16], $0x1400  }
0xc6: {  	s31 =	simm.s32 $0x0;
	[sflag:s16] =	ssyncset.done $0x0  }
0xc7: {  	s0 =	sadd.s32 s0, s3;
	s3 =	simm.s32 $0x40;
	[sflag:s16] =	ssyncadd.s32 $0xFFFFEC00  }
.LBB2_8:
0xc8: {  	p1 =	sne.s32 s3, $0x4FC0;
	v4 =	vld [tilespmem:s31+$0x1400];
	_ =	sdelay $0x4  }
0xc9: {  	v4 =	vsub.s32 v4, v0  }
0xca: {  	vm0 =	vlt.u32 v4, $0x1400  }
0xcb: {  	v5 =	vsel vm0, $0x1, v1  }
0xcc: {  	(xrf0) =	vadd.scan.msk.s32 $0xffff, v5;
	_ =	sdelay $0x5  }
0xcd: {  	v6, _, _ =	vpop (xrf0)  }
0xce: {  	v7 =	vadd.s32 s0, v6;
	(v2sf) =	vpush v6, $0xF  }
0xcf: {  	v6 =	vsub.s32 v7, v5  }
0xd0: {  	v8 =	vshra.s32 v6, $0x1F  }
0xd1: {  	v9 =	vshrl.u32 v8, $0x1A  }
0xd2: {  	vm1 =	vne.s32 v7, v5;
	v9 =	vadd.s32 v9, v6  }
0xd3: {  	v7 =	vsel vm1, $0x1, v1;
	v5 =	vshra.s32 v9, $0x6  }
0xd4: {  	v7 =	vor.u32 v7, v8;
	v8 =	vshll.u32 v5, $0x6  }
0xd5: {  	vm1 =	vne.s32 v7, $0x1;
	vm2 =	vne.s32 v6, v8  }
0xd6: {  	vm1 =	vmand vm2, vm1  }
0xd7: {  	v7 =	vsel vm1, $0xFFFFFFFF, v1  }
0xd8: {  	v5 =	vadd.s32 v7, v5  }
0xd9: {  	v8 =	vand.u32 $0x3F, v6;
	v7 =	vld [tilespmem:s31+$0x0];
	v5 =	vshll.u32 v5, $0x7  }
0xda: {  	v5 =	vor.u32 v8, v5  }
.Ltmp3:
0xdb: {  	(pc) =	sbr.rel @p1 .LBB2_8-.Ltmp3, $4  }
0xdc: {  	_ = 	snop  }
0xdd: {  	s6 =	spop (v2sf)  }
0xde: {  	[tilespmem:v6+s21+$0x0] =	vst.idx.msk vm0, v7;
	s0 =	sadd.s32 s0, s6  }
0xdf: {  	s31 =	sshra.s32 s3, $0x2;
	s3 =	sadd.s32 $0x40, s3;
	[tilespmem:v5+s22+$0x0] =	vst.idx.msk vm0, v4  }
0xe0: {  	v4 =	vld [tilespmem:s31+$0x1400];
	_ =	sdelay $0x4  }
0xe1: {  	v4 =	vsub.s32 v4, v0  }
0xe2: {  	vm0 =	vlt.u32 v4, $0x1400  }
0xe3: {  	v5 =	vsel vm0, $0x1, v1  }
0xe4: {  	(xrf0) =	vadd.scan.msk.s32 $0xffff, v5;
	_ =	sdelay $0x5  }
0xe5: {  	v6, _, _ =	vpop (xrf0)  }
0xe6: {  	(v2sf) =	vpush v6, $0xF;
	_ =	sdelay $0x5  }
0xe7: {  	v6 =	vadd.s32 s0, v6  }
0xe8: {  	v7 =	vsub.s32 v6, v5  }
0xe9: {  	v8 =	vshra.s32 v7, $0x1F  }
0xea: {  	v9 =	vshrl.u32 v8, $0x1A  }
0xeb: {  	vm1 =	vne.s32 v6, v5;
	v9 =	vadd.s32 v9, v7  }
0xec: {  	v6 =	vsel vm1, $0x1, v1;
	v5 =	vshra.s32 v9, $0x6  }
0xed: {  	v6 =	vor.u32 v6, v8;
	v26 =	vshll.u32 v5, $0x6  }
0xee: {  	vm11 =	vne.s32 v6, $0x1;
	vm2 =	vne.s32 v7, v26  }
0xef: {  	vm1 =	vmand vm2, vm11  }
0xf0: {  	v29 =	vsel vm1, $0xFFFFFFFF, v1;
	s3 =	spop (v2sf)  }
0xf1: {  	v5 =	vadd.s32 v29, v5;
	s0 =	sadd.s32 s0, s3  }
0xf2: {  	v30 =	vand.u32 $0x3F, v7;
	v5 =	vshll.u32 v5, $0x7;
	v27 =	vadd.s32 s0, v2  }
0xf3: {  	v5 =	vor.u32 v30, v5;
	s3 =	sadd.s32 $0x10, s0;
	v28 =	vshra.s32 v27, $0x1F  }
0xf4: {  	s6 =	sadd.s32 $0x20, s0;
	s7 =	sadd.s32 $0x30, s0;
	s8 =	sadd.s32 $0x40, s0;
	v11 =	vadd.s32 s3, v2;
	vm12 =	vlt.s32 v27, $0x1;
	v33 =	vand.u32 $0x3F, v27  }
0xf5: {  	s9 =	sadd.s32 $0x50, s0;
	s10 =	sadd.s32 $0x60, s0;
	v34 =	vadd.s32 s6, v2;
	v15 =	vadd.s32 s7, v2;
	v42 =	vadd.s32 s8, v2  }
0xf6: {  	v45 =	vadd.s32 s9, v2;
	v53 =	vadd.s32 s10, v2;
	v6 =	vshrl.u32 v28, $0x1A  }
0xf7: {  	v31 =	vshra.s32 v11, $0x1F;
	vm14 =	vlt.s32 v11, $0x1;
	v13 =	vshra.s32 v34, $0x1F  }
0xf8: {  	v37 =	vand.u32 $0x3F, v11;
	vm4 =	vlt.s32 v34, $0x1;
	v39 =	vshra.s32 v15, $0x1F  }
0xf9: {  	v21 =	vld [tilespmem:s31+$0x0];
	v41 =	vand.u32 $0x3F, v34;
	vm6 =	vlt.s32 v15, $0x1;
	v18 =	vshra.s32 v42, $0x1F  }
0xfa: {  	v44 =	vand.u32 $0x3F, v15;
	v20 =	vshra.s32 v45, $0x1F;
	vm8 =	vlt.s32 v42, $0x1  }
0xfb: {  	s6 =	sadd.s32 $0x70, s0;
	vm10 =	vlt.s32 v45, $0x1;
	v50 =	vand.u32 $0x3F, v42;
	v54 =	vshra.s32 v53, $0x1F  }
0xfc: {  	v55 =	vand.u32 $0x3F, v45;
	v56 =	vadd.s32 s6, v2;
	v62 =	vand.u32 $0x3F, v53  }
0xfd: {  	v6 =	vadd.s32 v6, v27;
	v13 =	vshrl.u32 v13, $0x1A;
	v43 =	vshrl.u32 v18, $0x1A  }
0xfe: {  	[tilespmem:v7+s21+$0x0] =	vst.idx.msk vm0, v21;
	v46 =	vshrl.u32 v20, $0x1A;
	v7 =	vshrl.u32 v54, $0x1A;
	v58 =	vshra.s32 v56, $0x1F  }
0xff: {  	v6 =	vshra.s32 v6, $0x6;
	v36 =	vadd.s32 v13, v34;
	v47 =	vadd.s32 v46, v45  }
0x100: {  	v57 =	vadd.s32 v7, v53;
	v7 =	vshrl.u32 v58, $0x1A;
	v10 =	vshll.u32 v6, $0x6  }
0x101: {  	v38 =	vand.u32 $0xFFFFFFC0, v36;
	v49 =	vand.u32 $0xFFFFFFC0, v47;
	v51 =	vshrl.u32 v47, $0x6  }
0x102: {  	v59 =	vand.u32 $0xFFFFFFC0, v57;
	v7 =	vadd.s32 v7, v56;
	vm13 =	vne.s32 v27, v10  }
0x103: {  	v10 =	vshrl.u32 v31, $0x1A;
	vm5 =	vne.s32 v34, v38;
	vm11 =	vne.s32 v45, v49  }
0x104: {  	v60 =	vand.u32 $0xFFFFFFC0, v7;
	vm1 =	vmand vm12, vm13;
	v10 =	vadd.s32 v10, v11  }
0x105: {  	vm12 =	vne.s32 v53, v59;
	v32 =	vsel vm1, $0xFFFFFFFF, v1;
	v12 =	vand.u32 $0xFFFFFFC0, v10  }
0x106: {  	vm13 =	vlt.s32 v53, $0x1;
	v6 =	vadd.s32 v32, v6;
	vm15 =	vne.s32 v11, v12  }
0x107: {  	v10 =	vshrl.u32 v10, $0x6;
	v6 =	vshll.u32 v6, $0x7;
	vm1 =	vmand vm14, vm15  }
0x108: {  	[tilespmem:v5+s22+$0x0] =	vst.idx.msk vm0, v4;
	vm0 =	vmand vm13, vm12;
	v14 =	vsel vm1, $0xFFFFFFFF, v1;
	v6 =	vor.u32 v33, v6  }
0x109: {  	vm1 =	vmand vm4, vm5;
	v35 =	vadd.s32 v14, v10;
	v14 =	vshrl.u32 v39, $0x1A  }
0x10a: {  	v10 =	vshrl.u32 v36, $0x6;
	v16 =	vsel vm1, $0xFFFFFFFF, v1;
	v14 =	vadd.s32 v14, v15  }
0x10b: {  	v8 =	vshll.u32 v35, $0x7;
	v10 =	vadd.s32 v16, v10;
	v40 =	vand.u32 $0xFFFFFFC0, v14  }
0x10c: {  	v16 =	vadd.s32 v43, v42;
	v8 =	vor.u32 v37, v8;
	vm7 =	vne.s32 v15, v40  }
0x10d: {  	v10 =	vshll.u32 v10, $0x7;
	v19 =	vand.u32 $0xFFFFFFC0, v16;
	vm1 =	vmand vm6, vm7  }
0x10e: {  	v14 =	vshrl.u32 v14, $0x6;
	vm9 =	vne.s32 v42, v19;
	v17 =	vsel vm1, $0xFFFFFFFF, v1  }
0x10f: {  	[tilespmem:v27+s21+$0x0] =	vst.idx.msk $0xffff, v1;
	v10 =	vor.u32 v41, v10;
	vm1 =	vmand vm8, vm9;
	v14 =	vadd.s32 v17, v14  }
0x110: {  	v16 =	vshrl.u32 v16, $0x6;
	[tilespmem:v6+s22+$0x0] =	vst.idx.msk $0xffff, v3;
	v48 =	vsel vm1, $0xFFFFFFFF, v1;
	v14 =	vshll.u32 v14, $0x7  }
0x111: {  	[tilespmem:v11+s21+$0x0] =	vst.idx.msk $0xffff, v1;
	vm1 =	vmand vm10, vm11;
	v16 =	vadd.s32 v48, v16;
	v14 =	vor.u32 v44, v14  }
0x112: {  	vm14 =	vne.s32 v56, v60;
	v52 =	vsel vm1, $0xFFFFFFFF, v1;
	[tilespmem:v8+s22+$0x0] =	vst.idx.msk $0xffff, v3;
	v16 =	vshll.u32 v16, $0x7  }
0x113: {  	v61 =	vsel vm0, $0xFFFFFFFF, v1;
	v5 =	vadd.s32 v52, v51;
	[tilespmem:v34+s21+$0x0] =	vst.idx.msk $0xffff, v1;
	v4 =	vor.u32 v50, v16  }
0x114: {  	vm15 =	vlt.s32 v56, $0x1;
	v6 =	vshrl.u32 v57, $0x6;
	v5 =	vshll.u32 v5, $0x7;
	[tilespmem:v10+s22+$0x0] =	vst.idx.msk $0xffff, v3  }
0x115: {  	vm0 =	vmand vm15, vm14;
	v6 =	vadd.s32 v61, v6;
	v5 =	vor.u32 v55, v5;
	[tilespmem:v15+s21+$0x0] =	vst.idx.msk $0xffff, v1  }
0x116: {  	v7 =	vshrl.u32 v7, $0x6;
	v63 =	vsel vm0, $0xFFFFFFFF, v1;
	v6 =	vshll.u32 v6, $0x7;
	[tilespmem:v14+s22+$0x0] =	vst.idx.msk $0xffff, v3  }
0x117: {  	v7 =	vadd.s32 v63, v7;
	v6 =	vor.u32 v62, v6;
	[tilespmem:v42+s21+$0x0] =	vst.idx.msk $0xffff, v1  }
0x118: {  	v7 =	vshll.u32 v7, $0x7;
	[tilespmem:v4+s22+$0x0] =	vst.idx.msk $0xffff, v3;
	v4 =	vand.u32 $0x3F, v56  }
0x119: {  	[tilespmem:v45+s21+$0x0] =	vst.idx.msk $0xffff, v1;
	v4 =	vor.u32 v4, v7  }
0x11a: {  	[tilespmem:v5+s22+$0x0] =	vst.idx.msk $0xffff, v3  }
0x11b: {  	s0 =	sadd.s32 $0x7F, s0;
	[tilespmem:v53+s21+$0x0] =	vst.idx.msk $0xffff, v1  }
0x11c: {  	s3 =	simm.s32 $0x1;
	s7 =	sand.u32 $0x7F, s0;
	[tilespmem:v6+s22+$0x0] =	vst.idx.msk $0xffff, v3  }
0x11d: {  	s6 =	sshra.s32 s0, $0x1F;
	p1 =	slt.s32 s0, $0x1;
	p2 =	sne.s32 s7, $0x0;
	[tilespmem:v56+s21+$0x0] =	vst.idx.msk $0xffff, v1  }
0x11e: {  	s9 =	simm.s32 $0x2840;
	s8 =	sshrl.u32 s6, $0x19;
	p1 =	por !p1, !p2;
	[tilespmem:v4+s22+$0x0] =	vst.idx.msk $0xffff, v3  }
0x11f: {  	s0 =	sadd.s32 s8, s0;
	p1 =	por !p1, !p1;
	[bflag:$0x0] =	sbarrier.arrive $0xFFFF  }
0x120: {  	[tilespmem:s26], [sflag:$0x1] =	stream.indirect.gather [hbm4b:s1+s25], $0x80, s21, s25, $0xb8;
	[tilespmem:$0x1FCC0] =	vst v63  }
0x121: {  	s7 =	simm.s32 $0x13C80;
	s0 =	sshra.s32 s0, $0x7;
	s3 =	simm.s32 @!p1 $0x0  }
0x122: {  	[tilespmem:s7], [sflag:$0x2] =	stream.indirect.gather [hbm4b:s1+s25], $0x80, s9, s25, $0xb8;
	[tilespmem:$0x1FCC0] =	vst v63  }
0x123: {  	s0 =	ssub.s32 s0, s3;
	_ =	swait.ge [sflag:s23], $0x2000  }
0x124: {  	p1 =	sgt.s32 s0, $0x1;
	[sflag:s23] =	ssyncset.done $0x0  }
0x125: {  	s10 =	simm.s32 $0x7880;
	s0 =	simm.s32 @!p1 $0x1;
	[sflag:s23] =	ssyncadd.s32 $0xFFFFE000  }
0x126: {  	[spmem:s2] =	stream.indirect.scatter.add.f32 [tilespmem:s26], [sflag:$0x3], $0x80, s10, s25, $0xb8;
	[tilespmem:$0x1FCC0] =	vst v63  }
0x127: {  	s31 =	sadd.s32 $0xFFFFFFFF, s0;
	_ =	swait.ge [sflag:s16], $0x2000  }
0x128: {  	p1 =	sle.u32 s31, $0x0;
	[sflag:s16] =	ssyncset.done $0x0  }
0x129: {  	s3 =	simm.s32 @p1 $0x2;
	[sflag:s16] =	ssyncadd.s32 $0xFFFFE000  }
0x12a: {  	_ =	swait.ge @p1 [sflag:s3], $0x2000  }
0x12b: {  	s6 =	simm.s32 $0x7900;
	s8 =	simm.s32 @p1 $0x13C80;
	[sflag:s3] =	ssyncset.done @p1 $0x0  }
0x12c: {  	s7 =	simm.s32 @p1 $0x3;
	[sflag:s3] =	ssyncadd.s32 @p1 $0xFFFFE000;
	s3 =	simm.s32 @p1 $0x40  }
0x12d: {  	[spmem:s2] =	stream.indirect.scatter.add.f32 @p1 [tilespmem:s8], [sflag:$0x3], $0x80, s6, s3, $0xb8;
	[tilespmem:$0x1FCC0] =	vst v63  }
0x12e: {  	_ =	swait.ge @p1 [sflag:s7], $0x2000  }
0x12f: {  	s28 =	simm.s32 @!p1 $0x2880;
	s3 =	simm.s32 @!p1 $0x11C80;
	[sflag:s7] =	ssyncset.done @p1 $0x0  }
0x130: {  	s8 =	simm.s32 @!p1 $0x2;
	[sflag:s7] =	ssyncadd.s32 @p1 $0xFFFFE000;
	s7 =	simm.s32 @!p1 $0x40  }
0x131: {  	[tilespmem:s3], [sflag:$0x1] =	stream.indirect.gather @!p1 [hbm4b:s1+s7], $0x80, s28, s7, $0xb8;
	[tilespmem:$0x1FCC0] =	vst v63  }
0x132: {  	_ =	swait.ge @!p1 [sflag:s8], $0x2000  }
0x133: {  	p2 =	sne.s32 s0, $0x1;
	s28 =	simm.s32 @!p1 $0x3;
	[sflag:s8] =	ssyncset.done @!p1 $0x0  }
.Ltmp4:
0x134: {  	[sflag:s8] =	ssyncadd.s32 @!p1 $0xFFFFE000;
	s8 =	simm.s32 @!p1 $0x13C80;
	(pc) =	sbr.rel @!p2 .LBB2_11-.Ltmp4, $4  }
0x135: {  	[spmem:s2] =	stream.indirect.scatter.add.f32 @!p1 [tilespmem:s8], [sflag:$0x3], $0x80, s6, s7, $0xb8;
	[tilespmem:$0x1FCC0] =	vst v63  }
0x136: {  	_ =	swait.ge @!p1 [sflag:s28], $0x2000  }
0x137: {  	s29 =	simm.s32 $0x28C0;
	s3 =	simm.s32 $0x1;
	[sflag:s28] =	ssyncset.done @!p1 $0x0  }
0x138: {  	s6 =	simm.s32 $0x7A00;
	[sflag:s28] =	ssyncadd.s32 @!p1 $0xFFFFE000;
	s28 =	simm.s32 $0x2940  }
.LBB2_10:
0x139: {  	[tilespmem:s8], [sflag:$0x2] =	stream.indirect.gather @!p1 [hbm4b:s1+s7], $0x80, s29, s7, $0xb8;
	[tilespmem:$0x1FCC0] =	vst v63  }
0x13a: {  	s7 =	smov.u32 s3;
	s3 =	sadd.s32 $0x1, s3;
	_ =	swait.ge [sflag:s23], $0x2000  }
0x13b: {  	s29 =	smov.u32 s28;
	p2 =	sne.s32 s0, s3;
	[sflag:s23] =	ssyncset.done $0x0  }
0x13c: {  	s8 =	sadd.s32 $0xFFFFFF80, s6;
	[sflag:s23] =	ssyncadd.s32 $0xFFFFE000  }
0x13d: {  	[spmem:s2] =	stream.indirect.scatter.add.f32 [tilespmem:s26], [sflag:$0x3], $0x80, s8, s25, $0xb8;
	[tilespmem:$0x1FCC0] =	vst v63  }
0x13e: {  	_ =	swait.ge [sflag:s16], $0x2000  }
0x13f: {  	p1 =	sge.u32 s7, s31;
	[sflag:s16] =	ssyncset.done $0x0  }
0x140: {  	s7 =	simm.s32 @p1 $0x2;
	[sflag:s16] =	ssyncadd.s32 $0xFFFFE000  }
0x141: {  	_ =	swait.ge @p1 [sflag:s7], $0x2000  }
0x142: {  	s8 =	simm.s32 @p1 $0x3;
	[sflag:s7] =	ssyncset.done @p1 $0x0  }
0x143: {  	s9 =	simm.s32 @p1 $0x13C80;
	[sflag:s7] =	ssyncadd.s32 @p1 $0xFFFFE000;
	s7 =	simm.s32 @p1 $0x40  }
0x144: {  	[spmem:s2] =	stream.indirect.scatter.add.f32 @p1 [tilespmem:s9], [sflag:$0x3], $0x80, s6, s7, $0xb8;
	[tilespmem:$0x1FCC0] =	vst v63  }
0x145: {  	_ =	swait.ge @p1 [sflag:s8], $0x2000  }
0x146: {  	s10 =	simm.s32 @!p1 $0x2;
	s9 =	simm.s32 @!p1 $0x11C80;
	[sflag:s8] =	ssyncset.done @p1 $0x0  }
0x147: {  	s7 =	simm.s32 @!p1 $0x40;
	[sflag:s8] =	ssyncadd.s32 @p1 $0xFFFFE000;
	s8 =	sadd.s32 @!p1 $0xFFFFFFC0, s28  }
0x148: {  	[tilespmem:s9], [sflag:$0x1] =	stream.indirect.gather @!p1 [hbm4b:s1+s7], $0x80, s8, s7, $0xb8;
	[tilespmem:$0x1FCC0] =	vst v63  }
0x149: {  	_ =	swait.ge @!p1 [sflag:s10], $0x2000  }
0x14a: {  	s9 =	simm.s32 @!p1 $0x3;
	[sflag:s10] =	ssyncset.done @!p1 $0x0  }
.Ltmp5:
0x14b: {  	s8 =	simm.s32 @!p1 $0x13C80;
	[sflag:s10] =	ssyncadd.s32 @!p1 $0xFFFFE000;
	(pc) =	sbr.rel @p2 .LBB2_10-.Ltmp5, $4  }
0x14c: {  	[spmem:s2] =	stream.indirect.scatter.add.f32 @!p1 [tilespmem:s8], [sflag:$0x3], $0x80, s6, s7, $0xb8;
	[tilespmem:$0x1FCC0] =	vst v63  }
0x14d: {  	_ =	swait.ge @!p1 [sflag:s9], $0x2000  }
0x14e: {  	[sflag:s9] =	ssyncset.done @!p1 $0x0  }
0x14f: {  	s28 =	sadd.s32 $0x80, s28;
	s6 =	sadd.s32 $0x100, s6;
	[sflag:s9] =	ssyncadd.s32 @!p1 $0xFFFFE000  }
.LBB2_11:
0x150: {  	[tilespmem:s8], [sflag:$0x2] =	stream.indirect.gather @!p1 [hbm4b:s1+s7], $0x80, s29, s7, $0xb8;
	[tilespmem:$0x1FCC0] =	vst v63  }
0x151: {  	s30 =	sadd.s32 $0x1, s30  }
0x152: {  	p1 =	sne.s32 s30, s14  }
.Ltmp6:
0x153: {  	[bflag:$0x0] =	sbarrier.arrive $0xFFFF;
	(pc) =	sbr.rel @p1 .LBB2_1-.Ltmp6, $4  }
0x154: {  	[hbm:s24], [sflag:s5] =	dma.local [spmem:s15], $0x1400  }
0x155: {  	_ =	swait.ge [sflag:s16], $0x1400  }
0x156: {  	[sflag:s16] =	ssyncset.done $0x0  }
0x157: {  	[sflag:s16] =	ssyncadd.s32 $0xFFFFEC00  }
0x158: {  	_ =	sfence.sel $0x180000  }
0x159: {  	[bflag:$0x0] =	sbarrier.arrive $0xFFFF  }
0x15a: {  	_ =	strace $0x90000047  }
0x15b: {  	[bflag:$0x2] =	sbarrier.arrive $0xFFFF  }
0x15c: {  	s0 =	rddreg [dreg:$0x3]  }
0x15d: {  	s0 =	sadd.s32 @!p0 $0x100000, s0  }
0x15e: {  	[sflag:s0] =	ssyncadd.tile.s32 @!p0 $0x1;
	_ =	shalt  }
.Lfunc_end2:
_tile_overlayer_lowered:
.L_overlay_start_2:
0x15f: {  	(tag) =	ssettag $0x2  }
0x160: {  	s0 =	rddreg [dreg:$0x0];
	s2 =	stileid.u32  }
0x161: {  	s1 =	rddreg [dreg:$0x1];
	p0 =	sne.s32 s2, $0x0  }
0x162: {  	s3 =	rddreg [dreg:$0x2];
	[bflag:$0x3] =	sbarrier.arrive $0xFFFF;
	s2 =	simm.s32 @!p0 $0x1C03  }
0x163: {  	[timem:s3], [sflag:s2] =	dma.local @!p0 [hbm:s0], s1  }
0x164: {  	s0 =	simm.s32 @!p0 $0x3  }
0x165: {  	_ =	swait.ge @!p0 [sflag:s0], s1  }
0x166: {  	s1 =	ssub.s32 @!p0 $0x0, s1;
	[sflag:s0] =	ssyncset.done @!p0 $0x0  }
0x167: {  	[sflag:s0] =	ssyncadd.s32 @!p0 s1  }
0x168: {  	[bflag:$0x3] =	sbarrier.arrive $0xFFFF  }
0x169: {  	_ =	shalt  }

// kernel: kernel.9.cloned.1.call-start
scs
__scs_entry_jumppad:
0x0: {  	(pc) =	sbr.rel $0x88, $3  }
0x1: {  	(tag) =	ssettag $0x0;
	lr =	simm.s32 $0x1  }
0x2: {  	[smem:$0x3F94] =	sst lr;
	_ =	strace $0xD0000000  }
0x3: {  	_ = 	snop  }
0x4: {  	_ = 	snop  }
0x5: {  	_ = 	snop  }
0x6: {  	_ = 	snop  }
0x7: {  	_ = 	snop  }
__scs_overlays_trampoline_lowered:
0x8: {  	[smem:$0x3FA3] =	sst s0  }
0x9: {  	[smem:$0x3FA4] =	sst s1  }
0xa: {  	[smem:$0x3FA5] =	sst s2  }
0xb: {  	[smem:$0x3FA6] =	sst s3  }
0xc: {  	[smem:$0x3FA7] =	sst s4  }
0xd: {  	[smem:$0x3FA8] =	sst s5  }
0xe: {  	[smem:$0x3FA9] =	sst s6  }
0xf: {  	[smem:$0x3FAA] =	sst s7  }
0x10: {  	[smem:$0x3FAB] =	sst s8  }
0x11: {  	[smem:$0x3FAC] =	sst s9;
	s0 =	simm.s32 @!p0 $0x0  }
0x12: {  	s1 =	sld [smem:$0x3F92];
	s0 =	simm.s32 @p0 $0x1  }
0x13: {  	[smem:$0x3FAD] =	sst s0;
	s0 =	simm.s32 @!p1 $0x0  }
0x14: {  	s2 =	sld [smem:$0x3F91];
	s0 =	simm.s32 @p1 $0x1  }
0x15: {  	[smem:$0x3FAE] =	sst s0;
	s0 =	simm.s32 @!p2 $0x0  }
0x16: {  	s3 =	sld [smem:$0x3FDB];
	s0 =	simm.s32 @p2 $0x1  }
0x17: {  	s4 =	simm.s32 $0x1BF5;
	[smem:$0x3FB0] =	sst s0  }
0x18: {  	s0 =	sld [smem:$0x3F93];
	_ =	swait.ge [sflag:s4], $0x0  }
0x19: {  	s7 =	sld [smem:$0x3F94]  }
0x1a: {  	s8 =	sadd.s32 $0xFFFFE003, lr  }
0x1b: {  	s9 =	sadd.s32 $0xFFFFFEF7, lr;
	s5 =	simm.s32 $0xFFFFFFFF;
	p2 =	slt.u32 s8, $0xFFFFF086  }
0x1c: {  	p1 =	slt.u32 s9, $0xF7A;
	s5 =	simm.s32 @!p2 $0x0  }
0x1d: {  	s5 =	simm.s32 @p1 $0x1;
	p0 =	seq.s32 s7, s2  }
0x1e: {  	s7 =	smul.u32 @!p0 $0xF7A, s2;
	p2 =	seq.s32 @!p0 s5, $0x0  }
0x1f: {  	s9 =	smul.u32 $0xF7A, s1;
	s8 =	simm.s32 @!p0 $0x1BF5;
	p2 =	por !p2, p0  }
0x20: {  	[sflag:s8] =	ssyncset.s32 @!p0 $0xFFFFF086;
	s6 =	sadd.s32 @!p0 s3, s7;
	s7 =	simm.s32 @!p0 $0x108  }
0x21: {  	s3 =	sadd.s32 s3, s9;
	s6 =	sadd.s32 @!p0 $0x88, s6;
	s7 =	simm.s32 @p2 $0x1082  }
0x22: {  	[simem:s7], [sflag:s8] =	dma.local @!p0 [hbm:s6], $0xF7A  }
0x23: {  	s9 =	sor.u32 $0xD0000000, s2;
	s6 =	simm.s32 $0x108;
	_ =	swait.ge @!p0 [sflag:s8], $0x0  }
0x24: {  	s3 =	sadd.s32 $0x88, s3;
	s6 =	simm.s32 @!p1 $0x1082;
	[sflag:s4] =	ssyncset.s32 $0xFFFFF086  }
0x25: {  	[simem:s6], [sflag:s4] =	dma.local [hbm:s3], $0xF7A  }
0x26: {  	[smem:$0x3F94] =	sst s1;
	(tag) =	ssettag s2;
	_ =	strace s9  }
0x27: {  	s1 =	sld [smem:$0x3FA4]  }
0x28: {  	s2 =	sld [smem:$0x3FA5]  }
0x29: {  	s4 =	sld [smem:$0x3FA7]  }
0x2a: {  	p0 =	seq.s32 s5, $0x0;
	s5 =	sld [smem:$0x3FA8]  }
0x2b: {  	s6 =	sld [smem:$0x3FA9]  }
0x2c: {  	s7 =	sld [smem:$0x3FAA]  }
0x2d: {  	s3 =	simm.s32 $0x108;
	s8 =	sld [smem:$0x3FAB]  }
0x2e: {  	s3 =	simm.s32 @!p0 $0x1082;
	s9 =	sld [smem:$0x3FAC]  }
0x2f: {  	lr =	sadd.s32 s0, s3;
	s0 =	sld [smem:$0x3FA3]  }
0x30: {  	s3 =	sld [smem:$0x3FA6]  }
0x31: {  	[smem:$0x3FAF] =	sst s10  }
0x32: {  	s10 =	sld [smem:$0x3FAD];
	_ =	sdelay $0x3  }
0x33: {  	p0 =	seq.s32 s10, $0x1;
	s10 =	sld [smem:$0x3FAF];
	_ =	sdelay $0x3  }
0x34: {  	[smem:$0x3FAF] =	sst s10  }
0x35: {  	s10 =	sld [smem:$0x3FAE];
	_ =	sdelay $0x3  }
0x36: {  	p1 =	seq.s32 s10, $0x1;
	s10 =	sld [smem:$0x3FAF];
	_ =	sdelay $0x3  }
0x37: {  	[smem:$0x3FAF] =	sst s10  }
0x38: {  	s10 =	sld [smem:$0x3FB0]  }
0x39: {  	_ = 	snop;
	(pc) =	sbr.ind lr, $3  }
0x3a: {  	_ = 	snop  }
0x3b: {  	_ = 	snop  }
0x3c: {  	p2 =	seq.s32 s10, $0x1;
	s10 =	sld [smem:$0x3FAF]  }
0x3d: {  	_ =	shalt  }
0x3e: {  	_ =	shalt  }
0x3f: {  	_ =	shalt  }
0x40: {  	_ =	shalt  }
0x41: {  	_ =	shalt  }
0x42: {  	_ =	shalt  }
0x43: {  	_ =	shalt  }
0x44: {  	_ =	shalt  }
0x45: {  	_ =	shalt  }
0x46: {  	_ =	shalt  }
0x47: {  	_ =	shalt  }
0x48: {  	_ =	shalt  }
0x49: {  	_ =	shalt  }
0x4a: {  	_ =	shalt  }
0x4b: {  	_ =	shalt  }
0x4c: {  	_ =	shalt  }
0x4d: {  	_ =	shalt  }
0x4e: {  	_ =	shalt  }
0x4f: {  	_ =	shalt  }
0x50: {  	_ =	shalt  }
0x51: {  	_ =	shalt  }
0x52: {  	_ =	shalt  }
0x53: {  	_ =	shalt  }
0x54: {  	_ =	shalt  }
0x55: {  	_ =	shalt  }
0x56: {  	_ =	shalt  }
0x57: {  	_ =	shalt  }
0x58: {  	_ =	shalt  }
0x59: {  	_ =	shalt  }
0x5a: {  	_ =	shalt  }
0x5b: {  	_ =	shalt  }
0x5c: {  	_ =	shalt  }
0x5d: {  	_ =	shalt  }
0x5e: {  	_ =	shalt  }
0x5f: {  	_ =	shalt  }
0x60: {  	_ =	shalt  }
0x61: {  	_ =	shalt  }
0x62: {  	_ =	shalt  }
0x63: {  	_ =	shalt  }
0x64: {  	_ =	shalt  }
0x65: {  	_ =	shalt  }
0x66: {  	_ =	shalt  }
0x67: {  	_ =	shalt  }
0x68: {  	_ =	shalt  }
0x69: {  	_ =	shalt  }
0x6a: {  	_ =	shalt  }
0x6b: {  	_ =	shalt  }
0x6c: {  	_ =	shalt  }
0x6d: {  	_ =	shalt  }
0x6e: {  	_ =	shalt  }
0x6f: {  	_ =	shalt  }
0x70: {  	_ =	shalt  }
0x71: {  	_ =	shalt  }
0x72: {  	_ =	shalt  }
0x73: {  	_ =	shalt  }
0x74: {  	_ =	shalt  }
0x75: {  	_ =	shalt  }
0x76: {  	_ =	shalt  }
0x77: {  	_ =	shalt  }
0x78: {  	_ =	shalt  }
0x79: {  	_ =	shalt  }
0x7a: {  	_ =	shalt  }
0x7b: {  	_ =	shalt  }
0x7c: {  	_ =	shalt  }
0x7d: {  	_ =	shalt  }
0x7e: {  	_ =	shalt  }
0x7f: {  	_ =	shalt  }
0x80: {  	_ =	shalt  }
0x81: {  	_ =	shalt  }
0x82: {  	_ =	shalt  }
0x83: {  	_ =	shalt  }
0x84: {  	_ =	shalt  }
0x85: {  	_ =	shalt  }
0x86: {  	_ =	shalt  }
0x87: {  	_ =	shalt  }
.Lfunc_end0:
.L_simem_size_0:
called_computation.1_lowered:
.L_overlay_start_0:
0x88: {  	s2 =	sld [smem:$0x3FD9]  }
0x89: {  	s3 =	sld [smem:$0x3FFE];
	_ =	sdelay $0x1  }
0x8a: {  	s1 =	srdreg.scid  }
0x8b: {  	s0 =	sand.u32 $0x1, s1  }
0x8c: {  	s16 =	sshll.u32 s0, $0xA;
	s2 =	sadd.s32 s3, s2  }
0x8d: {  	s2 =	sadd.s32 s2, s16  }
0x8e: {  	[smem:$0x3FBB] =	sst s2  }
0x8f: {  	_ = 	snop  }
0x90: {  	(tm) =	ssettm $0x1  }
0x91: {  	s17 =	sld [smem:$0x3FFB];
	_ =	sdelay $0x3  }
0x92: {  	_ =	strace s17  }
0x93: {  	s2 =	sld [smem:$0x3FFC];
	_ =	sdelay $0x3  }
0x94: {  	_ =	strace s2  }
0x95: {  	s2 =	sld [smem:$0x3FFD];
	_ =	sdelay $0x3  }
0x96: {  	_ =	strace s2  }
0x97: {  	_ =	strace $0x8FFFFFFF  }
0x98: {  	s18 =	sld [smem:$0x3FDB];
	_ =	sdelay $0x1  }
0x99: {  	s19 =	simm.s32 $_scs_section_size  }
0x9a: {  	s4 =	simm.s32 $_size__tile_overlayer_lowered;
	s5 =	simm.s32 $_tile_overlayer_lowered  }
0x9b: {  	s22 =	simm.s32 $0x1BFF;
	s21 =	sshll.u32 s5, $0x1;
	s2 =	sadd.s32 s19, s18  }
0x9c: {  	s6 =	simm.s32 $0x0;
	s20 =	sshll.u32 s4, $0x1;
	s4 =	sadd.s32 s21, s2  }
0x9d: {  	[timem:s6], [sflag:s22] =	dma.local [hbm:s4], s20  }
0x9e: {  	_ =	swait.ge [sflag:s22], s20  }
0x9f: {  	s3 =	ssub.s32 $0x0, s20;
	[sflag:s22] =	ssyncset.done $0x0  }
0xa0: {  	[sflag:s22] =	ssyncadd.s32 s3;
	_ =	sdelay $0x1  }
0xa1: {  	s23 =	simm.s32 $0x1B8B  }
0xa2: {  	_ =	swait.ge [sflag:s23], $0x1  }
0xa3: {  	[sflag:s23] =	ssyncset.done $0x0  }
0xa4: {  	s25 =	simm.s32 $0x1B8E;
	s24 =	sld [smem:$0x3FFE];
	[sflag:s23] =	ssyncadd.s32 $0xFFFFFFFF  }
0xa5: {  	s26 =	simm.s32 $execute0_lowered;
	[smem:$0x3FD2] =	sst s25  }
0xa6: {  	s4 =	sshll.u32 s26, $0x1;
	_ =	strace $0x80000049;
	[dreg:$0x1] =	wrdreg $0xFFFFFFFF  }
0xa7: {  	s28 =	simm.s32 $_size_execute0_lowered;
	s2 =	sadd.s32 s2, s4;
	[dreg:$0x0] =	wrdreg $0x0  }
0xa8: {  	s4 =	sshll.u32 s28, $0x1;
	[dreg:$0x2] =	wrdreg s2  }
0xa9: {  	[dreg:$0x3] =	wrdreg s4  }
0xaa: {  	[dreg:$0x4] =	wrdreg $0xC0  }
0xab: {  	_ =	task [dreg:s6], $0x5FFFF  }
0xac: {  	[dreg:$0x1] =	wrdreg $0xFFFFFFFF  }
0xad: {  	[dreg:$0x0] =	wrdreg $0x60  }
0xae: {  	[dreg:$0x2] =	wrdreg s24  }
0xaf: {  	[dreg:$0x3] =	wrdreg $0x15C800  }
0xb0: {  	[dreg:$0x4] =	wrdreg $0x9  }
0xb1: {  	_ =	task.clear_ibuf [dreg:s6], $0x5FFFF;
	_ =	strace $0x90000049  }
0xb2: {  	s29 =	simm.s32 $0x9;
	_ =	strace $0x8000004B  }
0xb3: {  	_ =	swait.ge [sflag:s29], $0x1  }
0xb4: {  	[sflag:s29] =	ssyncadd.s32 $0xFFFFFFFF  }
0xb5: {  	_ =	strace $0x9000004B  }
0xb6: {  	_ =	sfence  }
0xb7: {  	s30 =	sld [smem:$0x0];
	_ =	sdelay $0x2  }
0xb8: {  	s31 =	sshll.u32 s1, $0xD;
	s1 =	sshrl.u32 s1, $0x2  }
0xb9: {  	s3 =	sand.u32 $0x4000, s31;
	s1 =	sadd.s32 s1, s30  }
0xba: {  	s0 =	sor.u32 s3, s0;
	s1 =	sshll.u32 s1, $0x11  }
0xbb: {  	s0 =	sor.u32 s1, s0  }
0xbc: {  	s0 =	sadd.s32 $0x8F2B, s0  }
0xbd: {  	[sflag:s0] =	ssyncadd.remote.s32 $0x1  }
0xbe: {  	_ =	sfence.sel $0xFFFF  }
0xbf: {  	[dreg:$0x0] =	wrdreg $0xFFFFFFFF;
	(pc) =	sbr.abs _section_cstart, $3  }
0xc0: {  	[dreg:$0x1] =	wrdreg $0xFFFFFFFF  }
0xc1: {  	_ =	task.clear_ibuf [dreg:s6], $0x2FFFF;
	_ =	strace $0x9FFFFFFF  }
0xc2: {  	(tm) =	ssettm $0x7FFFFFFF  }
0xc3: {  	_ =	shalt  }
tec
execute0_lowered:
.L_overlay_start_1:
0x0: {  	(tag) =	ssettag $0x1  }
0x1: {  	s0 =	rddreg [dreg:$0x0]  }
0x2: {  	s1 =	rddreg [dreg:$0x1];
	s3 =	simm.s32 $0x0  }
0x3: {  	s2 =	srdreg.scid;
	s8 =	stileid.u32;
	s30 =	simm.s32 $0x0  }
0x4: {  	[smem:$0x7FF] =	sst s3;
	s2 =	sand.u32 $0x1, s2;
	s3 =	sadd.s32 $0x17A00, s0  }
0x5: {  	s6 =	sadd.s32 $0x2600, s0;
	s7 =	sadd.s32 $0xC600, s0;
	s10 =	smul.u32 $0x28000, s8  }
0x6: {  	s4 =	sadd.s32 $0x16600, s0;
	s11 =	sshrl.u32 s8, $0x3;
	s31 =	smul.u32 $0x1400, s8  }
0x7: {  	s18 =	sshll.u32 s8, $0x7;
	s19 =	sshll.u32 s8, $0x6;
	s5 =	smul.u32 $0x14000, s2  }
0x8: {  	p0 =	sne.s32 s8, $0x0;
	_ =	strace $0x8000004A;
	s17 =	smul.u32 $0x28000, s11  }
0x9: {  	s16 =	ssub.s32 $0x2, s2;
	s12 =	sand.u32 $0x380, s18;
	s2 =	smul.u32 $0x1400, s2  }
0xa: {  	s18 =	simm.s32 $0x80;
	s9 =	sshrl.u32 s16, $0x1;
	s10 =	sshrl.u32 s10, $0x2  }
0xb: {  	s0 =	sadd.s32 s5, s0;
	s14 =	ssub.s32 s16, s9;
	s15 =	sadd.s32 s10, s1  }
0xc: {  	s5 =	sor.u32 $0x1C03, s19;
	s20 =	sor.u32 s12, s17;
	s17 =	sadd.s32 $0xA0000, s1  }
0xd: {  	s16 =	simm.s32 $0x3;
	s19 =	simm.s32 $0x400;
	s9 =	sshrl.u32 s20, $0x3  }
0xe: {  	s21 =	sadd.s32 $0xA000, s20;
	s24 =	sadd.s32 $0x14000, s20;
	s28 =	sadd.s32 $0x1E000, s20  }
0xf: {  	s0 =	sadd.s32 $0x3EC00, s0;
	s14 =	smax.u32 s14, $0x1;
	s15 =	sshrl.u32 s15, $0x3  }
0x10: {  	s17 =	sshrl.u32 @!p0 s17, $0x3;
	s20 =	simm.s32 $0x1400;
	s22 =	sadd.s32 s6, s9  }
0x11: {  	s11 =	sshrl.u32 s21, $0x3;
	s9 =	sadd.s32 s7, s9;
	s26 =	sshrl.u32 s24, $0x3  }
0x12: {  	s13 =	sshrl.u32 s28, $0x3;
	s21 =	simm.s32 $0x2800;
	[dreg:$0x3] =	wrdreg s22  }
0x13: {  	s24 =	sadd.s32 s31, s0;
	[dreg:$0x4] =	wrdreg s9;
	s23 =	sadd.s32 s6, s11  }
0x14: {  	s25 =	sadd.s32 s7, s11;
	s29 =	sadd.s32 s6, s26;
	s11 =	sadd.s32 s7, s26  }
0x15: {  	s12 =	sadd.s32 s6, s13;
	s13 =	sadd.s32 s7, s13;
	[dreg:$0x5] =	wrdreg s23  }
0x16: {  	v1 =	vimm.s32 $0x0;
	s22 =	simm.s32 $0x7880;
	s26 =	simm.s32 $0x11C80;
	[dreg:$0x6] =	wrdreg s25  }
0x17: {  	v2 =	vlaneseq.u32;
	v3 =	vimm.s32 $0x1400;
	v0 =	vmov s2;
	[dreg:$0x7] =	wrdreg s29;
	s23 =	simm.s32 $0x1;
	s25 =	simm.s32 $0x40  }
.LBB2_1:
0x18: {  	[spmem:s15], [sflag:s5] =	dma.local [hbm:s4], $0x1400  }
0x19: {  	_ =	swait.ge [sflag:s16], $0x1400  }
0x1a: {  	[sflag:s16] =	ssyncset.done $0x0  }
0x1b: {  	s0 =	simm.s32 @!p0 $0x3;
	[sflag:s16] =	ssyncadd.s32 $0xFFFFEC00  }
0x1c: {  	[spmem:s17], [sflag:s5] =	dma.local @!p0 [hbm:s4], $0x80  }
0x1d: {  	_ =	swait.ge @!p0 [sflag:s0], $0x80  }
0x1e: {  	[sflag:s0] =	ssyncset.done @!p0 $0x0  }
0x1f: {  	s28 =	simm.s32 $0x0;
	s2 =	rddreg [dreg:$0x3];
	[sflag:s0] =	ssyncadd.s32 @!p0 $0xFFFFFF80  }
0x20: {  	[tilespmem:s28], [sflag:$0x3] =	stream.strided.gather [hbm4b:s2+s18], $0x1400, s19, s18, $0x38;
	[tilespmem:$0x1FCC0] =	vst v63  }
0x21: {  	_ =	swait.ge [sflag:s16], $0x1400  }
0x22: {  	[sflag:s16] =	ssyncset.done $0x0  }
0x23: {  	s29 =	rddreg [dreg:$0x4];
	[sflag:s16] =	ssyncadd.s32 $0xFFFFEC00  }
0x24: {  	[tilespmem:s20], [sflag:$0x3] =	stream.strided.gather [hbm4b:s29+s18], $0x1400, s19, s18, $0x38;
	[tilespmem:$0x1FCC0] =	vst v63  }
0x25: {  	_ =	swait.ge [sflag:s16], $0x1400  }
0x26: {  	s31 =	simm.s32 $0x0;
	[sflag:s16] =	ssyncset.done $0x0  }
0x27: {  	s0 =	simm.s32 $0x0;
	s2 =	simm.s32 $0x40;
	[sflag:s16] =	ssyncadd.s32 $0xFFFFEC00  }
.LBB2_2:
0x28: {  	p1 =	sne.s32 s2, $0x4FC0;
	v4 =	vld [tilespmem:s31+$0x1400];
	_ =	sdelay $0x4  }
0x29: {  	v4 =	vsub.s32 v4, v0  }
0x2a: {  	vm0 =	vlt.u32 v4, $0x1400  }
0x2b: {  	v5 =	vsel vm0, $0x1, v1  }
0x2c: {  	(xrf0) =	vadd.scan.msk.s32 $0xffff, v5;
	_ =	sdelay $0x5  }
0x2d: {  	v6, _, _ =	vpop (xrf0)  }
0x2e: {  	v7 =	vadd.s32 s0, v6;
	(v2sf) =	vpush v6, $0xF  }
0x2f: {  	v6 =	vsub.s32 v7, v5  }
0x30: {  	v8 =	vshra.s32 v6, $0x1F  }
0x31: {  	v9 =	vshrl.u32 v8, $0x1A  }
0x32: {  	vm1 =	vne.s32 v7, v5;
	v9 =	vadd.s32 v9, v6  }
0x33: {  	v7 =	vsel vm1, $0x1, v1;
	v5 =	vshra.s32 v9, $0x6  }
0x34: {  	v7 =	vor.u32 v7, v8;
	v8 =	vshll.u32 v5, $0x6  }
0x35: {  	vm1 =	vne.s32 v7, $0x1;
	vm2 =	vne.s32 v6, v8  }
0x36: {  	vm1 =	vmand vm2, vm1  }
0x37: {  	v7 =	vsel vm1, $0xFFFFFFFF, v1  }
0x38: {  	v5 =	vadd.s32 v7, v5  }
0x39: {  	v8 =	vand.u32 $0x3F, v6;
	v7 =	vld [tilespmem:s31+$0x0];
	v5 =	vshll.u32 v5, $0x7  }
0x3a: {  	v5 =	vor.u32 v8, v5  }
.Ltmp0:
0x3b: {  	(pc) =	sbr.rel @p1 .LBB2_2-.Ltmp0, $4  }
0x3c: {  	_ = 	snop  }
0x3d: {  	s6 =	spop (v2sf)  }
0x3e: {  	[tilespmem:v6+s21+$0x0] =	vst.idx.msk vm0, v7;
	s0 =	sadd.s32 s0, s6  }
0x3f: {  	s31 =	sshra.s32 s2, $0x2;
	s2 =	sadd.s32 $0x40, s2;
	[tilespmem:v5+s22+$0x0] =	vst.idx.msk vm0, v4  }
0x40: {  	v4 =	vld [tilespmem:s31+$0x1400];
	_ =	sdelay $0x4  }
0x41: {  	v4 =	vsub.s32 v4, v0  }
0x42: {  	vm0 =	vlt.u32 v4, $0x1400  }
0x43: {  	v5 =	vsel vm0, $0x1, v1  }
0x44: {  	(xrf0) =	vadd.scan.msk.s32 $0xffff, v5;
	_ =	sdelay $0x5  }
0x45: {  	v6, _, _ =	vpop (xrf0)  }
0x46: {  	v7 =	vadd.s32 s0, v6  }
0x47: {  	v8 =	vsub.s32 v7, v5  }
0x48: {  	(v2sf) =	vpush v6, $0xF;
	v59 =	vshra.s32 v8, $0x1F  }
0x49: {  	v9 =	vshrl.u32 v59, $0x1A  }
0x4a: {  	vm1 =	vne.s32 v7, v5;
	v9 =	vadd.s32 v9, v8  }
0x4b: {  	v7 =	vsel vm1, $0x1, v1;
	v5 =	vshra.s32 v9, $0x6  }
0x4c: {  	v6 =	vor.u32 v7, v59;
	v60 =	vshll.u32 v5, $0x6  }
0x4d: {  	vm15 =	vne.s32 v6, $0x1;
	vm2 =	vne.s32 v8, v60  }
0x4e: {  	vm1 =	vmand vm2, vm15  }
0x4f: {  	v61 =	vsel vm1, $0xFFFFFFFF, v1  }
0x50: {  	v5 =	vadd.s32 v61, v5  }
0x51: {  	v62 =	vld [tilespmem:s31+$0x0];
	v63 =	vand.u32 $0x3F, v8;
	v5 =	vshll.u32 v5, $0x7  }
0x52: {  	v5 =	vor.u32 v63, v5;
	_ =	sdelay $0x3  }
0x53: {  	[tilespmem:v8+s21+$0x0] =	vst.idx.msk vm0, v62  }
0x54: {  	s6 =	simm.s32 $0x0;
	s7 =	rddreg [dreg:$0x5];
	s2 =	spop (v2sf);
	[tilespmem:v5+s22+$0x0] =	vst.idx.msk vm0, v4  }
0x55: {  	[tilespmem:s6], [sflag:$0x3] =	stream.strided.gather [hbm4b:s7+s18], $0x1400, s19, s18, $0x38;
	[tilespmem:$0x1FCC0] =	vst v63  }
0x56: {  	_ =	swait.ge [sflag:s16], $0x1400  }
0x57: {  	[sflag:s16] =	ssyncset.done $0x0  }
0x58: {  	s29 =	rddreg [dreg:$0x6];
	[sflag:s16] =	ssyncadd.s32 $0xFFFFEC00  }
0x59: {  	[tilespmem:s20], [sflag:$0x3] =	stream.strided.gather [hbm4b:s29+s18], $0x1400, s19, s18, $0x38;
	[tilespmem:$0x1FCC0] =	vst v63  }
0x5a: {  	_ =	swait.ge [sflag:s16], $0x1400  }
0x5b: {  	s31 =	simm.s32 $0x0;
	[sflag:s16] =	ssyncset.done $0x0  }
0x5c: {  	s0 =	sadd.s32 s0, s2;
	s2 =	simm.s32 $0x40;
	[sflag:s16] =	ssyncadd.s32 $0xFFFFEC00  }
.LBB2_4:
0x5d: {  	p1 =	sne.s32 s2, $0x4FC0;
	v4 =	vld [tilespmem:s31+$0x1400];
	_ =	sdelay $0x4  }
0x5e: {  	v4 =	vsub.s32 v4, v0  }
0x5f: {  	vm0 =	vlt.u32 v4, $0x1400  }
0x60: {  	v5 =	vsel vm0, $0x1, v1  }
0x61: {  	(xrf0) =	vadd.scan.msk.s32 $0xffff, v5;
	_ =	sdelay $0x5  }
0x62: {  	v6, _, _ =	vpop (xrf0)  }
0x63: {  	v7 =	vadd.s32 s0, v6;
	(v2sf) =	vpush v6, $0xF  }
0x64: {  	v6 =	vsub.s32 v7, v5  }
0x65: {  	v8 =	vshra.s32 v6, $0x1F  }
0x66: {  	v9 =	vshrl.u32 v8, $0x1A  }
0x67: {  	vm1 =	vne.s32 v7, v5;
	v9 =	vadd.s32 v9, v6  }
0x68: {  	v7 =	vsel vm1, $0x1, v1;
	v5 =	vshra.s32 v9, $0x6  }
0x69: {  	v7 =	vor.u32 v7, v8;
	v8 =	vshll.u32 v5, $0x6  }
0x6a: {  	vm1 =	vne.s32 v7, $0x1;
	vm2 =	vne.s32 v6, v8  }
0x6b: {  	vm1 =	vmand vm2, vm1  }
0x6c: {  	v7 =	vsel vm1, $0xFFFFFFFF, v1  }
0x6d: {  	v5 =	vadd.s32 v7, v5  }
0x6e: {  	v8 =	vand.u32 $0x3F, v6;
	v7 =	vld [tilespmem:s31+$0x0];
	v5 =	vshll.u32 v5, $0x7  }
0x6f: {  	v5 =	vor.u32 v8, v5  }
.Ltmp1:
0x70: {  	(pc) =	sbr.rel @p1 .LBB2_4-.Ltmp1, $4  }
0x71: {  	_ = 	snop  }
0x72: {  	s6 =	spop (v2sf)  }
0x73: {  	[tilespmem:v6+s21+$0x0] =	vst.idx.msk vm0, v7;
	s0 =	sadd.s32 s0, s6  }
0x74: {  	s31 =	sshra.s32 s2, $0x2;
	s2 =	sadd.s32 $0x40, s2;
	[tilespmem:v5+s22+$0x0] =	vst.idx.msk vm0, v4  }
0x75: {  	v4 =	vld [tilespmem:s31+$0x1400];
	_ =	sdelay $0x4  }
0x76: {  	v4 =	vsub.s32 v4, v0  }
0x77: {  	vm0 =	vlt.u32 v4, $0x1400  }
0x78: {  	v5 =	vsel vm0, $0x1, v1  }
0x79: {  	(xrf0) =	vadd.scan.msk.s32 $0xffff, v5;
	_ =	sdelay $0x5  }
0x7a: {  	v6, _, _ =	vpop (xrf0)  }
0x7b: {  	v7 =	vadd.s32 s0, v6  }
0x7c: {  	v8 =	vsub.s32 v7, v5  }
0x7d: {  	(v2sf) =	vpush v6, $0xF;
	v59 =	vshra.s32 v8, $0x1F  }
0x7e: {  	v9 =	vshrl.u32 v59, $0x1A  }
0x7f: {  	vm1 =	vne.s32 v7, v5;
	v9 =	vadd.s32 v9, v8  }
0x80: {  	v7 =	vsel vm1, $0x1, v1;
	v5 =	vshra.s32 v9, $0x6  }
0x81: {  	v6 =	vor.u32 v7, v59;
	v60 =	vshll.u32 v5, $0x6  }
0x82: {  	vm15 =	vne.s32 v6, $0x1;
	vm2 =	vne.s32 v8, v60  }
0x83: {  	vm1 =	vmand vm2, vm15  }
0x84: {  	v61 =	vsel vm1, $0xFFFFFFFF, v1  }
0x85: {  	v5 =	vadd.s32 v61, v5  }
0x86: {  	v62 =	vld [tilespmem:s31+$0x0];
	v63 =	vand.u32 $0x3F, v8;
	v5 =	vshll.u32 v5, $0x7  }
0x87: {  	v5 =	vor.u32 v63, v5;
	_ =	sdelay $0x3  }
0x88: {  	[tilespmem:v8+s21+$0x0] =	vst.idx.msk vm0, v62  }
0x89: {  	s6 =	simm.s32 $0x0;
	s7 =	rddreg [dreg:$0x7];
	s2 =	spop (v2sf);
	[tilespmem:v5+s22+$0x0] =	vst.idx.msk vm0, v4  }
0x8a: {  	[tilespmem:s6], [sflag:$0x3] =	stream.strided.gather [hbm4b:s7+s18], $0x1400, s19, s18, $0x38;
	[tilespmem:$0x1FCC0] =	vst v63  }
0x8b: {  	_ =	swait.ge [sflag:s16], $0x1400  }
0x8c: {  	[sflag:s16] =	ssyncset.done $0x0  }
0x8d: {  	[sflag:s16] =	ssyncadd.s32 $0xFFFFEC00  }
0x8e: {  	[tilespmem:s20], [sflag:$0x3] =	stream.strided.gather [hbm4b:s11+s18], $0x1400, s19, s18, $0x38;
	[tilespmem:$0x1FCC0] =	vst v63  }
0x8f: {  	_ =	swait.ge [sflag:s16], $0x1400  }
0x90: {  	s31 =	simm.s32 $0x0;
	[sflag:s16] =	ssyncset.done $0x0  }
0x91: {  	s0 =	sadd.s32 s0, s2;
	s2 =	simm.s32 $0x40;
	[sflag:s16] =	ssyncadd.s32 $0xFFFFEC00  }
.LBB2_6:
0x92: {  	p1 =	sne.s32 s2, $0x4FC0;
	v4 =	vld [tilespmem:s31+$0x1400];
	_ =	sdelay $0x4  }
0x93: {  	v4 =	vsub.s32 v4, v0  }
0x94: {  	vm0 =	vlt.u32 v4, $0x1400  }
0x95: {  	v5 =	vsel vm0, $0x1, v1  }
0x96: {  	(xrf0) =	vadd.scan.msk.s32 $0xffff, v5;
	_ =	sdelay $0x5  }
0x97: {  	v6, _, _ =	vpop (xrf0)  }
0x98: {  	v7 =	vadd.s32 s0, v6;
	(v2sf) =	vpush v6, $0xF  }
0x99: {  	v6 =	vsub.s32 v7, v5  }
0x9a: {  	v8 =	vshra.s32 v6, $0x1F  }
0x9b: {  	v9 =	vshrl.u32 v8, $0x1A  }
0x9c: {  	vm1 =	vne.s32 v7, v5;
	v9 =	vadd.s32 v9, v6  }
0x9d: {  	v7 =	vsel vm1, $0x1, v1;
	v5 =	vshra.s32 v9, $0x6  }
0x9e: {  	v7 =	vor.u32 v7, v8;
	v8 =	vshll.u32 v5, $0x6  }
0x9f: {  	vm1 =	vne.s32 v7, $0x1;
	vm2 =	vne.s32 v6, v8  }
0xa0: {  	vm1 =	vmand vm2, vm1  }
0xa1: {  	v7 =	vsel vm1, $0xFFFFFFFF, v1  }
0xa2: {  	v5 =	vadd.s32 v7, v5  }
0xa3: {  	v8 =	vand.u32 $0x3F, v6;
	v7 =	vld [tilespmem:s31+$0x0];
	v5 =	vshll.u32 v5, $0x7  }
0xa4: {  	v5 =	vor.u32 v8, v5  }
.Ltmp2:
0xa5: {  	(pc) =	sbr.rel @p1 .LBB2_6-.Ltmp2, $4  }
0xa6: {  	_ = 	snop  }
0xa7: {  	s6 =	spop (v2sf)  }
0xa8: {  	[tilespmem:v6+s21+$0x0] =	vst.idx.msk vm0, v7;
	s0 =	sadd.s32 s0, s6  }
0xa9: {  	s31 =	sshra.s32 s2, $0x2;
	s2 =	sadd.s32 $0x40, s2;
	[tilespmem:v5+s22+$0x0] =	vst.idx.msk vm0, v4  }
0xaa: {  	v4 =	vld [tilespmem:s31+$0x1400];
	_ =	sdelay $0x4  }
0xab: {  	v4 =	vsub.s32 v4, v0  }
0xac: {  	vm0 =	vlt.u32 v4, $0x1400  }
0xad: {  	v5 =	vsel vm0, $0x1, v1  }
0xae: {  	(xrf0) =	vadd.scan.msk.s32 $0xffff, v5;
	_ =	sdelay $0x5  }
0xaf: {  	v6, _, _ =	vpop (xrf0)  }
0xb0: {  	v7 =	vadd.s32 s0, v6  }
0xb1: {  	v8 =	vsub.s32 v7, v5  }
0xb2: {  	(v2sf) =	vpush v6, $0xF;
	v59 =	vshra.s32 v8, $0x1F  }
0xb3: {  	v9 =	vshrl.u32 v59, $0x1A  }
0xb4: {  	vm1 =	vne.s32 v7, v5;
	v9 =	vadd.s32 v9, v8  }
0xb5: {  	v7 =	vsel vm1, $0x1, v1;
	v5 =	vshra.s32 v9, $0x6  }
0xb6: {  	v6 =	vor.u32 v7, v59;
	v60 =	vshll.u32 v5, $0x6  }
0xb7: {  	vm15 =	vne.s32 v6, $0x1;
	vm2 =	vne.s32 v8, v60  }
0xb8: {  	vm1 =	vmand vm2, vm15  }
0xb9: {  	v61 =	vsel vm1, $0xFFFFFFFF, v1  }
0xba: {  	v5 =	vadd.s32 v61, v5  }
0xbb: {  	v62 =	vld [tilespmem:s31+$0x0];
	v63 =	vand.u32 $0x3F, v8;
	v5 =	vshll.u32 v5, $0x7  }
0xbc: {  	v5 =	vor.u32 v63, v5;
	_ =	sdelay $0x3  }
0xbd: {  	[tilespmem:v8+s21+$0x0] =	vst.idx.msk vm0, v62  }
0xbe: {  	s6 =	simm.s32 $0x0;
	s2 =	spop (v2sf);
	[tilespmem:v5+s22+$0x0] =	vst.idx.msk vm0, v4  }
0xbf: {  	[tilespmem:s6], [sflag:$0x3] =	stream.strided.gather [hbm4b:s12+s18], $0x1400, s19, s18, $0x38;
	[tilespmem:$0x1FCC0] =	vst v63  }
0xc0: {  	_ =	swait.ge [sflag:s16], $0x1400  }
0xc1: {  	[sflag:s16] =	ssyncset.done $0x0  }
0xc2: {  	[sflag:s16] =	ssyncadd.s32 $0xFFFFEC00  }
0xc3: {  	[tilespmem:s20], [sflag:$0x3] =	stream.strided.gather [hbm4b:s13+s18], $0x1400, s19, s18, $0x38;
	[tilespmem:$0x1FCC0] =	vst v63  }
0xc4: {  	_ =	swait.ge [sflag:s16], $0x1400  }
0xc5: {  	s31 =	simm.s32 $0x0;
	[sflag:s16] =	ssyncset.done $0x0  }
0xc6: {  	s0 =	sadd.s32 s0, s2;
	s2 =	simm.s32 $0x40;
	[sflag:s16] =	ssyncadd.s32 $0xFFFFEC00  }
.LBB2_8:
0xc7: {  	p1 =	sne.s32 s2, $0x4FC0;
	v4 =	vld [tilespmem:s31+$0x1400];
	_ =	sdelay $0x4  }
0xc8: {  	v4 =	vsub.s32 v4, v0  }
0xc9: {  	vm0 =	vlt.u32 v4, $0x1400  }
0xca: {  	v5 =	vsel vm0, $0x1, v1  }
0xcb: {  	(xrf0) =	vadd.scan.msk.s32 $0xffff, v5;
	_ =	sdelay $0x5  }
0xcc: {  	v6, _, _ =	vpop (xrf0)  }
0xcd: {  	v7 =	vadd.s32 s0, v6;
	(v2sf) =	vpush v6, $0xF  }
0xce: {  	v6 =	vsub.s32 v7, v5  }
0xcf: {  	v8 =	vshra.s32 v6, $0x1F  }
0xd0: {  	v9 =	vshrl.u32 v8, $0x1A  }
0xd1: {  	vm1 =	vne.s32 v7, v5;
	v9 =	vadd.s32 v9, v6  }
0xd2: {  	v7 =	vsel vm1, $0x1, v1;
	v5 =	vshra.s32 v9, $0x6  }
0xd3: {  	v7 =	vor.u32 v7, v8;
	v8 =	vshll.u32 v5, $0x6  }
0xd4: {  	vm1 =	vne.s32 v7, $0x1;
	vm2 =	vne.s32 v6, v8  }
0xd5: {  	vm1 =	vmand vm2, vm1  }
0xd6: {  	v7 =	vsel vm1, $0xFFFFFFFF, v1  }
0xd7: {  	v5 =	vadd.s32 v7, v5  }
0xd8: {  	v8 =	vand.u32 $0x3F, v6;
	v7 =	vld [tilespmem:s31+$0x0];
	v5 =	vshll.u32 v5, $0x7  }
0xd9: {  	v5 =	vor.u32 v8, v5  }
.Ltmp3:
0xda: {  	(pc) =	sbr.rel @p1 .LBB2_8-.Ltmp3, $4  }
0xdb: {  	_ = 	snop  }
0xdc: {  	s6 =	spop (v2sf)  }
0xdd: {  	[tilespmem:v6+s21+$0x0] =	vst.idx.msk vm0, v7;
	s0 =	sadd.s32 s0, s6  }
0xde: {  	s31 =	sshra.s32 s2, $0x2;
	s2 =	sadd.s32 $0x40, s2;
	[tilespmem:v5+s22+$0x0] =	vst.idx.msk vm0, v4  }
0xdf: {  	v4 =	vld [tilespmem:s31+$0x1400];
	_ =	sdelay $0x4  }
0xe0: {  	v4 =	vsub.s32 v4, v0  }
0xe1: {  	vm0 =	vlt.u32 v4, $0x1400  }
0xe2: {  	v5 =	vsel vm0, $0x1, v1  }
0xe3: {  	(xrf0) =	vadd.scan.msk.s32 $0xffff, v5;
	_ =	sdelay $0x5  }
0xe4: {  	v6, _, _ =	vpop (xrf0)  }
0xe5: {  	(v2sf) =	vpush v6, $0xF;
	_ =	sdelay $0x5  }
0xe6: {  	v6 =	vadd.s32 s0, v6  }
0xe7: {  	v7 =	vsub.s32 v6, v5  }
0xe8: {  	v8 =	vshra.s32 v7, $0x1F  }
0xe9: {  	v9 =	vshrl.u32 v8, $0x1A  }
0xea: {  	vm1 =	vne.s32 v6, v5;
	v9 =	vadd.s32 v9, v7  }
0xeb: {  	v6 =	vsel vm1, $0x1, v1;
	v5 =	vshra.s32 v9, $0x6  }
0xec: {  	v6 =	vor.u32 v6, v8;
	v26 =	vshll.u32 v5, $0x6  }
0xed: {  	vm11 =	vne.s32 v6, $0x1;
	vm2 =	vne.s32 v7, v26  }
0xee: {  	vm1 =	vmand vm2, vm11  }
0xef: {  	v29 =	vsel vm1, $0xFFFFFFFF, v1;
	s2 =	spop (v2sf)  }
0xf0: {  	v5 =	vadd.s32 v29, v5;
	s0 =	sadd.s32 s0, s2  }
0xf1: {  	v30 =	vand.u32 $0x3F, v7;
	v5 =	vshll.u32 v5, $0x7;
	v27 =	vadd.s32 s0, v2  }
0xf2: {  	v5 =	vor.u32 v30, v5;
	s2 =	sadd.s32 $0x10, s0;
	v28 =	vshra.s32 v27, $0x1F  }
0xf3: {  	s6 =	sadd.s32 $0x20, s0;
	s7 =	sadd.s32 $0x30, s0;
	s8 =	sadd.s32 $0x40, s0;
	v11 =	vadd.s32 s2, v2;
	vm12 =	vlt.s32 v27, $0x1;
	v33 =	vand.u32 $0x3F, v27  }
0xf4: {  	s9 =	sadd.s32 $0x50, s0;
	s10 =	sadd.s32 $0x60, s0;
	v34 =	vadd.s32 s6, v2;
	v15 =	vadd.s32 s7, v2;
	v42 =	vadd.s32 s8, v2  }
0xf5: {  	v45 =	vadd.s32 s9, v2;
	v53 =	vadd.s32 s10, v2;
	v6 =	vshrl.u32 v28, $0x1A  }
0xf6: {  	v31 =	vshra.s32 v11, $0x1F;
	vm14 =	vlt.s32 v11, $0x1;
	v13 =	vshra.s32 v34, $0x1F  }
0xf7: {  	v37 =	vand.u32 $0x3F, v11;
	vm4 =	vlt.s32 v34, $0x1;
	v39 =	vshra.s32 v15, $0x1F  }
0xf8: {  	v21 =	vld [tilespmem:s31+$0x0];
	v41 =	vand.u32 $0x3F, v34;
	vm6 =	vlt.s32 v15, $0x1;
	v18 =	vshra.s32 v42, $0x1F  }
0xf9: {  	v44 =	vand.u32 $0x3F, v15;
	v20 =	vshra.s32 v45, $0x1F;
	vm8 =	vlt.s32 v42, $0x1  }
0xfa: {  	s6 =	sadd.s32 $0x70, s0;
	vm10 =	vlt.s32 v45, $0x1;
	v50 =	vand.u32 $0x3F, v42;
	v54 =	vshra.s32 v53, $0x1F  }
0xfb: {  	v55 =	vand.u32 $0x3F, v45;
	v56 =	vadd.s32 s6, v2;
	v62 =	vand.u32 $0x3F, v53  }
0xfc: {  	v6 =	vadd.s32 v6, v27;
	v13 =	vshrl.u32 v13, $0x1A;
	v43 =	vshrl.u32 v18, $0x1A  }
0xfd: {  	[tilespmem:v7+s21+$0x0] =	vst.idx.msk vm0, v21;
	v46 =	vshrl.u32 v20, $0x1A;
	v7 =	vshrl.u32 v54, $0x1A;
	v58 =	vshra.s32 v56, $0x1F  }
0xfe: {  	v6 =	vshra.s32 v6, $0x6;
	v36 =	vadd.s32 v13, v34;
	v47 =	vadd.s32 v46, v45  }
0xff: {  	v57 =	vadd.s32 v7, v53;
	v7 =	vshrl.u32 v58, $0x1A;
	v10 =	vshll.u32 v6, $0x6  }
0x100: {  	v38 =	vand.u32 $0xFFFFFFC0, v36;
	v49 =	vand.u32 $0xFFFFFFC0, v47;
	v51 =	vshrl.u32 v47, $0x6  }
0x101: {  	v59 =	vand.u32 $0xFFFFFFC0, v57;
	v7 =	vadd.s32 v7, v56;
	vm13 =	vne.s32 v27, v10  }
0x102: {  	v10 =	vshrl.u32 v31, $0x1A;
	vm5 =	vne.s32 v34, v38;
	vm11 =	vne.s32 v45, v49  }
0x103: {  	v60 =	vand.u32 $0xFFFFFFC0, v7;
	vm1 =	vmand vm12, vm13;
	v10 =	vadd.s32 v10, v11  }
0x104: {  	vm12 =	vne.s32 v53, v59;
	v32 =	vsel vm1, $0xFFFFFFFF, v1;
	v12 =	vand.u32 $0xFFFFFFC0, v10  }
0x105: {  	vm13 =	vlt.s32 v53, $0x1;
	v6 =	vadd.s32 v32, v6;
	vm15 =	vne.s32 v11, v12  }
0x106: {  	v10 =	vshrl.u32 v10, $0x6;
	v6 =	vshll.u32 v6, $0x7;
	vm1 =	vmand vm14, vm15  }
0x107: {  	[tilespmem:v5+s22+$0x0] =	vst.idx.msk vm0, v4;
	vm0 =	vmand vm13, vm12;
	v14 =	vsel vm1, $0xFFFFFFFF, v1;
	v6 =	vor.u32 v33, v6  }
0x108: {  	vm1 =	vmand vm4, vm5;
	v35 =	vadd.s32 v14, v10;
	v14 =	vshrl.u32 v39, $0x1A  }
0x109: {  	v10 =	vshrl.u32 v36, $0x6;
	v16 =	vsel vm1, $0xFFFFFFFF, v1;
	v14 =	vadd.s32 v14, v15  }
0x10a: {  	v8 =	vshll.u32 v35, $0x7;
	v10 =	vadd.s32 v16, v10;
	v40 =	vand.u32 $0xFFFFFFC0, v14  }
0x10b: {  	v16 =	vadd.s32 v43, v42;
	v8 =	vor.u32 v37, v8;
	vm7 =	vne.s32 v15, v40  }
0x10c: {  	v10 =	vshll.u32 v10, $0x7;
	v19 =	vand.u32 $0xFFFFFFC0, v16;
	vm1 =	vmand vm6, vm7  }
0x10d: {  	v14 =	vshrl.u32 v14, $0x6;
	vm9 =	vne.s32 v42, v19;
	v17 =	vsel vm1, $0xFFFFFFFF, v1  }
0x10e: {  	[tilespmem:v27+s21+$0x0] =	vst.idx.msk $0xffff, v1;
	v10 =	vor.u32 v41, v10;
	vm1 =	vmand vm8, vm9;
	v14 =	vadd.s32 v17, v14  }
0x10f: {  	v16 =	vshrl.u32 v16, $0x6;
	[tilespmem:v6+s22+$0x0] =	vst.idx.msk $0xffff, v3;
	v48 =	vsel vm1, $0xFFFFFFFF, v1;
	v14 =	vshll.u32 v14, $0x7  }
0x110: {  	[tilespmem:v11+s21+$0x0] =	vst.idx.msk $0xffff, v1;
	vm1 =	vmand vm10, vm11;
	v16 =	vadd.s32 v48, v16;
	v14 =	vor.u32 v44, v14  }
0x111: {  	vm14 =	vne.s32 v56, v60;
	v52 =	vsel vm1, $0xFFFFFFFF, v1;
	[tilespmem:v8+s22+$0x0] =	vst.idx.msk $0xffff, v3;
	v16 =	vshll.u32 v16, $0x7  }
0x112: {  	v61 =	vsel vm0, $0xFFFFFFFF, v1;
	v5 =	vadd.s32 v52, v51;
	[tilespmem:v34+s21+$0x0] =	vst.idx.msk $0xffff, v1;
	v4 =	vor.u32 v50, v16  }
0x113: {  	vm15 =	vlt.s32 v56, $0x1;
	v6 =	vshrl.u32 v57, $0x6;
	v5 =	vshll.u32 v5, $0x7;
	[tilespmem:v10+s22+$0x0] =	vst.idx.msk $0xffff, v3  }
0x114: {  	vm0 =	vmand vm15, vm14;
	v6 =	vadd.s32 v61, v6;
	v5 =	vor.u32 v55, v5;
	[tilespmem:v15+s21+$0x0] =	vst.idx.msk $0xffff, v1  }
0x115: {  	v7 =	vshrl.u32 v7, $0x6;
	v63 =	vsel vm0, $0xFFFFFFFF, v1;
	v6 =	vshll.u32 v6, $0x7;
	[tilespmem:v14+s22+$0x0] =	vst.idx.msk $0xffff, v3  }
0x116: {  	v7 =	vadd.s32 v63, v7;
	v6 =	vor.u32 v62, v6;
	[tilespmem:v42+s21+$0x0] =	vst.idx.msk $0xffff, v1  }
0x117: {  	v7 =	vshll.u32 v7, $0x7;
	[tilespmem:v4+s22+$0x0] =	vst.idx.msk $0xffff, v3;
	v4 =	vand.u32 $0x3F, v56  }
0x118: {  	[tilespmem:v45+s21+$0x0] =	vst.idx.msk $0xffff, v1;
	v4 =	vor.u32 v4, v7  }
0x119: {  	[tilespmem:v5+s22+$0x0] =	vst.idx.msk $0xffff, v3  }
0x11a: {  	s0 =	sadd.s32 $0x7F, s0;
	[tilespmem:v53+s21+$0x0] =	vst.idx.msk $0xffff, v1  }
0x11b: {  	s2 =	simm.s32 $0x1;
	s7 =	sand.u32 $0x7F, s0;
	[tilespmem:v6+s22+$0x0] =	vst.idx.msk $0xffff, v3  }
0x11c: {  	s6 =	sshra.s32 s0, $0x1F;
	p1 =	slt.s32 s0, $0x1;
	p2 =	sne.s32 s7, $0x0;
	[tilespmem:v56+s21+$0x0] =	vst.idx.msk $0xffff, v1  }
0x11d: {  	s9 =	simm.s32 $0x2840;
	s8 =	sshrl.u32 s6, $0x19;
	p1 =	por !p1, !p2;
	[tilespmem:v4+s22+$0x0] =	vst.idx.msk $0xffff, v3  }
0x11e: {  	s0 =	sadd.s32 s8, s0;
	p1 =	por !p1, !p1;
	[bflag:$0x0] =	sbarrier.arrive $0xFFFF  }
0x11f: {  	[tilespmem:s26], [sflag:$0x1] =	stream.indirect.gather [hbm4b:s3+s25], $0x80, s21, s25, $0xb8;
	[tilespmem:$0x1FCC0] =	vst v63  }
0x120: {  	s7 =	simm.s32 $0x13C80;
	s0 =	sshra.s32 s0, $0x7;
	s2 =	simm.s32 @!p1 $0x0  }
0x121: {  	[tilespmem:s7], [sflag:$0x2] =	stream.indirect.gather [hbm4b:s3+s25], $0x80, s9, s25, $0xb8;
	[tilespmem:$0x1FCC0] =	vst v63  }
0x122: {  	s0 =	ssub.s32 s0, s2;
	_ =	swait.ge [sflag:s23], $0x2000  }
0x123: {  	p1 =	sgt.s32 s0, $0x1;
	[sflag:s23] =	ssyncset.done $0x0  }
0x124: {  	s10 =	simm.s32 $0x7880;
	s0 =	simm.s32 @!p1 $0x1;
	[sflag:s23] =	ssyncadd.s32 $0xFFFFE000  }
0x125: {  	[spmem:s1] =	stream.indirect.scatter.add.f32 [tilespmem:s26], [sflag:$0x3], $0x80, s10, s25, $0xb8;
	[tilespmem:$0x1FCC0] =	vst v63  }
0x126: {  	s31 =	sadd.s32 $0xFFFFFFFF, s0;
	_ =	swait.ge [sflag:s16], $0x2000  }
0x127: {  	p1 =	sle.u32 s31, $0x0;
	[sflag:s16] =	ssyncset.done $0x0  }
0x128: {  	s2 =	simm.s32 @p1 $0x2;
	[sflag:s16] =	ssyncadd.s32 $0xFFFFE000  }
0x129: {  	_ =	swait.ge @p1 [sflag:s2], $0x2000  }
0x12a: {  	s6 =	simm.s32 $0x7900;
	s8 =	simm.s32 @p1 $0x13C80;
	[sflag:s2] =	ssyncset.done @p1 $0x0  }
0x12b: {  	s7 =	simm.s32 @p1 $0x3;
	[sflag:s2] =	ssyncadd.s32 @p1 $0xFFFFE000;
	s2 =	simm.s32 @p1 $0x40  }
0x12c: {  	[spmem:s1] =	stream.indirect.scatter.add.f32 @p1 [tilespmem:s8], [sflag:$0x3], $0x80, s6, s2, $0xb8;
	[tilespmem:$0x1FCC0] =	vst v63  }
0x12d: {  	_ =	swait.ge @p1 [sflag:s7], $0x2000  }
0x12e: {  	s28 =	simm.s32 @!p1 $0x2880;
	s2 =	simm.s32 @!p1 $0x11C80;
	[sflag:s7] =	ssyncset.done @p1 $0x0  }
0x12f: {  	s8 =	simm.s32 @!p1 $0x2;
	[sflag:s7] =	ssyncadd.s32 @p1 $0xFFFFE000;
	s7 =	simm.s32 @!p1 $0x40  }
0x130: {  	[tilespmem:s2], [sflag:$0x1] =	stream.indirect.gather @!p1 [hbm4b:s3+s7], $0x80, s28, s7, $0xb8;
	[tilespmem:$0x1FCC0] =	vst v63  }
0x131: {  	_ =	swait.ge @!p1 [sflag:s8], $0x2000  }
0x132: {  	p2 =	sne.s32 s0, $0x1;
	s28 =	simm.s32 @!p1 $0x3;
	[sflag:s8] =	ssyncset.done @!p1 $0x0  }
.Ltmp4:
0x133: {  	[sflag:s8] =	ssyncadd.s32 @!p1 $0xFFFFE000;
	s8 =	simm.s32 @!p1 $0x13C80;
	(pc) =	sbr.rel @!p2 .LBB2_11-.Ltmp4, $4  }
0x134: {  	[spmem:s1] =	stream.indirect.scatter.add.f32 @!p1 [tilespmem:s8], [sflag:$0x3], $0x80, s6, s7, $0xb8;
	[tilespmem:$0x1FCC0] =	vst v63  }
0x135: {  	_ =	swait.ge @!p1 [sflag:s28], $0x2000  }
0x136: {  	s29 =	simm.s32 $0x28C0;
	s2 =	simm.s32 $0x1;
	[sflag:s28] =	ssyncset.done @!p1 $0x0  }
0x137: {  	s6 =	simm.s32 $0x7A00;
	[sflag:s28] =	ssyncadd.s32 @!p1 $0xFFFFE000;
	s28 =	simm.s32 $0x2940  }
.LBB2_10:
0x138: {  	[tilespmem:s8], [sflag:$0x2] =	stream.indirect.gather @!p1 [hbm4b:s3+s7], $0x80, s29, s7, $0xb8;
	[tilespmem:$0x1FCC0] =	vst v63  }
0x139: {  	s7 =	smov.u32 s2;
	s2 =	sadd.s32 $0x1, s2;
	_ =	swait.ge [sflag:s23], $0x2000  }
0x13a: {  	s29 =	smov.u32 s28;
	p2 =	sne.s32 s0, s2;
	[sflag:s23] =	ssyncset.done $0x0  }
0x13b: {  	s8 =	sadd.s32 $0xFFFFFF80, s6;
	[sflag:s23] =	ssyncadd.s32 $0xFFFFE000  }
0x13c: {  	[spmem:s1] =	stream.indirect.scatter.add.f32 [tilespmem:s26], [sflag:$0x3], $0x80, s8, s25, $0xb8;
	[tilespmem:$0x1FCC0] =	vst v63  }
0x13d: {  	_ =	swait.ge [sflag:s16], $0x2000  }
0x13e: {  	p1 =	sge.u32 s7, s31;
	[sflag:s16] =	ssyncset.done $0x0  }
0x13f: {  	s7 =	simm.s32 @p1 $0x2;
	[sflag:s16] =	ssyncadd.s32 $0xFFFFE000  }
0x140: {  	_ =	swait.ge @p1 [sflag:s7], $0x2000  }
0x141: {  	s8 =	simm.s32 @p1 $0x3;
	[sflag:s7] =	ssyncset.done @p1 $0x0  }
0x142: {  	s9 =	simm.s32 @p1 $0x13C80;
	[sflag:s7] =	ssyncadd.s32 @p1 $0xFFFFE000;
	s7 =	simm.s32 @p1 $0x40  }
0x143: {  	[spmem:s1] =	stream.indirect.scatter.add.f32 @p1 [tilespmem:s9], [sflag:$0x3], $0x80, s6, s7, $0xb8;
	[tilespmem:$0x1FCC0] =	vst v63  }
0x144: {  	_ =	swait.ge @p1 [sflag:s8], $0x2000  }
0x145: {  	s10 =	simm.s32 @!p1 $0x2;
	s9 =	simm.s32 @!p1 $0x11C80;
	[sflag:s8] =	ssyncset.done @p1 $0x0  }
0x146: {  	s7 =	simm.s32 @!p1 $0x40;
	[sflag:s8] =	ssyncadd.s32 @p1 $0xFFFFE000;
	s8 =	sadd.s32 @!p1 $0xFFFFFFC0, s28  }
0x147: {  	[tilespmem:s9], [sflag:$0x1] =	stream.indirect.gather @!p1 [hbm4b:s3+s7], $0x80, s8, s7, $0xb8;
	[tilespmem:$0x1FCC0] =	vst v63  }
0x148: {  	_ =	swait.ge @!p1 [sflag:s10], $0x2000  }
0x149: {  	s9 =	simm.s32 @!p1 $0x3;
	[sflag:s10] =	ssyncset.done @!p1 $0x0  }
.Ltmp5:
0x14a: {  	s8 =	simm.s32 @!p1 $0x13C80;
	[sflag:s10] =	ssyncadd.s32 @!p1 $0xFFFFE000;
	(pc) =	sbr.rel @p2 .LBB2_10-.Ltmp5, $4  }
0x14b: {  	[spmem:s1] =	stream.indirect.scatter.add.f32 @!p1 [tilespmem:s8], [sflag:$0x3], $0x80, s6, s7, $0xb8;
	[tilespmem:$0x1FCC0] =	vst v63  }
0x14c: {  	_ =	swait.ge @!p1 [sflag:s9], $0x2000  }
0x14d: {  	[sflag:s9] =	ssyncset.done @!p1 $0x0  }
0x14e: {  	s28 =	sadd.s32 $0x80, s28;
	s6 =	sadd.s32 $0x100, s6;
	[sflag:s9] =	ssyncadd.s32 @!p1 $0xFFFFE000  }
.LBB2_11:
0x14f: {  	[tilespmem:s8], [sflag:$0x2] =	stream.indirect.gather @!p1 [hbm4b:s3+s7], $0x80, s29, s7, $0xb8;
	[tilespmem:$0x1FCC0] =	vst v63  }
0x150: {  	s30 =	sadd.s32 $0x1, s30  }
0x151: {  	p1 =	sne.s32 s30, s14  }
.Ltmp6:
0x152: {  	[bflag:$0x0] =	sbarrier.arrive $0xFFFF;
	(pc) =	sbr.rel @p1 .LBB2_1-.Ltmp6, $4  }
0x153: {  	[hbm:s24], [sflag:s5] =	dma.local [spmem:s15], $0x1400  }
0x154: {  	_ =	swait.ge [sflag:s16], $0x1400  }
0x155: {  	[sflag:s16] =	ssyncset.done $0x0  }
0x156: {  	[sflag:s16] =	ssyncadd.s32 $0xFFFFEC00  }
0x157: {  	_ =	sfence.sel $0x180000  }
0x158: {  	[bflag:$0x0] =	sbarrier.arrive $0xFFFF  }
0x159: {  	_ =	strace $0x9000004A  }
0x15a: {  	[bflag:$0x2] =	sbarrier.arrive $0xFFFF  }
0x15b: {  	s0 =	rddreg [dreg:$0x2]  }
0x15c: {  	s0 =	sadd.s32 @!p0 $0x100000, s0  }
0x15d: {  	[sflag:s0] =	ssyncadd.tile.s32 @!p0 $0x1;
	_ =	shalt  }
.Lfunc_end2:
_tile_overlayer_lowered:
.L_overlay_start_2:
0x15e: {  	(tag) =	ssettag $0x2  }
0x15f: {  	s0 =	rddreg [dreg:$0x0];
	s2 =	stileid.u32  }
0x160: {  	s1 =	rddreg [dreg:$0x1];
	p0 =	sne.s32 s2, $0x0  }
0x161: {  	s3 =	rddreg [dreg:$0x2];
	[bflag:$0x3] =	sbarrier.arrive $0xFFFF;
	s2 =	simm.s32 @!p0 $0x1C03  }
0x162: {  	[timem:s3], [sflag:s2] =	dma.local @!p0 [hbm:s0], s1  }
0x163: {  	s0 =	simm.s32 @!p0 $0x3  }
0x164: {  	_ =	swait.ge @!p0 [sflag:s0], s1  }
0x165: {  	s1 =	ssub.s32 @!p0 $0x0, s1;
	[sflag:s0] =	ssyncset.done @!p0 $0x0  }
0x166: {  	[sflag:s0] =	ssyncadd.s32 @!p0 s1  }
0x167: {  	[bflag:$0x3] =	sbarrier.arrive $0xFFFF  }
0x168: {  	_ =	shalt  }

</sc_bundles>
